<compile_context>
chip_gen: v7x
topology: tpu7x:2x2x1
jax: 0.10.2.dev20260603
libtpu: 0.0.44.dev20260713+nightly
codegen_flags: <defaults>
</compile_context>

<pallas_src>
import functools

import jax
import jax.numpy as jnp
from jax import lax
from jax.experimental import pallas as pl
from jax.experimental.pallas import tpu as pltpu
from jax.experimental.pallas import tpu_sc as plsc

_NC = 2
_NS = 16
_NW = _NC * _NS

_LANES = 16


def _gather_kernel(f_fields, d_dim, v_rows, l_len, b_batch):
    n_pairs = f_fields * d_dim
    assert n_pairs % _NW == 0
    pairs_per_w = n_pairs // _NW
    assert f_fields % _NC == 0
    f_per_sc = f_fields // _NC

    mesh = plsc.VectorSubcoreMesh(core_axis_name="c", subcore_axis_name="s")

    @functools.partial(
        pl.kernel,
        mesh=mesh,
        compiler_params=pltpu.CompilerParams(needs_layout_passes=False),
        out_type=jax.ShapeDtypeStruct((l_len, f_fields, d_dim, b_batch), jnp.float32),
        scratch_types=[
            pltpu.VMEM((v_rows,), jnp.float32),
            pltpu.VMEM((b_batch,), jnp.int32),
            pltpu.VMEM((b_batch,), jnp.int32),
            pltpu.VMEM((b_batch,), jnp.float32),
            pltpu.VMEM((b_batch,), jnp.float32),
            pltpu.SemaphoreType.DMA,
            pltpu.SemaphoreType.DMA,
            pltpu.SemaphoreType.DMA,
            pltpu.SemaphoreType.DMA,
        ],
    )
    def k(tbl_hbm, in_hbm, out_hbm, row_v, idx0, idx1, out0, out1,
          sem_i0, sem_i1, sem_o0, sem_o1):
        cid = lax.axis_index("c")
        sid = lax.axis_index("s")
        wid = sid * _NC + cid
        idxs, outs = (idx0, idx1), (out0, out1)
        sem_i, sem_o = (sem_i0, sem_i1), (sem_o0, sem_o1)

        def do_pair(f, d):
            pltpu.sync_copy(tbl_hbm.at[f, d], row_v)
            pltpu.sync_copy(in_hbm.at[f, 0], idxs[0])
            for l in range(l_len):
                a, b = l % 2, (l + 1) % 2
                if l + 1 < l_len:
                    pltpu.make_async_copy(
                        in_hbm.at[f, l + 1], idxs[b], sem_i[b]).start()
                if l >= 1:
                    pltpu.make_async_copy(
                        in_hbm.at[f, l], idxs[a], sem_i[a]).wait()
                if l >= 2:
                    pltpu.make_async_copy(
                        outs[a], out_hbm.at[l, f, d], sem_o[a]).wait()

                idx_v, out_v = idxs[a], outs[a]

                @plsc.parallel_loop(0, b_batch, step=_LANES, unroll=8)
                def g_body(i):
                    sl = pl.ds(i, _LANES)
                    out_v[sl] = plsc.load_gather(row_v, [idx_v[sl]])

                pltpu.make_async_copy(
                    outs[a], out_hbm.at[l, f, d], sem_o[a]).start()
            pltpu.make_async_copy(
                outs[0], out_hbm.at[l_len - 2, f, d], sem_o[0]).wait()
            pltpu.make_async_copy(
                outs[1], out_hbm.at[l_len - 1, f, d], sem_o[1]).wait()

        def pair_body(p, carry):
            do_pair(p // d_dim, p % d_dim)
            return carry

        lax.fori_loop(wid * pairs_per_w, (wid + 1) * pairs_per_w, pair_body, 0,
                      unroll=False)

    return k


def kernel(input, tables):
    b, l, f = input.shape
    f2, v, d = tables.shape
    tbl_t = jnp.transpose(tables, (0, 2, 1))
    in_t = jnp.transpose(input, (2, 1, 0))
    out_t = _gather_kernel(f, d, v, l, b)(tbl_t, in_t)
    return jnp.transpose(out_t, (3, 0, 1, 2))

# --- scband reference (transcript-rebuilt; emitter-appended) ---
"""Pipeline reference for scband-categorical-embedding-29420525977839 (READ-ONLY COPY).

The authoritative reference and input builder live on the scoring server;
editing this copy changes nothing except your own understanding.
"""

import jax, jax.numpy as jnp
import numpy as np

B, L, F = 4096, 20, 26
V, D = 100000, 32

def setup_inputs(seed: int = 0) -> dict:
    key = jax.random.key(seed)
    k1, k2 = jax.random.split(key)
    inp = jax.random.randint(k1, (B, L, F), 0, V, dtype=jnp.int32)
    # Stacked embedding tables: one [V, D] table per categorical field,
    # equivalent to the nn.ModuleList of nn.Embedding(V, D).
    tables = jax.random.normal(k2, (F, V, D), dtype=jnp.float32)
    return {"input": inp, "tables": tables}

def reference(input, tables):
    # For each field f: emb_f(input[:, :, f:f+1]) -> [B, L, 1, D];
    # concatenated along dim=2 -> [B, L, F, D].
    # Vectorized gather over (field, row) pairs:
    field_idx = jnp.arange(tables.shape[0])[None, None, :]  # [1, 1, F]
    out = tables[field_idx, input]  # [B, L, F, D]
    return out

if __name__ == "__main__":
    import jax
    _d = setup_inputs()
    print(jax.jit(kernel)(*tuple(_d.values())))

</pallas_src>

<mosaic_0001>
#map = affine_map<(d0, d1) -> (0, 0, 0)>
#map1 = affine_map<(d0, d1) -> (0, 0, 0, 0)>
module attributes {stable_mosaic.version = 14 : i64} {
  func.func @k(%arg0: i32, %arg1: i32, %arg2: memref<26x32x100000xf32, #tpu.memory_space<hbm>>, %arg3: memref<26x20x4096xi32, #tpu.memory_space<hbm>>, %arg4: memref<20x26x32x4096xf32, #tpu.memory_space<hbm>>, %arg5: memref<100000xf32, #tpu.memory_space<vmem>>, %arg6: memref<4096xi32, #tpu.memory_space<vmem>>, %arg7: memref<4096xi32, #tpu.memory_space<vmem>>, %arg8: memref<4096xf32, #tpu.memory_space<vmem>>, %arg9: memref<4096xf32, #tpu.memory_space<vmem>>, %arg10: memref<!tpu.dma_semaphore, #tpu.memory_space<semaphore_mem>>, %arg11: memref<!tpu.dma_semaphore, #tpu.memory_space<semaphore_mem>>, %arg12: memref<!tpu.dma_semaphore, #tpu.memory_space<semaphore_mem>>, %arg13: memref<!tpu.dma_semaphore, #tpu.memory_space<semaphore_mem>>) attributes {dimension_semantics = [#tpu.dimension_semantics<core_parallel>, #tpu.dimension_semantics<subcore_parallel>], iteration_bounds = array<i64: 2, 16>, scalar_prefetch = 0 : i64, scratch_operands = 9 : i64, tpu.core_type = #tpu.core_type<sc_vector_subcore>, window_params = [{transform_indices = #map}, {transform_indices = #map}, {transform_indices = #map1}]} {
    %mul3A = arith.constant 2 : i32
    %mul3A_0 = arith.muli %arg1, %mul3A : i32
    %add3A = arith.addi %mul3A_0, %arg0 : i32
    %mul3A_1 = arith.constant 26 : i32
    %mul3A_2 = arith.muli %add3A, %mul3A_1 : i32
    %add3A_3 = arith.constant 1 : i32
    %add3A_4 = arith.addi %add3A, %add3A_3 : i32
    %mul3A_5 = arith.constant 26 : i32
    %mul3A_6 = arith.muli %add3A_4, %mul3A_5 : i32
    %while3A = arith.constant 0 : i32
    %while3A_7 = arith.subi %mul3A_6, %mul3A_2 : i32
    %while3A_8 = arith.addi %mul3A_2, %while3A_7 : i32
    %while3A_9 = arith.constant 1 : i32
    %while3A_10 = arith.divsi %while3A_7, %while3A_9 : i32
    %while3A_11 = arith.muli %while3A_10, %while3A_9 : i32
    %while3A_12 = arith.addi %mul3A_2, %while3A_11 : i32
    %while3A_13 = arith.constant 1 : i32
    scf.for %while3A_15 = %mul3A_2 to %while3A_12 step %while3A_13  : i32 {
      %jit3A = arith.constant 32 : i32
      %div3A = arith.divsi %while3A_15, %jit3A : i32
      %sign3A = arith.constant 0 : i32
      %sign3A_16 = arith.cmpi sgt, %while3A_15, %sign3A : i32
      %sign3A_17 = arith.extui %sign3A_16 : i1 to i32
      %sign3A_18 = arith.constant 0 : i32
      %sign3A_19 = arith.cmpi slt, %while3A_15, %sign3A_18 : i32
      %sign3A_20 = arith.extui %sign3A_19 : i1 to i32
      %sign3A_21 = arith.subi %sign3A_17, %sign3A_20 : i32
      %sign3A_22 = arith.constant 0 : i32
      %sign3A_23 = arith.cmpi sgt, %jit3A, %sign3A_22 : i32
      %sign3A_24 = arith.extui %sign3A_23 : i1 to i32
      %sign3A_25 = arith.constant 0 : i32
      %sign3A_26 = arith.cmpi slt, %jit3A, %sign3A_25 : i32
      %sign3A_27 = arith.extui %sign3A_26 : i1 to i32
      %sign3A_28 = arith.subi %sign3A_24, %sign3A_27 : i32
      %ne3A = arith.cmpi ne, %sign3A_21, %sign3A_28 : i32
      %rem3A = arith.remsi %while3A_15, %jit3A : i32
      %ne3A_29 = arith.constant 0 : i32
      %ne3A_30 = arith.cmpi ne, %rem3A, %ne3A_29 : i32
      %and3A = arith.andi %ne3A, %ne3A_30 : i1
      %sub3A = arith.constant 1 : i32
      %sub3A_31 = arith.subi %div3A, %sub3A : i32
      %select_n3A = arith.select %and3A, %sub3A_31, %div3A : i32
      %jit3A_32 = arith.constant 32 : i32
      %eq3A = arith.constant 0 : i32
      %eq3A_33 = arith.cmpi eq, %jit3A_32, %eq3A : i32
      %jit3A_34 = arith.constant 1 : i32
      %select_n3A_35 = arith.select %eq3A_33, %jit3A_34, %jit3A_32 : i32
      %rem3A_36 = arith.remsi %while3A_15, %select_n3A_35 : i32
      %ne3A_37 = arith.constant 0 : i32
      %ne3A_38 = arith.cmpi ne, %rem3A_36, %ne3A_37 : i32
      %lt3A = arith.constant 0 : i32
      %lt3A_39 = arith.cmpi slt, %rem3A_36, %lt3A : i32
      %lt3A_40 = arith.constant 0 : i32
      %lt3A_41 = arith.cmpi slt, %select_n3A_35, %lt3A_40 : i32
      %ne3A_42 = arith.xori %lt3A_39, %lt3A_41 : i1
      %and3A_43 = arith.andi %ne3A_42, %ne3A_38 : i1
      %add3A_44 = arith.addi %rem3A_36, %select_n3A_35 : i32
      %select_n3A_45 = arith.select %and3A_43, %add3A_44, %rem3A_36 : i32
      "tpu.region"() ({
        %run_scoped3A_649 = tpu.sem_alloc : memref<!tpu.dma_semaphore, #tpu.memory_space<semaphore_mem>>
        %dma_start3A_650 = arith.constant 0 : i32
        %dma_start3A_651 = tpu.memref_slice %arg2[%select_n3A, %select_n3A_45, %dma_start3A_650] : memref<26x32x100000xf32, #tpu.memory_space<hbm>> -> memref<1x1x100000xf32, #tpu.memory_space<hbm>>
        %dma_start3A_652 = tpu.memref_squeeze %dma_start3A_651 : memref<1x1x100000xf32, #tpu.memory_space<hbm>> -> memref<100000xf32, #tpu.memory_space<hbm>>
        %dma_start3A_653 = arith.constant 0 : i32
        %dma_start3A_654 = tpu.memref_slice %arg2[%select_n3A, %select_n3A_45, %dma_start3A_653] : memref<26x32x100000xf32, #tpu.memory_space<hbm>> -> memref<1x1x100000xf32, #tpu.memory_space<hbm>>
        %dma_start3A_655 = tpu.memref_squeeze %dma_start3A_654 : memref<1x1x100000xf32, #tpu.memory_space<hbm>> -> memref<100000xf32, #tpu.memory_space<hbm>>
        tpu.enqueue_dma source(%dma_start3A_655 : memref<100000xf32, #tpu.memory_space<hbm>>) target(%arg5 : memref<100000xf32, #tpu.memory_space<vmem>>) target_semaphore(%run_scoped3A_649 : memref<!tpu.dma_semaphore, #tpu.memory_space<semaphore_mem>>)
        %dma_wait3A_656 = arith.constant 0 : i32
        %dma_wait3A_657 = tpu.memref_slice %arg2[%select_n3A, %select_n3A_45, %dma_wait3A_656] : memref<26x32x100000xf32, #tpu.memory_space<hbm>> -> memref<1x1x100000xf32, #tpu.memory_space<hbm>>
        %dma_wait3A_658 = tpu.memref_squeeze %dma_wait3A_657 : memref<1x1x100000xf32, #tpu.memory_space<hbm>> -> memref<100000xf32, #tpu.memory_space<hbm>>
        %dma_wait3A_659 = arith.constant 0 : i32
        %dma_wait3A_660 = tpu.memref_slice %arg2[%select_n3A, %select_n3A_45, %dma_wait3A_659] : memref<26x32x100000xf32, #tpu.memory_space<hbm>> -> memref<1x1x100000xf32, #tpu.memory_space<hbm>>
        %dma_wait3A_661 = tpu.memref_squeeze %dma_wait3A_660 : memref<1x1x100000xf32, #tpu.memory_space<hbm>> -> memref<100000xf32, #tpu.memory_space<hbm>>
        tpu.wait_dma2 semaphore(%run_scoped3A_649 : memref<!tpu.dma_semaphore, #tpu.memory_space<semaphore_mem>>) src(%dma_wait3A_661 : memref<100000xf32, #tpu.memory_space<hbm>>) dst(%arg5 : memref<100000xf32, #tpu.memory_space<vmem>>)
        tpu.yield
      }) : () -> ()
      %run_scoped3A = arith.constant 0 : i32
      "tpu.region"() ({
        %run_scoped3A_649 = tpu.sem_alloc : memref<!tpu.dma_semaphore, #tpu.memory_space<semaphore_mem>>
        %dma_start3A_650 = arith.constant 0 : i32
        %dma_start3A_651 = tpu.memref_slice %arg3[%select_n3A, %run_scoped3A, %dma_start3A_650] : memref<26x20x4096xi32, #tpu.memory_space<hbm>> -> memref<1x1x4096xi32, #tpu.memory_space<hbm>>
        %dma_start3A_652 = tpu.memref_squeeze %dma_start3A_651 : memref<1x1x4096xi32, #tpu.memory_space<hbm>> -> memref<4096xi32, #tpu.memory_space<hbm>>
        %dma_start3A_653 = arith.constant 0 : i32
        %dma_start3A_654 = tpu.memref_slice %arg3[%select_n3A, %run_scoped3A, %dma_start3A_653] : memref<26x20x4096xi32, #tpu.memory_space<hbm>> -> memref<1x1x4096xi32, #tpu.memory_space<hbm>>
        %dma_start3A_655 = tpu.memref_squeeze %dma_start3A_654 : memref<1x1x4096xi32, #tpu.memory_space<hbm>> -> memref<4096xi32, #tpu.memory_space<hbm>>
        tpu.enqueue_dma source(%dma_start3A_655 : memref<4096xi32, #tpu.memory_space<hbm>>) target(%arg6 : memref<4096xi32, #tpu.memory_space<vmem>>) target_semaphore(%run_scoped3A_649 : memref<!tpu.dma_semaphore, #tpu.memory_space<semaphore_mem>>)
        %dma_wait3A_656 = arith.constant 0 : i32
        %dma_wait3A_657 = tpu.memref_slice %arg3[%select_n3A, %run_scoped3A, %dma_wait3A_656] : memref<26x20x4096xi32, #tpu.memory_space<hbm>> -> memref<1x1x4096xi32, #tpu.memory_space<hbm>>
        %dma_wait3A_658 = tpu.memref_squeeze %dma_wait3A_657 : memref<1x1x4096xi32, #tpu.memory_space<hbm>> -> memref<4096xi32, #tpu.memory_space<hbm>>
        %dma_wait3A_659 = arith.constant 0 : i32
        %dma_wait3A_660 = tpu.memref_slice %arg3[%select_n3A, %run_scoped3A, %dma_wait3A_659] : memref<26x20x4096xi32, #tpu.memory_space<hbm>> -> memref<1x1x4096xi32, #tpu.memory_space<hbm>>
        %dma_wait3A_661 = tpu.memref_squeeze %dma_wait3A_660 : memref<1x1x4096xi32, #tpu.memory_space<hbm>> -> memref<4096xi32, #tpu.memory_space<hbm>>
        tpu.wait_dma2 semaphore(%run_scoped3A_649 : memref<!tpu.dma_semaphore, #tpu.memory_space<semaphore_mem>>) src(%dma_wait3A_661 : memref<4096xi32, #tpu.memory_space<hbm>>) dst(%arg6 : memref<4096xi32, #tpu.memory_space<vmem>>)
        tpu.yield
      }) : () -> ()
      %dma_start3A = arith.constant 1 : i32
      %dma_start3A_46 = arith.constant 0 : i32
      %dma_start3A_47 = tpu.memref_slice %arg3[%select_n3A, %dma_start3A, %dma_start3A_46] : memref<26x20x4096xi32, #tpu.memory_space<hbm>> -> memref<1x1x4096xi32, #tpu.memory_space<hbm>>
      %dma_start3A_48 = tpu.memref_squeeze %dma_start3A_47 : memref<1x1x4096xi32, #tpu.memory_space<hbm>> -> memref<4096xi32, #tpu.memory_space<hbm>>
      %dma_start3A_49 = arith.constant 0 : i32
      %dma_start3A_50 = tpu.memref_slice %arg3[%select_n3A, %dma_start3A, %dma_start3A_49] : memref<26x20x4096xi32, #tpu.memory_space<hbm>> -> memref<1x1x4096xi32, #tpu.memory_space<hbm>>
      %dma_start3A_51 = tpu.memref_squeeze %dma_start3A_50 : memref<1x1x4096xi32, #tpu.memory_space<hbm>> -> memref<4096xi32, #tpu.memory_space<hbm>>
      tpu.enqueue_dma source(%dma_start3A_51 : memref<4096xi32, #tpu.memory_space<hbm>>) target(%arg7 : memref<4096xi32, #tpu.memory_space<vmem>>) target_semaphore(%arg11 : memref<!tpu.dma_semaphore, #tpu.memory_space<semaphore_mem>>)
      %parallel_loop3A = arith.constant 0 : i32
      %parallel_loop3A_52 = arith.constant 4096 : i32
      %parallel_loop3A_53 = arith.constant 16 : i32
      scf.for %parallel_loop3A_649 = %parallel_loop3A to %parallel_loop3A_52 step %parallel_loop3A_53  : i32 {
        %parallel_loop3A_650 = arith.index_cast %parallel_loop3A_649 : i32 to index
        %parallel_loop3A_651 = tpu.vector_load %arg6[%parallel_loop3A_650] {strides = array<i32>} : memref<4096xi32, #tpu.memory_space<vmem>>, vector<16xi32>,
        %parallel_loop3A_652 = tpu.vector_load_idx %arg5[%parallel_loop3A_651] : memref<100000xf32, #tpu.memory_space<vmem>>[vector<16xi32>], vector<16xf32>,
        %parallel_loop3A_653 = arith.index_cast %parallel_loop3A_649 : i32 to index
        %parallel_loop3A_654 = tpu.vector_load %arg8[%parallel_loop3A_653] {strides = array<i32>} : memref<4096xf32, #tpu.memory_space<vmem>>, vector<16xf32>,
        tpu.vector_store %arg8[%parallel_loop3A_653], %parallel_loop3A_652 {strides = array<i32>} : memref<4096xf32, #tpu.memory_space<vmem>>, vector<16xf32>,
      } {sc.loop_unroll_factor = 8 : i64, sc.parallel_access}
      %dma_start3A_54 = arith.constant 0 : i32
      %dma_start3A_55 = arith.constant 0 : i32
      %dma_start3A_56 = tpu.memref_slice %arg4[%dma_start3A_54, %select_n3A, %select_n3A_45, %dma_start3A_55] : memref<20x26x32x4096xf32, #tpu.memory_space<hbm>> -> memref<1x1x1x4096xf32, #tpu.memory_space<hbm>>
      %dma_start3A_57 = tpu.memref_squeeze %dma_start3A_56 : memref<1x1x1x4096xf32, #tpu.memory_space<hbm>> -> memref<4096xf32, #tpu.memory_space<hbm>>
      %dma_start3A_58 = arith.constant 0 : i32
      %dma_start3A_59 = tpu.memref_slice %arg4[%dma_start3A_54, %select_n3A, %select_n3A_45, %dma_start3A_58] : memref<20x26x32x4096xf32, #tpu.memory_space<hbm>> -> memref<1x1x1x4096xf32, #tpu.memory_space<hbm>>
      %dma_start3A_60 = tpu.memref_squeeze %dma_start3A_59 : memref<1x1x1x4096xf32, #tpu.memory_space<hbm>> -> memref<4096xf32, #tpu.memory_space<hbm>>
      tpu.enqueue_dma source(%arg8 : memref<4096xf32, #tpu.memory_space<vmem>>) target(%dma_start3A_60 : memref<4096xf32, #tpu.memory_space<hbm>>) target_semaphore(%arg12 : memref<!tpu.dma_semaphore, #tpu.memory_space<semaphore_mem>>)
      %dma_start3A_61 = arith.constant 2 : i32
      %dma_start3A_62 = arith.constant 0 : i32
      %dma_start3A_63 = tpu.memref_slice %arg3[%select_n3A, %dma_start3A_61, %dma_start3A_62] : memref<26x20x4096xi32, #tpu.memory_space<hbm>> -> memref<1x1x4096xi32, #tpu.memory_space<hbm>>
      %dma_start3A_64 = tpu.memref_squeeze %dma_start3A_63 : memref<1x1x4096xi32, #tpu.memory_space<hbm>> -> memref<4096xi32, #tpu.memory_space<hbm>>
      %dma_start3A_65 = arith.constant 0 : i32
      %dma_start3A_66 = tpu.memref_slice %arg3[%select_n3A, %dma_start3A_61, %dma_start3A_65] : memref<26x20x4096xi32, #tpu.memory_space<hbm>> -> memref<1x1x4096xi32, #tpu.memory_space<hbm>>
      %dma_start3A_67 = tpu.memref_squeeze %dma_start3A_66 : memref<1x1x4096xi32, #tpu.memory_space<hbm>> -> memref<4096xi32, #tpu.memory_space<hbm>>
      tpu.enqueue_dma source(%dma_start3A_67 : memref<4096xi32, #tpu.memory_space<hbm>>) target(%arg6 : memref<4096xi32, #tpu.memory_space<vmem>>) target_semaphore(%arg10 : memref<!tpu.dma_semaphore, #tpu.memory_space<semaphore_mem>>)
      %dma_wait3A = arith.constant 1 : i32
      %dma_wait3A_68 = arith.constant 0 : i32
      %dma_wait3A_69 = tpu.memref_slice %arg3[%select_n3A, %dma_wait3A, %dma_wait3A_68] : memref<26x20x4096xi32, #tpu.memory_space<hbm>> -> memref<1x1x4096xi32, #tpu.memory_space<hbm>>
      %dma_wait3A_70 = tpu.memref_squeeze %dma_wait3A_69 : memref<1x1x4096xi32, #tpu.memory_space<hbm>> -> memref<4096xi32, #tpu.memory_space<hbm>>
      %dma_wait3A_71 = arith.constant 0 : i32
      %dma_wait3A_72 = tpu.memref_slice %arg3[%select_n3A, %dma_wait3A, %dma_wait3A_71] : memref<26x20x4096xi32, #tpu.memory_space<hbm>> -> memref<1x1x4096xi32, #tpu.memory_space<hbm>>
      %dma_wait3A_73 = tpu.memref_squeeze %dma_wait3A_72 : memref<1x1x4096xi32, #tpu.memory_space<hbm>> -> memref<4096xi32, #tpu.memory_space<hbm>>
      tpu.wait_dma2 semaphore(%arg11 : memref<!tpu.dma_semaphore, #tpu.memory_space<semaphore_mem>>) src(%dma_wait3A_73 : memref<4096xi32, #tpu.memory_space<hbm>>) dst(%arg7 : memref<4096xi32, #tpu.memory_space<vmem>>)
      %parallel_loop3A_74 = arith.constant 0 : i32
      %parallel_loop3A_75 = arith.constant 4096 : i32
      %parallel_loop3A_76 = arith.constant 16 : i32
      scf.for %parallel_loop3A_649 = %parallel_loop3A_74 to %parallel_loop3A_75 step %parallel_loop3A_76  : i32 {
        %parallel_loop3A_650 = arith.index_cast %parallel_loop3A_649 : i32 to index
        %parallel_loop3A_651 = tpu.vector_load %arg7[%parallel_loop3A_650] {strides = array<i32>} : memref<4096xi32, #tpu.memory_space<vmem>>, vector<16xi32>,
        %parallel_loop3A_652 = tpu.vector_load_idx %arg5[%parallel_loop3A_651] : memref<100000xf32, #tpu.memory_space<vmem>>[vector<16xi32>], vector<16xf32>,
        %parallel_loop3A_653 = arith.index_cast %parallel_loop3A_649 : i32 to index
        %parallel_loop3A_654 = tpu.vector_load %arg9[%parallel_loop3A_653] {strides = array<i32>} : memref<4096xf32, #tpu.memory_space<vmem>>, vector<16xf32>,
        tpu.vector_store %arg9[%parallel_loop3A_653], %parallel_loop3A_652 {strides = array<i32>} : memref<4096xf32, #tpu.memory_space<vmem>>, vector<16xf32>,
      } {sc.loop_unroll_factor = 8 : i64, sc.parallel_access}
      %dma_start3A_77 = arith.constant 1 : i32
      %dma_start3A_78 = arith.constant 0 : i32
      %dma_start3A_79 = tpu.memref_slice %arg4[%dma_start3A_77, %select_n3A, %select_n3A_45, %dma_start3A_78] : memref<20x26x32x4096xf32, #tpu.memory_space<hbm>> -> memref<1x1x1x4096xf32, #tpu.memory_space<hbm>>
      %dma_start3A_80 = tpu.memref_squeeze %dma_start3A_79 : memref<1x1x1x4096xf32, #tpu.memory_space<hbm>> -> memref<4096xf32, #tpu.memory_space<hbm>>
      %dma_start3A_81 = arith.constant 0 : i32
      %dma_start3A_82 = tpu.memref_slice %arg4[%dma_start3A_77, %select_n3A, %select_n3A_45, %dma_start3A_81] : memref<20x26x32x4096xf32, #tpu.memory_space<hbm>> -> memref<1x1x1x4096xf32, #tpu.memory_space<hbm>>
      %dma_start3A_83 = tpu.memref_squeeze %dma_start3A_82 : memref<1x1x1x4096xf32, #tpu.memory_space<hbm>> -> memref<4096xf32, #tpu.memory_space<hbm>>
      tpu.enqueue_dma source(%arg9 : memref<4096xf32, #tpu.memory_space<vmem>>) target(%dma_start3A_83 : memref<4096xf32, #tpu.memory_space<hbm>>) target_semaphore(%arg13 : memref<!tpu.dma_semaphore, #tpu.memory_space<semaphore_mem>>)
      %dma_start3A_84 = arith.constant 3 : i32
      %dma_start3A_85 = arith.constant 0 : i32
      %dma_start3A_86 = tpu.memref_slice %arg3[%select_n3A, %dma_start3A_84, %dma_start3A_85] : memref<26x20x4096xi32, #tpu.memory_space<hbm>> -> memref<1x1x4096xi32, #tpu.memory_space<hbm>>
      %dma_start3A_87 = tpu.memref_squeeze %dma_start3A_86 : memref<1x1x4096xi32, #tpu.memory_space<hbm>> -> memref<4096xi32, #tpu.memory_space<hbm>>
      %dma_start3A_88 = arith.constant 0 : i32
      %dma_start3A_89 = tpu.memref_slice %arg3[%select_n3A, %dma_start3A_84, %dma_start3A_88] : memref<26x20x4096xi32, #tpu.memory_space<hbm>> -> memref<1x1x4096xi32, #tpu.memory_space<hbm>>
      %dma_start3A_90 = tpu.memref_squeeze %dma_start3A_89 : memref<1x1x4096xi32, #tpu.memory_space<hbm>> -> memref<4096xi32, #tpu.memory_space<hbm>>
      tpu.enqueue_dma source(%dma_start3A_90 : memref<4096xi32, #tpu.memory_space<hbm>>) target(%arg7 : memref<4096xi32, #tpu.memory_space<vmem>>) target_semaphore(%arg11 : memref<!tpu.dma_semaphore, #tpu.memory_space<semaphore_mem>>)
      %dma_wait3A_91 = arith.constant 2 : i32
      %dma_wait3A_92 = arith.constant 0 : i32
      %dma_wait3A_93 = tpu.memref_slice %arg3[%select_n3A, %dma_wait3A_91, %dma_wait3A_92] : memref<26x20x4096xi32, #tpu.memory_space<hbm>> -> memref<1x1x4096xi32, #tpu.memory_space<hbm>>
      %dma_wait3A_94 = tpu.memref_squeeze %dma_wait3A_93 : memref<1x1x4096xi32, #tpu.memory_space<hbm>> -> memref<4096xi32, #tpu.memory_space<hbm>>
      %dma_wait3A_95 = arith.constant 0 : i32
      %dma_wait3A_96 = tpu.memref_slice %arg3[%select_n3A, %dma_wait3A_91, %dma_wait3A_95] : memref<26x20x4096xi32, #tpu.memory_space<hbm>> -> memref<1x1x4096xi32, #tpu.memory_space<hbm>>
      %dma_wait3A_97 = tpu.memref_squeeze %dma_wait3A_96 : memref<1x1x4096xi32, #tpu.memory_space<hbm>> -> memref<4096xi32, #tpu.memory_space<hbm>>
      tpu.wait_dma2 semaphore(%arg10 : memref<!tpu.dma_semaphore, #tpu.memory_space<semaphore_mem>>) src(%dma_wait3A_97 : memref<4096xi32, #tpu.memory_space<hbm>>) dst(%arg6 : memref<4096xi32, #tpu.memory_space<vmem>>)
      %dma_wait3A_98 = arith.constant 2 : i32
      %dma_wait3A_99 = arith.constant 0 : i32
      %dma_wait3A_100 = tpu.memref_slice %arg4[%dma_wait3A_98, %select_n3A, %select_n3A_45, %dma_wait3A_99] : memref<20x26x32x4096xf32, #tpu.memory_space<hbm>> -> memref<1x1x1x4096xf32, #tpu.memory_space<hbm>>
      %dma_wait3A_101 = tpu.memref_squeeze %dma_wait3A_100 : memref<1x1x1x4096xf32, #tpu.memory_space<hbm>> -> memref<4096xf32, #tpu.memory_space<hbm>>
      %dma_wait3A_102 = arith.constant 0 : i32
      %dma_wait3A_103 = tpu.memref_slice %arg4[%dma_wait3A_98, %select_n3A, %select_n3A_45, %dma_wait3A_102] : memref<20x26x32x4096xf32, #tpu.memory_space<hbm>> -> memref<1x1x1x4096xf32, #tpu.memory_space<hbm>>
      %dma_wait3A_104 = tpu.memref_squeeze %dma_wait3A_103 : memref<1x1x1x4096xf32, #tpu.memory_space<hbm>> -> memref<4096xf32, #tpu.memory_space<hbm>>
      tpu.wait_dma2 semaphore(%arg12 : memref<!tpu.dma_semaphore, #tpu.memory_space<semaphore_mem>>) src(%arg8 : memref<4096xf32, #tpu.memory_space<vmem>>) dst(%dma_wait3A_104 : memref<4096xf32, #tpu.memory_space<hbm>>)
      %parallel_loop3A_105 = arith.constant 0 : i32
      %parallel_loop3A_106 = arith.constant 4096 : i32
      %parallel_loop3A_107 = arith.constant 16 : i32
      scf.for %parallel_loop3A_649 = %parallel_loop3A_105 to %parallel_loop3A_106 step %parallel_loop3A_107  : i32 {
        %parallel_loop3A_650 = arith.index_cast %parallel_loop3A_649 : i32 to index
        %parallel_loop3A_651 = tpu.vector_load %arg6[%parallel_loop3A_650] {strides = array<i32>} : memref<4096xi32, #tpu.memory_space<vmem>>, vector<16xi32>,
        %parallel_loop3A_652 = tpu.vector_load_idx %arg5[%parallel_loop3A_651] : memref<100000xf32, #tpu.memory_space<vmem>>[vector<16xi32>], vector<16xf32>,
        %parallel_loop3A_653 = arith.index_cast %parallel_loop3A_649 : i32 to index
        %parallel_loop3A_654 = tpu.vector_load %arg8[%parallel_loop3A_653] {strides = array<i32>} : memref<4096xf32, #tpu.memory_space<vmem>>, vector<16xf32>,
        tpu.vector_store %arg8[%parallel_loop3A_653], %parallel_loop3A_652 {strides = array<i32>} : memref<4096xf32, #tpu.memory_space<vmem>>, vector<16xf32>,
      } {sc.loop_unroll_factor = 8 : i64, sc.parallel_access}
      %dma_start3A_108 = arith.constant 2 : i32
      %dma_start3A_109 = arith.constant 0 : i32
      %dma_start3A_110 = tpu.memref_slice %arg4[%dma_start3A_108, %select_n3A, %select_n3A_45, %dma_start3A_109] : memref<20x26x32x4096xf32, #tpu.memory_space<hbm>> -> memref<1x1x1x4096xf32, #tpu.memory_space<hbm>>
      %dma_start3A_111 = tpu.memref_squeeze %dma_start3A_110 : memref<1x1x1x4096xf32, #tpu.memory_space<hbm>> -> memref<4096xf32, #tpu.memory_space<hbm>>
      %dma_start3A_112 = arith.constant 0 : i32
      %dma_start3A_113 = tpu.memref_slice %arg4[%dma_start3A_108, %select_n3A, %select_n3A_45, %dma_start3A_112] : memref<20x26x32x4096xf32, #tpu.memory_space<hbm>> -> memref<1x1x1x4096xf32, #tpu.memory_space<hbm>>
      %dma_start3A_114 = tpu.memref_squeeze %dma_start3A_113 : memref<1x1x1x4096xf32, #tpu.memory_space<hbm>> -> memref<4096xf32, #tpu.memory_space<hbm>>
      tpu.enqueue_dma source(%arg8 : memref<4096xf32, #tpu.memory_space<vmem>>) target(%dma_start3A_114 : memref<4096xf32, #tpu.memory_space<hbm>>) target_semaphore(%arg12 : memref<!tpu.dma_semaphore, #tpu.memory_space<semaphore_mem>>)
      %dma_start3A_115 = arith.constant 4 : i32
      %dma_start3A_116 = arith.constant 0 : i32
      %dma_start3A_117 = tpu.memref_slice %arg3[%select_n3A, %dma_start3A_115, %dma_start3A_116] : memref<26x20x4096xi32, #tpu.memory_space<hbm>> -> memref<1x1x4096xi32, #tpu.memory_space<hbm>>
      %dma_start3A_118 = tpu.memref_squeeze %dma_start3A_117 : memref<1x1x4096xi32, #tpu.memory_space<hbm>> -> memref<4096xi32, #tpu.memory_space<hbm>>
      %dma_start3A_119 = arith.constant 0 : i32
      %dma_start3A_120 = tpu.memref_slice %arg3[%select_n3A, %dma_start3A_115, %dma_start3A_119] : memref<26x20x4096xi32, #tpu.memory_space<hbm>> -> memref<1x1x4096xi32, #tpu.memory_space<hbm>>
      %dma_start3A_121 = tpu.memref_squeeze %dma_start3A_120 : memref<1x1x4096xi32, #tpu.memory_space<hbm>> -> memref<4096xi32, #tpu.memory_space<hbm>>
      tpu.enqueue_dma source(%dma_start3A_121 : memref<4096xi32, #tpu.memory_space<hbm>>) target(%arg6 : memref<4096xi32, #tpu.memory_space<vmem>>) target_semaphore(%arg10 : memref<!tpu.dma_semaphore, #tpu.memory_space<semaphore_mem>>)
      %dma_wait3A_122 = arith.constant 3 : i32
      %dma_wait3A_123 = arith.constant 0 : i32
      %dma_wait3A_124 = tpu.memref_slice %arg3[%select_n3A, %dma_wait3A_122, %dma_wait3A_123] : memref<26x20x4096xi32, #tpu.memory_space<hbm>> -> memref<1x1x4096xi32, #tpu.memory_space<hbm>>
      %dma_wait3A_125 = tpu.memref_squeeze %dma_wait3A_124 : memref<1x1x4096xi32, #tpu.memory_space<hbm>> -> memref<4096xi32, #tpu.memory_space<hbm>>
      %dma_wait3A_126 = arith.constant 0 : i32
      %dma_wait3A_127 = tpu.memref_slice %arg3[%select_n3A, %dma_wait3A_122, %dma_wait3A_126] : memref<26x20x4096xi32, #tpu.memory_space<hbm>> -> memref<1x1x4096xi32, #tpu.memory_space<hbm>>
      %dma_wait3A_128 = tpu.memref_squeeze %dma_wait3A_127 : memref<1x1x4096xi32, #tpu.memory_space<hbm>> -> memref<4096xi32, #tpu.memory_space<hbm>>
      tpu.wait_dma2 semaphore(%arg11 : memref<!tpu.dma_semaphore, #tpu.memory_space<semaphore_mem>>) src(%dma_wait3A_128 : memref<4096xi32, #tpu.memory_space<hbm>>) dst(%arg7 : memref<4096xi32, #tpu.memory_space<vmem>>)
      %dma_wait3A_129 = arith.constant 3 : i32
      %dma_wait3A_130 = arith.constant 0 : i32
      %dma_wait3A_131 = tpu.memref_slice %arg4[%dma_wait3A_129, %select_n3A, %select_n3A_45, %dma_wait3A_130] : memref<20x26x32x4096xf32, #tpu.memory_space<hbm>> -> memref<1x1x1x4096xf32, #tpu.memory_space<hbm>>
      %dma_wait3A_132 = tpu.memref_squeeze %dma_wait3A_131 : memref<1x1x1x4096xf32, #tpu.memory_space<hbm>> -> memref<4096xf32, #tpu.memory_space<hbm>>
      %dma_wait3A_133 = arith.constant 0 : i32
      %dma_wait3A_134 = tpu.memref_slice %arg4[%dma_wait3A_129, %select_n3A, %select_n3A_45, %dma_wait3A_133] : memref<20x26x32x4096xf32, #tpu.memory_space<hbm>> -> memref<1x1x1x4096xf32, #tpu.memory_space<hbm>>
      %dma_wait3A_135 = tpu.memref_squeeze %dma_wait3A_134 : memref<1x1x1x4096xf32, #tpu.memory_space<hbm>> -> memref<4096xf32, #tpu.memory_space<hbm>>
      tpu.wait_dma2 semaphore(%arg13 : memref<!tpu.dma_semaphore, #tpu.memory_space<semaphore_mem>>) src(%arg9 : memref<4096xf32, #tpu.memory_space<vmem>>) dst(%dma_wait3A_135 : memref<4096xf32, #tpu.memory_space<hbm>>)
      %parallel_loop3A_136 = arith.constant 0 : i32
      %parallel_loop3A_137 = arith.constant 4096 : i32
      %parallel_loop3A_138 = arith.constant 16 : i32
      scf.for %parallel_loop3A_649 = %parallel_loop3A_136 to %parallel_loop3A_137 step %parallel_loop3A_138  : i32 {
        %parallel_loop3A_650 = arith.index_cast %parallel_loop3A_649 : i32 to index
        %parallel_loop3A_651 = tpu.vector_load %arg7[%parallel_loop3A_650] {strides = array<i32>} : memref<4096xi32, #tpu.memory_space<vmem>>, vector<16xi32>,
        %parallel_loop3A_652 = tpu.vector_load_idx %arg5[%parallel_loop3A_651] : memref<100000xf32, #tpu.memory_space<vmem>>[vector<16xi32>], vector<16xf32>,
        %parallel_loop3A_653 = arith.index_cast %parallel_loop3A_649 : i32 to index
        %parallel_loop3A_654 = tpu.vector_load %arg9[%parallel_loop3A_653] {strides = array<i32>} : memref<4096xf32, #tpu.memory_space<vmem>>, vector<16xf32>,
        tpu.vector_store %arg9[%parallel_loop3A_653], %parallel_loop3A_652 {strides = array<i32>} : memref<4096xf32, #tpu.memory_space<vmem>>, vector<16xf32>,
      } {sc.loop_unroll_factor = 8 : i64, sc.parallel_access}
      %dma_start3A_139 = arith.constant 3 : i32
      %dma_start3A_140 = arith.constant 0 : i32
      %dma_start3A_141 = tpu.memref_slice %arg4[%dma_start3A_139, %select_n3A, %select_n3A_45, %dma_start3A_140] : memref<20x26x32x4096xf32, #tpu.memory_space<hbm>> -> memref<1x1x1x4096xf32, #tpu.memory_space<hbm>>
      %dma_start3A_142 = tpu.memref_squeeze %dma_start3A_141 : memref<1x1x1x4096xf32, #tpu.memory_space<hbm>> -> memref<4096xf32, #tpu.memory_space<hbm>>
      %dma_start3A_143 = arith.constant 0 : i32
      %dma_start3A_144 = tpu.memref_slice %arg4[%dma_start3A_139, %select_n3A, %select_n3A_45, %dma_start3A_143] : memref<20x26x32x4096xf32, #tpu.memory_space<hbm>> -> memref<1x1x1x4096xf32, #tpu.memory_space<hbm>>
      %dma_start3A_145 = tpu.memref_squeeze %dma_start3A_144 : memref<1x1x1x4096xf32, #tpu.memory_space<hbm>> -> memref<4096xf32, #tpu.memory_space<hbm>>
      tpu.enqueue_dma source(%arg9 : memref<4096xf32, #tpu.memory_space<vmem>>) target(%dma_start3A_145 : memref<4096xf32, #tpu.memory_space<hbm>>) target_semaphore(%arg13 : memref<!tpu.dma_semaphore, #tpu.memory_space<semaphore_mem>>)
      %dma_start3A_146 = arith.constant 5 : i32
      %dma_start3A_147 = arith.constant 0 : i32
      %dma_start3A_148 = tpu.memref_slice %arg3[%select_n3A, %dma_start3A_146, %dma_start3A_147] : memref<26x20x4096xi32, #tpu.memory_space<hbm>> -> memref<1x1x4096xi32, #tpu.memory_space<hbm>>
      %dma_start3A_149 = tpu.memref_squeeze %dma_start3A_148 : memref<1x1x4096xi32, #tpu.memory_space<hbm>> -> memref<4096xi32, #tpu.memory_space<hbm>>
      %dma_start3A_150 = arith.constant 0 : i32
      %dma_start3A_151 = tpu.memref_slice %arg3[%select_n3A, %dma_start3A_146, %dma_start3A_150] : memref<26x20x4096xi32, #tpu.memory_space<hbm>> -> memref<1x1x4096xi32, #tpu.memory_space<hbm>>
      %dma_start3A_152 = tpu.memref_squeeze %dma_start3A_151 : memref<1x1x4096xi32, #tpu.memory_space<hbm>> -> memref<4096xi32, #tpu.memory_space<hbm>>
      tpu.enqueue_dma source(%dma_start3A_152 : memref<4096xi32, #tpu.memory_space<hbm>>) target(%arg7 : memref<4096xi32, #tpu.memory_space<vmem>>) target_semaphore(%arg11 : memref<!tpu.dma_semaphore, #tpu.memory_space<semaphore_mem>>)
      %dma_wait3A_153 = arith.constant 4 : i32
      %dma_wait3A_154 = arith.constant 0 : i32
      %dma_wait3A_155 = tpu.memref_slice %arg3[%select_n3A, %dma_wait3A_153, %dma_wait3A_154] : memref<26x20x4096xi32, #tpu.memory_space<hbm>> -> memref<1x1x4096xi32, #tpu.memory_space<hbm>>
      %dma_wait3A_156 = tpu.memref_squeeze %dma_wait3A_155 : memref<1x1x4096xi32, #tpu.memory_space<hbm>> -> memref<4096xi32, #tpu.memory_space<hbm>>
      %dma_wait3A_157 = arith.constant 0 : i32
      %dma_wait3A_158 = tpu.memref_slice %arg3[%select_n3A, %dma_wait3A_153, %dma_wait3A_157] : memref<26x20x4096xi32, #tpu.memory_space<hbm>> -> memref<1x1x4096xi32, #tpu.memory_space<hbm>>
      %dma_wait3A_159 = tpu.memref_squeeze %dma_wait3A_158 : memref<1x1x4096xi32, #tpu.memory_space<hbm>> -> memref<4096xi32, #tpu.memory_space<hbm>>
      tpu.wait_dma2 semaphore(%arg10 : memref<!tpu.dma_semaphore, #tpu.memory_space<semaphore_mem>>) src(%dma_wait3A_159 : memref<4096xi32, #tpu.memory_space<hbm>>) dst(%arg6 : memref<4096xi32, #tpu.memory_space<vmem>>)
      %dma_wait3A_160 = arith.constant 4 : i32
      %dma_wait3A_161 = arith.constant 0 : i32
      %dma_wait3A_162 = tpu.memref_slice %arg4[%dma_wait3A_160, %select_n3A, %select_n3A_45, %dma_wait3A_161] : memref<20x26x32x4096xf32, #tpu.memory_space<hbm>> -> memref<1x1x1x4096xf32, #tpu.memory_space<hbm>>
      %dma_wait3A_163 = tpu.memref_squeeze %dma_wait3A_162 : memref<1x1x1x4096xf32, #tpu.memory_space<hbm>> -> memref<4096xf32, #tpu.memory_space<hbm>>
      %dma_wait3A_164 = arith.constant 0 : i32
      %dma_wait3A_165 = tpu.memref_slice %arg4[%dma_wait3A_160, %select_n3A, %select_n3A_45, %dma_wait3A_164] : memref<20x26x32x4096xf32, #tpu.memory_space<hbm>> -> memref<1x1x1x4096xf32, #tpu.memory_space<hbm>>
      %dma_wait3A_166 = tpu.memref_squeeze %dma_wait3A_165 : memref<1x1x1x4096xf32, #tpu.memory_space<hbm>> -> memref<4096xf32, #tpu.memory_space<hbm>>
      tpu.wait_dma2 semaphore(%arg12 : memref<!tpu.dma_semaphore, #tpu.memory_space<semaphore_mem>>) src(%arg8 : memref<4096xf32, #tpu.memory_space<vmem>>) dst(%dma_wait3A_166 : memref<4096xf32, #tpu.memory_space<hbm>>)
      %parallel_loop3A_167 = arith.constant 0 : i32
      %parallel_loop3A_168 = arith.constant 4096 : i32
      %parallel_loop3A_169 = arith.constant 16 : i32
      scf.for %parallel_loop3A_649 = %parallel_loop3A_167 to %parallel_loop3A_168 step %parallel_loop3A_169  : i32 {
        %parallel_loop3A_650 = arith.index_cast %parallel_loop3A_649 : i32 to index
        %parallel_loop3A_651 = tpu.vector_load %arg6[%parallel_loop3A_650] {strides = array<i32>} : memref<4096xi32, #tpu.memory_space<vmem>>, vector<16xi32>,
        %parallel_loop3A_652 = tpu.vector_load_idx %arg5[%parallel_loop3A_651] : memref<100000xf32, #tpu.memory_space<vmem>>[vector<16xi32>], vector<16xf32>,
        %parallel_loop3A_653 = arith.index_cast %parallel_loop3A_649 : i32 to index
        %parallel_loop3A_654 = tpu.vector_load %arg8[%parallel_loop3A_653] {strides = array<i32>} : memref<4096xf32, #tpu.memory_space<vmem>>, vector<16xf32>,
        tpu.vector_store %arg8[%parallel_loop3A_653], %parallel_loop3A_652 {strides = array<i32>} : memref<4096xf32, #tpu.memory_space<vmem>>, vector<16xf32>,
      } {sc.loop_unroll_factor = 8 : i64, sc.parallel_access}
      %dma_start3A_170 = arith.constant 4 : i32
      %dma_start3A_171 = arith.constant 0 : i32
      %dma_start3A_172 = tpu.memref_slice %arg4[%dma_start3A_170, %select_n3A, %select_n3A_45, %dma_start3A_171] : memref<20x26x32x4096xf32, #tpu.memory_space<hbm>> -> memref<1x1x1x4096xf32, #tpu.memory_space<hbm>>
      %dma_start3A_173 = tpu.memref_squeeze %dma_start3A_172 : memref<1x1x1x4096xf32, #tpu.memory_space<hbm>> -> memref<4096xf32, #tpu.memory_space<hbm>>
      %dma_start3A_174 = arith.constant 0 : i32
      %dma_start3A_175 = tpu.memref_slice %arg4[%dma_start3A_170, %select_n3A, %select_n3A_45, %dma_start3A_174] : memref<20x26x32x4096xf32, #tpu.memory_space<hbm>> -> memref<1x1x1x4096xf32, #tpu.memory_space<hbm>>
      %dma_start3A_176 = tpu.memref_squeeze %dma_start3A_175 : memref<1x1x1x4096xf32, #tpu.memory_space<hbm>> -> memref<4096xf32, #tpu.memory_space<hbm>>
      tpu.enqueue_dma source(%arg8 : memref<4096xf32, #tpu.memory_space<vmem>>) target(%dma_start3A_176 : memref<4096xf32, #tpu.memory_space<hbm>>) target_semaphore(%arg12 : memref<!tpu.dma_semaphore, #tpu.memory_space<semaphore_mem>>)
      %dma_start3A_177 = arith.constant 6 : i32
      %dma_start3A_178 = arith.constant 0 : i32
      %dma_start3A_179 = tpu.memref_slice %arg3[%select_n3A, %dma_start3A_177, %dma_start3A_178] : memref<26x20x4096xi32, #tpu.memory_space<hbm>> -> memref<1x1x4096xi32, #tpu.memory_space<hbm>>
      %dma_start3A_180 = tpu.memref_squeeze %dma_start3A_179 : memref<1x1x4096xi32, #tpu.memory_space<hbm>> -> memref<4096xi32, #tpu.memory_space<hbm>>
      %dma_start3A_181 = arith.constant 0 : i32
      %dma_start3A_182 = tpu.memref_slice %arg3[%select_n3A, %dma_start3A_177, %dma_start3A_181] : memref<26x20x4096xi32, #tpu.memory_space<hbm>> -> memref<1x1x4096xi32, #tpu.memory_space<hbm>>
      %dma_start3A_183 = tpu.memref_squeeze %dma_start3A_182 : memref<1x1x4096xi32, #tpu.memory_space<hbm>> -> memref<4096xi32, #tpu.memory_space<hbm>>
      tpu.enqueue_dma source(%dma_start3A_183 : memref<4096xi32, #tpu.memory_space<hbm>>) target(%arg6 : memref<4096xi32, #tpu.memory_space<vmem>>) target_semaphore(%arg10 : memref<!tpu.dma_semaphore, #tpu.memory_space<semaphore_mem>>)
      %dma_wait3A_184 = arith.constant 5 : i32
      %dma_wait3A_185 = arith.constant 0 : i32
      %dma_wait3A_186 = tpu.memref_slice %arg3[%select_n3A, %dma_wait3A_184, %dma_wait3A_185] : memref<26x20x4096xi32, #tpu.memory_space<hbm>> -> memref<1x1x4096xi32, #tpu.memory_space<hbm>>
      %dma_wait3A_187 = tpu.memref_squeeze %dma_wait3A_186 : memref<1x1x4096xi32, #tpu.memory_space<hbm>> -> memref<4096xi32, #tpu.memory_space<hbm>>
      %dma_wait3A_188 = arith.constant 0 : i32
      %dma_wait3A_189 = tpu.memref_slice %arg3[%select_n3A, %dma_wait3A_184, %dma_wait3A_188] : memref<26x20x4096xi32, #tpu.memory_space<hbm>> -> memref<1x1x4096xi32, #tpu.memory_space<hbm>>
      %dma_wait3A_190 = tpu.memref_squeeze %dma_wait3A_189 : memref<1x1x4096xi32, #tpu.memory_space<hbm>> -> memref<4096xi32, #tpu.memory_space<hbm>>
      tpu.wait_dma2 semaphore(%arg11 : memref<!tpu.dma_semaphore, #tpu.memory_space<semaphore_mem>>) src(%dma_wait3A_190 : memref<4096xi32, #tpu.memory_space<hbm>>) dst(%arg7 : memref<4096xi32, #tpu.memory_space<vmem>>)
      %dma_wait3A_191 = arith.constant 5 : i32
      %dma_wait3A_192 = arith.constant 0 : i32
      %dma_wait3A_193 = tpu.memref_slice %arg4[%dma_wait3A_191, %select_n3A, %select_n3A_45, %dma_wait3A_192] : memref<20x26x32x4096xf32, #tpu.memory_space<hbm>> -> memref<1x1x1x4096xf32, #tpu.memory_space<hbm>>
      %dma_wait3A_194 = tpu.memref_squeeze %dma_wait3A_193 : memref<1x1x1x4096xf32, #tpu.memory_space<hbm>> -> memref<4096xf32, #tpu.memory_space<hbm>>
      %dma_wait3A_195 = arith.constant 0 : i32
      %dma_wait3A_196 = tpu.memref_slice %arg4[%dma_wait3A_191, %select_n3A, %select_n3A_45, %dma_wait3A_195] : memref<20x26x32x4096xf32, #tpu.memory_space<hbm>> -> memref<1x1x1x4096xf32, #tpu.memory_space<hbm>>
      %dma_wait3A_197 = tpu.memref_squeeze %dma_wait3A_196 : memref<1x1x1x4096xf32, #tpu.memory_space<hbm>> -> memref<4096xf32, #tpu.memory_space<hbm>>
      tpu.wait_dma2 semaphore(%arg13 : memref<!tpu.dma_semaphore, #tpu.memory_space<semaphore_mem>>) src(%arg9 : memref<4096xf32, #tpu.memory_space<vmem>>) dst(%dma_wait3A_197 : memref<4096xf32, #tpu.memory_space<hbm>>)
      %parallel_loop3A_198 = arith.constant 0 : i32
      %parallel_loop3A_199 = arith.constant 4096 : i32
      %parallel_loop3A_200 = arith.constant 16 : i32
      scf.for %parallel_loop3A_649 = %parallel_loop3A_198 to %parallel_loop3A_199 step %parallel_loop3A_200  : i32 {
        %parallel_loop3A_650 = arith.index_cast %parallel_loop3A_649 : i32 to index
        %parallel_loop3A_651 = tpu.vector_load %arg7[%parallel_loop3A_650] {strides = array<i32>} : memref<4096xi32, #tpu.memory_space<vmem>>, vector<16xi32>,
        %parallel_loop3A_652 = tpu.vector_load_idx %arg5[%parallel_loop3A_651] : memref<100000xf32, #tpu.memory_space<vmem>>[vector<16xi32>], vector<16xf32>,
        %parallel_loop3A_653 = arith.index_cast %parallel_loop3A_649 : i32 to index
        %parallel_loop3A_654 = tpu.vector_load %arg9[%parallel_loop3A_653] {strides = array<i32>} : memref<4096xf32, #tpu.memory_space<vmem>>, vector<16xf32>,
        tpu.vector_store %arg9[%parallel_loop3A_653], %parallel_loop3A_652 {strides = array<i32>} : memref<4096xf32, #tpu.memory_space<vmem>>, vector<16xf32>,
      } {sc.loop_unroll_factor = 8 : i64, sc.parallel_access}
      %dma_start3A_201 = arith.constant 5 : i32
      %dma_start3A_202 = arith.constant 0 : i32
      %dma_start3A_203 = tpu.memref_slice %arg4[%dma_start3A_201, %select_n3A, %select_n3A_45, %dma_start3A_202] : memref<20x26x32x4096xf32, #tpu.memory_space<hbm>> -> memref<1x1x1x4096xf32, #tpu.memory_space<hbm>>
      %dma_start3A_204 = tpu.memref_squeeze %dma_start3A_203 : memref<1x1x1x4096xf32, #tpu.memory_space<hbm>> -> memref<4096xf32, #tpu.memory_space<hbm>>
      %dma_start3A_205 = arith.constant 0 : i32
      %dma_start3A_206 = tpu.memref_slice %arg4[%dma_start3A_201, %select_n3A, %select_n3A_45, %dma_start3A_205] : memref<20x26x32x4096xf32, #tpu.memory_space<hbm>> -> memref<1x1x1x4096xf32, #tpu.memory_space<hbm>>
      %dma_start3A_207 = tpu.memref_squeeze %dma_start3A_206 : memref<1x1x1x4096xf32, #tpu.memory_space<hbm>> -> memref<4096xf32, #tpu.memory_space<hbm>>
      tpu.enqueue_dma source(%arg9 : memref<4096xf32, #tpu.memory_space<vmem>>) target(%dma_start3A_207 : memref<4096xf32, #tpu.memory_space<hbm>>) target_semaphore(%arg13 : memref<!tpu.dma_semaphore, #tpu.memory_space<semaphore_mem>>)
      %dma_start3A_208 = arith.constant 7 : i32
      %dma_start3A_209 = arith.constant 0 : i32
      %dma_start3A_210 = tpu.memref_slice %arg3[%select_n3A, %dma_start3A_208, %dma_start3A_209] : memref<26x20x4096xi32, #tpu.memory_space<hbm>> -> memref<1x1x4096xi32, #tpu.memory_space<hbm>>
      %dma_start3A_211 = tpu.memref_squeeze %dma_start3A_210 : memref<1x1x4096xi32, #tpu.memory_space<hbm>> -> memref<4096xi32, #tpu.memory_space<hbm>>
      %dma_start3A_212 = arith.constant 0 : i32
      %dma_start3A_213 = tpu.memref_slice %arg3[%select_n3A, %dma_start3A_208, %dma_start3A_212] : memref<26x20x4096xi32, #tpu.memory_space<hbm>> -> memref<1x1x4096xi32, #tpu.memory_space<hbm>>
      %dma_start3A_214 = tpu.memref_squeeze %dma_start3A_213 : memref<1x1x4096xi32, #tpu.memory_space<hbm>> -> memref<4096xi32, #tpu.memory_space<hbm>>
      tpu.enqueue_dma source(%dma_start3A_214 : memref<4096xi32, #tpu.memory_space<hbm>>) target(%arg7 : memref<4096xi32, #tpu.memory_space<vmem>>) target_semaphore(%arg11 : memref<!tpu.dma_semaphore, #tpu.memory_space<semaphore_mem>>)
      %dma_wait3A_215 = arith.constant 6 : i32
      %dma_wait3A_216 = arith.constant 0 : i32
      %dma_wait3A_217 = tpu.memref_slice %arg3[%select_n3A, %dma_wait3A_215, %dma_wait3A_216] : memref<26x20x4096xi32, #tpu.memory_space<hbm>> -> memref<1x1x4096xi32, #tpu.memory_space<hbm>>
      %dma_wait3A_218 = tpu.memref_squeeze %dma_wait3A_217 : memref<1x1x4096xi32, #tpu.memory_space<hbm>> -> memref<4096xi32, #tpu.memory_space<hbm>>
      %dma_wait3A_219 = arith.constant 0 : i32
      %dma_wait3A_220 = tpu.memref_slice %arg3[%select_n3A, %dma_wait3A_215, %dma_wait3A_219] : memref<26x20x4096xi32, #tpu.memory_space<hbm>> -> memref<1x1x4096xi32, #tpu.memory_space<hbm>>
      %dma_wait3A_221 = tpu.memref_squeeze %dma_wait3A_220 : memref<1x1x4096xi32, #tpu.memory_space<hbm>> -> memref<4096xi32, #tpu.memory_space<hbm>>
      tpu.wait_dma2 semaphore(%arg10 : memref<!tpu.dma_semaphore, #tpu.memory_space<semaphore_mem>>) src(%dma_wait3A_221 : memref<4096xi32, #tpu.memory_space<hbm>>) dst(%arg6 : memref<4096xi32, #tpu.memory_space<vmem>>)
      %dma_wait3A_222 = arith.constant 6 : i32
      %dma_wait3A_223 = arith.constant 0 : i32
      %dma_wait3A_224 = tpu.memref_slice %arg4[%dma_wait3A_222, %select_n3A, %select_n3A_45, %dma_wait3A_223] : memref<20x26x32x4096xf32, #tpu.memory_space<hbm>> -> memref<1x1x1x4096xf32, #tpu.memory_space<hbm>>
      %dma_wait3A_225 = tpu.memref_squeeze %dma_wait3A_224 : memref<1x1x1x4096xf32, #tpu.memory_space<hbm>> -> memref<4096xf32, #tpu.memory_space<hbm>>
      %dma_wait3A_226 = arith.constant 0 : i32
      %dma_wait3A_227 = tpu.memref_slice %arg4[%dma_wait3A_222, %select_n3A, %select_n3A_45, %dma_wait3A_226] : memref<20x26x32x4096xf32, #tpu.memory_space<hbm>> -> memref<1x1x1x4096xf32, #tpu.memory_space<hbm>>
      %dma_wait3A_228 = tpu.memref_squeeze %dma_wait3A_227 : memref<1x1x1x4096xf32, #tpu.memory_space<hbm>> -> memref<4096xf32, #tpu.memory_space<hbm>>
      tpu.wait_dma2 semaphore(%arg12 : memref<!tpu.dma_semaphore, #tpu.memory_space<semaphore_mem>>) src(%arg8 : memref<4096xf32, #tpu.memory_space<vmem>>) dst(%dma_wait3A_228 : memref<4096xf32, #tpu.memory_space<hbm>>)
      %parallel_loop3A_229 = arith.constant 0 : i32
      %parallel_loop3A_230 = arith.constant 4096 : i32
      %parallel_loop3A_231 = arith.constant 16 : i32
      scf.for %parallel_loop3A_649 = %parallel_loop3A_229 to %parallel_loop3A_230 step %parallel_loop3A_231  : i32 {
        %parallel_loop3A_650 = arith.index_cast %parallel_loop3A_649 : i32 to index
        %parallel_loop3A_651 = tpu.vector_load %arg6[%parallel_loop3A_650] {strides = array<i32>} : memref<4096xi32, #tpu.memory_space<vmem>>, vector<16xi32>,
        %parallel_loop3A_652 = tpu.vector_load_idx %arg5[%parallel_loop3A_651] : memref<100000xf32, #tpu.memory_space<vmem>>[vector<16xi32>], vector<16xf32>,
        %parallel_loop3A_653 = arith.index_cast %parallel_loop3A_649 : i32 to index
        %parallel_loop3A_654 = tpu.vector_load %arg8[%parallel_loop3A_653] {strides = array<i32>} : memref<4096xf32, #tpu.memory_space<vmem>>, vector<16xf32>,
        tpu.vector_store %arg8[%parallel_loop3A_653], %parallel_loop3A_652 {strides = array<i32>} : memref<4096xf32, #tpu.memory_space<vmem>>, vector<16xf32>,
      } {sc.loop_unroll_factor = 8 : i64, sc.parallel_access}
      %dma_start3A_232 = arith.constant 6 : i32
      %dma_start3A_233 = arith.constant 0 : i32
      %dma_start3A_234 = tpu.memref_slice %arg4[%dma_start3A_232, %select_n3A, %select_n3A_45, %dma_start3A_233] : memref<20x26x32x4096xf32, #tpu.memory_space<hbm>> -> memref<1x1x1x4096xf32, #tpu.memory_space<hbm>>
      %dma_start3A_235 = tpu.memref_squeeze %dma_start3A_234 : memref<1x1x1x4096xf32, #tpu.memory_space<hbm>> -> memref<4096xf32, #tpu.memory_space<hbm>>
      %dma_start3A_236 = arith.constant 0 : i32
      %dma_start3A_237 = tpu.memref_slice %arg4[%dma_start3A_232, %select_n3A, %select_n3A_45, %dma_start3A_236] : memref<20x26x32x4096xf32, #tpu.memory_space<hbm>> -> memref<1x1x1x4096xf32, #tpu.memory_space<hbm>>
      %dma_start3A_238 = tpu.memref_squeeze %dma_start3A_237 : memref<1x1x1x4096xf32, #tpu.memory_space<hbm>> -> memref<4096xf32, #tpu.memory_space<hbm>>
      tpu.enqueue_dma source(%arg8 : memref<4096xf32, #tpu.memory_space<vmem>>) target(%dma_start3A_238 : memref<4096xf32, #tpu.memory_space<hbm>>) target_semaphore(%arg12 : memref<!tpu.dma_semaphore, #tpu.memory_space<semaphore_mem>>)
      %dma_start3A_239 = arith.constant 8 : i32
      %dma_start3A_240 = arith.constant 0 : i32
      %dma_start3A_241 = tpu.memref_slice %arg3[%select_n3A, %dma_start3A_239, %dma_start3A_240] : memref<26x20x4096xi32, #tpu.memory_space<hbm>> -> memref<1x1x4096xi32, #tpu.memory_space<hbm>>
      %dma_start3A_242 = tpu.memref_squeeze %dma_start3A_241 : memref<1x1x4096xi32, #tpu.memory_space<hbm>> -> memref<4096xi32, #tpu.memory_space<hbm>>
      %dma_start3A_243 = arith.constant 0 : i32
      %dma_start3A_244 = tpu.memref_slice %arg3[%select_n3A, %dma_start3A_239, %dma_start3A_243] : memref<26x20x4096xi32, #tpu.memory_space<hbm>> -> memref<1x1x4096xi32, #tpu.memory_space<hbm>>
      %dma_start3A_245 = tpu.memref_squeeze %dma_start3A_244 : memref<1x1x4096xi32, #tpu.memory_space<hbm>> -> memref<4096xi32, #tpu.memory_space<hbm>>
      tpu.enqueue_dma source(%dma_start3A_245 : memref<4096xi32, #tpu.memory_space<hbm>>) target(%arg6 : memref<4096xi32, #tpu.memory_space<vmem>>) target_semaphore(%arg10 : memref<!tpu.dma_semaphore, #tpu.memory_space<semaphore_mem>>)
      %dma_wait3A_246 = arith.constant 7 : i32
      %dma_wait3A_247 = arith.constant 0 : i32
      %dma_wait3A_248 = tpu.memref_slice %arg3[%select_n3A, %dma_wait3A_246, %dma_wait3A_247] : memref<26x20x4096xi32, #tpu.memory_space<hbm>> -> memref<1x1x4096xi32, #tpu.memory_space<hbm>>
      %dma_wait3A_249 = tpu.memref_squeeze %dma_wait3A_248 : memref<1x1x4096xi32, #tpu.memory_space<hbm>> -> memref<4096xi32, #tpu.memory_space<hbm>>
      %dma_wait3A_250 = arith.constant 0 : i32
      %dma_wait3A_251 = tpu.memref_slice %arg3[%select_n3A, %dma_wait3A_246, %dma_wait3A_250] : memref<26x20x4096xi32, #tpu.memory_space<hbm>> -> memref<1x1x4096xi32, #tpu.memory_space<hbm>>
      %dma_wait3A_252 = tpu.memref_squeeze %dma_wait3A_251 : memref<1x1x4096xi32, #tpu.memory_space<hbm>> -> memref<4096xi32, #tpu.memory_space<hbm>>
      tpu.wait_dma2 semaphore(%arg11 : memref<!tpu.dma_semaphore, #tpu.memory_space<semaphore_mem>>) src(%dma_wait3A_252 : memref<4096xi32, #tpu.memory_space<hbm>>) dst(%arg7 : memref<4096xi32, #tpu.memory_space<vmem>>)
      %dma_wait3A_253 = arith.constant 7 : i32
      %dma_wait3A_254 = arith.constant 0 : i32
      %dma_wait3A_255 = tpu.memref_slice %arg4[%dma_wait3A_253, %select_n3A, %select_n3A_45, %dma_wait3A_254] : memref<20x26x32x4096xf32, #tpu.memory_space<hbm>> -> memref<1x1x1x4096xf32, #tpu.memory_space<hbm>>
      %dma_wait3A_256 = tpu.memref_squeeze %dma_wait3A_255 : memref<1x1x1x4096xf32, #tpu.memory_space<hbm>> -> memref<4096xf32, #tpu.memory_space<hbm>>
      %dma_wait3A_257 = arith.constant 0 : i32
      %dma_wait3A_258 = tpu.memref_slice %arg4[%dma_wait3A_253, %select_n3A, %select_n3A_45, %dma_wait3A_257] : memref<20x26x32x4096xf32, #tpu.memory_space<hbm>> -> memref<1x1x1x4096xf32, #tpu.memory_space<hbm>>
      %dma_wait3A_259 = tpu.memref_squeeze %dma_wait3A_258 : memref<1x1x1x4096xf32, #tpu.memory_space<hbm>> -> memref<4096xf32, #tpu.memory_space<hbm>>
      tpu.wait_dma2 semaphore(%arg13 : memref<!tpu.dma_semaphore, #tpu.memory_space<semaphore_mem>>) src(%arg9 : memref<4096xf32, #tpu.memory_space<vmem>>) dst(%dma_wait3A_259 : memref<4096xf32, #tpu.memory_space<hbm>>)
      %parallel_loop3A_260 = arith.constant 0 : i32
      %parallel_loop3A_261 = arith.constant 4096 : i32
      %parallel_loop3A_262 = arith.constant 16 : i32
      scf.for %parallel_loop3A_649 = %parallel_loop3A_260 to %parallel_loop3A_261 step %parallel_loop3A_262  : i32 {
        %parallel_loop3A_650 = arith.index_cast %parallel_loop3A_649 : i32 to index
        %parallel_loop3A_651 = tpu.vector_load %arg7[%parallel_loop3A_650] {strides = array<i32>} : memref<4096xi32, #tpu.memory_space<vmem>>, vector<16xi32>,
        %parallel_loop3A_652 = tpu.vector_load_idx %arg5[%parallel_loop3A_651] : memref<100000xf32, #tpu.memory_space<vmem>>[vector<16xi32>], vector<16xf32>,
        %parallel_loop3A_653 = arith.index_cast %parallel_loop3A_649 : i32 to index
        %parallel_loop3A_654 = tpu.vector_load %arg9[%parallel_loop3A_653] {strides = array<i32>} : memref<4096xf32, #tpu.memory_space<vmem>>, vector<16xf32>,
        tpu.vector_store %arg9[%parallel_loop3A_653], %parallel_loop3A_652 {strides = array<i32>} : memref<4096xf32, #tpu.memory_space<vmem>>, vector<16xf32>,
      } {sc.loop_unroll_factor = 8 : i64, sc.parallel_access}
      %dma_start3A_263 = arith.constant 7 : i32
      %dma_start3A_264 = arith.constant 0 : i32
      %dma_start3A_265 = tpu.memref_slice %arg4[%dma_start3A_263, %select_n3A, %select_n3A_45, %dma_start3A_264] : memref<20x26x32x4096xf32, #tpu.memory_space<hbm>> -> memref<1x1x1x4096xf32, #tpu.memory_space<hbm>>
      %dma_start3A_266 = tpu.memref_squeeze %dma_start3A_265 : memref<1x1x1x4096xf32, #tpu.memory_space<hbm>> -> memref<4096xf32, #tpu.memory_space<hbm>>
      %dma_start3A_267 = arith.constant 0 : i32
      %dma_start3A_268 = tpu.memref_slice %arg4[%dma_start3A_263, %select_n3A, %select_n3A_45, %dma_start3A_267] : memref<20x26x32x4096xf32, #tpu.memory_space<hbm>> -> memref<1x1x1x4096xf32, #tpu.memory_space<hbm>>
      %dma_start3A_269 = tpu.memref_squeeze %dma_start3A_268 : memref<1x1x1x4096xf32, #tpu.memory_space<hbm>> -> memref<4096xf32, #tpu.memory_space<hbm>>
      tpu.enqueue_dma source(%arg9 : memref<4096xf32, #tpu.memory_space<vmem>>) target(%dma_start3A_269 : memref<4096xf32, #tpu.memory_space<hbm>>) target_semaphore(%arg13 : memref<!tpu.dma_semaphore, #tpu.memory_space<semaphore_mem>>)
      %dma_start3A_270 = arith.constant 9 : i32
      %dma_start3A_271 = arith.constant 0 : i32
      %dma_start3A_272 = tpu.memref_slice %arg3[%select_n3A, %dma_start3A_270, %dma_start3A_271] : memref<26x20x4096xi32, #tpu.memory_space<hbm>> -> memref<1x1x4096xi32, #tpu.memory_space<hbm>>
      %dma_start3A_273 = tpu.memref_squeeze %dma_start3A_272 : memref<1x1x4096xi32, #tpu.memory_space<hbm>> -> memref<4096xi32, #tpu.memory_space<hbm>>
      %dma_start3A_274 = arith.constant 0 : i32
      %dma_start3A_275 = tpu.memref_slice %arg3[%select_n3A, %dma_start3A_270, %dma_start3A_274] : memref<26x20x4096xi32, #tpu.memory_space<hbm>> -> memref<1x1x4096xi32, #tpu.memory_space<hbm>>
      %dma_start3A_276 = tpu.memref_squeeze %dma_start3A_275 : memref<1x1x4096xi32, #tpu.memory_space<hbm>> -> memref<4096xi32, #tpu.memory_space<hbm>>
      tpu.enqueue_dma source(%dma_start3A_276 : memref<4096xi32, #tpu.memory_space<hbm>>) target(%arg7 : memref<4096xi32, #tpu.memory_space<vmem>>) target_semaphore(%arg11 : memref<!tpu.dma_semaphore, #tpu.memory_space<semaphore_mem>>)
      %dma_wait3A_277 = arith.constant 8 : i32
      %dma_wait3A_278 = arith.constant 0 : i32
      %dma_wait3A_279 = tpu.memref_slice %arg3[%select_n3A, %dma_wait3A_277, %dma_wait3A_278] : memref<26x20x4096xi32, #tpu.memory_space<hbm>> -> memref<1x1x4096xi32, #tpu.memory_space<hbm>>
      %dma_wait3A_280 = tpu.memref_squeeze %dma_wait3A_279 : memref<1x1x4096xi32, #tpu.memory_space<hbm>> -> memref<4096xi32, #tpu.memory_space<hbm>>
      %dma_wait3A_281 = arith.constant 0 : i32
      %dma_wait3A_282 = tpu.memref_slice %arg3[%select_n3A, %dma_wait3A_277, %dma_wait3A_281] : memref<26x20x4096xi32, #tpu.memory_space<hbm>> -> memref<1x1x4096xi32, #tpu.memory_space<hbm>>
      %dma_wait3A_283 = tpu.memref_squeeze %dma_wait3A_282 : memref<1x1x4096xi32, #tpu.memory_space<hbm>> -> memref<4096xi32, #tpu.memory_space<hbm>>
      tpu.wait_dma2 semaphore(%arg10 : memref<!tpu.dma_semaphore, #tpu.memory_space<semaphore_mem>>) src(%dma_wait3A_283 : memref<4096xi32, #tpu.memory_space<hbm>>) dst(%arg6 : memref<4096xi32, #tpu.memory_space<vmem>>)
      %dma_wait3A_284 = arith.constant 8 : i32
      %dma_wait3A_285 = arith.constant 0 : i32
      %dma_wait3A_286 = tpu.memref_slice %arg4[%dma_wait3A_284, %select_n3A, %select_n3A_45, %dma_wait3A_285] : memref<20x26x32x4096xf32, #tpu.memory_space<hbm>> -> memref<1x1x1x4096xf32, #tpu.memory_space<hbm>>
      %dma_wait3A_287 = tpu.memref_squeeze %dma_wait3A_286 : memref<1x1x1x4096xf32, #tpu.memory_space<hbm>> -> memref<4096xf32, #tpu.memory_space<hbm>>
      %dma_wait3A_288 = arith.constant 0 : i32
      %dma_wait3A_289 = tpu.memref_slice %arg4[%dma_wait3A_284, %select_n3A, %select_n3A_45, %dma_wait3A_288] : memref<20x26x32x4096xf32, #tpu.memory_space<hbm>> -> memref<1x1x1x4096xf32, #tpu.memory_space<hbm>>
      %dma_wait3A_290 = tpu.memref_squeeze %dma_wait3A_289 : memref<1x1x1x4096xf32, #tpu.memory_space<hbm>> -> memref<4096xf32, #tpu.memory_space<hbm>>
      tpu.wait_dma2 semaphore(%arg12 : memref<!tpu.dma_semaphore, #tpu.memory_space<semaphore_mem>>) src(%arg8 : memref<4096xf32, #tpu.memory_space<vmem>>) dst(%dma_wait3A_290 : memref<4096xf32, #tpu.memory_space<hbm>>)
      %parallel_loop3A_291 = arith.constant 0 : i32
      %parallel_loop3A_292 = arith.constant 4096 : i32
      %parallel_loop3A_293 = arith.constant 16 : i32
      scf.for %parallel_loop3A_649 = %parallel_loop3A_291 to %parallel_loop3A_292 step %parallel_loop3A_293  : i32 {
        %parallel_loop3A_650 = arith.index_cast %parallel_loop3A_649 : i32 to index
        %parallel_loop3A_651 = tpu.vector_load %arg6[%parallel_loop3A_650] {strides = array<i32>} : memref<4096xi32, #tpu.memory_space<vmem>>, vector<16xi32>,
        %parallel_loop3A_652 = tpu.vector_load_idx %arg5[%parallel_loop3A_651] : memref<100000xf32, #tpu.memory_space<vmem>>[vector<16xi32>], vector<16xf32>,
        %parallel_loop3A_653 = arith.index_cast %parallel_loop3A_649 : i32 to index
        %parallel_loop3A_654 = tpu.vector_load %arg8[%parallel_loop3A_653] {strides = array<i32>} : memref<4096xf32, #tpu.memory_space<vmem>>, vector<16xf32>,
        tpu.vector_store %arg8[%parallel_loop3A_653], %parallel_loop3A_652 {strides = array<i32>} : memref<4096xf32, #tpu.memory_space<vmem>>, vector<16xf32>,
      } {sc.loop_unroll_factor = 8 : i64, sc.parallel_access}
      %dma_start3A_294 = arith.constant 8 : i32
      %dma_start3A_295 = arith.constant 0 : i32
      %dma_start3A_296 = tpu.memref_slice %arg4[%dma_start3A_294, %select_n3A, %select_n3A_45, %dma_start3A_295] : memref<20x26x32x4096xf32, #tpu.memory_space<hbm>> -> memref<1x1x1x4096xf32, #tpu.memory_space<hbm>>
      %dma_start3A_297 = tpu.memref_squeeze %dma_start3A_296 : memref<1x1x1x4096xf32, #tpu.memory_space<hbm>> -> memref<4096xf32, #tpu.memory_space<hbm>>
      %dma_start3A_298 = arith.constant 0 : i32
      %dma_start3A_299 = tpu.memref_slice %arg4[%dma_start3A_294, %select_n3A, %select_n3A_45, %dma_start3A_298] : memref<20x26x32x4096xf32, #tpu.memory_space<hbm>> -> memref<1x1x1x4096xf32, #tpu.memory_space<hbm>>
      %dma_start3A_300 = tpu.memref_squeeze %dma_start3A_299 : memref<1x1x1x4096xf32, #tpu.memory_space<hbm>> -> memref<4096xf32, #tpu.memory_space<hbm>>
      tpu.enqueue_dma source(%arg8 : memref<4096xf32, #tpu.memory_space<vmem>>) target(%dma_start3A_300 : memref<4096xf32, #tpu.memory_space<hbm>>) target_semaphore(%arg12 : memref<!tpu.dma_semaphore, #tpu.memory_space<semaphore_mem>>)
      %dma_start3A_301 = arith.constant 10 : i32
      %dma_start3A_302 = arith.constant 0 : i32
      %dma_start3A_303 = tpu.memref_slice %arg3[%select_n3A, %dma_start3A_301, %dma_start3A_302] : memref<26x20x4096xi32, #tpu.memory_space<hbm>> -> memref<1x1x4096xi32, #tpu.memory_space<hbm>>
      %dma_start3A_304 = tpu.memref_squeeze %dma_start3A_303 : memref<1x1x4096xi32, #tpu.memory_space<hbm>> -> memref<4096xi32, #tpu.memory_space<hbm>>
      %dma_start3A_305 = arith.constant 0 : i32
      %dma_start3A_306 = tpu.memref_slice %arg3[%select_n3A, %dma_start3A_301, %dma_start3A_305] : memref<26x20x4096xi32, #tpu.memory_space<hbm>> -> memref<1x1x4096xi32, #tpu.memory_space<hbm>>
      %dma_start3A_307 = tpu.memref_squeeze %dma_start3A_306 : memref<1x1x4096xi32, #tpu.memory_space<hbm>> -> memref<4096xi32, #tpu.memory_space<hbm>>
      tpu.enqueue_dma source(%dma_start3A_307 : memref<4096xi32, #tpu.memory_space<hbm>>) target(%arg6 : memref<4096xi32, #tpu.memory_space<vmem>>) target_semaphore(%arg10 : memref<!tpu.dma_semaphore, #tpu.memory_space<semaphore_mem>>)
      %dma_wait3A_308 = arith.constant 9 : i32
      %dma_wait3A_309 = arith.constant 0 : i32
      %dma_wait3A_310 = tpu.memref_slice %arg3[%select_n3A, %dma_wait3A_308, %dma_wait3A_309] : memref<26x20x4096xi32, #tpu.memory_space<hbm>> -> memref<1x1x4096xi32, #tpu.memory_space<hbm>>
      %dma_wait3A_311 = tpu.memref_squeeze %dma_wait3A_310 : memref<1x1x4096xi32, #tpu.memory_space<hbm>> -> memref<4096xi32, #tpu.memory_space<hbm>>
      %dma_wait3A_312 = arith.constant 0 : i32
      %dma_wait3A_313 = tpu.memref_slice %arg3[%select_n3A, %dma_wait3A_308, %dma_wait3A_312] : memref<26x20x4096xi32, #tpu.memory_space<hbm>> -> memref<1x1x4096xi32, #tpu.memory_space<hbm>>
      %dma_wait3A_314 = tpu.memref_squeeze %dma_wait3A_313 : memref<1x1x4096xi32, #tpu.memory_space<hbm>> -> memref<4096xi32, #tpu.memory_space<hbm>>
      tpu.wait_dma2 semaphore(%arg11 : memref<!tpu.dma_semaphore, #tpu.memory_space<semaphore_mem>>) src(%dma_wait3A_314 : memref<4096xi32, #tpu.memory_space<hbm>>) dst(%arg7 : memref<4096xi32, #tpu.memory_space<vmem>>)
      %dma_wait3A_315 = arith.constant 9 : i32
      %dma_wait3A_316 = arith.constant 0 : i32
      %dma_wait3A_317 = tpu.memref_slice %arg4[%dma_wait3A_315, %select_n3A, %select_n3A_45, %dma_wait3A_316] : memref<20x26x32x4096xf32, #tpu.memory_space<hbm>> -> memref<1x1x1x4096xf32, #tpu.memory_space<hbm>>
      %dma_wait3A_318 = tpu.memref_squeeze %dma_wait3A_317 : memref<1x1x1x4096xf32, #tpu.memory_space<hbm>> -> memref<4096xf32, #tpu.memory_space<hbm>>
      %dma_wait3A_319 = arith.constant 0 : i32
      %dma_wait3A_320 = tpu.memref_slice %arg4[%dma_wait3A_315, %select_n3A, %select_n3A_45, %dma_wait3A_319] : memref<20x26x32x4096xf32, #tpu.memory_space<hbm>> -> memref<1x1x1x4096xf32, #tpu.memory_space<hbm>>
      %dma_wait3A_321 = tpu.memref_squeeze %dma_wait3A_320 : memref<1x1x1x4096xf32, #tpu.memory_space<hbm>> -> memref<4096xf32, #tpu.memory_space<hbm>>
      tpu.wait_dma2 semaphore(%arg13 : memref<!tpu.dma_semaphore, #tpu.memory_space<semaphore_mem>>) src(%arg9 : memref<4096xf32, #tpu.memory_space<vmem>>) dst(%dma_wait3A_321 : memref<4096xf32, #tpu.memory_space<hbm>>)
      %parallel_loop3A_322 = arith.constant 0 : i32
      %parallel_loop3A_323 = arith.constant 4096 : i32
      %parallel_loop3A_324 = arith.constant 16 : i32
      scf.for %parallel_loop3A_649 = %parallel_loop3A_322 to %parallel_loop3A_323 step %parallel_loop3A_324  : i32 {
        %parallel_loop3A_650 = arith.index_cast %parallel_loop3A_649 : i32 to index
        %parallel_loop3A_651 = tpu.vector_load %arg7[%parallel_loop3A_650] {strides = array<i32>} : memref<4096xi32, #tpu.memory_space<vmem>>, vector<16xi32>,
        %parallel_loop3A_652 = tpu.vector_load_idx %arg5[%parallel_loop3A_651] : memref<100000xf32, #tpu.memory_space<vmem>>[vector<16xi32>], vector<16xf32>,
        %parallel_loop3A_653 = arith.index_cast %parallel_loop3A_649 : i32 to index
        %parallel_loop3A_654 = tpu.vector_load %arg9[%parallel_loop3A_653] {strides = array<i32>} : memref<4096xf32, #tpu.memory_space<vmem>>, vector<16xf32>,
        tpu.vector_store %arg9[%parallel_loop3A_653], %parallel_loop3A_652 {strides = array<i32>} : memref<4096xf32, #tpu.memory_space<vmem>>, vector<16xf32>,
      } {sc.loop_unroll_factor = 8 : i64, sc.parallel_access}
      %dma_start3A_325 = arith.constant 9 : i32
      %dma_start3A_326 = arith.constant 0 : i32
      %dma_start3A_327 = tpu.memref_slice %arg4[%dma_start3A_325, %select_n3A, %select_n3A_45, %dma_start3A_326] : memref<20x26x32x4096xf32, #tpu.memory_space<hbm>> -> memref<1x1x1x4096xf32, #tpu.memory_space<hbm>>
      %dma_start3A_328 = tpu.memref_squeeze %dma_start3A_327 : memref<1x1x1x4096xf32, #tpu.memory_space<hbm>> -> memref<4096xf32, #tpu.memory_space<hbm>>
      %dma_start3A_329 = arith.constant 0 : i32
      %dma_start3A_330 = tpu.memref_slice %arg4[%dma_start3A_325, %select_n3A, %select_n3A_45, %dma_start3A_329] : memref<20x26x32x4096xf32, #tpu.memory_space<hbm>> -> memref<1x1x1x4096xf32, #tpu.memory_space<hbm>>
      %dma_start3A_331 = tpu.memref_squeeze %dma_start3A_330 : memref<1x1x1x4096xf32, #tpu.memory_space<hbm>> -> memref<4096xf32, #tpu.memory_space<hbm>>
      tpu.enqueue_dma source(%arg9 : memref<4096xf32, #tpu.memory_space<vmem>>) target(%dma_start3A_331 : memref<4096xf32, #tpu.memory_space<hbm>>) target_semaphore(%arg13 : memref<!tpu.dma_semaphore, #tpu.memory_space<semaphore_mem>>)
      %dma_start3A_332 = arith.constant 11 : i32
      %dma_start3A_333 = arith.constant 0 : i32
      %dma_start3A_334 = tpu.memref_slice %arg3[%select_n3A, %dma_start3A_332, %dma_start3A_333] : memref<26x20x4096xi32, #tpu.memory_space<hbm>> -> memref<1x1x4096xi32, #tpu.memory_space<hbm>>
      %dma_start3A_335 = tpu.memref_squeeze %dma_start3A_334 : memref<1x1x4096xi32, #tpu.memory_space<hbm>> -> memref<4096xi32, #tpu.memory_space<hbm>>
      %dma_start3A_336 = arith.constant 0 : i32
      %dma_start3A_337 = tpu.memref_slice %arg3[%select_n3A, %dma_start3A_332, %dma_start3A_336] : memref<26x20x4096xi32, #tpu.memory_space<hbm>> -> memref<1x1x4096xi32, #tpu.memory_space<hbm>>
      %dma_start3A_338 = tpu.memref_squeeze %dma_start3A_337 : memref<1x1x4096xi32, #tpu.memory_space<hbm>> -> memref<4096xi32, #tpu.memory_space<hbm>>
      tpu.enqueue_dma source(%dma_start3A_338 : memref<4096xi32, #tpu.memory_space<hbm>>) target(%arg7 : memref<4096xi32, #tpu.memory_space<vmem>>) target_semaphore(%arg11 : memref<!tpu.dma_semaphore, #tpu.memory_space<semaphore_mem>>)
      %dma_wait3A_339 = arith.constant 10 : i32
      %dma_wait3A_340 = arith.constant 0 : i32
      %dma_wait3A_341 = tpu.memref_slice %arg3[%select_n3A, %dma_wait3A_339, %dma_wait3A_340] : memref<26x20x4096xi32, #tpu.memory_space<hbm>> -> memref<1x1x4096xi32, #tpu.memory_space<hbm>>
      %dma_wait3A_342 = tpu.memref_squeeze %dma_wait3A_341 : memref<1x1x4096xi32, #tpu.memory_space<hbm>> -> memref<4096xi32, #tpu.memory_space<hbm>>
      %dma_wait3A_343 = arith.constant 0 : i32
      %dma_wait3A_344 = tpu.memref_slice %arg3[%select_n3A, %dma_wait3A_339, %dma_wait3A_343] : memref<26x20x4096xi32, #tpu.memory_space<hbm>> -> memref<1x1x4096xi32, #tpu.memory_space<hbm>>
      %dma_wait3A_345 = tpu.memref_squeeze %dma_wait3A_344 : memref<1x1x4096xi32, #tpu.memory_space<hbm>> -> memref<4096xi32, #tpu.memory_space<hbm>>
      tpu.wait_dma2 semaphore(%arg10 : memref<!tpu.dma_semaphore, #tpu.memory_space<semaphore_mem>>) src(%dma_wait3A_345 : memref<4096xi32, #tpu.memory_space<hbm>>) dst(%arg6 : memref<4096xi32, #tpu.memory_space<vmem>>)
      %dma_wait3A_346 = arith.constant 10 : i32
      %dma_wait3A_347 = arith.constant 0 : i32
      %dma_wait3A_348 = tpu.memref_slice %arg4[%dma_wait3A_346, %select_n3A, %select_n3A_45, %dma_wait3A_347] : memref<20x26x32x4096xf32, #tpu.memory_space<hbm>> -> memref<1x1x1x4096xf32, #tpu.memory_space<hbm>>
      %dma_wait3A_349 = tpu.memref_squeeze %dma_wait3A_348 : memref<1x1x1x4096xf32, #tpu.memory_space<hbm>> -> memref<4096xf32, #tpu.memory_space<hbm>>
      %dma_wait3A_350 = arith.constant 0 : i32
      %dma_wait3A_351 = tpu.memref_slice %arg4[%dma_wait3A_346, %select_n3A, %select_n3A_45, %dma_wait3A_350] : memref<20x26x32x4096xf32, #tpu.memory_space<hbm>> -> memref<1x1x1x4096xf32, #tpu.memory_space<hbm>>
      %dma_wait3A_352 = tpu.memref_squeeze %dma_wait3A_351 : memref<1x1x1x4096xf32, #tpu.memory_space<hbm>> -> memref<4096xf32, #tpu.memory_space<hbm>>
      tpu.wait_dma2 semaphore(%arg12 : memref<!tpu.dma_semaphore, #tpu.memory_space<semaphore_mem>>) src(%arg8 : memref<4096xf32, #tpu.memory_space<vmem>>) dst(%dma_wait3A_352 : memref<4096xf32, #tpu.memory_space<hbm>>)
      %parallel_loop3A_353 = arith.constant 0 : i32
      %parallel_loop3A_354 = arith.constant 4096 : i32
      %parallel_loop3A_355 = arith.constant 16 : i32
      scf.for %parallel_loop3A_649 = %parallel_loop3A_353 to %parallel_loop3A_354 step %parallel_loop3A_355  : i32 {
        %parallel_loop3A_650 = arith.index_cast %parallel_loop3A_649 : i32 to index
        %parallel_loop3A_651 = tpu.vector_load %arg6[%parallel_loop3A_650] {strides = array<i32>} : memref<4096xi32, #tpu.memory_space<vmem>>, vector<16xi32>,
        %parallel_loop3A_652 = tpu.vector_load_idx %arg5[%parallel_loop3A_651] : memref<100000xf32, #tpu.memory_space<vmem>>[vector<16xi32>], vector<16xf32>,
        %parallel_loop3A_653 = arith.index_cast %parallel_loop3A_649 : i32 to index
        %parallel_loop3A_654 = tpu.vector_load %arg8[%parallel_loop3A_653] {strides = array<i32>} : memref<4096xf32, #tpu.memory_space<vmem>>, vector<16xf32>,
        tpu.vector_store %arg8[%parallel_loop3A_653], %parallel_loop3A_652 {strides = array<i32>} : memref<4096xf32, #tpu.memory_space<vmem>>, vector<16xf32>,
      } {sc.loop_unroll_factor = 8 : i64, sc.parallel_access}
      %dma_start3A_356 = arith.constant 10 : i32
      %dma_start3A_357 = arith.constant 0 : i32
      %dma_start3A_358 = tpu.memref_slice %arg4[%dma_start3A_356, %select_n3A, %select_n3A_45, %dma_start3A_357] : memref<20x26x32x4096xf32, #tpu.memory_space<hbm>> -> memref<1x1x1x4096xf32, #tpu.memory_space<hbm>>
      %dma_start3A_359 = tpu.memref_squeeze %dma_start3A_358 : memref<1x1x1x4096xf32, #tpu.memory_space<hbm>> -> memref<4096xf32, #tpu.memory_space<hbm>>
      %dma_start3A_360 = arith.constant 0 : i32
      %dma_start3A_361 = tpu.memref_slice %arg4[%dma_start3A_356, %select_n3A, %select_n3A_45, %dma_start3A_360] : memref<20x26x32x4096xf32, #tpu.memory_space<hbm>> -> memref<1x1x1x4096xf32, #tpu.memory_space<hbm>>
      %dma_start3A_362 = tpu.memref_squeeze %dma_start3A_361 : memref<1x1x1x4096xf32, #tpu.memory_space<hbm>> -> memref<4096xf32, #tpu.memory_space<hbm>>
      tpu.enqueue_dma source(%arg8 : memref<4096xf32, #tpu.memory_space<vmem>>) target(%dma_start3A_362 : memref<4096xf32, #tpu.memory_space<hbm>>) target_semaphore(%arg12 : memref<!tpu.dma_semaphore, #tpu.memory_space<semaphore_mem>>)
      %dma_start3A_363 = arith.constant 12 : i32
      %dma_start3A_364 = arith.constant 0 : i32
      %dma_start3A_365 = tpu.memref_slice %arg3[%select_n3A, %dma_start3A_363, %dma_start3A_364] : memref<26x20x4096xi32, #tpu.memory_space<hbm>> -> memref<1x1x4096xi32, #tpu.memory_space<hbm>>
      %dma_start3A_366 = tpu.memref_squeeze %dma_start3A_365 : memref<1x1x4096xi32, #tpu.memory_space<hbm>> -> memref<4096xi32, #tpu.memory_space<hbm>>
      %dma_start3A_367 = arith.constant 0 : i32
      %dma_start3A_368 = tpu.memref_slice %arg3[%select_n3A, %dma_start3A_363, %dma_start3A_367] : memref<26x20x4096xi32, #tpu.memory_space<hbm>> -> memref<1x1x4096xi32, #tpu.memory_space<hbm>>
      %dma_start3A_369 = tpu.memref_squeeze %dma_start3A_368 : memref<1x1x4096xi32, #tpu.memory_space<hbm>> -> memref<4096xi32, #tpu.memory_space<hbm>>
      tpu.enqueue_dma source(%dma_start3A_369 : memref<4096xi32, #tpu.memory_space<hbm>>) target(%arg6 : memref<4096xi32, #tpu.memory_space<vmem>>) target_semaphore(%arg10 : memref<!tpu.dma_semaphore, #tpu.memory_space<semaphore_mem>>)
      %dma_wait3A_370 = arith.constant 11 : i32
      %dma_wait3A_371 = arith.constant 0 : i32
      %dma_wait3A_372 = tpu.memref_slice %arg3[%select_n3A, %dma_wait3A_370, %dma_wait3A_371] : memref<26x20x4096xi32, #tpu.memory_space<hbm>> -> memref<1x1x4096xi32, #tpu.memory_space<hbm>>
      %dma_wait3A_373 = tpu.memref_squeeze %dma_wait3A_372 : memref<1x1x4096xi32, #tpu.memory_space<hbm>> -> memref<4096xi32, #tpu.memory_space<hbm>>
      %dma_wait3A_374 = arith.constant 0 : i32
      %dma_wait3A_375 = tpu.memref_slice %arg3[%select_n3A, %dma_wait3A_370, %dma_wait3A_374] : memref<26x20x4096xi32, #tpu.memory_space<hbm>> -> memref<1x1x4096xi32, #tpu.memory_space<hbm>>
      %dma_wait3A_376 = tpu.memref_squeeze %dma_wait3A_375 : memref<1x1x4096xi32, #tpu.memory_space<hbm>> -> memref<4096xi32, #tpu.memory_space<hbm>>
      tpu.wait_dma2 semaphore(%arg11 : memref<!tpu.dma_semaphore, #tpu.memory_space<semaphore_mem>>) src(%dma_wait3A_376 : memref<4096xi32, #tpu.memory_space<hbm>>) dst(%arg7 : memref<4096xi32, #tpu.memory_space<vmem>>)
      %dma_wait3A_377 = arith.constant 11 : i32
      %dma_wait3A_378 = arith.constant 0 : i32
      %dma_wait3A_379 = tpu.memref_slice %arg4[%dma_wait3A_377, %select_n3A, %select_n3A_45, %dma_wait3A_378] : memref<20x26x32x4096xf32, #tpu.memory_space<hbm>> -> memref<1x1x1x4096xf32, #tpu.memory_space<hbm>>
      %dma_wait3A_380 = tpu.memref_squeeze %dma_wait3A_379 : memref<1x1x1x4096xf32, #tpu.memory_space<hbm>> -> memref<4096xf32, #tpu.memory_space<hbm>>
      %dma_wait3A_381 = arith.constant 0 : i32
      %dma_wait3A_382 = tpu.memref_slice %arg4[%dma_wait3A_377, %select_n3A, %select_n3A_45, %dma_wait3A_381] : memref<20x26x32x4096xf32, #tpu.memory_space<hbm>> -> memref<1x1x1x4096xf32, #tpu.memory_space<hbm>>
      %dma_wait3A_383 = tpu.memref_squeeze %dma_wait3A_382 : memref<1x1x1x4096xf32, #tpu.memory_space<hbm>> -> memref<4096xf32, #tpu.memory_space<hbm>>
      tpu.wait_dma2 semaphore(%arg13 : memref<!tpu.dma_semaphore, #tpu.memory_space<semaphore_mem>>) src(%arg9 : memref<4096xf32, #tpu.memory_space<vmem>>) dst(%dma_wait3A_383 : memref<4096xf32, #tpu.memory_space<hbm>>)
      %parallel_loop3A_384 = arith.constant 0 : i32
      %parallel_loop3A_385 = arith.constant 4096 : i32
      %parallel_loop3A_386 = arith.constant 16 : i32
      scf.for %parallel_loop3A_649 = %parallel_loop3A_384 to %parallel_loop3A_385 step %parallel_loop3A_386  : i32 {
        %parallel_loop3A_650 = arith.index_cast %parallel_loop3A_649 : i32 to index
        %parallel_loop3A_651 = tpu.vector_load %arg7[%parallel_loop3A_650] {strides = array<i32>} : memref<4096xi32, #tpu.memory_space<vmem>>, vector<16xi32>,
        %parallel_loop3A_652 = tpu.vector_load_idx %arg5[%parallel_loop3A_651] : memref<100000xf32, #tpu.memory_space<vmem>>[vector<16xi32>], vector<16xf32>,
        %parallel_loop3A_653 = arith.index_cast %parallel_loop3A_649 : i32 to index
        %parallel_loop3A_654 = tpu.vector_load %arg9[%parallel_loop3A_653] {strides = array<i32>} : memref<4096xf32, #tpu.memory_space<vmem>>, vector<16xf32>,
        tpu.vector_store %arg9[%parallel_loop3A_653], %parallel_loop3A_652 {strides = array<i32>} : memref<4096xf32, #tpu.memory_space<vmem>>, vector<16xf32>,
      } {sc.loop_unroll_factor = 8 : i64, sc.parallel_access}
      %dma_start3A_387 = arith.constant 11 : i32
      %dma_start3A_388 = arith.constant 0 : i32
      %dma_start3A_389 = tpu.memref_slice %arg4[%dma_start3A_387, %select_n3A, %select_n3A_45, %dma_start3A_388] : memref<20x26x32x4096xf32, #tpu.memory_space<hbm>> -> memref<1x1x1x4096xf32, #tpu.memory_space<hbm>>
      %dma_start3A_390 = tpu.memref_squeeze %dma_start3A_389 : memref<1x1x1x4096xf32, #tpu.memory_space<hbm>> -> memref<4096xf32, #tpu.memory_space<hbm>>
      %dma_start3A_391 = arith.constant 0 : i32
      %dma_start3A_392 = tpu.memref_slice %arg4[%dma_start3A_387, %select_n3A, %select_n3A_45, %dma_start3A_391] : memref<20x26x32x4096xf32, #tpu.memory_space<hbm>> -> memref<1x1x1x4096xf32, #tpu.memory_space<hbm>>
      %dma_start3A_393 = tpu.memref_squeeze %dma_start3A_392 : memref<1x1x1x4096xf32, #tpu.memory_space<hbm>> -> memref<4096xf32, #tpu.memory_space<hbm>>
      tpu.enqueue_dma source(%arg9 : memref<4096xf32, #tpu.memory_space<vmem>>) target(%dma_start3A_393 : memref<4096xf32, #tpu.memory_space<hbm>>) target_semaphore(%arg13 : memref<!tpu.dma_semaphore, #tpu.memory_space<semaphore_mem>>)
      %dma_start3A_394 = arith.constant 13 : i32
      %dma_start3A_395 = arith.constant 0 : i32
      %dma_start3A_396 = tpu.memref_slice %arg3[%select_n3A, %dma_start3A_394, %dma_start3A_395] : memref<26x20x4096xi32, #tpu.memory_space<hbm>> -> memref<1x1x4096xi32, #tpu.memory_space<hbm>>
      %dma_start3A_397 = tpu.memref_squeeze %dma_start3A_396 : memref<1x1x4096xi32, #tpu.memory_space<hbm>> -> memref<4096xi32, #tpu.memory_space<hbm>>
      %dma_start3A_398 = arith.constant 0 : i32
      %dma_start3A_399 = tpu.memref_slice %arg3[%select_n3A, %dma_start3A_394, %dma_start3A_398] : memref<26x20x4096xi32, #tpu.memory_space<hbm>> -> memref<1x1x4096xi32, #tpu.memory_space<hbm>>
      %dma_start3A_400 = tpu.memref_squeeze %dma_start3A_399 : memref<1x1x4096xi32, #tpu.memory_space<hbm>> -> memref<4096xi32, #tpu.memory_space<hbm>>
      tpu.enqueue_dma source(%dma_start3A_400 : memref<4096xi32, #tpu.memory_space<hbm>>) target(%arg7 : memref<4096xi32, #tpu.memory_space<vmem>>) target_semaphore(%arg11 : memref<!tpu.dma_semaphore, #tpu.memory_space<semaphore_mem>>)
      %dma_wait3A_401 = arith.constant 12 : i32
      %dma_wait3A_402 = arith.constant 0 : i32
      %dma_wait3A_403 = tpu.memref_slice %arg3[%select_n3A, %dma_wait3A_401, %dma_wait3A_402] : memref<26x20x4096xi32, #tpu.memory_space<hbm>> -> memref<1x1x4096xi32, #tpu.memory_space<hbm>>
      %dma_wait3A_404 = tpu.memref_squeeze %dma_wait3A_403 : memref<1x1x4096xi32, #tpu.memory_space<hbm>> -> memref<4096xi32, #tpu.memory_space<hbm>>
      %dma_wait3A_405 = arith.constant 0 : i32
      %dma_wait3A_406 = tpu.memref_slice %arg3[%select_n3A, %dma_wait3A_401, %dma_wait3A_405] : memref<26x20x4096xi32, #tpu.memory_space<hbm>> -> memref<1x1x4096xi32, #tpu.memory_space<hbm>>
      %dma_wait3A_407 = tpu.memref_squeeze %dma_wait3A_406 : memref<1x1x4096xi32, #tpu.memory_space<hbm>> -> memref<4096xi32, #tpu.memory_space<hbm>>
      tpu.wait_dma2 semaphore(%arg10 : memref<!tpu.dma_semaphore, #tpu.memory_space<semaphore_mem>>) src(%dma_wait3A_407 : memref<4096xi32, #tpu.memory_space<hbm>>) dst(%arg6 : memref<4096xi32, #tpu.memory_space<vmem>>)
      %dma_wait3A_408 = arith.constant 12 : i32
      %dma_wait3A_409 = arith.constant 0 : i32
      %dma_wait3A_410 = tpu.memref_slice %arg4[%dma_wait3A_408, %select_n3A, %select_n3A_45, %dma_wait3A_409] : memref<20x26x32x4096xf32, #tpu.memory_space<hbm>> -> memref<1x1x1x4096xf32, #tpu.memory_space<hbm>>
      %dma_wait3A_411 = tpu.memref_squeeze %dma_wait3A_410 : memref<1x1x1x4096xf32, #tpu.memory_space<hbm>> -> memref<4096xf32, #tpu.memory_space<hbm>>
      %dma_wait3A_412 = arith.constant 0 : i32
      %dma_wait3A_413 = tpu.memref_slice %arg4[%dma_wait3A_408, %select_n3A, %select_n3A_45, %dma_wait3A_412] : memref<20x26x32x4096xf32, #tpu.memory_space<hbm>> -> memref<1x1x1x4096xf32, #tpu.memory_space<hbm>>
      %dma_wait3A_414 = tpu.memref_squeeze %dma_wait3A_413 : memref<1x1x1x4096xf32, #tpu.memory_space<hbm>> -> memref<4096xf32, #tpu.memory_space<hbm>>
      tpu.wait_dma2 semaphore(%arg12 : memref<!tpu.dma_semaphore, #tpu.memory_space<semaphore_mem>>) src(%arg8 : memref<4096xf32, #tpu.memory_space<vmem>>) dst(%dma_wait3A_414 : memref<4096xf32, #tpu.memory_space<hbm>>)
      %parallel_loop3A_415 = arith.constant 0 : i32
      %parallel_loop3A_416 = arith.constant 4096 : i32
      %parallel_loop3A_417 = arith.constant 16 : i32
      scf.for %parallel_loop3A_649 = %parallel_loop3A_415 to %parallel_loop3A_416 step %parallel_loop3A_417  : i32 {
        %parallel_loop3A_650 = arith.index_cast %parallel_loop3A_649 : i32 to index
        %parallel_loop3A_651 = tpu.vector_load %arg6[%parallel_loop3A_650] {strides = array<i32>} : memref<4096xi32, #tpu.memory_space<vmem>>, vector<16xi32>,
        %parallel_loop3A_652 = tpu.vector_load_idx %arg5[%parallel_loop3A_651] : memref<100000xf32, #tpu.memory_space<vmem>>[vector<16xi32>], vector<16xf32>,
        %parallel_loop3A_653 = arith.index_cast %parallel_loop3A_649 : i32 to index
        %parallel_loop3A_654 = tpu.vector_load %arg8[%parallel_loop3A_653] {strides = array<i32>} : memref<4096xf32, #tpu.memory_space<vmem>>, vector<16xf32>,
        tpu.vector_store %arg8[%parallel_loop3A_653], %parallel_loop3A_652 {strides = array<i32>} : memref<4096xf32, #tpu.memory_space<vmem>>, vector<16xf32>,
      } {sc.loop_unroll_factor = 8 : i64, sc.parallel_access}
      %dma_start3A_418 = arith.constant 12 : i32
      %dma_start3A_419 = arith.constant 0 : i32
      %dma_start3A_420 = tpu.memref_slice %arg4[%dma_start3A_418, %select_n3A, %select_n3A_45, %dma_start3A_419] : memref<20x26x32x4096xf32, #tpu.memory_space<hbm>> -> memref<1x1x1x4096xf32, #tpu.memory_space<hbm>>
      %dma_start3A_421 = tpu.memref_squeeze %dma_start3A_420 : memref<1x1x1x4096xf32, #tpu.memory_space<hbm>> -> memref<4096xf32, #tpu.memory_space<hbm>>
      %dma_start3A_422 = arith.constant 0 : i32
      %dma_start3A_423 = tpu.memref_slice %arg4[%dma_start3A_418, %select_n3A, %select_n3A_45, %dma_start3A_422] : memref<20x26x32x4096xf32, #tpu.memory_space<hbm>> -> memref<1x1x1x4096xf32, #tpu.memory_space<hbm>>
      %dma_start3A_424 = tpu.memref_squeeze %dma_start3A_423 : memref<1x1x1x4096xf32, #tpu.memory_space<hbm>> -> memref<4096xf32, #tpu.memory_space<hbm>>
      tpu.enqueue_dma source(%arg8 : memref<4096xf32, #tpu.memory_space<vmem>>) target(%dma_start3A_424 : memref<4096xf32, #tpu.memory_space<hbm>>) target_semaphore(%arg12 : memref<!tpu.dma_semaphore, #tpu.memory_space<semaphore_mem>>)
      %dma_start3A_425 = arith.constant 14 : i32
      %dma_start3A_426 = arith.constant 0 : i32
      %dma_start3A_427 = tpu.memref_slice %arg3[%select_n3A, %dma_start3A_425, %dma_start3A_426] : memref<26x20x4096xi32, #tpu.memory_space<hbm>> -> memref<1x1x4096xi32, #tpu.memory_space<hbm>>
      %dma_start3A_428 = tpu.memref_squeeze %dma_start3A_427 : memref<1x1x4096xi32, #tpu.memory_space<hbm>> -> memref<4096xi32, #tpu.memory_space<hbm>>
      %dma_start3A_429 = arith.constant 0 : i32
      %dma_start3A_430 = tpu.memref_slice %arg3[%select_n3A, %dma_start3A_425, %dma_start3A_429] : memref<26x20x4096xi32, #tpu.memory_space<hbm>> -> memref<1x1x4096xi32, #tpu.memory_space<hbm>>
      %dma_start3A_431 = tpu.memref_squeeze %dma_start3A_430 : memref<1x1x4096xi32, #tpu.memory_space<hbm>> -> memref<4096xi32, #tpu.memory_space<hbm>>
      tpu.enqueue_dma source(%dma_start3A_431 : memref<4096xi32, #tpu.memory_space<hbm>>) target(%arg6 : memref<4096xi32, #tpu.memory_space<vmem>>) target_semaphore(%arg10 : memref<!tpu.dma_semaphore, #tpu.memory_space<semaphore_mem>>)
      %dma_wait3A_432 = arith.constant 13 : i32
      %dma_wait3A_433 = arith.constant 0 : i32
      %dma_wait3A_434 = tpu.memref_slice %arg3[%select_n3A, %dma_wait3A_432, %dma_wait3A_433] : memref<26x20x4096xi32, #tpu.memory_space<hbm>> -> memref<1x1x4096xi32, #tpu.memory_space<hbm>>
      %dma_wait3A_435 = tpu.memref_squeeze %dma_wait3A_434 : memref<1x1x4096xi32, #tpu.memory_space<hbm>> -> memref<4096xi32, #tpu.memory_space<hbm>>
      %dma_wait3A_436 = arith.constant 0 : i32
      %dma_wait3A_437 = tpu.memref_slice %arg3[%select_n3A, %dma_wait3A_432, %dma_wait3A_436] : memref<26x20x4096xi32, #tpu.memory_space<hbm>> -> memref<1x1x4096xi32, #tpu.memory_space<hbm>>
      %dma_wait3A_438 = tpu.memref_squeeze %dma_wait3A_437 : memref<1x1x4096xi32, #tpu.memory_space<hbm>> -> memref<4096xi32, #tpu.memory_space<hbm>>
      tpu.wait_dma2 semaphore(%arg11 : memref<!tpu.dma_semaphore, #tpu.memory_space<semaphore_mem>>) src(%dma_wait3A_438 : memref<4096xi32, #tpu.memory_space<hbm>>) dst(%arg7 : memref<4096xi32, #tpu.memory_space<vmem>>)
      %dma_wait3A_439 = arith.constant 13 : i32
      %dma_wait3A_440 = arith.constant 0 : i32
      %dma_wait3A_441 = tpu.memref_slice %arg4[%dma_wait3A_439, %select_n3A, %select_n3A_45, %dma_wait3A_440] : memref<20x26x32x4096xf32, #tpu.memory_space<hbm>> -> memref<1x1x1x4096xf32, #tpu.memory_space<hbm>>
      %dma_wait3A_442 = tpu.memref_squeeze %dma_wait3A_441 : memref<1x1x1x4096xf32, #tpu.memory_space<hbm>> -> memref<4096xf32, #tpu.memory_space<hbm>>
      %dma_wait3A_443 = arith.constant 0 : i32
      %dma_wait3A_444 = tpu.memref_slice %arg4[%dma_wait3A_439, %select_n3A, %select_n3A_45, %dma_wait3A_443] : memref<20x26x32x4096xf32, #tpu.memory_space<hbm>> -> memref<1x1x1x4096xf32, #tpu.memory_space<hbm>>
      %dma_wait3A_445 = tpu.memref_squeeze %dma_wait3A_444 : memref<1x1x1x4096xf32, #tpu.memory_space<hbm>> -> memref<4096xf32, #tpu.memory_space<hbm>>
      tpu.wait_dma2 semaphore(%arg13 : memref<!tpu.dma_semaphore, #tpu.memory_space<semaphore_mem>>) src(%arg9 : memref<4096xf32, #tpu.memory_space<vmem>>) dst(%dma_wait3A_445 : memref<4096xf32, #tpu.memory_space<hbm>>)
      %parallel_loop3A_446 = arith.constant 0 : i32
      %parallel_loop3A_447 = arith.constant 4096 : i32
      %parallel_loop3A_448 = arith.constant 16 : i32
      scf.for %parallel_loop3A_649 = %parallel_loop3A_446 to %parallel_loop3A_447 step %parallel_loop3A_448  : i32 {
        %parallel_loop3A_650 = arith.index_cast %parallel_loop3A_649 : i32 to index
        %parallel_loop3A_651 = tpu.vector_load %arg7[%parallel_loop3A_650] {strides = array<i32>} : memref<4096xi32, #tpu.memory_space<vmem>>, vector<16xi32>,
        %parallel_loop3A_652 = tpu.vector_load_idx %arg5[%parallel_loop3A_651] : memref<100000xf32, #tpu.memory_space<vmem>>[vector<16xi32>], vector<16xf32>,
        %parallel_loop3A_653 = arith.index_cast %parallel_loop3A_649 : i32 to index
        %parallel_loop3A_654 = tpu.vector_load %arg9[%parallel_loop3A_653] {strides = array<i32>} : memref<4096xf32, #tpu.memory_space<vmem>>, vector<16xf32>,
        tpu.vector_store %arg9[%parallel_loop3A_653], %parallel_loop3A_652 {strides = array<i32>} : memref<4096xf32, #tpu.memory_space<vmem>>, vector<16xf32>,
      } {sc.loop_unroll_factor = 8 : i64, sc.parallel_access}
      %dma_start3A_449 = arith.constant 13 : i32
      %dma_start3A_450 = arith.constant 0 : i32
      %dma_start3A_451 = tpu.memref_slice %arg4[%dma_start3A_449, %select_n3A, %select_n3A_45, %dma_start3A_450] : memref<20x26x32x4096xf32, #tpu.memory_space<hbm>> -> memref<1x1x1x4096xf32, #tpu.memory_space<hbm>>
      %dma_start3A_452 = tpu.memref_squeeze %dma_start3A_451 : memref<1x1x1x4096xf32, #tpu.memory_space<hbm>> -> memref<4096xf32, #tpu.memory_space<hbm>>
      %dma_start3A_453 = arith.constant 0 : i32
      %dma_start3A_454 = tpu.memref_slice %arg4[%dma_start3A_449, %select_n3A, %select_n3A_45, %dma_start3A_453] : memref<20x26x32x4096xf32, #tpu.memory_space<hbm>> -> memref<1x1x1x4096xf32, #tpu.memory_space<hbm>>
      %dma_start3A_455 = tpu.memref_squeeze %dma_start3A_454 : memref<1x1x1x4096xf32, #tpu.memory_space<hbm>> -> memref<4096xf32, #tpu.memory_space<hbm>>
      tpu.enqueue_dma source(%arg9 : memref<4096xf32, #tpu.memory_space<vmem>>) target(%dma_start3A_455 : memref<4096xf32, #tpu.memory_space<hbm>>) target_semaphore(%arg13 : memref<!tpu.dma_semaphore, #tpu.memory_space<semaphore_mem>>)
      %dma_start3A_456 = arith.constant 15 : i32
      %dma_start3A_457 = arith.constant 0 : i32
      %dma_start3A_458 = tpu.memref_slice %arg3[%select_n3A, %dma_start3A_456, %dma_start3A_457] : memref<26x20x4096xi32, #tpu.memory_space<hbm>> -> memref<1x1x4096xi32, #tpu.memory_space<hbm>>
      %dma_start3A_459 = tpu.memref_squeeze %dma_start3A_458 : memref<1x1x4096xi32, #tpu.memory_space<hbm>> -> memref<4096xi32, #tpu.memory_space<hbm>>
      %dma_start3A_460 = arith.constant 0 : i32
      %dma_start3A_461 = tpu.memref_slice %arg3[%select_n3A, %dma_start3A_456, %dma_start3A_460] : memref<26x20x4096xi32, #tpu.memory_space<hbm>> -> memref<1x1x4096xi32, #tpu.memory_space<hbm>>
      %dma_start3A_462 = tpu.memref_squeeze %dma_start3A_461 : memref<1x1x4096xi32, #tpu.memory_space<hbm>> -> memref<4096xi32, #tpu.memory_space<hbm>>
      tpu.enqueue_dma source(%dma_start3A_462 : memref<4096xi32, #tpu.memory_space<hbm>>) target(%arg7 : memref<4096xi32, #tpu.memory_space<vmem>>) target_semaphore(%arg11 : memref<!tpu.dma_semaphore, #tpu.memory_space<semaphore_mem>>)
      %dma_wait3A_463 = arith.constant 14 : i32
      %dma_wait3A_464 = arith.constant 0 : i32
      %dma_wait3A_465 = tpu.memref_slice %arg3[%select_n3A, %dma_wait3A_463, %dma_wait3A_464] : memref<26x20x4096xi32, #tpu.memory_space<hbm>> -> memref<1x1x4096xi32, #tpu.memory_space<hbm>>
      %dma_wait3A_466 = tpu.memref_squeeze %dma_wait3A_465 : memref<1x1x4096xi32, #tpu.memory_space<hbm>> -> memref<4096xi32, #tpu.memory_space<hbm>>
      %dma_wait3A_467 = arith.constant 0 : i32
      %dma_wait3A_468 = tpu.memref_slice %arg3[%select_n3A, %dma_wait3A_463, %dma_wait3A_467] : memref<26x20x4096xi32, #tpu.memory_space<hbm>> -> memref<1x1x4096xi32, #tpu.memory_space<hbm>>
      %dma_wait3A_469 = tpu.memref_squeeze %dma_wait3A_468 : memref<1x1x4096xi32, #tpu.memory_space<hbm>> -> memref<4096xi32, #tpu.memory_space<hbm>>
      tpu.wait_dma2 semaphore(%arg10 : memref<!tpu.dma_semaphore, #tpu.memory_space<semaphore_mem>>) src(%dma_wait3A_469 : memref<4096xi32, #tpu.memory_space<hbm>>) dst(%arg6 : memref<4096xi32, #tpu.memory_space<vmem>>)
      %dma_wait3A_470 = arith.constant 14 : i32
      %dma_wait3A_471 = arith.constant 0 : i32
      %dma_wait3A_472 = tpu.memref_slice %arg4[%dma_wait3A_470, %select_n3A, %select_n3A_45, %dma_wait3A_471] : memref<20x26x32x4096xf32, #tpu.memory_space<hbm>> -> memref<1x1x1x4096xf32, #tpu.memory_space<hbm>>
      %dma_wait3A_473 = tpu.memref_squeeze %dma_wait3A_472 : memref<1x1x1x4096xf32, #tpu.memory_space<hbm>> -> memref<4096xf32, #tpu.memory_space<hbm>>
      %dma_wait3A_474 = arith.constant 0 : i32
      %dma_wait3A_475 = tpu.memref_slice %arg4[%dma_wait3A_470, %select_n3A, %select_n3A_45, %dma_wait3A_474] : memref<20x26x32x4096xf32, #tpu.memory_space<hbm>> -> memref<1x1x1x4096xf32, #tpu.memory_space<hbm>>
      %dma_wait3A_476 = tpu.memref_squeeze %dma_wait3A_475 : memref<1x1x1x4096xf32, #tpu.memory_space<hbm>> -> memref<4096xf32, #tpu.memory_space<hbm>>
      tpu.wait_dma2 semaphore(%arg12 : memref<!tpu.dma_semaphore, #tpu.memory_space<semaphore_mem>>) src(%arg8 : memref<4096xf32, #tpu.memory_space<vmem>>) dst(%dma_wait3A_476 : memref<4096xf32, #tpu.memory_space<hbm>>)
      %parallel_loop3A_477 = arith.constant 0 : i32
      %parallel_loop3A_478 = arith.constant 4096 : i32
      %parallel_loop3A_479 = arith.constant 16 : i32
      scf.for %parallel_loop3A_649 = %parallel_loop3A_477 to %parallel_loop3A_478 step %parallel_loop3A_479  : i32 {
        %parallel_loop3A_650 = arith.index_cast %parallel_loop3A_649 : i32 to index
        %parallel_loop3A_651 = tpu.vector_load %arg6[%parallel_loop3A_650] {strides = array<i32>} : memref<4096xi32, #tpu.memory_space<vmem>>, vector<16xi32>,
        %parallel_loop3A_652 = tpu.vector_load_idx %arg5[%parallel_loop3A_651] : memref<100000xf32, #tpu.memory_space<vmem>>[vector<16xi32>], vector<16xf32>,
        %parallel_loop3A_653 = arith.index_cast %parallel_loop3A_649 : i32 to index
        %parallel_loop3A_654 = tpu.vector_load %arg8[%parallel_loop3A_653] {strides = array<i32>} : memref<4096xf32, #tpu.memory_space<vmem>>, vector<16xf32>,
        tpu.vector_store %arg8[%parallel_loop3A_653], %parallel_loop3A_652 {strides = array<i32>} : memref<4096xf32, #tpu.memory_space<vmem>>, vector<16xf32>,
      } {sc.loop_unroll_factor = 8 : i64, sc.parallel_access}
      %dma_start3A_480 = arith.constant 14 : i32
      %dma_start3A_481 = arith.constant 0 : i32
      %dma_start3A_482 = tpu.memref_slice %arg4[%dma_start3A_480, %select_n3A, %select_n3A_45, %dma_start3A_481] : memref<20x26x32x4096xf32, #tpu.memory_space<hbm>> -> memref<1x1x1x4096xf32, #tpu.memory_space<hbm>>
      %dma_start3A_483 = tpu.memref_squeeze %dma_start3A_482 : memref<1x1x1x4096xf32, #tpu.memory_space<hbm>> -> memref<4096xf32, #tpu.memory_space<hbm>>
      %dma_start3A_484 = arith.constant 0 : i32
      %dma_start3A_485 = tpu.memref_slice %arg4[%dma_start3A_480, %select_n3A, %select_n3A_45, %dma_start3A_484] : memref<20x26x32x4096xf32, #tpu.memory_space<hbm>> -> memref<1x1x1x4096xf32, #tpu.memory_space<hbm>>
      %dma_start3A_486 = tpu.memref_squeeze %dma_start3A_485 : memref<1x1x1x4096xf32, #tpu.memory_space<hbm>> -> memref<4096xf32, #tpu.memory_space<hbm>>
      tpu.enqueue_dma source(%arg8 : memref<4096xf32, #tpu.memory_space<vmem>>) target(%dma_start3A_486 : memref<4096xf32, #tpu.memory_space<hbm>>) target_semaphore(%arg12 : memref<!tpu.dma_semaphore, #tpu.memory_space<semaphore_mem>>)
      %dma_start3A_487 = arith.constant 16 : i32
      %dma_start3A_488 = arith.constant 0 : i32
      %dma_start3A_489 = tpu.memref_slice %arg3[%select_n3A, %dma_start3A_487, %dma_start3A_488] : memref<26x20x4096xi32, #tpu.memory_space<hbm>> -> memref<1x1x4096xi32, #tpu.memory_space<hbm>>
      %dma_start3A_490 = tpu.memref_squeeze %dma_start3A_489 : memref<1x1x4096xi32, #tpu.memory_space<hbm>> -> memref<4096xi32, #tpu.memory_space<hbm>>
      %dma_start3A_491 = arith.constant 0 : i32
      %dma_start3A_492 = tpu.memref_slice %arg3[%select_n3A, %dma_start3A_487, %dma_start3A_491] : memref<26x20x4096xi32, #tpu.memory_space<hbm>> -> memref<1x1x4096xi32, #tpu.memory_space<hbm>>
      %dma_start3A_493 = tpu.memref_squeeze %dma_start3A_492 : memref<1x1x4096xi32, #tpu.memory_space<hbm>> -> memref<4096xi32, #tpu.memory_space<hbm>>
      tpu.enqueue_dma source(%dma_start3A_493 : memref<4096xi32, #tpu.memory_space<hbm>>) target(%arg6 : memref<4096xi32, #tpu.memory_space<vmem>>) target_semaphore(%arg10 : memref<!tpu.dma_semaphore, #tpu.memory_space<semaphore_mem>>)
      %dma_wait3A_494 = arith.constant 15 : i32
      %dma_wait3A_495 = arith.constant 0 : i32
      %dma_wait3A_496 = tpu.memref_slice %arg3[%select_n3A, %dma_wait3A_494, %dma_wait3A_495] : memref<26x20x4096xi32, #tpu.memory_space<hbm>> -> memref<1x1x4096xi32, #tpu.memory_space<hbm>>
      %dma_wait3A_497 = tpu.memref_squeeze %dma_wait3A_496 : memref<1x1x4096xi32, #tpu.memory_space<hbm>> -> memref<4096xi32, #tpu.memory_space<hbm>>
      %dma_wait3A_498 = arith.constant 0 : i32
      %dma_wait3A_499 = tpu.memref_slice %arg3[%select_n3A, %dma_wait3A_494, %dma_wait3A_498] : memref<26x20x4096xi32, #tpu.memory_space<hbm>> -> memref<1x1x4096xi32, #tpu.memory_space<hbm>>
      %dma_wait3A_500 = tpu.memref_squeeze %dma_wait3A_499 : memref<1x1x4096xi32, #tpu.memory_space<hbm>> -> memref<4096xi32, #tpu.memory_space<hbm>>
      tpu.wait_dma2 semaphore(%arg11 : memref<!tpu.dma_semaphore, #tpu.memory_space<semaphore_mem>>) src(%dma_wait3A_500 : memref<4096xi32, #tpu.memory_space<hbm>>) dst(%arg7 : memref<4096xi32, #tpu.memory_space<vmem>>)
      %dma_wait3A_501 = arith.constant 15 : i32
      %dma_wait3A_502 = arith.constant 0 : i32
      %dma_wait3A_503 = tpu.memref_slice %arg4[%dma_wait3A_501, %select_n3A, %select_n3A_45, %dma_wait3A_502] : memref<20x26x32x4096xf32, #tpu.memory_space<hbm>> -> memref<1x1x1x4096xf32, #tpu.memory_space<hbm>>
      %dma_wait3A_504 = tpu.memref_squeeze %dma_wait3A_503 : memref<1x1x1x4096xf32, #tpu.memory_space<hbm>> -> memref<4096xf32, #tpu.memory_space<hbm>>
      %dma_wait3A_505 = arith.constant 0 : i32
      %dma_wait3A_506 = tpu.memref_slice %arg4[%dma_wait3A_501, %select_n3A, %select_n3A_45, %dma_wait3A_505] : memref<20x26x32x4096xf32, #tpu.memory_space<hbm>> -> memref<1x1x1x4096xf32, #tpu.memory_space<hbm>>
      %dma_wait3A_507 = tpu.memref_squeeze %dma_wait3A_506 : memref<1x1x1x4096xf32, #tpu.memory_space<hbm>> -> memref<4096xf32, #tpu.memory_space<hbm>>
      tpu.wait_dma2 semaphore(%arg13 : memref<!tpu.dma_semaphore, #tpu.memory_space<semaphore_mem>>) src(%arg9 : memref<4096xf32, #tpu.memory_space<vmem>>) dst(%dma_wait3A_507 : memref<4096xf32, #tpu.memory_space<hbm>>)
      %parallel_loop3A_508 = arith.constant 0 : i32
      %parallel_loop3A_509 = arith.constant 4096 : i32
      %parallel_loop3A_510 = arith.constant 16 : i32
      scf.for %parallel_loop3A_649 = %parallel_loop3A_508 to %parallel_loop3A_509 step %parallel_loop3A_510  : i32 {
        %parallel_loop3A_650 = arith.index_cast %parallel_loop3A_649 : i32 to index
        %parallel_loop3A_651 = tpu.vector_load %arg7[%parallel_loop3A_650] {strides = array<i32>} : memref<4096xi32, #tpu.memory_space<vmem>>, vector<16xi32>,
        %parallel_loop3A_652 = tpu.vector_load_idx %arg5[%parallel_loop3A_651] : memref<100000xf32, #tpu.memory_space<vmem>>[vector<16xi32>], vector<16xf32>,
        %parallel_loop3A_653 = arith.index_cast %parallel_loop3A_649 : i32 to index
        %parallel_loop3A_654 = tpu.vector_load %arg9[%parallel_loop3A_653] {strides = array<i32>} : memref<4096xf32, #tpu.memory_space<vmem>>, vector<16xf32>,
        tpu.vector_store %arg9[%parallel_loop3A_653], %parallel_loop3A_652 {strides = array<i32>} : memref<4096xf32, #tpu.memory_space<vmem>>, vector<16xf32>,
      } {sc.loop_unroll_factor = 8 : i64, sc.parallel_access}
      %dma_start3A_511 = arith.constant 15 : i32
      %dma_start3A_512 = arith.constant 0 : i32
      %dma_start3A_513 = tpu.memref_slice %arg4[%dma_start3A_511, %select_n3A, %select_n3A_45, %dma_start3A_512] : memref<20x26x32x4096xf32, #tpu.memory_space<hbm>> -> memref<1x1x1x4096xf32, #tpu.memory_space<hbm>>
      %dma_start3A_514 = tpu.memref_squeeze %dma_start3A_513 : memref<1x1x1x4096xf32, #tpu.memory_space<hbm>> -> memref<4096xf32, #tpu.memory_space<hbm>>
      %dma_start3A_515 = arith.constant 0 : i32
      %dma_start3A_516 = tpu.memref_slice %arg4[%dma_start3A_511, %select_n3A, %select_n3A_45, %dma_start3A_515] : memref<20x26x32x4096xf32, #tpu.memory_space<hbm>> -> memref<1x1x1x4096xf32, #tpu.memory_space<hbm>>
      %dma_start3A_517 = tpu.memref_squeeze %dma_start3A_516 : memref<1x1x1x4096xf32, #tpu.memory_space<hbm>> -> memref<4096xf32, #tpu.memory_space<hbm>>
      tpu.enqueue_dma source(%arg9 : memref<4096xf32, #tpu.memory_space<vmem>>) target(%dma_start3A_517 : memref<4096xf32, #tpu.memory_space<hbm>>) target_semaphore(%arg13 : memref<!tpu.dma_semaphore, #tpu.memory_space<semaphore_mem>>)
      %dma_start3A_518 = arith.constant 17 : i32
      %dma_start3A_519 = arith.constant 0 : i32
      %dma_start3A_520 = tpu.memref_slice %arg3[%select_n3A, %dma_start3A_518, %dma_start3A_519] : memref<26x20x4096xi32, #tpu.memory_space<hbm>> -> memref<1x1x4096xi32, #tpu.memory_space<hbm>>
      %dma_start3A_521 = tpu.memref_squeeze %dma_start3A_520 : memref<1x1x4096xi32, #tpu.memory_space<hbm>> -> memref<4096xi32, #tpu.memory_space<hbm>>
      %dma_start3A_522 = arith.constant 0 : i32
      %dma_start3A_523 = tpu.memref_slice %arg3[%select_n3A, %dma_start3A_518, %dma_start3A_522] : memref<26x20x4096xi32, #tpu.memory_space<hbm>> -> memref<1x1x4096xi32, #tpu.memory_space<hbm>>
      %dma_start3A_524 = tpu.memref_squeeze %dma_start3A_523 : memref<1x1x4096xi32, #tpu.memory_space<hbm>> -> memref<4096xi32, #tpu.memory_space<hbm>>
      tpu.enqueue_dma source(%dma_start3A_524 : memref<4096xi32, #tpu.memory_space<hbm>>) target(%arg7 : memref<4096xi32, #tpu.memory_space<vmem>>) target_semaphore(%arg11 : memref<!tpu.dma_semaphore, #tpu.memory_space<semaphore_mem>>)
      %dma_wait3A_525 = arith.constant 16 : i32
      %dma_wait3A_526 = arith.constant 0 : i32
      %dma_wait3A_527 = tpu.memref_slice %arg3[%select_n3A, %dma_wait3A_525, %dma_wait3A_526] : memref<26x20x4096xi32, #tpu.memory_space<hbm>> -> memref<1x1x4096xi32, #tpu.memory_space<hbm>>
      %dma_wait3A_528 = tpu.memref_squeeze %dma_wait3A_527 : memref<1x1x4096xi32, #tpu.memory_space<hbm>> -> memref<4096xi32, #tpu.memory_space<hbm>>
      %dma_wait3A_529 = arith.constant 0 : i32
      %dma_wait3A_530 = tpu.memref_slice %arg3[%select_n3A, %dma_wait3A_525, %dma_wait3A_529] : memref<26x20x4096xi32, #tpu.memory_space<hbm>> -> memref<1x1x4096xi32, #tpu.memory_space<hbm>>
      %dma_wait3A_531 = tpu.memref_squeeze %dma_wait3A_530 : memref<1x1x4096xi32, #tpu.memory_space<hbm>> -> memref<4096xi32, #tpu.memory_space<hbm>>
      tpu.wait_dma2 semaphore(%arg10 : memref<!tpu.dma_semaphore, #tpu.memory_space<semaphore_mem>>) src(%dma_wait3A_531 : memref<4096xi32, #tpu.memory_space<hbm>>) dst(%arg6 : memref<4096xi32, #tpu.memory_space<vmem>>)
      %dma_wait3A_532 = arith.constant 16 : i32
      %dma_wait3A_533 = arith.constant 0 : i32
      %dma_wait3A_534 = tpu.memref_slice %arg4[%dma_wait3A_532, %select_n3A, %select_n3A_45, %dma_wait3A_533] : memref<20x26x32x4096xf32, #tpu.memory_space<hbm>> -> memref<1x1x1x4096xf32, #tpu.memory_space<hbm>>
      %dma_wait3A_535 = tpu.memref_squeeze %dma_wait3A_534 : memref<1x1x1x4096xf32, #tpu.memory_space<hbm>> -> memref<4096xf32, #tpu.memory_space<hbm>>
      %dma_wait3A_536 = arith.constant 0 : i32
      %dma_wait3A_537 = tpu.memref_slice %arg4[%dma_wait3A_532, %select_n3A, %select_n3A_45, %dma_wait3A_536] : memref<20x26x32x4096xf32, #tpu.memory_space<hbm>> -> memref<1x1x1x4096xf32, #tpu.memory_space<hbm>>
      %dma_wait3A_538 = tpu.memref_squeeze %dma_wait3A_537 : memref<1x1x1x4096xf32, #tpu.memory_space<hbm>> -> memref<4096xf32, #tpu.memory_space<hbm>>
      tpu.wait_dma2 semaphore(%arg12 : memref<!tpu.dma_semaphore, #tpu.memory_space<semaphore_mem>>) src(%arg8 : memref<4096xf32, #tpu.memory_space<vmem>>) dst(%dma_wait3A_538 : memref<4096xf32, #tpu.memory_space<hbm>>)
      %parallel_loop3A_539 = arith.constant 0 : i32
      %parallel_loop3A_540 = arith.constant 4096 : i32
      %parallel_loop3A_541 = arith.constant 16 : i32
      scf.for %parallel_loop3A_649 = %parallel_loop3A_539 to %parallel_loop3A_540 step %parallel_loop3A_541  : i32 {
        %parallel_loop3A_650 = arith.index_cast %parallel_loop3A_649 : i32 to index
        %parallel_loop3A_651 = tpu.vector_load %arg6[%parallel_loop3A_650] {strides = array<i32>} : memref<4096xi32, #tpu.memory_space<vmem>>, vector<16xi32>,
        %parallel_loop3A_652 = tpu.vector_load_idx %arg5[%parallel_loop3A_651] : memref<100000xf32, #tpu.memory_space<vmem>>[vector<16xi32>], vector<16xf32>,
        %parallel_loop3A_653 = arith.index_cast %parallel_loop3A_649 : i32 to index
        %parallel_loop3A_654 = tpu.vector_load %arg8[%parallel_loop3A_653] {strides = array<i32>} : memref<4096xf32, #tpu.memory_space<vmem>>, vector<16xf32>,
        tpu.vector_store %arg8[%parallel_loop3A_653], %parallel_loop3A_652 {strides = array<i32>} : memref<4096xf32, #tpu.memory_space<vmem>>, vector<16xf32>,
      } {sc.loop_unroll_factor = 8 : i64, sc.parallel_access}
      %dma_start3A_542 = arith.constant 16 : i32
      %dma_start3A_543 = arith.constant 0 : i32
      %dma_start3A_544 = tpu.memref_slice %arg4[%dma_start3A_542, %select_n3A, %select_n3A_45, %dma_start3A_543] : memref<20x26x32x4096xf32, #tpu.memory_space<hbm>> -> memref<1x1x1x4096xf32, #tpu.memory_space<hbm>>
      %dma_start3A_545 = tpu.memref_squeeze %dma_start3A_544 : memref<1x1x1x4096xf32, #tpu.memory_space<hbm>> -> memref<4096xf32, #tpu.memory_space<hbm>>
      %dma_start3A_546 = arith.constant 0 : i32
      %dma_start3A_547 = tpu.memref_slice %arg4[%dma_start3A_542, %select_n3A, %select_n3A_45, %dma_start3A_546] : memref<20x26x32x4096xf32, #tpu.memory_space<hbm>> -> memref<1x1x1x4096xf32, #tpu.memory_space<hbm>>
      %dma_start3A_548 = tpu.memref_squeeze %dma_start3A_547 : memref<1x1x1x4096xf32, #tpu.memory_space<hbm>> -> memref<4096xf32, #tpu.memory_space<hbm>>
      tpu.enqueue_dma source(%arg8 : memref<4096xf32, #tpu.memory_space<vmem>>) target(%dma_start3A_548 : memref<4096xf32, #tpu.memory_space<hbm>>) target_semaphore(%arg12 : memref<!tpu.dma_semaphore, #tpu.memory_space<semaphore_mem>>)
      %dma_start3A_549 = arith.constant 18 : i32
      %dma_start3A_550 = arith.constant 0 : i32
      %dma_start3A_551 = tpu.memref_slice %arg3[%select_n3A, %dma_start3A_549, %dma_start3A_550] : memref<26x20x4096xi32, #tpu.memory_space<hbm>> -> memref<1x1x4096xi32, #tpu.memory_space<hbm>>
      %dma_start3A_552 = tpu.memref_squeeze %dma_start3A_551 : memref<1x1x4096xi32, #tpu.memory_space<hbm>> -> memref<4096xi32, #tpu.memory_space<hbm>>
      %dma_start3A_553 = arith.constant 0 : i32
      %dma_start3A_554 = tpu.memref_slice %arg3[%select_n3A, %dma_start3A_549, %dma_start3A_553] : memref<26x20x4096xi32, #tpu.memory_space<hbm>> -> memref<1x1x4096xi32, #tpu.memory_space<hbm>>
      %dma_start3A_555 = tpu.memref_squeeze %dma_start3A_554 : memref<1x1x4096xi32, #tpu.memory_space<hbm>> -> memref<4096xi32, #tpu.memory_space<hbm>>
      tpu.enqueue_dma source(%dma_start3A_555 : memref<4096xi32, #tpu.memory_space<hbm>>) target(%arg6 : memref<4096xi32, #tpu.memory_space<vmem>>) target_semaphore(%arg10 : memref<!tpu.dma_semaphore, #tpu.memory_space<semaphore_mem>>)
      %dma_wait3A_556 = arith.constant 17 : i32
      %dma_wait3A_557 = arith.constant 0 : i32
      %dma_wait3A_558 = tpu.memref_slice %arg3[%select_n3A, %dma_wait3A_556, %dma_wait3A_557] : memref<26x20x4096xi32, #tpu.memory_space<hbm>> -> memref<1x1x4096xi32, #tpu.memory_space<hbm>>
      %dma_wait3A_559 = tpu.memref_squeeze %dma_wait3A_558 : memref<1x1x4096xi32, #tpu.memory_space<hbm>> -> memref<4096xi32, #tpu.memory_space<hbm>>
      %dma_wait3A_560 = arith.constant 0 : i32
      %dma_wait3A_561 = tpu.memref_slice %arg3[%select_n3A, %dma_wait3A_556, %dma_wait3A_560] : memref<26x20x4096xi32, #tpu.memory_space<hbm>> -> memref<1x1x4096xi32, #tpu.memory_space<hbm>>
      %dma_wait3A_562 = tpu.memref_squeeze %dma_wait3A_561 : memref<1x1x4096xi32, #tpu.memory_space<hbm>> -> memref<4096xi32, #tpu.memory_space<hbm>>
      tpu.wait_dma2 semaphore(%arg11 : memref<!tpu.dma_semaphore, #tpu.memory_space<semaphore_mem>>) src(%dma_wait3A_562 : memref<4096xi32, #tpu.memory_space<hbm>>) dst(%arg7 : memref<4096xi32, #tpu.memory_space<vmem>>)
      %dma_wait3A_563 = arith.constant 17 : i32
      %dma_wait3A_564 = arith.constant 0 : i32
      %dma_wait3A_565 = tpu.memref_slice %arg4[%dma_wait3A_563, %select_n3A, %select_n3A_45, %dma_wait3A_564] : memref<20x26x32x4096xf32, #tpu.memory_space<hbm>> -> memref<1x1x1x4096xf32, #tpu.memory_space<hbm>>
      %dma_wait3A_566 = tpu.memref_squeeze %dma_wait3A_565 : memref<1x1x1x4096xf32, #tpu.memory_space<hbm>> -> memref<4096xf32, #tpu.memory_space<hbm>>
      %dma_wait3A_567 = arith.constant 0 : i32
      %dma_wait3A_568 = tpu.memref_slice %arg4[%dma_wait3A_563, %select_n3A, %select_n3A_45, %dma_wait3A_567] : memref<20x26x32x4096xf32, #tpu.memory_space<hbm>> -> memref<1x1x1x4096xf32, #tpu.memory_space<hbm>>
      %dma_wait3A_569 = tpu.memref_squeeze %dma_wait3A_568 : memref<1x1x1x4096xf32, #tpu.memory_space<hbm>> -> memref<4096xf32, #tpu.memory_space<hbm>>
      tpu.wait_dma2 semaphore(%arg13 : memref<!tpu.dma_semaphore, #tpu.memory_space<semaphore_mem>>) src(%arg9 : memref<4096xf32, #tpu.memory_space<vmem>>) dst(%dma_wait3A_569 : memref<4096xf32, #tpu.memory_space<hbm>>)
      %parallel_loop3A_570 = arith.constant 0 : i32
      %parallel_loop3A_571 = arith.constant 4096 : i32
      %parallel_loop3A_572 = arith.constant 16 : i32
      scf.for %parallel_loop3A_649 = %parallel_loop3A_570 to %parallel_loop3A_571 step %parallel_loop3A_572  : i32 {
        %parallel_loop3A_650 = arith.index_cast %parallel_loop3A_649 : i32 to index
        %parallel_loop3A_651 = tpu.vector_load %arg7[%parallel_loop3A_650] {strides = array<i32>} : memref<4096xi32, #tpu.memory_space<vmem>>, vector<16xi32>,
        %parallel_loop3A_652 = tpu.vector_load_idx %arg5[%parallel_loop3A_651] : memref<100000xf32, #tpu.memory_space<vmem>>[vector<16xi32>], vector<16xf32>,
        %parallel_loop3A_653 = arith.index_cast %parallel_loop3A_649 : i32 to index
        %parallel_loop3A_654 = tpu.vector_load %arg9[%parallel_loop3A_653] {strides = array<i32>} : memref<4096xf32, #tpu.memory_space<vmem>>, vector<16xf32>,
        tpu.vector_store %arg9[%parallel_loop3A_653], %parallel_loop3A_652 {strides = array<i32>} : memref<4096xf32, #tpu.memory_space<vmem>>, vector<16xf32>,
      } {sc.loop_unroll_factor = 8 : i64, sc.parallel_access}
      %dma_start3A_573 = arith.constant 17 : i32
      %dma_start3A_574 = arith.constant 0 : i32
      %dma_start3A_575 = tpu.memref_slice %arg4[%dma_start3A_573, %select_n3A, %select_n3A_45, %dma_start3A_574] : memref<20x26x32x4096xf32, #tpu.memory_space<hbm>> -> memref<1x1x1x4096xf32, #tpu.memory_space<hbm>>
      %dma_start3A_576 = tpu.memref_squeeze %dma_start3A_575 : memref<1x1x1x4096xf32, #tpu.memory_space<hbm>> -> memref<4096xf32, #tpu.memory_space<hbm>>
      %dma_start3A_577 = arith.constant 0 : i32
      %dma_start3A_578 = tpu.memref_slice %arg4[%dma_start3A_573, %select_n3A, %select_n3A_45, %dma_start3A_577] : memref<20x26x32x4096xf32, #tpu.memory_space<hbm>> -> memref<1x1x1x4096xf32, #tpu.memory_space<hbm>>
      %dma_start3A_579 = tpu.memref_squeeze %dma_start3A_578 : memref<1x1x1x4096xf32, #tpu.memory_space<hbm>> -> memref<4096xf32, #tpu.memory_space<hbm>>
      tpu.enqueue_dma source(%arg9 : memref<4096xf32, #tpu.memory_space<vmem>>) target(%dma_start3A_579 : memref<4096xf32, #tpu.memory_space<hbm>>) target_semaphore(%arg13 : memref<!tpu.dma_semaphore, #tpu.memory_space<semaphore_mem>>)
      %dma_start3A_580 = arith.constant 19 : i32
      %dma_start3A_581 = arith.constant 0 : i32
      %dma_start3A_582 = tpu.memref_slice %arg3[%select_n3A, %dma_start3A_580, %dma_start3A_581] : memref<26x20x4096xi32, #tpu.memory_space<hbm>> -> memref<1x1x4096xi32, #tpu.memory_space<hbm>>
      %dma_start3A_583 = tpu.memref_squeeze %dma_start3A_582 : memref<1x1x4096xi32, #tpu.memory_space<hbm>> -> memref<4096xi32, #tpu.memory_space<hbm>>
      %dma_start3A_584 = arith.constant 0 : i32
      %dma_start3A_585 = tpu.memref_slice %arg3[%select_n3A, %dma_start3A_580, %dma_start3A_584] : memref<26x20x4096xi32, #tpu.memory_space<hbm>> -> memref<1x1x4096xi32, #tpu.memory_space<hbm>>
      %dma_start3A_586 = tpu.memref_squeeze %dma_start3A_585 : memref<1x1x4096xi32, #tpu.memory_space<hbm>> -> memref<4096xi32, #tpu.memory_space<hbm>>
      tpu.enqueue_dma source(%dma_start3A_586 : memref<4096xi32, #tpu.memory_space<hbm>>) target(%arg7 : memref<4096xi32, #tpu.memory_space<vmem>>) target_semaphore(%arg11 : memref<!tpu.dma_semaphore, #tpu.memory_space<semaphore_mem>>)
      %dma_wait3A_587 = arith.constant 18 : i32
      %dma_wait3A_588 = arith.constant 0 : i32
      %dma_wait3A_589 = tpu.memref_slice %arg3[%select_n3A, %dma_wait3A_587, %dma_wait3A_588] : memref<26x20x4096xi32, #tpu.memory_space<hbm>> -> memref<1x1x4096xi32, #tpu.memory_space<hbm>>
      %dma_wait3A_590 = tpu.memref_squeeze %dma_wait3A_589 : memref<1x1x4096xi32, #tpu.memory_space<hbm>> -> memref<4096xi32, #tpu.memory_space<hbm>>
      %dma_wait3A_591 = arith.constant 0 : i32
      %dma_wait3A_592 = tpu.memref_slice %arg3[%select_n3A, %dma_wait3A_587, %dma_wait3A_591] : memref<26x20x4096xi32, #tpu.memory_space<hbm>> -> memref<1x1x4096xi32, #tpu.memory_space<hbm>>
      %dma_wait3A_593 = tpu.memref_squeeze %dma_wait3A_592 : memref<1x1x4096xi32, #tpu.memory_space<hbm>> -> memref<4096xi32, #tpu.memory_space<hbm>>
      tpu.wait_dma2 semaphore(%arg10 : memref<!tpu.dma_semaphore, #tpu.memory_space<semaphore_mem>>) src(%dma_wait3A_593 : memref<4096xi32, #tpu.memory_space<hbm>>) dst(%arg6 : memref<4096xi32, #tpu.memory_space<vmem>>)
      %dma_wait3A_594 = arith.constant 18 : i32
      %dma_wait3A_595 = arith.constant 0 : i32
      %dma_wait3A_596 = tpu.memref_slice %arg4[%dma_wait3A_594, %select_n3A, %select_n3A_45, %dma_wait3A_595] : memref<20x26x32x4096xf32, #tpu.memory_space<hbm>> -> memref<1x1x1x4096xf32, #tpu.memory_space<hbm>>
      %dma_wait3A_597 = tpu.memref_squeeze %dma_wait3A_596 : memref<1x1x1x4096xf32, #tpu.memory_space<hbm>> -> memref<4096xf32, #tpu.memory_space<hbm>>
      %dma_wait3A_598 = arith.constant 0 : i32
      %dma_wait3A_599 = tpu.memref_slice %arg4[%dma_wait3A_594, %select_n3A, %select_n3A_45, %dma_wait3A_598] : memref<20x26x32x4096xf32, #tpu.memory_space<hbm>> -> memref<1x1x1x4096xf32, #tpu.memory_space<hbm>>
      %dma_wait3A_600 = tpu.memref_squeeze %dma_wait3A_599 : memref<1x1x1x4096xf32, #tpu.memory_space<hbm>> -> memref<4096xf32, #tpu.memory_space<hbm>>
      tpu.wait_dma2 semaphore(%arg12 : memref<!tpu.dma_semaphore, #tpu.memory_space<semaphore_mem>>) src(%arg8 : memref<4096xf32, #tpu.memory_space<vmem>>) dst(%dma_wait3A_600 : memref<4096xf32, #tpu.memory_space<hbm>>)
      %parallel_loop3A_601 = arith.constant 0 : i32
      %parallel_loop3A_602 = arith.constant 4096 : i32
      %parallel_loop3A_603 = arith.constant 16 : i32
      scf.for %parallel_loop3A_649 = %parallel_loop3A_601 to %parallel_loop3A_602 step %parallel_loop3A_603  : i32 {
        %parallel_loop3A_650 = arith.index_cast %parallel_loop3A_649 : i32 to index
        %parallel_loop3A_651 = tpu.vector_load %arg6[%parallel_loop3A_650] {strides = array<i32>} : memref<4096xi32, #tpu.memory_space<vmem>>, vector<16xi32>,
        %parallel_loop3A_652 = tpu.vector_load_idx %arg5[%parallel_loop3A_651] : memref<100000xf32, #tpu.memory_space<vmem>>[vector<16xi32>], vector<16xf32>,
        %parallel_loop3A_653 = arith.index_cast %parallel_loop3A_649 : i32 to index
        %parallel_loop3A_654 = tpu.vector_load %arg8[%parallel_loop3A_653] {strides = array<i32>} : memref<4096xf32, #tpu.memory_space<vmem>>, vector<16xf32>,
        tpu.vector_store %arg8[%parallel_loop3A_653], %parallel_loop3A_652 {strides = array<i32>} : memref<4096xf32, #tpu.memory_space<vmem>>, vector<16xf32>,
      } {sc.loop_unroll_factor = 8 : i64, sc.parallel_access}
      %dma_start3A_604 = arith.constant 18 : i32
      %dma_start3A_605 = arith.constant 0 : i32
      %dma_start3A_606 = tpu.memref_slice %arg4[%dma_start3A_604, %select_n3A, %select_n3A_45, %dma_start3A_605] : memref<20x26x32x4096xf32, #tpu.memory_space<hbm>> -> memref<1x1x1x4096xf32, #tpu.memory_space<hbm>>
      %dma_start3A_607 = tpu.memref_squeeze %dma_start3A_606 : memref<1x1x1x4096xf32, #tpu.memory_space<hbm>> -> memref<4096xf32, #tpu.memory_space<hbm>>
      %dma_start3A_608 = arith.constant 0 : i32
      %dma_start3A_609 = tpu.memref_slice %arg4[%dma_start3A_604, %select_n3A, %select_n3A_45, %dma_start3A_608] : memref<20x26x32x4096xf32, #tpu.memory_space<hbm>> -> memref<1x1x1x4096xf32, #tpu.memory_space<hbm>>
      %dma_start3A_610 = tpu.memref_squeeze %dma_start3A_609 : memref<1x1x1x4096xf32, #tpu.memory_space<hbm>> -> memref<4096xf32, #tpu.memory_space<hbm>>
      tpu.enqueue_dma source(%arg8 : memref<4096xf32, #tpu.memory_space<vmem>>) target(%dma_start3A_610 : memref<4096xf32, #tpu.memory_space<hbm>>) target_semaphore(%arg12 : memref<!tpu.dma_semaphore, #tpu.memory_space<semaphore_mem>>)
      %dma_wait3A_611 = arith.constant 19 : i32
      %dma_wait3A_612 = arith.constant 0 : i32
      %dma_wait3A_613 = tpu.memref_slice %arg3[%select_n3A, %dma_wait3A_611, %dma_wait3A_612] : memref<26x20x4096xi32, #tpu.memory_space<hbm>> -> memref<1x1x4096xi32, #tpu.memory_space<hbm>>
      %dma_wait3A_614 = tpu.memref_squeeze %dma_wait3A_613 : memref<1x1x4096xi32, #tpu.memory_space<hbm>> -> memref<4096xi32, #tpu.memory_space<hbm>>
      %dma_wait3A_615 = arith.constant 0 : i32
      %dma_wait3A_616 = tpu.memref_slice %arg3[%select_n3A, %dma_wait3A_611, %dma_wait3A_615] : memref<26x20x4096xi32, #tpu.memory_space<hbm>> -> memref<1x1x4096xi32, #tpu.memory_space<hbm>>
      %dma_wait3A_617 = tpu.memref_squeeze %dma_wait3A_616 : memref<1x1x4096xi32, #tpu.memory_space<hbm>> -> memref<4096xi32, #tpu.memory_space<hbm>>
      tpu.wait_dma2 semaphore(%arg11 : memref<!tpu.dma_semaphore, #tpu.memory_space<semaphore_mem>>) src(%dma_wait3A_617 : memref<4096xi32, #tpu.memory_space<hbm>>) dst(%arg7 : memref<4096xi32, #tpu.memory_space<vmem>>)
      %dma_wait3A_618 = arith.constant 19 : i32
      %dma_wait3A_619 = arith.constant 0 : i32
      %dma_wait3A_620 = tpu.memref_slice %arg4[%dma_wait3A_618, %select_n3A, %select_n3A_45, %dma_wait3A_619] : memref<20x26x32x4096xf32, #tpu.memory_space<hbm>> -> memref<1x1x1x4096xf32, #tpu.memory_space<hbm>>
      %dma_wait3A_621 = tpu.memref_squeeze %dma_wait3A_620 : memref<1x1x1x4096xf32, #tpu.memory_space<hbm>> -> memref<4096xf32, #tpu.memory_space<hbm>>
      %dma_wait3A_622 = arith.constant 0 : i32
      %dma_wait3A_623 = tpu.memref_slice %arg4[%dma_wait3A_618, %select_n3A, %select_n3A_45, %dma_wait3A_622] : memref<20x26x32x4096xf32, #tpu.memory_space<hbm>> -> memref<1x1x1x4096xf32, #tpu.memory_space<hbm>>
      %dma_wait3A_624 = tpu.memref_squeeze %dma_wait3A_623 : memref<1x1x1x4096xf32, #tpu.memory_space<hbm>> -> memref<4096xf32, #tpu.memory_space<hbm>>
      tpu.wait_dma2 semaphore(%arg13 : memref<!tpu.dma_semaphore, #tpu.memory_space<semaphore_mem>>) src(%arg9 : memref<4096xf32, #tpu.memory_space<vmem>>) dst(%dma_wait3A_624 : memref<4096xf32, #tpu.memory_space<hbm>>)
      %parallel_loop3A_625 = arith.constant 0 : i32
      %parallel_loop3A_626 = arith.constant 4096 : i32
      %parallel_loop3A_627 = arith.constant 16 : i32
      scf.for %parallel_loop3A_649 = %parallel_loop3A_625 to %parallel_loop3A_626 step %parallel_loop3A_627  : i32 {
        %parallel_loop3A_650 = arith.index_cast %parallel_loop3A_649 : i32 to index
        %parallel_loop3A_651 = tpu.vector_load %arg7[%parallel_loop3A_650] {strides = array<i32>} : memref<4096xi32, #tpu.memory_space<vmem>>, vector<16xi32>,
        %parallel_loop3A_652 = tpu.vector_load_idx %arg5[%parallel_loop3A_651] : memref<100000xf32, #tpu.memory_space<vmem>>[vector<16xi32>], vector<16xf32>,
        %parallel_loop3A_653 = arith.index_cast %parallel_loop3A_649 : i32 to index
        %parallel_loop3A_654 = tpu.vector_load %arg9[%parallel_loop3A_653] {strides = array<i32>} : memref<4096xf32, #tpu.memory_space<vmem>>, vector<16xf32>,
        tpu.vector_store %arg9[%parallel_loop3A_653], %parallel_loop3A_652 {strides = array<i32>} : memref<4096xf32, #tpu.memory_space<vmem>>, vector<16xf32>,
      } {sc.loop_unroll_factor = 8 : i64, sc.parallel_access}
      %dma_start3A_628 = arith.constant 19 : i32
      %dma_start3A_629 = arith.constant 0 : i32
      %dma_start3A_630 = tpu.memref_slice %arg4[%dma_start3A_628, %select_n3A, %select_n3A_45, %dma_start3A_629] : memref<20x26x32x4096xf32, #tpu.memory_space<hbm>> -> memref<1x1x1x4096xf32, #tpu.memory_space<hbm>>
      %dma_start3A_631 = tpu.memref_squeeze %dma_start3A_630 : memref<1x1x1x4096xf32, #tpu.memory_space<hbm>> -> memref<4096xf32, #tpu.memory_space<hbm>>
      %dma_start3A_632 = arith.constant 0 : i32
      %dma_start3A_633 = tpu.memref_slice %arg4[%dma_start3A_628, %select_n3A, %select_n3A_45, %dma_start3A_632] : memref<20x26x32x4096xf32, #tpu.memory_space<hbm>> -> memref<1x1x1x4096xf32, #tpu.memory_space<hbm>>
      %dma_start3A_634 = tpu.memref_squeeze %dma_start3A_633 : memref<1x1x1x4096xf32, #tpu.memory_space<hbm>> -> memref<4096xf32, #tpu.memory_space<hbm>>
      tpu.enqueue_dma source(%arg9 : memref<4096xf32, #tpu.memory_space<vmem>>) target(%dma_start3A_634 : memref<4096xf32, #tpu.memory_space<hbm>>) target_semaphore(%arg13 : memref<!tpu.dma_semaphore, #tpu.memory_space<semaphore_mem>>)
      %dma_wait3A_635 = arith.constant 18 : i32
      %dma_wait3A_636 = arith.constant 0 : i32
      %dma_wait3A_637 = tpu.memref_slice %arg4[%dma_wait3A_635, %select_n3A, %select_n3A_45, %dma_wait3A_636] : memref<20x26x32x4096xf32, #tpu.memory_space<hbm>> -> memref<1x1x1x4096xf32, #tpu.memory_space<hbm>>
      %dma_wait3A_638 = tpu.memref_squeeze %dma_wait3A_637 : memref<1x1x1x4096xf32, #tpu.memory_space<hbm>> -> memref<4096xf32, #tpu.memory_space<hbm>>
      %dma_wait3A_639 = arith.constant 0 : i32
      %dma_wait3A_640 = tpu.memref_slice %arg4[%dma_wait3A_635, %select_n3A, %select_n3A_45, %dma_wait3A_639] : memref<20x26x32x4096xf32, #tpu.memory_space<hbm>> -> memref<1x1x1x4096xf32, #tpu.memory_space<hbm>>
      %dma_wait3A_641 = tpu.memref_squeeze %dma_wait3A_640 : memref<1x1x1x4096xf32, #tpu.memory_space<hbm>> -> memref<4096xf32, #tpu.memory_space<hbm>>
      tpu.wait_dma2 semaphore(%arg12 : memref<!tpu.dma_semaphore, #tpu.memory_space<semaphore_mem>>) src(%arg8 : memref<4096xf32, #tpu.memory_space<vmem>>) dst(%dma_wait3A_641 : memref<4096xf32, #tpu.memory_space<hbm>>)
      %dma_wait3A_642 = arith.constant 19 : i32
      %dma_wait3A_643 = arith.constant 0 : i32
      %dma_wait3A_644 = tpu.memref_slice %arg4[%dma_wait3A_642, %select_n3A, %select_n3A_45, %dma_wait3A_643] : memref<20x26x32x4096xf32, #tpu.memory_space<hbm>> -> memref<1x1x1x4096xf32, #tpu.memory_space<hbm>>
      %dma_wait3A_645 = tpu.memref_squeeze %dma_wait3A_644 : memref<1x1x1x4096xf32, #tpu.memory_space<hbm>> -> memref<4096xf32, #tpu.memory_space<hbm>>
      %dma_wait3A_646 = arith.constant 0 : i32
      %dma_wait3A_647 = tpu.memref_slice %arg4[%dma_wait3A_642, %select_n3A, %select_n3A_45, %dma_wait3A_646] : memref<20x26x32x4096xf32, #tpu.memory_space<hbm>> -> memref<1x1x1x4096xf32, #tpu.memory_space<hbm>>
      %dma_wait3A_648 = tpu.memref_squeeze %dma_wait3A_647 : memref<1x1x1x4096xf32, #tpu.memory_space<hbm>> -> memref<4096xf32, #tpu.memory_space<hbm>>
      tpu.wait_dma2 semaphore(%arg13 : memref<!tpu.dma_semaphore, #tpu.memory_space<semaphore_mem>>) src(%arg9 : memref<4096xf32, #tpu.memory_space<vmem>>) dst(%dma_wait3A_648 : memref<4096xf32, #tpu.memory_space<hbm>>)
    }
    %while3A_14 = arith.constant 1 : i32
    scf.for %while3A_15 = %while3A_12 to %while3A_8 step %while3A_14  : i32 {
      %jit3A = arith.constant 32 : i32
      %div3A = arith.divsi %while3A_15, %jit3A : i32
      %sign3A = arith.constant 0 : i32
      %sign3A_16 = arith.cmpi sgt, %while3A_15, %sign3A : i32
      %sign3A_17 = arith.extui %sign3A_16 : i1 to i32
      %sign3A_18 = arith.constant 0 : i32
      %sign3A_19 = arith.cmpi slt, %while3A_15, %sign3A_18 : i32
      %sign3A_20 = arith.extui %sign3A_19 : i1 to i32
      %sign3A_21 = arith.subi %sign3A_17, %sign3A_20 : i32
      %sign3A_22 = arith.constant 0 : i32
      %sign3A_23 = arith.cmpi sgt, %jit3A, %sign3A_22 : i32
      %sign3A_24 = arith.extui %sign3A_23 : i1 to i32
      %sign3A_25 = arith.constant 0 : i32
      %sign3A_26 = arith.cmpi slt, %jit3A, %sign3A_25 : i32
      %sign3A_27 = arith.extui %sign3A_26 : i1 to i32
      %sign3A_28 = arith.subi %sign3A_24, %sign3A_27 : i32
      %ne3A = arith.cmpi ne, %sign3A_21, %sign3A_28 : i32
      %rem3A = arith.remsi %while3A_15, %jit3A : i32
      %ne3A_29 = arith.constant 0 : i32
      %ne3A_30 = arith.cmpi ne, %rem3A, %ne3A_29 : i32
      %and3A = arith.andi %ne3A, %ne3A_30 : i1
      %sub3A = arith.constant 1 : i32
      %sub3A_31 = arith.subi %div3A, %sub3A : i32
      %select_n3A = arith.select %and3A, %sub3A_31, %div3A : i32
      %jit3A_32 = arith.constant 32 : i32
      %eq3A = arith.constant 0 : i32
      %eq3A_33 = arith.cmpi eq, %jit3A_32, %eq3A : i32
      %jit3A_34 = arith.constant 1 : i32
      %select_n3A_35 = arith.select %eq3A_33, %jit3A_34, %jit3A_32 : i32
      %rem3A_36 = arith.remsi %while3A_15, %select_n3A_35 : i32
      %ne3A_37 = arith.constant 0 : i32
      %ne3A_38 = arith.cmpi ne, %rem3A_36, %ne3A_37 : i32
      %lt3A = arith.constant 0 : i32
      %lt3A_39 = arith.cmpi slt, %rem3A_36, %lt3A : i32
      %lt3A_40 = arith.constant 0 : i32
      %lt3A_41 = arith.cmpi slt, %select_n3A_35, %lt3A_40 : i32
      %ne3A_42 = arith.xori %lt3A_39, %lt3A_41 : i1
      %and3A_43 = arith.andi %ne3A_42, %ne3A_38 : i1
      %add3A_44 = arith.addi %rem3A_36, %select_n3A_35 : i32
      %select_n3A_45 = arith.select %and3A_43, %add3A_44, %rem3A_36 : i32
      "tpu.region"() ({
        %run_scoped3A_649 = tpu.sem_alloc : memref<!tpu.dma_semaphore, #tpu.memory_space<semaphore_mem>>
        %dma_start3A_650 = arith.constant 0 : i32
        %dma_start3A_651 = tpu.memref_slice %arg2[%select_n3A, %select_n3A_45, %dma_start3A_650] : memref<26x32x100000xf32, #tpu.memory_space<hbm>> -> memref<1x1x100000xf32, #tpu.memory_space<hbm>>
        %dma_start3A_652 = tpu.memref_squeeze %dma_start3A_651 : memref<1x1x100000xf32, #tpu.memory_space<hbm>> -> memref<100000xf32, #tpu.memory_space<hbm>>
        %dma_start3A_653 = arith.constant 0 : i32
        %dma_start3A_654 = tpu.memref_slice %arg2[%select_n3A, %select_n3A_45, %dma_start3A_653] : memref<26x32x100000xf32, #tpu.memory_space<hbm>> -> memref<1x1x100000xf32, #tpu.memory_space<hbm>>
        %dma_start3A_655 = tpu.memref_squeeze %dma_start3A_654 : memref<1x1x100000xf32, #tpu.memory_space<hbm>> -> memref<100000xf32, #tpu.memory_space<hbm>>
        tpu.enqueue_dma source(%dma_start3A_655 : memref<100000xf32, #tpu.memory_space<hbm>>) target(%arg5 : memref<100000xf32, #tpu.memory_space<vmem>>) target_semaphore(%run_scoped3A_649 : memref<!tpu.dma_semaphore, #tpu.memory_space<semaphore_mem>>)
        %dma_wait3A_656 = arith.constant 0 : i32
        %dma_wait3A_657 = tpu.memref_slice %arg2[%select_n3A, %select_n3A_45, %dma_wait3A_656] : memref<26x32x100000xf32, #tpu.memory_space<hbm>> -> memref<1x1x100000xf32, #tpu.memory_space<hbm>>
        %dma_wait3A_658 = tpu.memref_squeeze %dma_wait3A_657 : memref<1x1x100000xf32, #tpu.memory_space<hbm>> -> memref<100000xf32, #tpu.memory_space<hbm>>
        %dma_wait3A_659 = arith.constant 0 : i32
        %dma_wait3A_660 = tpu.memref_slice %arg2[%select_n3A, %select_n3A_45, %dma_wait3A_659] : memref<26x32x100000xf32, #tpu.memory_space<hbm>> -> memref<1x1x100000xf32, #tpu.memory_space<hbm>>
        %dma_wait3A_661 = tpu.memref_squeeze %dma_wait3A_660 : memref<1x1x100000xf32, #tpu.memory_space<hbm>> -> memref<100000xf32, #tpu.memory_space<hbm>>
        tpu.wait_dma2 semaphore(%run_scoped3A_649 : memref<!tpu.dma_semaphore, #tpu.memory_space<semaphore_mem>>) src(%dma_wait3A_661 : memref<100000xf32, #tpu.memory_space<hbm>>) dst(%arg5 : memref<100000xf32, #tpu.memory_space<vmem>>)
        tpu.yield
      }) : () -> ()
      %run_scoped3A = arith.constant 0 : i32
      "tpu.region"() ({
        %run_scoped3A_649 = tpu.sem_alloc : memref<!tpu.dma_semaphore, #tpu.memory_space<semaphore_mem>>
        %dma_start3A_650 = arith.constant 0 : i32
        %dma_start3A_651 = tpu.memref_slice %arg3[%select_n3A, %run_scoped3A, %dma_start3A_650] : memref<26x20x4096xi32, #tpu.memory_space<hbm>> -> memref<1x1x4096xi32, #tpu.memory_space<hbm>>
        %dma_start3A_652 = tpu.memref_squeeze %dma_start3A_651 : memref<1x1x4096xi32, #tpu.memory_space<hbm>> -> memref<4096xi32, #tpu.memory_space<hbm>>
        %dma_start3A_653 = arith.constant 0 : i32
        %dma_start3A_654 = tpu.memref_slice %arg3[%select_n3A, %run_scoped3A, %dma_start3A_653] : memref<26x20x4096xi32, #tpu.memory_space<hbm>> -> memref<1x1x4096xi32, #tpu.memory_space<hbm>>
        %dma_start3A_655 = tpu.memref_squeeze %dma_start3A_654 : memref<1x1x4096xi32, #tpu.memory_space<hbm>> -> memref<4096xi32, #tpu.memory_space<hbm>>
        tpu.enqueue_dma source(%dma_start3A_655 : memref<4096xi32, #tpu.memory_space<hbm>>) target(%arg6 : memref<4096xi32, #tpu.memory_space<vmem>>) target_semaphore(%run_scoped3A_649 : memref<!tpu.dma_semaphore, #tpu.memory_space<semaphore_mem>>)
        %dma_wait3A_656 = arith.constant 0 : i32
        %dma_wait3A_657 = tpu.memref_slice %arg3[%select_n3A, %run_scoped3A, %dma_wait3A_656] : memref<26x20x4096xi32, #tpu.memory_space<hbm>> -> memref<1x1x4096xi32, #tpu.memory_space<hbm>>
        %dma_wait3A_658 = tpu.memref_squeeze %dma_wait3A_657 : memref<1x1x4096xi32, #tpu.memory_space<hbm>> -> memref<4096xi32, #tpu.memory_space<hbm>>
        %dma_wait3A_659 = arith.constant 0 : i32
        %dma_wait3A_660 = tpu.memref_slice %arg3[%select_n3A, %run_scoped3A, %dma_wait3A_659] : memref<26x20x4096xi32, #tpu.memory_space<hbm>> -> memref<1x1x4096xi32, #tpu.memory_space<hbm>>
        %dma_wait3A_661 = tpu.memref_squeeze %dma_wait3A_660 : memref<1x1x4096xi32, #tpu.memory_space<hbm>> -> memref<4096xi32, #tpu.memory_space<hbm>>
        tpu.wait_dma2 semaphore(%run_scoped3A_649 : memref<!tpu.dma_semaphore, #tpu.memory_space<semaphore_mem>>) src(%dma_wait3A_661 : memref<4096xi32, #tpu.memory_space<hbm>>) dst(%arg6 : memref<4096xi32, #tpu.memory_space<vmem>>)
        tpu.yield
      }) : () -> ()
      %dma_start3A = arith.constant 1 : i32
      %dma_start3A_46 = arith.constant 0 : i32
      %dma_start3A_47 = tpu.memref_slice %arg3[%select_n3A, %dma_start3A, %dma_start3A_46] : memref<26x20x4096xi32, #tpu.memory_space<hbm>> -> memref<1x1x4096xi32, #tpu.memory_space<hbm>>
      %dma_start3A_48 = tpu.memref_squeeze %dma_start3A_47 : memref<1x1x4096xi32, #tpu.memory_space<hbm>> -> memref<4096xi32, #tpu.memory_space<hbm>>
      %dma_start3A_49 = arith.constant 0 : i32
      %dma_start3A_50 = tpu.memref_slice %arg3[%select_n3A, %dma_start3A, %dma_start3A_49] : memref<26x20x4096xi32, #tpu.memory_space<hbm>> -> memref<1x1x4096xi32, #tpu.memory_space<hbm>>
      %dma_start3A_51 = tpu.memref_squeeze %dma_start3A_50 : memref<1x1x4096xi32, #tpu.memory_space<hbm>> -> memref<4096xi32, #tpu.memory_space<hbm>>
      tpu.enqueue_dma source(%dma_start3A_51 : memref<4096xi32, #tpu.memory_space<hbm>>) target(%arg7 : memref<4096xi32, #tpu.memory_space<vmem>>) target_semaphore(%arg11 : memref<!tpu.dma_semaphore, #tpu.memory_space<semaphore_mem>>)
      %parallel_loop3A = arith.constant 0 : i32
      %parallel_loop3A_52 = arith.constant 4096 : i32
      %parallel_loop3A_53 = arith.constant 16 : i32
      scf.for %parallel_loop3A_649 = %parallel_loop3A to %parallel_loop3A_52 step %parallel_loop3A_53  : i32 {
        %parallel_loop3A_650 = arith.index_cast %parallel_loop3A_649 : i32 to index
        %parallel_loop3A_651 = tpu.vector_load %arg6[%parallel_loop3A_650] {strides = array<i32>} : memref<4096xi32, #tpu.memory_space<vmem>>, vector<16xi32>,
        %parallel_loop3A_652 = tpu.vector_load_idx %arg5[%parallel_loop3A_651] : memref<100000xf32, #tpu.memory_space<vmem>>[vector<16xi32>], vector<16xf32>,
        %parallel_loop3A_653 = arith.index_cast %parallel_loop3A_649 : i32 to index
        %parallel_loop3A_654 = tpu.vector_load %arg8[%parallel_loop3A_653] {strides = array<i32>} : memref<4096xf32, #tpu.memory_space<vmem>>, vector<16xf32>,
        tpu.vector_store %arg8[%parallel_loop3A_653], %parallel_loop3A_652 {strides = array<i32>} : memref<4096xf32, #tpu.memory_space<vmem>>, vector<16xf32>,
      } {sc.loop_unroll_factor = 8 : i64, sc.parallel_access}
      %dma_start3A_54 = arith.constant 0 : i32
      %dma_start3A_55 = arith.constant 0 : i32
      %dma_start3A_56 = tpu.memref_slice %arg4[%dma_start3A_54, %select_n3A, %select_n3A_45, %dma_start3A_55] : memref<20x26x32x4096xf32, #tpu.memory_space<hbm>> -> memref<1x1x1x4096xf32, #tpu.memory_space<hbm>>
      %dma_start3A_57 = tpu.memref_squeeze %dma_start3A_56 : memref<1x1x1x4096xf32, #tpu.memory_space<hbm>> -> memref<4096xf32, #tpu.memory_space<hbm>>
      %dma_start3A_58 = arith.constant 0 : i32
      %dma_start3A_59 = tpu.memref_slice %arg4[%dma_start3A_54, %select_n3A, %select_n3A_45, %dma_start3A_58] : memref<20x26x32x4096xf32, #tpu.memory_space<hbm>> -> memref<1x1x1x4096xf32, #tpu.memory_space<hbm>>
      %dma_start3A_60 = tpu.memref_squeeze %dma_start3A_59 : memref<1x1x1x4096xf32, #tpu.memory_space<hbm>> -> memref<4096xf32, #tpu.memory_space<hbm>>
      tpu.enqueue_dma source(%arg8 : memref<4096xf32, #tpu.memory_space<vmem>>) target(%dma_start3A_60 : memref<4096xf32, #tpu.memory_space<hbm>>) target_semaphore(%arg12 : memref<!tpu.dma_semaphore, #tpu.memory_space<semaphore_mem>>)
      %dma_start3A_61 = arith.constant 2 : i32
      %dma_start3A_62 = arith.constant 0 : i32
      %dma_start3A_63 = tpu.memref_slice %arg3[%select_n3A, %dma_start3A_61, %dma_start3A_62] : memref<26x20x4096xi32, #tpu.memory_space<hbm>> -> memref<1x1x4096xi32, #tpu.memory_space<hbm>>
      %dma_start3A_64 = tpu.memref_squeeze %dma_start3A_63 : memref<1x1x4096xi32, #tpu.memory_space<hbm>> -> memref<4096xi32, #tpu.memory_space<hbm>>
      %dma_start3A_65 = arith.constant 0 : i32
      %dma_start3A_66 = tpu.memref_slice %arg3[%select_n3A, %dma_start3A_61, %dma_start3A_65] : memref<26x20x4096xi32, #tpu.memory_space<hbm>> -> memref<1x1x4096xi32, #tpu.memory_space<hbm>>
      %dma_start3A_67 = tpu.memref_squeeze %dma_start3A_66 : memref<1x1x4096xi32, #tpu.memory_space<hbm>> -> memref<4096xi32, #tpu.memory_space<hbm>>
      tpu.enqueue_dma source(%dma_start3A_67 : memref<4096xi32, #tpu.memory_space<hbm>>) target(%arg6 : memref<4096xi32, #tpu.memory_space<vmem>>) target_semaphore(%arg10 : memref<!tpu.dma_semaphore, #tpu.memory_space<semaphore_mem>>)
      %dma_wait3A = arith.constant 1 : i32
      %dma_wait3A_68 = arith.constant 0 : i32
      %dma_wait3A_69 = tpu.memref_slice %arg3[%select_n3A, %dma_wait3A, %dma_wait3A_68] : memref<26x20x4096xi32, #tpu.memory_space<hbm>> -> memref<1x1x4096xi32, #tpu.memory_space<hbm>>
      %dma_wait3A_70 = tpu.memref_squeeze %dma_wait3A_69 : memref<1x1x4096xi32, #tpu.memory_space<hbm>> -> memref<4096xi32, #tpu.memory_space<hbm>>
      %dma_wait3A_71 = arith.constant 0 : i32
      %dma_wait3A_72 = tpu.memref_slice %arg3[%select_n3A, %dma_wait3A, %dma_wait3A_71] : memref<26x20x4096xi32, #tpu.memory_space<hbm>> -> memref<1x1x4096xi32, #tpu.memory_space<hbm>>
      %dma_wait3A_73 = tpu.memref_squeeze %dma_wait3A_72 : memref<1x1x4096xi32, #tpu.memory_space<hbm>> -> memref<4096xi32, #tpu.memory_space<hbm>>
      tpu.wait_dma2 semaphore(%arg11 : memref<!tpu.dma_semaphore, #tpu.memory_space<semaphore_mem>>) src(%dma_wait3A_73 : memref<4096xi32, #tpu.memory_space<hbm>>) dst(%arg7 : memref<4096xi32, #tpu.memory_space<vmem>>)
      %parallel_loop3A_74 = arith.constant 0 : i32
      %parallel_loop3A_75 = arith.constant 4096 : i32
      %parallel_loop3A_76 = arith.constant 16 : i32
      scf.for %parallel_loop3A_649 = %parallel_loop3A_74 to %parallel_loop3A_75 step %parallel_loop3A_76  : i32 {
        %parallel_loop3A_650 = arith.index_cast %parallel_loop3A_649 : i32 to index
        %parallel_loop3A_651 = tpu.vector_load %arg7[%parallel_loop3A_650] {strides = array<i32>} : memref<4096xi32, #tpu.memory_space<vmem>>, vector<16xi32>,
        %parallel_loop3A_652 = tpu.vector_load_idx %arg5[%parallel_loop3A_651] : memref<100000xf32, #tpu.memory_space<vmem>>[vector<16xi32>], vector<16xf32>,
        %parallel_loop3A_653 = arith.index_cast %parallel_loop3A_649 : i32 to index
        %parallel_loop3A_654 = tpu.vector_load %arg9[%parallel_loop3A_653] {strides = array<i32>} : memref<4096xf32, #tpu.memory_space<vmem>>, vector<16xf32>,
        tpu.vector_store %arg9[%parallel_loop3A_653], %parallel_loop3A_652 {strides = array<i32>} : memref<4096xf32, #tpu.memory_space<vmem>>, vector<16xf32>,
      } {sc.loop_unroll_factor = 8 : i64, sc.parallel_access}
      %dma_start3A_77 = arith.constant 1 : i32
      %dma_start3A_78 = arith.constant 0 : i32
      %dma_start3A_79 = tpu.memref_slice %arg4[%dma_start3A_77, %select_n3A, %select_n3A_45, %dma_start3A_78] : memref<20x26x32x4096xf32, #tpu.memory_space<hbm>> -> memref<1x1x1x4096xf32, #tpu.memory_space<hbm>>
      %dma_start3A_80 = tpu.memref_squeeze %dma_start3A_79 : memref<1x1x1x4096xf32, #tpu.memory_space<hbm>> -> memref<4096xf32, #tpu.memory_space<hbm>>
      %dma_start3A_81 = arith.constant 0 : i32
      %dma_start3A_82 = tpu.memref_slice %arg4[%dma_start3A_77, %select_n3A, %select_n3A_45, %dma_start3A_81] : memref<20x26x32x4096xf32, #tpu.memory_space<hbm>> -> memref<1x1x1x4096xf32, #tpu.memory_space<hbm>>
      %dma_start3A_83 = tpu.memref_squeeze %dma_start3A_82 : memref<1x1x1x4096xf32, #tpu.memory_space<hbm>> -> memref<4096xf32, #tpu.memory_space<hbm>>
      tpu.enqueue_dma source(%arg9 : memref<4096xf32, #tpu.memory_space<vmem>>) target(%dma_start3A_83 : memref<4096xf32, #tpu.memory_space<hbm>>) target_semaphore(%arg13 : memref<!tpu.dma_semaphore, #tpu.memory_space<semaphore_mem>>)
      %dma_start3A_84 = arith.constant 3 : i32
      %dma_start3A_85 = arith.constant 0 : i32
      %dma_start3A_86 = tpu.memref_slice %arg3[%select_n3A, %dma_start3A_84, %dma_start3A_85] : memref<26x20x4096xi32, #tpu.memory_space<hbm>> -> memref<1x1x4096xi32, #tpu.memory_space<hbm>>
      %dma_start3A_87 = tpu.memref_squeeze %dma_start3A_86 : memref<1x1x4096xi32, #tpu.memory_space<hbm>> -> memref<4096xi32, #tpu.memory_space<hbm>>
      %dma_start3A_88 = arith.constant 0 : i32
      %dma_start3A_89 = tpu.memref_slice %arg3[%select_n3A, %dma_start3A_84, %dma_start3A_88] : memref<26x20x4096xi32, #tpu.memory_space<hbm>> -> memref<1x1x4096xi32, #tpu.memory_space<hbm>>
      %dma_start3A_90 = tpu.memref_squeeze %dma_start3A_89 : memref<1x1x4096xi32, #tpu.memory_space<hbm>> -> memref<4096xi32, #tpu.memory_space<hbm>>
      tpu.enqueue_dma source(%dma_start3A_90 : memref<4096xi32, #tpu.memory_space<hbm>>) target(%arg7 : memref<4096xi32, #tpu.memory_space<vmem>>) target_semaphore(%arg11 : memref<!tpu.dma_semaphore, #tpu.memory_space<semaphore_mem>>)
      %dma_wait3A_91 = arith.constant 2 : i32
      %dma_wait3A_92 = arith.constant 0 : i32
      %dma_wait3A_93 = tpu.memref_slice %arg3[%select_n3A, %dma_wait3A_91, %dma_wait3A_92] : memref<26x20x4096xi32, #tpu.memory_space<hbm>> -> memref<1x1x4096xi32, #tpu.memory_space<hbm>>
      %dma_wait3A_94 = tpu.memref_squeeze %dma_wait3A_93 : memref<1x1x4096xi32, #tpu.memory_space<hbm>> -> memref<4096xi32, #tpu.memory_space<hbm>>
      %dma_wait3A_95 = arith.constant 0 : i32
      %dma_wait3A_96 = tpu.memref_slice %arg3[%select_n3A, %dma_wait3A_91, %dma_wait3A_95] : memref<26x20x4096xi32, #tpu.memory_space<hbm>> -> memref<1x1x4096xi32, #tpu.memory_space<hbm>>
      %dma_wait3A_97 = tpu.memref_squeeze %dma_wait3A_96 : memref<1x1x4096xi32, #tpu.memory_space<hbm>> -> memref<4096xi32, #tpu.memory_space<hbm>>
      tpu.wait_dma2 semaphore(%arg10 : memref<!tpu.dma_semaphore, #tpu.memory_space<semaphore_mem>>) src(%dma_wait3A_97 : memref<4096xi32, #tpu.memory_space<hbm>>) dst(%arg6 : memref<4096xi32, #tpu.memory_space<vmem>>)
      %dma_wait3A_98 = arith.constant 2 : i32
      %dma_wait3A_99 = arith.constant 0 : i32
      %dma_wait3A_100 = tpu.memref_slice %arg4[%dma_wait3A_98, %select_n3A, %select_n3A_45, %dma_wait3A_99] : memref<20x26x32x4096xf32, #tpu.memory_space<hbm>> -> memref<1x1x1x4096xf32, #tpu.memory_space<hbm>>
      %dma_wait3A_101 = tpu.memref_squeeze %dma_wait3A_100 : memref<1x1x1x4096xf32, #tpu.memory_space<hbm>> -> memref<4096xf32, #tpu.memory_space<hbm>>
      %dma_wait3A_102 = arith.constant 0 : i32
      %dma_wait3A_103 = tpu.memref_slice %arg4[%dma_wait3A_98, %select_n3A, %select_n3A_45, %dma_wait3A_102] : memref<20x26x32x4096xf32, #tpu.memory_space<hbm>> -> memref<1x1x1x4096xf32, #tpu.memory_space<hbm>>
      %dma_wait3A_104 = tpu.memref_squeeze %dma_wait3A_103 : memref<1x1x1x4096xf32, #tpu.memory_space<hbm>> -> memref<4096xf32, #tpu.memory_space<hbm>>
      tpu.wait_dma2 semaphore(%arg12 : memref<!tpu.dma_semaphore, #tpu.memory_space<semaphore_mem>>) src(%arg8 : memref<4096xf32, #tpu.memory_space<vmem>>) dst(%dma_wait3A_104 : memref<4096xf32, #tpu.memory_space<hbm>>)
      %parallel_loop3A_105 = arith.constant 0 : i32
      %parallel_loop3A_106 = arith.constant 4096 : i32
      %parallel_loop3A_107 = arith.constant 16 : i32
      scf.for %parallel_loop3A_649 = %parallel_loop3A_105 to %parallel_loop3A_106 step %parallel_loop3A_107  : i32 {
        %parallel_loop3A_650 = arith.index_cast %parallel_loop3A_649 : i32 to index
        %parallel_loop3A_651 = tpu.vector_load %arg6[%parallel_loop3A_650] {strides = array<i32>} : memref<4096xi32, #tpu.memory_space<vmem>>, vector<16xi32>,
        %parallel_loop3A_652 = tpu.vector_load_idx %arg5[%parallel_loop3A_651] : memref<100000xf32, #tpu.memory_space<vmem>>[vector<16xi32>], vector<16xf32>,
        %parallel_loop3A_653 = arith.index_cast %parallel_loop3A_649 : i32 to index
        %parallel_loop3A_654 = tpu.vector_load %arg8[%parallel_loop3A_653] {strides = array<i32>} : memref<4096xf32, #tpu.memory_space<vmem>>, vector<16xf32>,
        tpu.vector_store %arg8[%parallel_loop3A_653], %parallel_loop3A_652 {strides = array<i32>} : memref<4096xf32, #tpu.memory_space<vmem>>, vector<16xf32>,
      } {sc.loop_unroll_factor = 8 : i64, sc.parallel_access}
      %dma_start3A_108 = arith.constant 2 : i32
      %dma_start3A_109 = arith.constant 0 : i32
      %dma_start3A_110 = tpu.memref_slice %arg4[%dma_start3A_108, %select_n3A, %select_n3A_45, %dma_start3A_109] : memref<20x26x32x4096xf32, #tpu.memory_space<hbm>> -> memref<1x1x1x4096xf32, #tpu.memory_space<hbm>>
      %dma_start3A_111 = tpu.memref_squeeze %dma_start3A_110 : memref<1x1x1x4096xf32, #tpu.memory_space<hbm>> -> memref<4096xf32, #tpu.memory_space<hbm>>
      %dma_start3A_112 = arith.constant 0 : i32
      %dma_start3A_113 = tpu.memref_slice %arg4[%dma_start3A_108, %select_n3A, %select_n3A_45, %dma_start3A_112] : memref<20x26x32x4096xf32, #tpu.memory_space<hbm>> -> memref<1x1x1x4096xf32, #tpu.memory_space<hbm>>
      %dma_start3A_114 = tpu.memref_squeeze %dma_start3A_113 : memref<1x1x1x4096xf32, #tpu.memory_space<hbm>> -> memref<4096xf32, #tpu.memory_space<hbm>>
      tpu.enqueue_dma source(%arg8 : memref<4096xf32, #tpu.memory_space<vmem>>) target(%dma_start3A_114 : memref<4096xf32, #tpu.memory_space<hbm>>) target_semaphore(%arg12 : memref<!tpu.dma_semaphore, #tpu.memory_space<semaphore_mem>>)
      %dma_start3A_115 = arith.constant 4 : i32
      %dma_start3A_116 = arith.constant 0 : i32
      %dma_start3A_117 = tpu.memref_slice %arg3[%select_n3A, %dma_start3A_115, %dma_start3A_116] : memref<26x20x4096xi32, #tpu.memory_space<hbm>> -> memref<1x1x4096xi32, #tpu.memory_space<hbm>>
      %dma_start3A_118 = tpu.memref_squeeze %dma_start3A_117 : memref<1x1x4096xi32, #tpu.memory_space<hbm>> -> memref<4096xi32, #tpu.memory_space<hbm>>
      %dma_start3A_119 = arith.constant 0 : i32
      %dma_start3A_120 = tpu.memref_slice %arg3[%select_n3A, %dma_start3A_115, %dma_start3A_119] : memref<26x20x4096xi32, #tpu.memory_space<hbm>> -> memref<1x1x4096xi32, #tpu.memory_space<hbm>>
      %dma_start3A_121 = tpu.memref_squeeze %dma_start3A_120 : memref<1x1x4096xi32, #tpu.memory_space<hbm>> -> memref<4096xi32, #tpu.memory_space<hbm>>
      tpu.enqueue_dma source(%dma_start3A_121 : memref<4096xi32, #tpu.memory_space<hbm>>) target(%arg6 : memref<4096xi32, #tpu.memory_space<vmem>>) target_semaphore(%arg10 : memref<!tpu.dma_semaphore, #tpu.memory_space<semaphore_mem>>)
      %dma_wait3A_122 = arith.constant 3 : i32
      %dma_wait3A_123 = arith.constant 0 : i32
      %dma_wait3A_124 = tpu.memref_slice %arg3[%select_n3A, %dma_wait3A_122, %dma_wait3A_123] : memref<26x20x4096xi32, #tpu.memory_space<hbm>> -> memref<1x1x4096xi32, #tpu.memory_space<hbm>>
      %dma_wait3A_125 = tpu.memref_squeeze %dma_wait3A_124 : memref<1x1x4096xi32, #tpu.memory_space<hbm>> -> memref<4096xi32, #tpu.memory_space<hbm>>
      %dma_wait3A_126 = arith.constant 0 : i32
      %dma_wait3A_127 = tpu.memref_slice %arg3[%select_n3A, %dma_wait3A_122, %dma_wait3A_126] : memref<26x20x4096xi32, #tpu.memory_space<hbm>> -> memref<1x1x4096xi32, #tpu.memory_space<hbm>>
      %dma_wait3A_128 = tpu.memref_squeeze %dma_wait3A_127 : memref<1x1x4096xi32, #tpu.memory_space<hbm>> -> memref<4096xi32, #tpu.memory_space<hbm>>
      tpu.wait_dma2 semaphore(%arg11 : memref<!tpu.dma_semaphore, #tpu.memory_space<semaphore_mem>>) src(%dma_wait3A_128 : memref<4096xi32, #tpu.memory_space<hbm>>) dst(%arg7 : memref<4096xi32, #tpu.memory_space<vmem>>)
      %dma_wait3A_129 = arith.constant 3 : i32
      %dma_wait3A_130 = arith.constant 0 : i32
      %dma_wait3A_131 = tpu.memref_slice %arg4[%dma_wait3A_129, %select_n3A, %select_n3A_45, %dma_wait3A_130] : memref<20x26x32x4096xf32, #tpu.memory_space<hbm>> -> memref<1x1x1x4096xf32, #tpu.memory_space<hbm>>
      %dma_wait3A_132 = tpu.memref_squeeze %dma_wait3A_131 : memref<1x1x1x4096xf32, #tpu.memory_space<hbm>> -> memref<4096xf32, #tpu.memory_space<hbm>>
      %dma_wait3A_133 = arith.constant 0 : i32
      %dma_wait3A_134 = tpu.memref_slice %arg4[%dma_wait3A_129, %select_n3A, %select_n3A_45, %dma_wait3A_133] : memref<20x26x32x4096xf32, #tpu.memory_space<hbm>> -> memref<1x1x1x4096xf32, #tpu.memory_space<hbm>>
      %dma_wait3A_135 = tpu.memref_squeeze %dma_wait3A_134 : memref<1x1x1x4096xf32, #tpu.memory_space<hbm>> -> memref<4096xf32, #tpu.memory_space<hbm>>
      tpu.wait_dma2 semaphore(%arg13 : memref<!tpu.dma_semaphore, #tpu.memory_space<semaphore_mem>>) src(%arg9 : memref<4096xf32, #tpu.memory_space<vmem>>) dst(%dma_wait3A_135 : memref<4096xf32, #tpu.memory_space<hbm>>)
      %parallel_loop3A_136 = arith.constant 0 : i32
      %parallel_loop3A_137 = arith.constant 4096 : i32
      %parallel_loop3A_138 = arith.constant 16 : i32
      scf.for %parallel_loop3A_649 = %parallel_loop3A_136 to %parallel_loop3A_137 step %parallel_loop3A_138  : i32 {
        %parallel_loop3A_650 = arith.index_cast %parallel_loop3A_649 : i32 to index
        %parallel_loop3A_651 = tpu.vector_load %arg7[%parallel_loop3A_650] {strides = array<i32>} : memref<4096xi32, #tpu.memory_space<vmem>>, vector<16xi32>,
        %parallel_loop3A_652 = tpu.vector_load_idx %arg5[%parallel_loop3A_651] : memref<100000xf32, #tpu.memory_space<vmem>>[vector<16xi32>], vector<16xf32>,
        %parallel_loop3A_653 = arith.index_cast %parallel_loop3A_649 : i32 to index
        %parallel_loop3A_654 = tpu.vector_load %arg9[%parallel_loop3A_653] {strides = array<i32>} : memref<4096xf32, #tpu.memory_space<vmem>>, vector<16xf32>,
        tpu.vector_store %arg9[%parallel_loop3A_653], %parallel_loop3A_652 {strides = array<i32>} : memref<4096xf32, #tpu.memory_space<vmem>>, vector<16xf32>,
      } {sc.loop_unroll_factor = 8 : i64, sc.parallel_access}
      %dma_start3A_139 = arith.constant 3 : i32
      %dma_start3A_140 = arith.constant 0 : i32
      %dma_start3A_141 = tpu.memref_slice %arg4[%dma_start3A_139, %select_n3A, %select_n3A_45, %dma_start3A_140] : memref<20x26x32x4096xf32, #tpu.memory_space<hbm>> -> memref<1x1x1x4096xf32, #tpu.memory_space<hbm>>
      %dma_start3A_142 = tpu.memref_squeeze %dma_start3A_141 : memref<1x1x1x4096xf32, #tpu.memory_space<hbm>> -> memref<4096xf32, #tpu.memory_space<hbm>>
      %dma_start3A_143 = arith.constant 0 : i32
      %dma_start3A_144 = tpu.memref_slice %arg4[%dma_start3A_139, %select_n3A, %select_n3A_45, %dma_start3A_143] : memref<20x26x32x4096xf32, #tpu.memory_space<hbm>> -> memref<1x1x1x4096xf32, #tpu.memory_space<hbm>>
      %dma_start3A_145 = tpu.memref_squeeze %dma_start3A_144 : memref<1x1x1x4096xf32, #tpu.memory_space<hbm>> -> memref<4096xf32, #tpu.memory_space<hbm>>
      tpu.enqueue_dma source(%arg9 : memref<4096xf32, #tpu.memory_space<vmem>>) target(%dma_start3A_145 : memref<4096xf32, #tpu.memory_space<hbm>>) target_semaphore(%arg13 : memref<!tpu.dma_semaphore, #tpu.memory_space<semaphore_mem>>)
      %dma_start3A_146 = arith.constant 5 : i32
      %dma_start3A_147 = arith.constant 0 : i32
      %dma_start3A_148 = tpu.memref_slice %arg3[%select_n3A, %dma_start3A_146, %dma_start3A_147] : memref<26x20x4096xi32, #tpu.memory_space<hbm>> -> memref<1x1x4096xi32, #tpu.memory_space<hbm>>
      %dma_start3A_149 = tpu.memref_squeeze %dma_start3A_148 : memref<1x1x4096xi32, #tpu.memory_space<hbm>> -> memref<4096xi32, #tpu.memory_space<hbm>>
      %dma_start3A_150 = arith.constant 0 : i32
      %dma_start3A_151 = tpu.memref_slice %arg3[%select_n3A, %dma_start3A_146, %dma_start3A_150] : memref<26x20x4096xi32, #tpu.memory_space<hbm>> -> memref<1x1x4096xi32, #tpu.memory_space<hbm>>
      %dma_start3A_152 = tpu.memref_squeeze %dma_start3A_151 : memref<1x1x4096xi32, #tpu.memory_space<hbm>> -> memref<4096xi32, #tpu.memory_space<hbm>>
      tpu.enqueue_dma source(%dma_start3A_152 : memref<4096xi32, #tpu.memory_space<hbm>>) target(%arg7 : memref<4096xi32, #tpu.memory_space<vmem>>) target_semaphore(%arg11 : memref<!tpu.dma_semaphore, #tpu.memory_space<semaphore_mem>>)
      %dma_wait3A_153 = arith.constant 4 : i32
      %dma_wait3A_154 = arith.constant 0 : i32
      %dma_wait3A_155 = tpu.memref_slice %arg3[%select_n3A, %dma_wait3A_153, %dma_wait3A_154] : memref<26x20x4096xi32, #tpu.memory_space<hbm>> -> memref<1x1x4096xi32, #tpu.memory_space<hbm>>
      %dma_wait3A_156 = tpu.memref_squeeze %dma_wait3A_155 : memref<1x1x4096xi32, #tpu.memory_space<hbm>> -> memref<4096xi32, #tpu.memory_space<hbm>>
      %dma_wait3A_157 = arith.constant 0 : i32
      %dma_wait3A_158 = tpu.memref_slice %arg3[%select_n3A, %dma_wait3A_153, %dma_wait3A_157] : memref<26x20x4096xi32, #tpu.memory_space<hbm>> -> memref<1x1x4096xi32, #tpu.memory_space<hbm>>
      %dma_wait3A_159 = tpu.memref_squeeze %dma_wait3A_158 : memref<1x1x4096xi32, #tpu.memory_space<hbm>> -> memref<4096xi32, #tpu.memory_space<hbm>>
      tpu.wait_dma2 semaphore(%arg10 : memref<!tpu.dma_semaphore, #tpu.memory_space<semaphore_mem>>) src(%dma_wait3A_159 : memref<4096xi32, #tpu.memory_space<hbm>>) dst(%arg6 : memref<4096xi32, #tpu.memory_space<vmem>>)
      %dma_wait3A_160 = arith.constant 4 : i32
      %dma_wait3A_161 = arith.constant 0 : i32
      %dma_wait3A_162 = tpu.memref_slice %arg4[%dma_wait3A_160, %select_n3A, %select_n3A_45, %dma_wait3A_161] : memref<20x26x32x4096xf32, #tpu.memory_space<hbm>> -> memref<1x1x1x4096xf32, #tpu.memory_space<hbm>>
      %dma_wait3A_163 = tpu.memref_squeeze %dma_wait3A_162 : memref<1x1x1x4096xf32, #tpu.memory_space<hbm>> -> memref<4096xf32, #tpu.memory_space<hbm>>
      %dma_wait3A_164 = arith.constant 0 : i32
      %dma_wait3A_165 = tpu.memref_slice %arg4[%dma_wait3A_160, %select_n3A, %select_n3A_45, %dma_wait3A_164] : memref<20x26x32x4096xf32, #tpu.memory_space<hbm>> -> memref<1x1x1x4096xf32, #tpu.memory_space<hbm>>
      %dma_wait3A_166 = tpu.memref_squeeze %dma_wait3A_165 : memref<1x1x1x4096xf32, #tpu.memory_space<hbm>> -> memref<4096xf32, #tpu.memory_space<hbm>>
      tpu.wait_dma2 semaphore(%arg12 : memref<!tpu.dma_semaphore, #tpu.memory_space<semaphore_mem>>) src(%arg8 : memref<4096xf32, #tpu.memory_space<vmem>>) dst(%dma_wait3A_166 : memref<4096xf32, #tpu.memory_space<hbm>>)
      %parallel_loop3A_167 = arith.constant 0 : i32
      %parallel_loop3A_168 = arith.constant 4096 : i32
      %parallel_loop3A_169 = arith.constant 16 : i32
      scf.for %parallel_loop3A_649 = %parallel_loop3A_167 to %parallel_loop3A_168 step %parallel_loop3A_169  : i32 {
        %parallel_loop3A_650 = arith.index_cast %parallel_loop3A_649 : i32 to index
        %parallel_loop3A_651 = tpu.vector_load %arg6[%parallel_loop3A_650] {strides = array<i32>} : memref<4096xi32, #tpu.memory_space<vmem>>, vector<16xi32>,
        %parallel_loop3A_652 = tpu.vector_load_idx %arg5[%parallel_loop3A_651] : memref<100000xf32, #tpu.memory_space<vmem>>[vector<16xi32>], vector<16xf32>,
        %parallel_loop3A_653 = arith.index_cast %parallel_loop3A_649 : i32 to index
        %parallel_loop3A_654 = tpu.vector_load %arg8[%parallel_loop3A_653] {strides = array<i32>} : memref<4096xf32, #tpu.memory_space<vmem>>, vector<16xf32>,
        tpu.vector_store %arg8[%parallel_loop3A_653], %parallel_loop3A_652 {strides = array<i32>} : memref<4096xf32, #tpu.memory_space<vmem>>, vector<16xf32>,
      } {sc.loop_unroll_factor = 8 : i64, sc.parallel_access}
      %dma_start3A_170 = arith.constant 4 : i32
      %dma_start3A_171 = arith.constant 0 : i32
      %dma_start3A_172 = tpu.memref_slice %arg4[%dma_start3A_170, %select_n3A, %select_n3A_45, %dma_start3A_171] : memref<20x26x32x4096xf32, #tpu.memory_space<hbm>> -> memref<1x1x1x4096xf32, #tpu.memory_space<hbm>>
      %dma_start3A_173 = tpu.memref_squeeze %dma_start3A_172 : memref<1x1x1x4096xf32, #tpu.memory_space<hbm>> -> memref<4096xf32, #tpu.memory_space<hbm>>
      %dma_start3A_174 = arith.constant 0 : i32
      %dma_start3A_175 = tpu.memref_slice %arg4[%dma_start3A_170, %select_n3A, %select_n3A_45, %dma_start3A_174] : memref<20x26x32x4096xf32, #tpu.memory_space<hbm>> -> memref<1x1x1x4096xf32, #tpu.memory_space<hbm>>
      %dma_start3A_176 = tpu.memref_squeeze %dma_start3A_175 : memref<1x1x1x4096xf32, #tpu.memory_space<hbm>> -> memref<4096xf32, #tpu.memory_space<hbm>>
      tpu.enqueue_dma source(%arg8 : memref<4096xf32, #tpu.memory_space<vmem>>) target(%dma_start3A_176 : memref<4096xf32, #tpu.memory_space<hbm>>) target_semaphore(%arg12 : memref<!tpu.dma_semaphore, #tpu.memory_space<semaphore_mem>>)
      %dma_start3A_177 = arith.constant 6 : i32
      %dma_start3A_178 = arith.constant 0 : i32
      %dma_start3A_179 = tpu.memref_slice %arg3[%select_n3A, %dma_start3A_177, %dma_start3A_178] : memref<26x20x4096xi32, #tpu.memory_space<hbm>> -> memref<1x1x4096xi32, #tpu.memory_space<hbm>>
      %dma_start3A_180 = tpu.memref_squeeze %dma_start3A_179 : memref<1x1x4096xi32, #tpu.memory_space<hbm>> -> memref<4096xi32, #tpu.memory_space<hbm>>
      %dma_start3A_181 = arith.constant 0 : i32
      %dma_start3A_182 = tpu.memref_slice %arg3[%select_n3A, %dma_start3A_177, %dma_start3A_181] : memref<26x20x4096xi32, #tpu.memory_space<hbm>> -> memref<1x1x4096xi32, #tpu.memory_space<hbm>>
      %dma_start3A_183 = tpu.memref_squeeze %dma_start3A_182 : memref<1x1x4096xi32, #tpu.memory_space<hbm>> -> memref<4096xi32, #tpu.memory_space<hbm>>
      tpu.enqueue_dma source(%dma_start3A_183 : memref<4096xi32, #tpu.memory_space<hbm>>) target(%arg6 : memref<4096xi32, #tpu.memory_space<vmem>>) target_semaphore(%arg10 : memref<!tpu.dma_semaphore, #tpu.memory_space<semaphore_mem>>)
      %dma_wait3A_184 = arith.constant 5 : i32
      %dma_wait3A_185 = arith.constant 0 : i32
      %dma_wait3A_186 = tpu.memref_slice %arg3[%select_n3A, %dma_wait3A_184, %dma_wait3A_185] : memref<26x20x4096xi32, #tpu.memory_space<hbm>> -> memref<1x1x4096xi32, #tpu.memory_space<hbm>>
      %dma_wait3A_187 = tpu.memref_squeeze %dma_wait3A_186 : memref<1x1x4096xi32, #tpu.memory_space<hbm>> -> memref<4096xi32, #tpu.memory_space<hbm>>
      %dma_wait3A_188 = arith.constant 0 : i32
      %dma_wait3A_189 = tpu.memref_slice %arg3[%select_n3A, %dma_wait3A_184, %dma_wait3A_188] : memref<26x20x4096xi32, #tpu.memory_space<hbm>> -> memref<1x1x4096xi32, #tpu.memory_space<hbm>>
      %dma_wait3A_190 = tpu.memref_squeeze %dma_wait3A_189 : memref<1x1x4096xi32, #tpu.memory_space<hbm>> -> memref<4096xi32, #tpu.memory_space<hbm>>
      tpu.wait_dma2 semaphore(%arg11 : memref<!tpu.dma_semaphore, #tpu.memory_space<semaphore_mem>>) src(%dma_wait3A_190 : memref<4096xi32, #tpu.memory_space<hbm>>) dst(%arg7 : memref<4096xi32, #tpu.memory_space<vmem>>)
      %dma_wait3A_191 = arith.constant 5 : i32
      %dma_wait3A_192 = arith.constant 0 : i32
      %dma_wait3A_193 = tpu.memref_slice %arg4[%dma_wait3A_191, %select_n3A, %select_n3A_45, %dma_wait3A_192] : memref<20x26x32x4096xf32, #tpu.memory_space<hbm>> -> memref<1x1x1x4096xf32, #tpu.memory_space<hbm>>
      %dma_wait3A_194 = tpu.memref_squeeze %dma_wait3A_193 : memref<1x1x1x4096xf32, #tpu.memory_space<hbm>> -> memref<4096xf32, #tpu.memory_space<hbm>>
      %dma_wait3A_195 = arith.constant 0 : i32
      %dma_wait3A_196 = tpu.memref_slice %arg4[%dma_wait3A_191, %select_n3A, %select_n3A_45, %dma_wait3A_195] : memref<20x26x32x4096xf32, #tpu.memory_space<hbm>> -> memref<1x1x1x4096xf32, #tpu.memory_space<hbm>>
      %dma_wait3A_197 = tpu.memref_squeeze %dma_wait3A_196 : memref<1x1x1x4096xf32, #tpu.memory_space<hbm>> -> memref<4096xf32, #tpu.memory_space<hbm>>
      tpu.wait_dma2 semaphore(%arg13 : memref<!tpu.dma_semaphore, #tpu.memory_space<semaphore_mem>>) src(%arg9 : memref<4096xf32, #tpu.memory_space<vmem>>) dst(%dma_wait3A_197 : memref<4096xf32, #tpu.memory_space<hbm>>)
      %parallel_loop3A_198 = arith.constant 0 : i32
      %parallel_loop3A_199 = arith.constant 4096 : i32
      %parallel_loop3A_200 = arith.constant 16 : i32
      scf.for %parallel_loop3A_649 = %parallel_loop3A_198 to %parallel_loop3A_199 step %parallel_loop3A_200  : i32 {
        %parallel_loop3A_650 = arith.index_cast %parallel_loop3A_649 : i32 to index
        %parallel_loop3A_651 = tpu.vector_load %arg7[%parallel_loop3A_650] {strides = array<i32>} : memref<4096xi32, #tpu.memory_space<vmem>>, vector<16xi32>,
        %parallel_loop3A_652 = tpu.vector_load_idx %arg5[%parallel_loop3A_651] : memref<100000xf32, #tpu.memory_space<vmem>>[vector<16xi32>], vector<16xf32>,
        %parallel_loop3A_653 = arith.index_cast %parallel_loop3A_649 : i32 to index
        %parallel_loop3A_654 = tpu.vector_load %arg9[%parallel_loop3A_653] {strides = array<i32>} : memref<4096xf32, #tpu.memory_space<vmem>>, vector<16xf32>,
        tpu.vector_store %arg9[%parallel_loop3A_653], %parallel_loop3A_652 {strides = array<i32>} : memref<4096xf32, #tpu.memory_space<vmem>>, vector<16xf32>,
      } {sc.loop_unroll_factor = 8 : i64, sc.parallel_access}
      %dma_start3A_201 = arith.constant 5 : i32
      %dma_start3A_202 = arith.constant 0 : i32
      %dma_start3A_203 = tpu.memref_slice %arg4[%dma_start3A_201, %select_n3A, %select_n3A_45, %dma_start3A_202] : memref<20x26x32x4096xf32, #tpu.memory_space<hbm>> -> memref<1x1x1x4096xf32, #tpu.memory_space<hbm>>
      %dma_start3A_204 = tpu.memref_squeeze %dma_start3A_203 : memref<1x1x1x4096xf32, #tpu.memory_space<hbm>> -> memref<4096xf32, #tpu.memory_space<hbm>>
      %dma_start3A_205 = arith.constant 0 : i32
      %dma_start3A_206 = tpu.memref_slice %arg4[%dma_start3A_201, %select_n3A, %select_n3A_45, %dma_start3A_205] : memref<20x26x32x4096xf32, #tpu.memory_space<hbm>> -> memref<1x1x1x4096xf32, #tpu.memory_space<hbm>>
      %dma_start3A_207 = tpu.memref_squeeze %dma_start3A_206 : memref<1x1x1x4096xf32, #tpu.memory_space<hbm>> -> memref<4096xf32, #tpu.memory_space<hbm>>
      tpu.enqueue_dma source(%arg9 : memref<4096xf32, #tpu.memory_space<vmem>>) target(%dma_start3A_207 : memref<4096xf32, #tpu.memory_space<hbm>>) target_semaphore(%arg13 : memref<!tpu.dma_semaphore, #tpu.memory_space<semaphore_mem>>)
      %dma_start3A_208 = arith.constant 7 : i32
      %dma_start3A_209 = arith.constant 0 : i32
      %dma_start3A_210 = tpu.memref_slice %arg3[%select_n3A, %dma_start3A_208, %dma_start3A_209] : memref<26x20x4096xi32, #tpu.memory_space<hbm>> -> memref<1x1x4096xi32, #tpu.memory_space<hbm>>
      %dma_start3A_211 = tpu.memref_squeeze %dma_start3A_210 : memref<1x1x4096xi32, #tpu.memory_space<hbm>> -> memref<4096xi32, #tpu.memory_space<hbm>>
      %dma_start3A_212 = arith.constant 0 : i32
      %dma_start3A_213 = tpu.memref_slice %arg3[%select_n3A, %dma_start3A_208, %dma_start3A_212] : memref<26x20x4096xi32, #tpu.memory_space<hbm>> -> memref<1x1x4096xi32, #tpu.memory_space<hbm>>
      %dma_start3A_214 = tpu.memref_squeeze %dma_start3A_213 : memref<1x1x4096xi32, #tpu.memory_space<hbm>> -> memref<4096xi32, #tpu.memory_space<hbm>>
      tpu.enqueue_dma source(%dma_start3A_214 : memref<4096xi32, #tpu.memory_space<hbm>>) target(%arg7 : memref<4096xi32, #tpu.memory_space<vmem>>) target_semaphore(%arg11 : memref<!tpu.dma_semaphore, #tpu.memory_space<semaphore_mem>>)
      %dma_wait3A_215 = arith.constant 6 : i32
      %dma_wait3A_216 = arith.constant 0 : i32
      %dma_wait3A_217 = tpu.memref_slice %arg3[%select_n3A, %dma_wait3A_215, %dma_wait3A_216] : memref<26x20x4096xi32, #tpu.memory_space<hbm>> -> memref<1x1x4096xi32, #tpu.memory_space<hbm>>
      %dma_wait3A_218 = tpu.memref_squeeze %dma_wait3A_217 : memref<1x1x4096xi32, #tpu.memory_space<hbm>> -> memref<4096xi32, #tpu.memory_space<hbm>>
      %dma_wait3A_219 = arith.constant 0 : i32
      %dma_wait3A_220 = tpu.memref_slice %arg3[%select_n3A, %dma_wait3A_215, %dma_wait3A_219] : memref<26x20x4096xi32, #tpu.memory_space<hbm>> -> memref<1x1x4096xi32, #tpu.memory_space<hbm>>
      %dma_wait3A_221 = tpu.memref_squeeze %dma_wait3A_220 : memref<1x1x4096xi32, #tpu.memory_space<hbm>> -> memref<4096xi32, #tpu.memory_space<hbm>>
      tpu.wait_dma2 semaphore(%arg10 : memref<!tpu.dma_semaphore, #tpu.memory_space<semaphore_mem>>) src(%dma_wait3A_221 : memref<4096xi32, #tpu.memory_space<hbm>>) dst(%arg6 : memref<4096xi32, #tpu.memory_space<vmem>>)
      %dma_wait3A_222 = arith.constant 6 : i32
      %dma_wait3A_223 = arith.constant 0 : i32
      %dma_wait3A_224 = tpu.memref_slice %arg4[%dma_wait3A_222, %select_n3A, %select_n3A_45, %dma_wait3A_223] : memref<20x26x32x4096xf32, #tpu.memory_space<hbm>> -> memref<1x1x1x4096xf32, #tpu.memory_space<hbm>>
      %dma_wait3A_225 = tpu.memref_squeeze %dma_wait3A_224 : memref<1x1x1x4096xf32, #tpu.memory_space<hbm>> -> memref<4096xf32, #tpu.memory_space<hbm>>
      %dma_wait3A_226 = arith.constant 0 : i32
      %dma_wait3A_227 = tpu.memref_slice %arg4[%dma_wait3A_222, %select_n3A, %select_n3A_45, %dma_wait3A_226] : memref<20x26x32x4096xf32, #tpu.memory_space<hbm>> -> memref<1x1x1x4096xf32, #tpu.memory_space<hbm>>
      %dma_wait3A_228 = tpu.memref_squeeze %dma_wait3A_227 : memref<1x1x1x4096xf32, #tpu.memory_space<hbm>> -> memref<4096xf32, #tpu.memory_space<hbm>>
      tpu.wait_dma2 semaphore(%arg12 : memref<!tpu.dma_semaphore, #tpu.memory_space<semaphore_mem>>) src(%arg8 : memref<4096xf32, #tpu.memory_space<vmem>>) dst(%dma_wait3A_228 : memref<4096xf32, #tpu.memory_space<hbm>>)
      %parallel_loop3A_229 = arith.constant 0 : i32
      %parallel_loop3A_230 = arith.constant 4096 : i32
      %parallel_loop3A_231 = arith.constant 16 : i32
      scf.for %parallel_loop3A_649 = %parallel_loop3A_229 to %parallel_loop3A_230 step %parallel_loop3A_231  : i32 {
        %parallel_loop3A_650 = arith.index_cast %parallel_loop3A_649 : i32 to index
        %parallel_loop3A_651 = tpu.vector_load %arg6[%parallel_loop3A_650] {strides = array<i32>} : memref<4096xi32, #tpu.memory_space<vmem>>, vector<16xi32>,
        %parallel_loop3A_652 = tpu.vector_load_idx %arg5[%parallel_loop3A_651] : memref<100000xf32, #tpu.memory_space<vmem>>[vector<16xi32>], vector<16xf32>,
        %parallel_loop3A_653 = arith.index_cast %parallel_loop3A_649 : i32 to index
        %parallel_loop3A_654 = tpu.vector_load %arg8[%parallel_loop3A_653] {strides = array<i32>} : memref<4096xf32, #tpu.memory_space<vmem>>, vector<16xf32>,
        tpu.vector_store %arg8[%parallel_loop3A_653], %parallel_loop3A_652 {strides = array<i32>} : memref<4096xf32, #tpu.memory_space<vmem>>, vector<16xf32>,
      } {sc.loop_unroll_factor = 8 : i64, sc.parallel_access}
      %dma_start3A_232 = arith.constant 6 : i32
      %dma_start3A_233 = arith.constant 0 : i32
      %dma_start3A_234 = tpu.memref_slice %arg4[%dma_start3A_232, %select_n3A, %select_n3A_45, %dma_start3A_233] : memref<20x26x32x4096xf32, #tpu.memory_space<hbm>> -> memref<1x1x1x4096xf32, #tpu.memory_space<hbm>>
      %dma_start3A_235 = tpu.memref_squeeze %dma_start3A_234 : memref<1x1x1x4096xf32, #tpu.memory_space<hbm>> -> memref<4096xf32, #tpu.memory_space<hbm>>
      %dma_start3A_236 = arith.constant 0 : i32
      %dma_start3A_237 = tpu.memref_slice %arg4[%dma_start3A_232, %select_n3A, %select_n3A_45, %dma_start3A_236] : memref<20x26x32x4096xf32, #tpu.memory_space<hbm>> -> memref<1x1x1x4096xf32, #tpu.memory_space<hbm>>
      %dma_start3A_238 = tpu.memref_squeeze %dma_start3A_237 : memref<1x1x1x4096xf32, #tpu.memory_space<hbm>> -> memref<4096xf32, #tpu.memory_space<hbm>>
      tpu.enqueue_dma source(%arg8 : memref<4096xf32, #tpu.memory_space<vmem>>) target(%dma_start3A_238 : memref<4096xf32, #tpu.memory_space<hbm>>) target_semaphore(%arg12 : memref<!tpu.dma_semaphore, #tpu.memory_space<semaphore_mem>>)
      %dma_start3A_239 = arith.constant 8 : i32
      %dma_start3A_240 = arith.constant 0 : i32
      %dma_start3A_241 = tpu.memref_slice %arg3[%select_n3A, %dma_start3A_239, %dma_start3A_240] : memref<26x20x4096xi32, #tpu.memory_space<hbm>> -> memref<1x1x4096xi32, #tpu.memory_space<hbm>>
      %dma_start3A_242 = tpu.memref_squeeze %dma_start3A_241 : memref<1x1x4096xi32, #tpu.memory_space<hbm>> -> memref<4096xi32, #tpu.memory_space<hbm>>
      %dma_start3A_243 = arith.constant 0 : i32
      %dma_start3A_244 = tpu.memref_slice %arg3[%select_n3A, %dma_start3A_239, %dma_start3A_243] : memref<26x20x4096xi32, #tpu.memory_space<hbm>> -> memref<1x1x4096xi32, #tpu.memory_space<hbm>>
      %dma_start3A_245 = tpu.memref_squeeze %dma_start3A_244 : memref<1x1x4096xi32, #tpu.memory_space<hbm>> -> memref<4096xi32, #tpu.memory_space<hbm>>
      tpu.enqueue_dma source(%dma_start3A_245 : memref<4096xi32, #tpu.memory_space<hbm>>) target(%arg6 : memref<4096xi32, #tpu.memory_space<vmem>>) target_semaphore(%arg10 : memref<!tpu.dma_semaphore, #tpu.memory_space<semaphore_mem>>)
      %dma_wait3A_246 = arith.constant 7 : i32
      %dma_wait3A_247 = arith.constant 0 : i32
      %dma_wait3A_248 = tpu.memref_slice %arg3[%select_n3A, %dma_wait3A_246, %dma_wait3A_247] : memref<26x20x4096xi32, #tpu.memory_space<hbm>> -> memref<1x1x4096xi32, #tpu.memory_space<hbm>>
      %dma_wait3A_249 = tpu.memref_squeeze %dma_wait3A_248 : memref<1x1x4096xi32, #tpu.memory_space<hbm>> -> memref<4096xi32, #tpu.memory_space<hbm>>
      %dma_wait3A_250 = arith.constant 0 : i32
      %dma_wait3A_251 = tpu.memref_slice %arg3[%select_n3A, %dma_wait3A_246, %dma_wait3A_250] : memref<26x20x4096xi32, #tpu.memory_space<hbm>> -> memref<1x1x4096xi32, #tpu.memory_space<hbm>>
      %dma_wait3A_252 = tpu.memref_squeeze %dma_wait3A_251 : memref<1x1x4096xi32, #tpu.memory_space<hbm>> -> memref<4096xi32, #tpu.memory_space<hbm>>
      tpu.wait_dma2 semaphore(%arg11 : memref<!tpu.dma_semaphore, #tpu.memory_space<semaphore_mem>>) src(%dma_wait3A_252 : memref<4096xi32, #tpu.memory_space<hbm>>) dst(%arg7 : memref<4096xi32, #tpu.memory_space<vmem>>)
      %dma_wait3A_253 = arith.constant 7 : i32
      %dma_wait3A_254 = arith.constant 0 : i32
      %dma_wait3A_255 = tpu.memref_slice %arg4[%dma_wait3A_253, %select_n3A, %select_n3A_45, %dma_wait3A_254] : memref<20x26x32x4096xf32, #tpu.memory_space<hbm>> -> memref<1x1x1x4096xf32, #tpu.memory_space<hbm>>
      %dma_wait3A_256 = tpu.memref_squeeze %dma_wait3A_255 : memref<1x1x1x4096xf32, #tpu.memory_space<hbm>> -> memref<4096xf32, #tpu.memory_space<hbm>>
      %dma_wait3A_257 = arith.constant 0 : i32
      %dma_wait3A_258 = tpu.memref_slice %arg4[%dma_wait3A_253, %select_n3A, %select_n3A_45, %dma_wait3A_257] : memref<20x26x32x4096xf32, #tpu.memory_space<hbm>> -> memref<1x1x1x4096xf32, #tpu.memory_space<hbm>>
      %dma_wait3A_259 = tpu.memref_squeeze %dma_wait3A_258 : memref<1x1x1x4096xf32, #tpu.memory_space<hbm>> -> memref<4096xf32, #tpu.memory_space<hbm>>
      tpu.wait_dma2 semaphore(%arg13 : memref<!tpu.dma_semaphore, #tpu.memory_space<semaphore_mem>>) src(%arg9 : memref<4096xf32, #tpu.memory_space<vmem>>) dst(%dma_wait3A_259 : memref<4096xf32, #tpu.memory_space<hbm>>)
      %parallel_loop3A_260 = arith.constant 0 : i32
      %parallel_loop3A_261 = arith.constant 4096 : i32
      %parallel_loop3A_262 = arith.constant 16 : i32
      scf.for %parallel_loop3A_649 = %parallel_loop3A_260 to %parallel_loop3A_261 step %parallel_loop3A_262  : i32 {
        %parallel_loop3A_650 = arith.index_cast %parallel_loop3A_649 : i32 to index
        %parallel_loop3A_651 = tpu.vector_load %arg7[%parallel_loop3A_650] {strides = array<i32>} : memref<4096xi32, #tpu.memory_space<vmem>>, vector<16xi32>,
        %parallel_loop3A_652 = tpu.vector_load_idx %arg5[%parallel_loop3A_651] : memref<100000xf32, #tpu.memory_space<vmem>>[vector<16xi32>], vector<16xf32>,
        %parallel_loop3A_653 = arith.index_cast %parallel_loop3A_649 : i32 to index
        %parallel_loop3A_654 = tpu.vector_load %arg9[%parallel_loop3A_653] {strides = array<i32>} : memref<4096xf32, #tpu.memory_space<vmem>>, vector<16xf32>,
        tpu.vector_store %arg9[%parallel_loop3A_653], %parallel_loop3A_652 {strides = array<i32>} : memref<4096xf32, #tpu.memory_space<vmem>>, vector<16xf32>,
      } {sc.loop_unroll_factor = 8 : i64, sc.parallel_access}
      %dma_start3A_263 = arith.constant 7 : i32
      %dma_start3A_264 = arith.constant 0 : i32
      %dma_start3A_265 = tpu.memref_slice %arg4[%dma_start3A_263, %select_n3A, %select_n3A_45, %dma_start3A_264] : memref<20x26x32x4096xf32, #tpu.memory_space<hbm>> -> memref<1x1x1x4096xf32, #tpu.memory_space<hbm>>
      %dma_start3A_266 = tpu.memref_squeeze %dma_start3A_265 : memref<1x1x1x4096xf32, #tpu.memory_space<hbm>> -> memref<4096xf32, #tpu.memory_space<hbm>>
      %dma_start3A_267 = arith.constant 0 : i32
      %dma_start3A_268 = tpu.memref_slice %arg4[%dma_start3A_263, %select_n3A, %select_n3A_45, %dma_start3A_267] : memref<20x26x32x4096xf32, #tpu.memory_space<hbm>> -> memref<1x1x1x4096xf32, #tpu.memory_space<hbm>>
      %dma_start3A_269 = tpu.memref_squeeze %dma_start3A_268 : memref<1x1x1x4096xf32, #tpu.memory_space<hbm>> -> memref<4096xf32, #tpu.memory_space<hbm>>
      tpu.enqueue_dma source(%arg9 : memref<4096xf32, #tpu.memory_space<vmem>>) target(%dma_start3A_269 : memref<4096xf32, #tpu.memory_space<hbm>>) target_semaphore(%arg13 : memref<!tpu.dma_semaphore, #tpu.memory_space<semaphore_mem>>)
      %dma_start3A_270 = arith.constant 9 : i32
      %dma_start3A_271 = arith.constant 0 : i32
      %dma_start3A_272 = tpu.memref_slice %arg3[%select_n3A, %dma_start3A_270, %dma_start3A_271] : memref<26x20x4096xi32, #tpu.memory_space<hbm>> -> memref<1x1x4096xi32, #tpu.memory_space<hbm>>
      %dma_start3A_273 = tpu.memref_squeeze %dma_start3A_272 : memref<1x1x4096xi32, #tpu.memory_space<hbm>> -> memref<4096xi32, #tpu.memory_space<hbm>>
      %dma_start3A_274 = arith.constant 0 : i32
      %dma_start3A_275 = tpu.memref_slice %arg3[%select_n3A, %dma_start3A_270, %dma_start3A_274] : memref<26x20x4096xi32, #tpu.memory_space<hbm>> -> memref<1x1x4096xi32, #tpu.memory_space<hbm>>
      %dma_start3A_276 = tpu.memref_squeeze %dma_start3A_275 : memref<1x1x4096xi32, #tpu.memory_space<hbm>> -> memref<4096xi32, #tpu.memory_space<hbm>>
      tpu.enqueue_dma source(%dma_start3A_276 : memref<4096xi32, #tpu.memory_space<hbm>>) target(%arg7 : memref<4096xi32, #tpu.memory_space<vmem>>) target_semaphore(%arg11 : memref<!tpu.dma_semaphore, #tpu.memory_space<semaphore_mem>>)
      %dma_wait3A_277 = arith.constant 8 : i32
      %dma_wait3A_278 = arith.constant 0 : i32
      %dma_wait3A_279 = tpu.memref_slice %arg3[%select_n3A, %dma_wait3A_277, %dma_wait3A_278] : memref<26x20x4096xi32, #tpu.memory_space<hbm>> -> memref<1x1x4096xi32, #tpu.memory_space<hbm>>
      %dma_wait3A_280 = tpu.memref_squeeze %dma_wait3A_279 : memref<1x1x4096xi32, #tpu.memory_space<hbm>> -> memref<4096xi32, #tpu.memory_space<hbm>>
      %dma_wait3A_281 = arith.constant 0 : i32
      %dma_wait3A_282 = tpu.memref_slice %arg3[%select_n3A, %dma_wait3A_277, %dma_wait3A_281] : memref<26x20x4096xi32, #tpu.memory_space<hbm>> -> memref<1x1x4096xi32, #tpu.memory_space<hbm>>
      %dma_wait3A_283 = tpu.memref_squeeze %dma_wait3A_282 : memref<1x1x4096xi32, #tpu.memory_space<hbm>> -> memref<4096xi32, #tpu.memory_space<hbm>>
      tpu.wait_dma2 semaphore(%arg10 : memref<!tpu.dma_semaphore, #tpu.memory_space<semaphore_mem>>) src(%dma_wait3A_283 : memref<4096xi32, #tpu.memory_space<hbm>>) dst(%arg6 : memref<4096xi32, #tpu.memory_space<vmem>>)
      %dma_wait3A_284 = arith.constant 8 : i32
      %dma_wait3A_285 = arith.constant 0 : i32
      %dma_wait3A_286 = tpu.memref_slice %arg4[%dma_wait3A_284, %select_n3A, %select_n3A_45, %dma_wait3A_285] : memref<20x26x32x4096xf32, #tpu.memory_space<hbm>> -> memref<1x1x1x4096xf32, #tpu.memory_space<hbm>>
      %dma_wait3A_287 = tpu.memref_squeeze %dma_wait3A_286 : memref<1x1x1x4096xf32, #tpu.memory_space<hbm>> -> memref<4096xf32, #tpu.memory_space<hbm>>
      %dma_wait3A_288 = arith.constant 0 : i32
      %dma_wait3A_289 = tpu.memref_slice %arg4[%dma_wait3A_284, %select_n3A, %select_n3A_45, %dma_wait3A_288] : memref<20x26x32x4096xf32, #tpu.memory_space<hbm>> -> memref<1x1x1x4096xf32, #tpu.memory_space<hbm>>
      %dma_wait3A_290 = tpu.memref_squeeze %dma_wait3A_289 : memref<1x1x1x4096xf32, #tpu.memory_space<hbm>> -> memref<4096xf32, #tpu.memory_space<hbm>>
      tpu.wait_dma2 semaphore(%arg12 : memref<!tpu.dma_semaphore, #tpu.memory_space<semaphore_mem>>) src(%arg8 : memref<4096xf32, #tpu.memory_space<vmem>>) dst(%dma_wait3A_290 : memref<4096xf32, #tpu.memory_space<hbm>>)
      %parallel_loop3A_291 = arith.constant 0 : i32
      %parallel_loop3A_292 = arith.constant 4096 : i32
      %parallel_loop3A_293 = arith.constant 16 : i32
      scf.for %parallel_loop3A_649 = %parallel_loop3A_291 to %parallel_loop3A_292 step %parallel_loop3A_293  : i32 {
        %parallel_loop3A_650 = arith.index_cast %parallel_loop3A_649 : i32 to index
        %parallel_loop3A_651 = tpu.vector_load %arg6[%parallel_loop3A_650] {strides = array<i32>} : memref<4096xi32, #tpu.memory_space<vmem>>, vector<16xi32>,
        %parallel_loop3A_652 = tpu.vector_load_idx %arg5[%parallel_loop3A_651] : memref<100000xf32, #tpu.memory_space<vmem>>[vector<16xi32>], vector<16xf32>,
        %parallel_loop3A_653 = arith.index_cast %parallel_loop3A_649 : i32 to index
        %parallel_loop3A_654 = tpu.vector_load %arg8[%parallel_loop3A_653] {strides = array<i32>} : memref<4096xf32, #tpu.memory_space<vmem>>, vector<16xf32>,
        tpu.vector_store %arg8[%parallel_loop3A_653], %parallel_loop3A_652 {strides = array<i32>} : memref<4096xf32, #tpu.memory_space<vmem>>, vector<16xf32>,
      } {sc.loop_unroll_factor = 8 : i64, sc.parallel_access}
      %dma_start3A_294 = arith.constant 8 : i32
      %dma_start3A_295 = arith.constant 0 : i32
      %dma_start3A_296 = tpu.memref_slice %arg4[%dma_start3A_294, %select_n3A, %select_n3A_45, %dma_start3A_295] : memref<20x26x32x4096xf32, #tpu.memory_space<hbm>> -> memref<1x1x1x4096xf32, #tpu.memory_space<hbm>>
      %dma_start3A_297 = tpu.memref_squeeze %dma_start3A_296 : memref<1x1x1x4096xf32, #tpu.memory_space<hbm>> -> memref<4096xf32, #tpu.memory_space<hbm>>
      %dma_start3A_298 = arith.constant 0 : i32
      %dma_start3A_299 = tpu.memref_slice %arg4[%dma_start3A_294, %select_n3A, %select_n3A_45, %dma_start3A_298] : memref<20x26x32x4096xf32, #tpu.memory_space<hbm>> -> memref<1x1x1x4096xf32, #tpu.memory_space<hbm>>
      %dma_start3A_300 = tpu.memref_squeeze %dma_start3A_299 : memref<1x1x1x4096xf32, #tpu.memory_space<hbm>> -> memref<4096xf32, #tpu.memory_space<hbm>>
      tpu.enqueue_dma source(%arg8 : memref<4096xf32, #tpu.memory_space<vmem>>) target(%dma_start3A_300 : memref<4096xf32, #tpu.memory_space<hbm>>) target_semaphore(%arg12 : memref<!tpu.dma_semaphore, #tpu.memory_space<semaphore_mem>>)
      %dma_start3A_301 = arith.constant 10 : i32
      %dma_start3A_302 = arith.constant 0 : i32
      %dma_start3A_303 = tpu.memref_slice %arg3[%select_n3A, %dma_start3A_301, %dma_start3A_302] : memref<26x20x4096xi32, #tpu.memory_space<hbm>> -> memref<1x1x4096xi32, #tpu.memory_space<hbm>>
      %dma_start3A_304 = tpu.memref_squeeze %dma_start3A_303 : memref<1x1x4096xi32, #tpu.memory_space<hbm>> -> memref<4096xi32, #tpu.memory_space<hbm>>
      %dma_start3A_305 = arith.constant 0 : i32
      %dma_start3A_306 = tpu.memref_slice %arg3[%select_n3A, %dma_start3A_301, %dma_start3A_305] : memref<26x20x4096xi32, #tpu.memory_space<hbm>> -> memref<1x1x4096xi32, #tpu.memory_space<hbm>>
      %dma_start3A_307 = tpu.memref_squeeze %dma_start3A_306 : memref<1x1x4096xi32, #tpu.memory_space<hbm>> -> memref<4096xi32, #tpu.memory_space<hbm>>
      tpu.enqueue_dma source(%dma_start3A_307 : memref<4096xi32, #tpu.memory_space<hbm>>) target(%arg6 : memref<4096xi32, #tpu.memory_space<vmem>>) target_semaphore(%arg10 : memref<!tpu.dma_semaphore, #tpu.memory_space<semaphore_mem>>)
      %dma_wait3A_308 = arith.constant 9 : i32
      %dma_wait3A_309 = arith.constant 0 : i32
      %dma_wait3A_310 = tpu.memref_slice %arg3[%select_n3A, %dma_wait3A_308, %dma_wait3A_309] : memref<26x20x4096xi32, #tpu.memory_space<hbm>> -> memref<1x1x4096xi32, #tpu.memory_space<hbm>>
      %dma_wait3A_311 = tpu.memref_squeeze %dma_wait3A_310 : memref<1x1x4096xi32, #tpu.memory_space<hbm>> -> memref<4096xi32, #tpu.memory_space<hbm>>
      %dma_wait3A_312 = arith.constant 0 : i32
      %dma_wait3A_313 = tpu.memref_slice %arg3[%select_n3A, %dma_wait3A_308, %dma_wait3A_312] : memref<26x20x4096xi32, #tpu.memory_space<hbm>> -> memref<1x1x4096xi32, #tpu.memory_space<hbm>>
      %dma_wait3A_314 = tpu.memref_squeeze %dma_wait3A_313 : memref<1x1x4096xi32, #tpu.memory_space<hbm>> -> memref<4096xi32, #tpu.memory_space<hbm>>
      tpu.wait_dma2 semaphore(%arg11 : memref<!tpu.dma_semaphore, #tpu.memory_space<semaphore_mem>>) src(%dma_wait3A_314 : memref<4096xi32, #tpu.memory_space<hbm>>) dst(%arg7 : memref<4096xi32, #tpu.memory_space<vmem>>)
      %dma_wait3A_315 = arith.constant 9 : i32
      %dma_wait3A_316 = arith.constant 0 : i32
      %dma_wait3A_317 = tpu.memref_slice %arg4[%dma_wait3A_315, %select_n3A, %select_n3A_45, %dma_wait3A_316] : memref<20x26x32x4096xf32, #tpu.memory_space<hbm>> -> memref<1x1x1x4096xf32, #tpu.memory_space<hbm>>
      %dma_wait3A_318 = tpu.memref_squeeze %dma_wait3A_317 : memref<1x1x1x4096xf32, #tpu.memory_space<hbm>> -> memref<4096xf32, #tpu.memory_space<hbm>>
      %dma_wait3A_319 = arith.constant 0 : i32
      %dma_wait3A_320 = tpu.memref_slice %arg4[%dma_wait3A_315, %select_n3A, %select_n3A_45, %dma_wait3A_319] : memref<20x26x32x4096xf32, #tpu.memory_space<hbm>> -> memref<1x1x1x4096xf32, #tpu.memory_space<hbm>>
      %dma_wait3A_321 = tpu.memref_squeeze %dma_wait3A_320 : memref<1x1x1x4096xf32, #tpu.memory_space<hbm>> -> memref<4096xf32, #tpu.memory_space<hbm>>
      tpu.wait_dma2 semaphore(%arg13 : memref<!tpu.dma_semaphore, #tpu.memory_space<semaphore_mem>>) src(%arg9 : memref<4096xf32, #tpu.memory_space<vmem>>) dst(%dma_wait3A_321 : memref<4096xf32, #tpu.memory_space<hbm>>)
      %parallel_loop3A_322 = arith.constant 0 : i32
      %parallel_loop3A_323 = arith.constant 4096 : i32
      %parallel_loop3A_324 = arith.constant 16 : i32
      scf.for %parallel_loop3A_649 = %parallel_loop3A_322 to %parallel_loop3A_323 step %parallel_loop3A_324  : i32 {
        %parallel_loop3A_650 = arith.index_cast %parallel_loop3A_649 : i32 to index
        %parallel_loop3A_651 = tpu.vector_load %arg7[%parallel_loop3A_650] {strides = array<i32>} : memref<4096xi32, #tpu.memory_space<vmem>>, vector<16xi32>,
        %parallel_loop3A_652 = tpu.vector_load_idx %arg5[%parallel_loop3A_651] : memref<100000xf32, #tpu.memory_space<vmem>>[vector<16xi32>], vector<16xf32>,
        %parallel_loop3A_653 = arith.index_cast %parallel_loop3A_649 : i32 to index
        %parallel_loop3A_654 = tpu.vector_load %arg9[%parallel_loop3A_653] {strides = array<i32>} : memref<4096xf32, #tpu.memory_space<vmem>>, vector<16xf32>,
        tpu.vector_store %arg9[%parallel_loop3A_653], %parallel_loop3A_652 {strides = array<i32>} : memref<4096xf32, #tpu.memory_space<vmem>>, vector<16xf32>,
      } {sc.loop_unroll_factor = 8 : i64, sc.parallel_access}
      %dma_start3A_325 = arith.constant 9 : i32
      %dma_start3A_326 = arith.constant 0 : i32
      %dma_start3A_327 = tpu.memref_slice %arg4[%dma_start3A_325, %select_n3A, %select_n3A_45, %dma_start3A_326] : memref<20x26x32x4096xf32, #tpu.memory_space<hbm>> -> memref<1x1x1x4096xf32, #tpu.memory_space<hbm>>
      %dma_start3A_328 = tpu.memref_squeeze %dma_start3A_327 : memref<1x1x1x4096xf32, #tpu.memory_space<hbm>> -> memref<4096xf32, #tpu.memory_space<hbm>>
      %dma_start3A_329 = arith.constant 0 : i32
      %dma_start3A_330 = tpu.memref_slice %arg4[%dma_start3A_325, %select_n3A, %select_n3A_45, %dma_start3A_329] : memref<20x26x32x4096xf32, #tpu.memory_space<hbm>> -> memref<1x1x1x4096xf32, #tpu.memory_space<hbm>>
      %dma_start3A_331 = tpu.memref_squeeze %dma_start3A_330 : memref<1x1x1x4096xf32, #tpu.memory_space<hbm>> -> memref<4096xf32, #tpu.memory_space<hbm>>
      tpu.enqueue_dma source(%arg9 : memref<4096xf32, #tpu.memory_space<vmem>>) target(%dma_start3A_331 : memref<4096xf32, #tpu.memory_space<hbm>>) target_semaphore(%arg13 : memref<!tpu.dma_semaphore, #tpu.memory_space<semaphore_mem>>)
      %dma_start3A_332 = arith.constant 11 : i32
      %dma_start3A_333 = arith.constant 0 : i32
      %dma_start3A_334 = tpu.memref_slice %arg3[%select_n3A, %dma_start3A_332, %dma_start3A_333] : memref<26x20x4096xi32, #tpu.memory_space<hbm>> -> memref<1x1x4096xi32, #tpu.memory_space<hbm>>
      %dma_start3A_335 = tpu.memref_squeeze %dma_start3A_334 : memref<1x1x4096xi32, #tpu.memory_space<hbm>> -> memref<4096xi32, #tpu.memory_space<hbm>>
      %dma_start3A_336 = arith.constant 0 : i32
      %dma_start3A_337 = tpu.memref_slice %arg3[%select_n3A, %dma_start3A_332, %dma_start3A_336] : memref<26x20x4096xi32, #tpu.memory_space<hbm>> -> memref<1x1x4096xi32, #tpu.memory_space<hbm>>
      %dma_start3A_338 = tpu.memref_squeeze %dma_start3A_337 : memref<1x1x4096xi32, #tpu.memory_space<hbm>> -> memref<4096xi32, #tpu.memory_space<hbm>>
      tpu.enqueue_dma source(%dma_start3A_338 : memref<4096xi32, #tpu.memory_space<hbm>>) target(%arg7 : memref<4096xi32, #tpu.memory_space<vmem>>) target_semaphore(%arg11 : memref<!tpu.dma_semaphore, #tpu.memory_space<semaphore_mem>>)
      %dma_wait3A_339 = arith.constant 10 : i32
      %dma_wait3A_340 = arith.constant 0 : i32
      %dma_wait3A_341 = tpu.memref_slice %arg3[%select_n3A, %dma_wait3A_339, %dma_wait3A_340] : memref<26x20x4096xi32, #tpu.memory_space<hbm>> -> memref<1x1x4096xi32, #tpu.memory_space<hbm>>
      %dma_wait3A_342 = tpu.memref_squeeze %dma_wait3A_341 : memref<1x1x4096xi32, #tpu.memory_space<hbm>> -> memref<4096xi32, #tpu.memory_space<hbm>>
      %dma_wait3A_343 = arith.constant 0 : i32
      %dma_wait3A_344 = tpu.memref_slice %arg3[%select_n3A, %dma_wait3A_339, %dma_wait3A_343] : memref<26x20x4096xi32, #tpu.memory_space<hbm>> -> memref<1x1x4096xi32, #tpu.memory_space<hbm>>
      %dma_wait3A_345 = tpu.memref_squeeze %dma_wait3A_344 : memref<1x1x4096xi32, #tpu.memory_space<hbm>> -> memref<4096xi32, #tpu.memory_space<hbm>>
      tpu.wait_dma2 semaphore(%arg10 : memref<!tpu.dma_semaphore, #tpu.memory_space<semaphore_mem>>) src(%dma_wait3A_345 : memref<4096xi32, #tpu.memory_space<hbm>>) dst(%arg6 : memref<4096xi32, #tpu.memory_space<vmem>>)
      %dma_wait3A_346 = arith.constant 10 : i32
      %dma_wait3A_347 = arith.constant 0 : i32
      %dma_wait3A_348 = tpu.memref_slice %arg4[%dma_wait3A_346, %select_n3A, %select_n3A_45, %dma_wait3A_347] : memref<20x26x32x4096xf32, #tpu.memory_space<hbm>> -> memref<1x1x1x4096xf32, #tpu.memory_space<hbm>>
      %dma_wait3A_349 = tpu.memref_squeeze %dma_wait3A_348 : memref<1x1x1x4096xf32, #tpu.memory_space<hbm>> -> memref<4096xf32, #tpu.memory_space<hbm>>
      %dma_wait3A_350 = arith.constant 0 : i32
      %dma_wait3A_351 = tpu.memref_slice %arg4[%dma_wait3A_346, %select_n3A, %select_n3A_45, %dma_wait3A_350] : memref<20x26x32x4096xf32, #tpu.memory_space<hbm>> -> memref<1x1x1x4096xf32, #tpu.memory_space<hbm>>
      %dma_wait3A_352 = tpu.memref_squeeze %dma_wait3A_351 : memref<1x1x1x4096xf32, #tpu.memory_space<hbm>> -> memref<4096xf32, #tpu.memory_space<hbm>>
      tpu.wait_dma2 semaphore(%arg12 : memref<!tpu.dma_semaphore, #tpu.memory_space<semaphore_mem>>) src(%arg8 : memref<4096xf32, #tpu.memory_space<vmem>>) dst(%dma_wait3A_352 : memref<4096xf32, #tpu.memory_space<hbm>>)
      %parallel_loop3A_353 = arith.constant 0 : i32
      %parallel_loop3A_354 = arith.constant 4096 : i32
      %parallel_loop3A_355 = arith.constant 16 : i32
      scf.for %parallel_loop3A_649 = %parallel_loop3A_353 to %parallel_loop3A_354 step %parallel_loop3A_355  : i32 {
        %parallel_loop3A_650 = arith.index_cast %parallel_loop3A_649 : i32 to index
        %parallel_loop3A_651 = tpu.vector_load %arg6[%parallel_loop3A_650] {strides = array<i32>} : memref<4096xi32, #tpu.memory_space<vmem>>, vector<16xi32>,
        %parallel_loop3A_652 = tpu.vector_load_idx %arg5[%parallel_loop3A_651] : memref<100000xf32, #tpu.memory_space<vmem>>[vector<16xi32>], vector<16xf32>,
        %parallel_loop3A_653 = arith.index_cast %parallel_loop3A_649 : i32 to index
        %parallel_loop3A_654 = tpu.vector_load %arg8[%parallel_loop3A_653] {strides = array<i32>} : memref<4096xf32, #tpu.memory_space<vmem>>, vector<16xf32>,
        tpu.vector_store %arg8[%parallel_loop3A_653], %parallel_loop3A_652 {strides = array<i32>} : memref<4096xf32, #tpu.memory_space<vmem>>, vector<16xf32>,
      } {sc.loop_unroll_factor = 8 : i64, sc.parallel_access}
      %dma_start3A_356 = arith.constant 10 : i32
      %dma_start3A_357 = arith.constant 0 : i32
      %dma_start3A_358 = tpu.memref_slice %arg4[%dma_start3A_356, %select_n3A, %select_n3A_45, %dma_start3A_357] : memref<20x26x32x4096xf32, #tpu.memory_space<hbm>> -> memref<1x1x1x4096xf32, #tpu.memory_space<hbm>>
      %dma_start3A_359 = tpu.memref_squeeze %dma_start3A_358 : memref<1x1x1x4096xf32, #tpu.memory_space<hbm>> -> memref<4096xf32, #tpu.memory_space<hbm>>
      %dma_start3A_360 = arith.constant 0 : i32
      %dma_start3A_361 = tpu.memref_slice %arg4[%dma_start3A_356, %select_n3A, %select_n3A_45, %dma_start3A_360] : memref<20x26x32x4096xf32, #tpu.memory_space<hbm>> -> memref<1x1x1x4096xf32, #tpu.memory_space<hbm>>
      %dma_start3A_362 = tpu.memref_squeeze %dma_start3A_361 : memref<1x1x1x4096xf32, #tpu.memory_space<hbm>> -> memref<4096xf32, #tpu.memory_space<hbm>>
      tpu.enqueue_dma source(%arg8 : memref<4096xf32, #tpu.memory_space<vmem>>) target(%dma_start3A_362 : memref<4096xf32, #tpu.memory_space<hbm>>) target_semaphore(%arg12 : memref<!tpu.dma_semaphore, #tpu.memory_space<semaphore_mem>>)
      %dma_start3A_363 = arith.constant 12 : i32
      %dma_start3A_364 = arith.constant 0 : i32
      %dma_start3A_365 = tpu.memref_slice %arg3[%select_n3A, %dma_start3A_363, %dma_start3A_364] : memref<26x20x4096xi32, #tpu.memory_space<hbm>> -> memref<1x1x4096xi32, #tpu.memory_space<hbm>>
      %dma_start3A_366 = tpu.memref_squeeze %dma_start3A_365 : memref<1x1x4096xi32, #tpu.memory_space<hbm>> -> memref<4096xi32, #tpu.memory_space<hbm>>
      %dma_start3A_367 = arith.constant 0 : i32
      %dma_start3A_368 = tpu.memref_slice %arg3[%select_n3A, %dma_start3A_363, %dma_start3A_367] : memref<26x20x4096xi32, #tpu.memory_space<hbm>> -> memref<1x1x4096xi32, #tpu.memory_space<hbm>>
      %dma_start3A_369 = tpu.memref_squeeze %dma_start3A_368 : memref<1x1x4096xi32, #tpu.memory_space<hbm>> -> memref<4096xi32, #tpu.memory_space<hbm>>
      tpu.enqueue_dma source(%dma_start3A_369 : memref<4096xi32, #tpu.memory_space<hbm>>) target(%arg6 : memref<4096xi32, #tpu.memory_space<vmem>>) target_semaphore(%arg10 : memref<!tpu.dma_semaphore, #tpu.memory_space<semaphore_mem>>)
      %dma_wait3A_370 = arith.constant 11 : i32
      %dma_wait3A_371 = arith.constant 0 : i32
      %dma_wait3A_372 = tpu.memref_slice %arg3[%select_n3A, %dma_wait3A_370, %dma_wait3A_371] : memref<26x20x4096xi32, #tpu.memory_space<hbm>> -> memref<1x1x4096xi32, #tpu.memory_space<hbm>>
      %dma_wait3A_373 = tpu.memref_squeeze %dma_wait3A_372 : memref<1x1x4096xi32, #tpu.memory_space<hbm>> -> memref<4096xi32, #tpu.memory_space<hbm>>
      %dma_wait3A_374 = arith.constant 0 : i32
      %dma_wait3A_375 = tpu.memref_slice %arg3[%select_n3A, %dma_wait3A_370, %dma_wait3A_374] : memref<26x20x4096xi32, #tpu.memory_space<hbm>> -> memref<1x1x4096xi32, #tpu.memory_space<hbm>>
      %dma_wait3A_376 = tpu.memref_squeeze %dma_wait3A_375 : memref<1x1x4096xi32, #tpu.memory_space<hbm>> -> memref<4096xi32, #tpu.memory_space<hbm>>
      tpu.wait_dma2 semaphore(%arg11 : memref<!tpu.dma_semaphore, #tpu.memory_space<semaphore_mem>>) src(%dma_wait3A_376 : memref<4096xi32, #tpu.memory_space<hbm>>) dst(%arg7 : memref<4096xi32, #tpu.memory_space<vmem>>)
      %dma_wait3A_377 = arith.constant 11 : i32
      %dma_wait3A_378 = arith.constant 0 : i32
      %dma_wait3A_379 = tpu.memref_slice %arg4[%dma_wait3A_377, %select_n3A, %select_n3A_45, %dma_wait3A_378] : memref<20x26x32x4096xf32, #tpu.memory_space<hbm>> -> memref<1x1x1x4096xf32, #tpu.memory_space<hbm>>
      %dma_wait3A_380 = tpu.memref_squeeze %dma_wait3A_379 : memref<1x1x1x4096xf32, #tpu.memory_space<hbm>> -> memref<4096xf32, #tpu.memory_space<hbm>>
      %dma_wait3A_381 = arith.constant 0 : i32
      %dma_wait3A_382 = tpu.memref_slice %arg4[%dma_wait3A_377, %select_n3A, %select_n3A_45, %dma_wait3A_381] : memref<20x26x32x4096xf32, #tpu.memory_space<hbm>> -> memref<1x1x1x4096xf32, #tpu.memory_space<hbm>>
      %dma_wait3A_383 = tpu.memref_squeeze %dma_wait3A_382 : memref<1x1x1x4096xf32, #tpu.memory_space<hbm>> -> memref<4096xf32, #tpu.memory_space<hbm>>
      tpu.wait_dma2 semaphore(%arg13 : memref<!tpu.dma_semaphore, #tpu.memory_space<semaphore_mem>>) src(%arg9 : memref<4096xf32, #tpu.memory_space<vmem>>) dst(%dma_wait3A_383 : memref<4096xf32, #tpu.memory_space<hbm>>)
      %parallel_loop3A_384 = arith.constant 0 : i32
      %parallel_loop3A_385 = arith.constant 4096 : i32
      %parallel_loop3A_386 = arith.constant 16 : i32
      scf.for %parallel_loop3A_649 = %parallel_loop3A_384 to %parallel_loop3A_385 step %parallel_loop3A_386  : i32 {
        %parallel_loop3A_650 = arith.index_cast %parallel_loop3A_649 : i32 to index
        %parallel_loop3A_651 = tpu.vector_load %arg7[%parallel_loop3A_650] {strides = array<i32>} : memref<4096xi32, #tpu.memory_space<vmem>>, vector<16xi32>,
        %parallel_loop3A_652 = tpu.vector_load_idx %arg5[%parallel_loop3A_651] : memref<100000xf32, #tpu.memory_space<vmem>>[vector<16xi32>], vector<16xf32>,
        %parallel_loop3A_653 = arith.index_cast %parallel_loop3A_649 : i32 to index
        %parallel_loop3A_654 = tpu.vector_load %arg9[%parallel_loop3A_653] {strides = array<i32>} : memref<4096xf32, #tpu.memory_space<vmem>>, vector<16xf32>,
        tpu.vector_store %arg9[%parallel_loop3A_653], %parallel_loop3A_652 {strides = array<i32>} : memref<4096xf32, #tpu.memory_space<vmem>>, vector<16xf32>,
      } {sc.loop_unroll_factor = 8 : i64, sc.parallel_access}
      %dma_start3A_387 = arith.constant 11 : i32
      %dma_start3A_388 = arith.constant 0 : i32
      %dma_start3A_389 = tpu.memref_slice %arg4[%dma_start3A_387, %select_n3A, %select_n3A_45, %dma_start3A_388] : memref<20x26x32x4096xf32, #tpu.memory_space<hbm>> -> memref<1x1x1x4096xf32, #tpu.memory_space<hbm>>
      %dma_start3A_390 = tpu.memref_squeeze %dma_start3A_389 : memref<1x1x1x4096xf32, #tpu.memory_space<hbm>> -> memref<4096xf32, #tpu.memory_space<hbm>>
      %dma_start3A_391 = arith.constant 0 : i32
      %dma_start3A_392 = tpu.memref_slice %arg4[%dma_start3A_387, %select_n3A, %select_n3A_45, %dma_start3A_391] : memref<20x26x32x4096xf32, #tpu.memory_space<hbm>> -> memref<1x1x1x4096xf32, #tpu.memory_space<hbm>>
      %dma_start3A_393 = tpu.memref_squeeze %dma_start3A_392 : memref<1x1x1x4096xf32, #tpu.memory_space<hbm>> -> memref<4096xf32, #tpu.memory_space<hbm>>
      tpu.enqueue_dma source(%arg9 : memref<4096xf32, #tpu.memory_space<vmem>>) target(%dma_start3A_393 : memref<4096xf32, #tpu.memory_space<hbm>>) target_semaphore(%arg13 : memref<!tpu.dma_semaphore, #tpu.memory_space<semaphore_mem>>)
      %dma_start3A_394 = arith.constant 13 : i32
      %dma_start3A_395 = arith.constant 0 : i32
      %dma_start3A_396 = tpu.memref_slice %arg3[%select_n3A, %dma_start3A_394, %dma_start3A_395] : memref<26x20x4096xi32, #tpu.memory_space<hbm>> -> memref<1x1x4096xi32, #tpu.memory_space<hbm>>
      %dma_start3A_397 = tpu.memref_squeeze %dma_start3A_396 : memref<1x1x4096xi32, #tpu.memory_space<hbm>> -> memref<4096xi32, #tpu.memory_space<hbm>>
      %dma_start3A_398 = arith.constant 0 : i32
      %dma_start3A_399 = tpu.memref_slice %arg3[%select_n3A, %dma_start3A_394, %dma_start3A_398] : memref<26x20x4096xi32, #tpu.memory_space<hbm>> -> memref<1x1x4096xi32, #tpu.memory_space<hbm>>
      %dma_start3A_400 = tpu.memref_squeeze %dma_start3A_399 : memref<1x1x4096xi32, #tpu.memory_space<hbm>> -> memref<4096xi32, #tpu.memory_space<hbm>>
      tpu.enqueue_dma source(%dma_start3A_400 : memref<4096xi32, #tpu.memory_space<hbm>>) target(%arg7 : memref<4096xi32, #tpu.memory_space<vmem>>) target_semaphore(%arg11 : memref<!tpu.dma_semaphore, #tpu.memory_space<semaphore_mem>>)
      %dma_wait3A_401 = arith.constant 12 : i32
      %dma_wait3A_402 = arith.constant 0 : i32
      %dma_wait3A_403 = tpu.memref_slice %arg3[%select_n3A, %dma_wait3A_401, %dma_wait3A_402] : memref<26x20x4096xi32, #tpu.memory_space<hbm>> -> memref<1x1x4096xi32, #tpu.memory_space<hbm>>
      %dma_wait3A_404 = tpu.memref_squeeze %dma_wait3A_403 : memref<1x1x4096xi32, #tpu.memory_space<hbm>> -> memref<4096xi32, #tpu.memory_space<hbm>>
      %dma_wait3A_405 = arith.constant 0 : i32
      %dma_wait3A_406 = tpu.memref_slice %arg3[%select_n3A, %dma_wait3A_401, %dma_wait3A_405] : memref<26x20x4096xi32, #tpu.memory_space<hbm>> -> memref<1x1x4096xi32, #tpu.memory_space<hbm>>
      %dma_wait3A_407 = tpu.memref_squeeze %dma_wait3A_406 : memref<1x1x4096xi32, #tpu.memory_space<hbm>> -> memref<4096xi32, #tpu.memory_space<hbm>>
      tpu.wait_dma2 semaphore(%arg10 : memref<!tpu.dma_semaphore, #tpu.memory_space<semaphore_mem>>) src(%dma_wait3A_407 : memref<4096xi32, #tpu.memory_space<hbm>>) dst(%arg6 : memref<4096xi32, #tpu.memory_space<vmem>>)
      %dma_wait3A_408 = arith.constant 12 : i32
      %dma_wait3A_409 = arith.constant 0 : i32
      %dma_wait3A_410 = tpu.memref_slice %arg4[%dma_wait3A_408, %select_n3A, %select_n3A_45, %dma_wait3A_409] : memref<20x26x32x4096xf32, #tpu.memory_space<hbm>> -> memref<1x1x1x4096xf32, #tpu.memory_space<hbm>>
      %dma_wait3A_411 = tpu.memref_squeeze %dma_wait3A_410 : memref<1x1x1x4096xf32, #tpu.memory_space<hbm>> -> memref<4096xf32, #tpu.memory_space<hbm>>
      %dma_wait3A_412 = arith.constant 0 : i32
      %dma_wait3A_413 = tpu.memref_slice %arg4[%dma_wait3A_408, %select_n3A, %select_n3A_45, %dma_wait3A_412] : memref<20x26x32x4096xf32, #tpu.memory_space<hbm>> -> memref<1x1x1x4096xf32, #tpu.memory_space<hbm>>
      %dma_wait3A_414 = tpu.memref_squeeze %dma_wait3A_413 : memref<1x1x1x4096xf32, #tpu.memory_space<hbm>> -> memref<4096xf32, #tpu.memory_space<hbm>>
      tpu.wait_dma2 semaphore(%arg12 : memref<!tpu.dma_semaphore, #tpu.memory_space<semaphore_mem>>) src(%arg8 : memref<4096xf32, #tpu.memory_space<vmem>>) dst(%dma_wait3A_414 : memref<4096xf32, #tpu.memory_space<hbm>>)
      %parallel_loop3A_415 = arith.constant 0 : i32
      %parallel_loop3A_416 = arith.constant 4096 : i32
      %parallel_loop3A_417 = arith.constant 16 : i32
      scf.for %parallel_loop3A_649 = %parallel_loop3A_415 to %parallel_loop3A_416 step %parallel_loop3A_417  : i32 {
        %parallel_loop3A_650 = arith.index_cast %parallel_loop3A_649 : i32 to index
        %parallel_loop3A_651 = tpu.vector_load %arg6[%parallel_loop3A_650] {strides = array<i32>} : memref<4096xi32, #tpu.memory_space<vmem>>, vector<16xi32>,
        %parallel_loop3A_652 = tpu.vector_load_idx %arg5[%parallel_loop3A_651] : memref<100000xf32, #tpu.memory_space<vmem>>[vector<16xi32>], vector<16xf32>,
        %parallel_loop3A_653 = arith.index_cast %parallel_loop3A_649 : i32 to index
        %parallel_loop3A_654 = tpu.vector_load %arg8[%parallel_loop3A_653] {strides = array<i32>} : memref<4096xf32, #tpu.memory_space<vmem>>, vector<16xf32>,
        tpu.vector_store %arg8[%parallel_loop3A_653], %parallel_loop3A_652 {strides = array<i32>} : memref<4096xf32, #tpu.memory_space<vmem>>, vector<16xf32>,
      } {sc.loop_unroll_factor = 8 : i64, sc.parallel_access}
      %dma_start3A_418 = arith.constant 12 : i32
      %dma_start3A_419 = arith.constant 0 : i32
      %dma_start3A_420 = tpu.memref_slice %arg4[%dma_start3A_418, %select_n3A, %select_n3A_45, %dma_start3A_419] : memref<20x26x32x4096xf32, #tpu.memory_space<hbm>> -> memref<1x1x1x4096xf32, #tpu.memory_space<hbm>>
      %dma_start3A_421 = tpu.memref_squeeze %dma_start3A_420 : memref<1x1x1x4096xf32, #tpu.memory_space<hbm>> -> memref<4096xf32, #tpu.memory_space<hbm>>
      %dma_start3A_422 = arith.constant 0 : i32
      %dma_start3A_423 = tpu.memref_slice %arg4[%dma_start3A_418, %select_n3A, %select_n3A_45, %dma_start3A_422] : memref<20x26x32x4096xf32, #tpu.memory_space<hbm>> -> memref<1x1x1x4096xf32, #tpu.memory_space<hbm>>
      %dma_start3A_424 = tpu.memref_squeeze %dma_start3A_423 : memref<1x1x1x4096xf32, #tpu.memory_space<hbm>> -> memref<4096xf32, #tpu.memory_space<hbm>>
      tpu.enqueue_dma source(%arg8 : memref<4096xf32, #tpu.memory_space<vmem>>) target(%dma_start3A_424 : memref<4096xf32, #tpu.memory_space<hbm>>) target_semaphore(%arg12 : memref<!tpu.dma_semaphore, #tpu.memory_space<semaphore_mem>>)
      %dma_start3A_425 = arith.constant 14 : i32
      %dma_start3A_426 = arith.constant 0 : i32
      %dma_start3A_427 = tpu.memref_slice %arg3[%select_n3A, %dma_start3A_425, %dma_start3A_426] : memref<26x20x4096xi32, #tpu.memory_space<hbm>> -> memref<1x1x4096xi32, #tpu.memory_space<hbm>>
      %dma_start3A_428 = tpu.memref_squeeze %dma_start3A_427 : memref<1x1x4096xi32, #tpu.memory_space<hbm>> -> memref<4096xi32, #tpu.memory_space<hbm>>
      %dma_start3A_429 = arith.constant 0 : i32
      %dma_start3A_430 = tpu.memref_slice %arg3[%select_n3A, %dma_start3A_425, %dma_start3A_429] : memref<26x20x4096xi32, #tpu.memory_space<hbm>> -> memref<1x1x4096xi32, #tpu.memory_space<hbm>>
      %dma_start3A_431 = tpu.memref_squeeze %dma_start3A_430 : memref<1x1x4096xi32, #tpu.memory_space<hbm>> -> memref<4096xi32, #tpu.memory_space<hbm>>
      tpu.enqueue_dma source(%dma_start3A_431 : memref<4096xi32, #tpu.memory_space<hbm>>) target(%arg6 : memref<4096xi32, #tpu.memory_space<vmem>>) target_semaphore(%arg10 : memref<!tpu.dma_semaphore, #tpu.memory_space<semaphore_mem>>)
      %dma_wait3A_432 = arith.constant 13 : i32
      %dma_wait3A_433 = arith.constant 0 : i32
      %dma_wait3A_434 = tpu.memref_slice %arg3[%select_n3A, %dma_wait3A_432, %dma_wait3A_433] : memref<26x20x4096xi32, #tpu.memory_space<hbm>> -> memref<1x1x4096xi32, #tpu.memory_space<hbm>>
      %dma_wait3A_435 = tpu.memref_squeeze %dma_wait3A_434 : memref<1x1x4096xi32, #tpu.memory_space<hbm>> -> memref<4096xi32, #tpu.memory_space<hbm>>
      %dma_wait3A_436 = arith.constant 0 : i32
      %dma_wait3A_437 = tpu.memref_slice %arg3[%select_n3A, %dma_wait3A_432, %dma_wait3A_436] : memref<26x20x4096xi32, #tpu.memory_space<hbm>> -> memref<1x1x4096xi32, #tpu.memory_space<hbm>>
      %dma_wait3A_438 = tpu.memref_squeeze %dma_wait3A_437 : memref<1x1x4096xi32, #tpu.memory_space<hbm>> -> memref<4096xi32, #tpu.memory_space<hbm>>
      tpu.wait_dma2 semaphore(%arg11 : memref<!tpu.dma_semaphore, #tpu.memory_space<semaphore_mem>>) src(%dma_wait3A_438 : memref<4096xi32, #tpu.memory_space<hbm>>) dst(%arg7 : memref<4096xi32, #tpu.memory_space<vmem>>)
      %dma_wait3A_439 = arith.constant 13 : i32
      %dma_wait3A_440 = arith.constant 0 : i32
      %dma_wait3A_441 = tpu.memref_slice %arg4[%dma_wait3A_439, %select_n3A, %select_n3A_45, %dma_wait3A_440] : memref<20x26x32x4096xf32, #tpu.memory_space<hbm>> -> memref<1x1x1x4096xf32, #tpu.memory_space<hbm>>
      %dma_wait3A_442 = tpu.memref_squeeze %dma_wait3A_441 : memref<1x1x1x4096xf32, #tpu.memory_space<hbm>> -> memref<4096xf32, #tpu.memory_space<hbm>>
      %dma_wait3A_443 = arith.constant 0 : i32
      %dma_wait3A_444 = tpu.memref_slice %arg4[%dma_wait3A_439, %select_n3A, %select_n3A_45, %dma_wait3A_443] : memref<20x26x32x4096xf32, #tpu.memory_space<hbm>> -> memref<1x1x1x4096xf32, #tpu.memory_space<hbm>>
      %dma_wait3A_445 = tpu.memref_squeeze %dma_wait3A_444 : memref<1x1x1x4096xf32, #tpu.memory_space<hbm>> -> memref<4096xf32, #tpu.memory_space<hbm>>
      tpu.wait_dma2 semaphore(%arg13 : memref<!tpu.dma_semaphore, #tpu.memory_space<semaphore_mem>>) src(%arg9 : memref<4096xf32, #tpu.memory_space<vmem>>) dst(%dma_wait3A_445 : memref<4096xf32, #tpu.memory_space<hbm>>)
      %parallel_loop3A_446 = arith.constant 0 : i32
      %parallel_loop3A_447 = arith.constant 4096 : i32
      %parallel_loop3A_448 = arith.constant 16 : i32
      scf.for %parallel_loop3A_649 = %parallel_loop3A_446 to %parallel_loop3A_447 step %parallel_loop3A_448  : i32 {
        %parallel_loop3A_650 = arith.index_cast %parallel_loop3A_649 : i32 to index
        %parallel_loop3A_651 = tpu.vector_load %arg7[%parallel_loop3A_650] {strides = array<i32>} : memref<4096xi32, #tpu.memory_space<vmem>>, vector<16xi32>,
        %parallel_loop3A_652 = tpu.vector_load_idx %arg5[%parallel_loop3A_651] : memref<100000xf32, #tpu.memory_space<vmem>>[vector<16xi32>], vector<16xf32>,
        %parallel_loop3A_653 = arith.index_cast %parallel_loop3A_649 : i32 to index
        %parallel_loop3A_654 = tpu.vector_load %arg9[%parallel_loop3A_653] {strides = array<i32>} : memref<4096xf32, #tpu.memory_space<vmem>>, vector<16xf32>,
        tpu.vector_store %arg9[%parallel_loop3A_653], %parallel_loop3A_652 {strides = array<i32>} : memref<4096xf32, #tpu.memory_space<vmem>>, vector<16xf32>,
      } {sc.loop_unroll_factor = 8 : i64, sc.parallel_access}
      %dma_start3A_449 = arith.constant 13 : i32
      %dma_start3A_450 = arith.constant 0 : i32
      %dma_start3A_451 = tpu.memref_slice %arg4[%dma_start3A_449, %select_n3A, %select_n3A_45, %dma_start3A_450] : memref<20x26x32x4096xf32, #tpu.memory_space<hbm>> -> memref<1x1x1x4096xf32, #tpu.memory_space<hbm>>
      %dma_start3A_452 = tpu.memref_squeeze %dma_start3A_451 : memref<1x1x1x4096xf32, #tpu.memory_space<hbm>> -> memref<4096xf32, #tpu.memory_space<hbm>>
      %dma_start3A_453 = arith.constant 0 : i32
      %dma_start3A_454 = tpu.memref_slice %arg4[%dma_start3A_449, %select_n3A, %select_n3A_45, %dma_start3A_453] : memref<20x26x32x4096xf32, #tpu.memory_space<hbm>> -> memref<1x1x1x4096xf32, #tpu.memory_space<hbm>>
      %dma_start3A_455 = tpu.memref_squeeze %dma_start3A_454 : memref<1x1x1x4096xf32, #tpu.memory_space<hbm>> -> memref<4096xf32, #tpu.memory_space<hbm>>
      tpu.enqueue_dma source(%arg9 : memref<4096xf32, #tpu.memory_space<vmem>>) target(%dma_start3A_455 : memref<4096xf32, #tpu.memory_space<hbm>>) target_semaphore(%arg13 : memref<!tpu.dma_semaphore, #tpu.memory_space<semaphore_mem>>)
      %dma_start3A_456 = arith.constant 15 : i32
      %dma_start3A_457 = arith.constant 0 : i32
      %dma_start3A_458 = tpu.memref_slice %arg3[%select_n3A, %dma_start3A_456, %dma_start3A_457] : memref<26x20x4096xi32, #tpu.memory_space<hbm>> -> memref<1x1x4096xi32, #tpu.memory_space<hbm>>
      %dma_start3A_459 = tpu.memref_squeeze %dma_start3A_458 : memref<1x1x4096xi32, #tpu.memory_space<hbm>> -> memref<4096xi32, #tpu.memory_space<hbm>>
      %dma_start3A_460 = arith.constant 0 : i32
      %dma_start3A_461 = tpu.memref_slice %arg3[%select_n3A, %dma_start3A_456, %dma_start3A_460] : memref<26x20x4096xi32, #tpu.memory_space<hbm>> -> memref<1x1x4096xi32, #tpu.memory_space<hbm>>
      %dma_start3A_462 = tpu.memref_squeeze %dma_start3A_461 : memref<1x1x4096xi32, #tpu.memory_space<hbm>> -> memref<4096xi32, #tpu.memory_space<hbm>>
      tpu.enqueue_dma source(%dma_start3A_462 : memref<4096xi32, #tpu.memory_space<hbm>>) target(%arg7 : memref<4096xi32, #tpu.memory_space<vmem>>) target_semaphore(%arg11 : memref<!tpu.dma_semaphore, #tpu.memory_space<semaphore_mem>>)
      %dma_wait3A_463 = arith.constant 14 : i32
      %dma_wait3A_464 = arith.constant 0 : i32
      %dma_wait3A_465 = tpu.memref_slice %arg3[%select_n3A, %dma_wait3A_463, %dma_wait3A_464] : memref<26x20x4096xi32, #tpu.memory_space<hbm>> -> memref<1x1x4096xi32, #tpu.memory_space<hbm>>
      %dma_wait3A_466 = tpu.memref_squeeze %dma_wait3A_465 : memref<1x1x4096xi32, #tpu.memory_space<hbm>> -> memref<4096xi32, #tpu.memory_space<hbm>>
      %dma_wait3A_467 = arith.constant 0 : i32
      %dma_wait3A_468 = tpu.memref_slice %arg3[%select_n3A, %dma_wait3A_463, %dma_wait3A_467] : memref<26x20x4096xi32, #tpu.memory_space<hbm>> -> memref<1x1x4096xi32, #tpu.memory_space<hbm>>
      %dma_wait3A_469 = tpu.memref_squeeze %dma_wait3A_468 : memref<1x1x4096xi32, #tpu.memory_space<hbm>> -> memref<4096xi32, #tpu.memory_space<hbm>>
      tpu.wait_dma2 semaphore(%arg10 : memref<!tpu.dma_semaphore, #tpu.memory_space<semaphore_mem>>) src(%dma_wait3A_469 : memref<4096xi32, #tpu.memory_space<hbm>>) dst(%arg6 : memref<4096xi32, #tpu.memory_space<vmem>>)
      %dma_wait3A_470 = arith.constant 14 : i32
      %dma_wait3A_471 = arith.constant 0 : i32
      %dma_wait3A_472 = tpu.memref_slice %arg4[%dma_wait3A_470, %select_n3A, %select_n3A_45, %dma_wait3A_471] : memref<20x26x32x4096xf32, #tpu.memory_space<hbm>> -> memref<1x1x1x4096xf32, #tpu.memory_space<hbm>>
      %dma_wait3A_473 = tpu.memref_squeeze %dma_wait3A_472 : memref<1x1x1x4096xf32, #tpu.memory_space<hbm>> -> memref<4096xf32, #tpu.memory_space<hbm>>
      %dma_wait3A_474 = arith.constant 0 : i32
      %dma_wait3A_475 = tpu.memref_slice %arg4[%dma_wait3A_470, %select_n3A, %select_n3A_45, %dma_wait3A_474] : memref<20x26x32x4096xf32, #tpu.memory_space<hbm>> -> memref<1x1x1x4096xf32, #tpu.memory_space<hbm>>
      %dma_wait3A_476 = tpu.memref_squeeze %dma_wait3A_475 : memref<1x1x1x4096xf32, #tpu.memory_space<hbm>> -> memref<4096xf32, #tpu.memory_space<hbm>>
      tpu.wait_dma2 semaphore(%arg12 : memref<!tpu.dma_semaphore, #tpu.memory_space<semaphore_mem>>) src(%arg8 : memref<4096xf32, #tpu.memory_space<vmem>>) dst(%dma_wait3A_476 : memref<4096xf32, #tpu.memory_space<hbm>>)
      %parallel_loop3A_477 = arith.constant 0 : i32
      %parallel_loop3A_478 = arith.constant 4096 : i32
      %parallel_loop3A_479 = arith.constant 16 : i32
      scf.for %parallel_loop3A_649 = %parallel_loop3A_477 to %parallel_loop3A_478 step %parallel_loop3A_479  : i32 {
        %parallel_loop3A_650 = arith.index_cast %parallel_loop3A_649 : i32 to index
        %parallel_loop3A_651 = tpu.vector_load %arg6[%parallel_loop3A_650] {strides = array<i32>} : memref<4096xi32, #tpu.memory_space<vmem>>, vector<16xi32>,
        %parallel_loop3A_652 = tpu.vector_load_idx %arg5[%parallel_loop3A_651] : memref<100000xf32, #tpu.memory_space<vmem>>[vector<16xi32>], vector<16xf32>,
        %parallel_loop3A_653 = arith.index_cast %parallel_loop3A_649 : i32 to index
        %parallel_loop3A_654 = tpu.vector_load %arg8[%parallel_loop3A_653] {strides = array<i32>} : memref<4096xf32, #tpu.memory_space<vmem>>, vector<16xf32>,
        tpu.vector_store %arg8[%parallel_loop3A_653], %parallel_loop3A_652 {strides = array<i32>} : memref<4096xf32, #tpu.memory_space<vmem>>, vector<16xf32>,
      } {sc.loop_unroll_factor = 8 : i64, sc.parallel_access}
      %dma_start3A_480 = arith.constant 14 : i32
      %dma_start3A_481 = arith.constant 0 : i32
      %dma_start3A_482 = tpu.memref_slice %arg4[%dma_start3A_480, %select_n3A, %select_n3A_45, %dma_start3A_481] : memref<20x26x32x4096xf32, #tpu.memory_space<hbm>> -> memref<1x1x1x4096xf32, #tpu.memory_space<hbm>>
      %dma_start3A_483 = tpu.memref_squeeze %dma_start3A_482 : memref<1x1x1x4096xf32, #tpu.memory_space<hbm>> -> memref<4096xf32, #tpu.memory_space<hbm>>
      %dma_start3A_484 = arith.constant 0 : i32
      %dma_start3A_485 = tpu.memref_slice %arg4[%dma_start3A_480, %select_n3A, %select_n3A_45, %dma_start3A_484] : memref<20x26x32x4096xf32, #tpu.memory_space<hbm>> -> memref<1x1x1x4096xf32, #tpu.memory_space<hbm>>
      %dma_start3A_486 = tpu.memref_squeeze %dma_start3A_485 : memref<1x1x1x4096xf32, #tpu.memory_space<hbm>> -> memref<4096xf32, #tpu.memory_space<hbm>>
      tpu.enqueue_dma source(%arg8 : memref<4096xf32, #tpu.memory_space<vmem>>) target(%dma_start3A_486 : memref<4096xf32, #tpu.memory_space<hbm>>) target_semaphore(%arg12 : memref<!tpu.dma_semaphore, #tpu.memory_space<semaphore_mem>>)
      %dma_start3A_487 = arith.constant 16 : i32
      %dma_start3A_488 = arith.constant 0 : i32
      %dma_start3A_489 = tpu.memref_slice %arg3[%select_n3A, %dma_start3A_487, %dma_start3A_488] : memref<26x20x4096xi32, #tpu.memory_space<hbm>> -> memref<1x1x4096xi32, #tpu.memory_space<hbm>>
      %dma_start3A_490 = tpu.memref_squeeze %dma_start3A_489 : memref<1x1x4096xi32, #tpu.memory_space<hbm>> -> memref<4096xi32, #tpu.memory_space<hbm>>
      %dma_start3A_491 = arith.constant 0 : i32
      %dma_start3A_492 = tpu.memref_slice %arg3[%select_n3A, %dma_start3A_487, %dma_start3A_491] : memref<26x20x4096xi32, #tpu.memory_space<hbm>> -> memref<1x1x4096xi32, #tpu.memory_space<hbm>>
      %dma_start3A_493 = tpu.memref_squeeze %dma_start3A_492 : memref<1x1x4096xi32, #tpu.memory_space<hbm>> -> memref<4096xi32, #tpu.memory_space<hbm>>
      tpu.enqueue_dma source(%dma_start3A_493 : memref<4096xi32, #tpu.memory_space<hbm>>) target(%arg6 : memref<4096xi32, #tpu.memory_space<vmem>>) target_semaphore(%arg10 : memref<!tpu.dma_semaphore, #tpu.memory_space<semaphore_mem>>)
      %dma_wait3A_494 = arith.constant 15 : i32
      %dma_wait3A_495 = arith.constant 0 : i32
      %dma_wait3A_496 = tpu.memref_slice %arg3[%select_n3A, %dma_wait3A_494, %dma_wait3A_495] : memref<26x20x4096xi32, #tpu.memory_space<hbm>> -> memref<1x1x4096xi32, #tpu.memory_space<hbm>>
      %dma_wait3A_497 = tpu.memref_squeeze %dma_wait3A_496 : memref<1x1x4096xi32, #tpu.memory_space<hbm>> -> memref<4096xi32, #tpu.memory_space<hbm>>
      %dma_wait3A_498 = arith.constant 0 : i32
      %dma_wait3A_499 = tpu.memref_slice %arg3[%select_n3A, %dma_wait3A_494, %dma_wait3A_498] : memref<26x20x4096xi32, #tpu.memory_space<hbm>> -> memref<1x1x4096xi32, #tpu.memory_space<hbm>>
      %dma_wait3A_500 = tpu.memref_squeeze %dma_wait3A_499 : memref<1x1x4096xi32, #tpu.memory_space<hbm>> -> memref<4096xi32, #tpu.memory_space<hbm>>
      tpu.wait_dma2 semaphore(%arg11 : memref<!tpu.dma_semaphore, #tpu.memory_space<semaphore_mem>>) src(%dma_wait3A_500 : memref<4096xi32, #tpu.memory_space<hbm>>) dst(%arg7 : memref<4096xi32, #tpu.memory_space<vmem>>)
      %dma_wait3A_501 = arith.constant 15 : i32
      %dma_wait3A_502 = arith.constant 0 : i32
      %dma_wait3A_503 = tpu.memref_slice %arg4[%dma_wait3A_501, %select_n3A, %select_n3A_45, %dma_wait3A_502] : memref<20x26x32x4096xf32, #tpu.memory_space<hbm>> -> memref<1x1x1x4096xf32, #tpu.memory_space<hbm>>
      %dma_wait3A_504 = tpu.memref_squeeze %dma_wait3A_503 : memref<1x1x1x4096xf32, #tpu.memory_space<hbm>> -> memref<4096xf32, #tpu.memory_space<hbm>>
      %dma_wait3A_505 = arith.constant 0 : i32
      %dma_wait3A_506 = tpu.memref_slice %arg4[%dma_wait3A_501, %select_n3A, %select_n3A_45, %dma_wait3A_505] : memref<20x26x32x4096xf32, #tpu.memory_space<hbm>> -> memref<1x1x1x4096xf32, #tpu.memory_space<hbm>>
      %dma_wait3A_507 = tpu.memref_squeeze %dma_wait3A_506 : memref<1x1x1x4096xf32, #tpu.memory_space<hbm>> -> memref<4096xf32, #tpu.memory_space<hbm>>
      tpu.wait_dma2 semaphore(%arg13 : memref<!tpu.dma_semaphore, #tpu.memory_space<semaphore_mem>>) src(%arg9 : memref<4096xf32, #tpu.memory_space<vmem>>) dst(%dma_wait3A_507 : memref<4096xf32, #tpu.memory_space<hbm>>)
      %parallel_loop3A_508 = arith.constant 0 : i32
      %parallel_loop3A_509 = arith.constant 4096 : i32
      %parallel_loop3A_510 = arith.constant 16 : i32
      scf.for %parallel_loop3A_649 = %parallel_loop3A_508 to %parallel_loop3A_509 step %parallel_loop3A_510  : i32 {
        %parallel_loop3A_650 = arith.index_cast %parallel_loop3A_649 : i32 to index
        %parallel_loop3A_651 = tpu.vector_load %arg7[%parallel_loop3A_650] {strides = array<i32>} : memref<4096xi32, #tpu.memory_space<vmem>>, vector<16xi32>,
        %parallel_loop3A_652 = tpu.vector_load_idx %arg5[%parallel_loop3A_651] : memref<100000xf32, #tpu.memory_space<vmem>>[vector<16xi32>], vector<16xf32>,
        %parallel_loop3A_653 = arith.index_cast %parallel_loop3A_649 : i32 to index
        %parallel_loop3A_654 = tpu.vector_load %arg9[%parallel_loop3A_653] {strides = array<i32>} : memref<4096xf32, #tpu.memory_space<vmem>>, vector<16xf32>,
        tpu.vector_store %arg9[%parallel_loop3A_653], %parallel_loop3A_652 {strides = array<i32>} : memref<4096xf32, #tpu.memory_space<vmem>>, vector<16xf32>,
      } {sc.loop_unroll_factor = 8 : i64, sc.parallel_access}
      %dma_start3A_511 = arith.constant 15 : i32
      %dma_start3A_512 = arith.constant 0 : i32
      %dma_start3A_513 = tpu.memref_slice %arg4[%dma_start3A_511, %select_n3A, %select_n3A_45, %dma_start3A_512] : memref<20x26x32x4096xf32, #tpu.memory_space<hbm>> -> memref<1x1x1x4096xf32, #tpu.memory_space<hbm>>
      %dma_start3A_514 = tpu.memref_squeeze %dma_start3A_513 : memref<1x1x1x4096xf32, #tpu.memory_space<hbm>> -> memref<4096xf32, #tpu.memory_space<hbm>>
      %dma_start3A_515 = arith.constant 0 : i32
      %dma_start3A_516 = tpu.memref_slice %arg4[%dma_start3A_511, %select_n3A, %select_n3A_45, %dma_start3A_515] : memref<20x26x32x4096xf32, #tpu.memory_space<hbm>> -> memref<1x1x1x4096xf32, #tpu.memory_space<hbm>>
      %dma_start3A_517 = tpu.memref_squeeze %dma_start3A_516 : memref<1x1x1x4096xf32, #tpu.memory_space<hbm>> -> memref<4096xf32, #tpu.memory_space<hbm>>
      tpu.enqueue_dma source(%arg9 : memref<4096xf32, #tpu.memory_space<vmem>>) target(%dma_start3A_517 : memref<4096xf32, #tpu.memory_space<hbm>>) target_semaphore(%arg13 : memref<!tpu.dma_semaphore, #tpu.memory_space<semaphore_mem>>)
      %dma_start3A_518 = arith.constant 17 : i32
      %dma_start3A_519 = arith.constant 0 : i32
      %dma_start3A_520 = tpu.memref_slice %arg3[%select_n3A, %dma_start3A_518, %dma_start3A_519] : memref<26x20x4096xi32, #tpu.memory_space<hbm>> -> memref<1x1x4096xi32, #tpu.memory_space<hbm>>
      %dma_start3A_521 = tpu.memref_squeeze %dma_start3A_520 : memref<1x1x4096xi32, #tpu.memory_space<hbm>> -> memref<4096xi32, #tpu.memory_space<hbm>>
      %dma_start3A_522 = arith.constant 0 : i32
      %dma_start3A_523 = tpu.memref_slice %arg3[%select_n3A, %dma_start3A_518, %dma_start3A_522] : memref<26x20x4096xi32, #tpu.memory_space<hbm>> -> memref<1x1x4096xi32, #tpu.memory_space<hbm>>
      %dma_start3A_524 = tpu.memref_squeeze %dma_start3A_523 : memref<1x1x4096xi32, #tpu.memory_space<hbm>> -> memref<4096xi32, #tpu.memory_space<hbm>>
      tpu.enqueue_dma source(%dma_start3A_524 : memref<4096xi32, #tpu.memory_space<hbm>>) target(%arg7 : memref<4096xi32, #tpu.memory_space<vmem>>) target_semaphore(%arg11 : memref<!tpu.dma_semaphore, #tpu.memory_space<semaphore_mem>>)
      %dma_wait3A_525 = arith.constant 16 : i32
      %dma_wait3A_526 = arith.constant 0 : i32
      %dma_wait3A_527 = tpu.memref_slice %arg3[%select_n3A, %dma_wait3A_525, %dma_wait3A_526] : memref<26x20x4096xi32, #tpu.memory_space<hbm>> -> memref<1x1x4096xi32, #tpu.memory_space<hbm>>
      %dma_wait3A_528 = tpu.memref_squeeze %dma_wait3A_527 : memref<1x1x4096xi32, #tpu.memory_space<hbm>> -> memref<4096xi32, #tpu.memory_space<hbm>>
      %dma_wait3A_529 = arith.constant 0 : i32
      %dma_wait3A_530 = tpu.memref_slice %arg3[%select_n3A, %dma_wait3A_525, %dma_wait3A_529] : memref<26x20x4096xi32, #tpu.memory_space<hbm>> -> memref<1x1x4096xi32, #tpu.memory_space<hbm>>
      %dma_wait3A_531 = tpu.memref_squeeze %dma_wait3A_530 : memref<1x1x4096xi32, #tpu.memory_space<hbm>> -> memref<4096xi32, #tpu.memory_space<hbm>>
      tpu.wait_dma2 semaphore(%arg10 : memref<!tpu.dma_semaphore, #tpu.memory_space<semaphore_mem>>) src(%dma_wait3A_531 : memref<4096xi32, #tpu.memory_space<hbm>>) dst(%arg6 : memref<4096xi32, #tpu.memory_space<vmem>>)
      %dma_wait3A_532 = arith.constant 16 : i32
      %dma_wait3A_533 = arith.constant 0 : i32
      %dma_wait3A_534 = tpu.memref_slice %arg4[%dma_wait3A_532, %select_n3A, %select_n3A_45, %dma_wait3A_533] : memref<20x26x32x4096xf32, #tpu.memory_space<hbm>> -> memref<1x1x1x4096xf32, #tpu.memory_space<hbm>>
      %dma_wait3A_535 = tpu.memref_squeeze %dma_wait3A_534 : memref<1x1x1x4096xf32, #tpu.memory_space<hbm>> -> memref<4096xf32, #tpu.memory_space<hbm>>
      %dma_wait3A_536 = arith.constant 0 : i32
      %dma_wait3A_537 = tpu.memref_slice %arg4[%dma_wait3A_532, %select_n3A, %select_n3A_45, %dma_wait3A_536] : memref<20x26x32x4096xf32, #tpu.memory_space<hbm>> -> memref<1x1x1x4096xf32, #tpu.memory_space<hbm>>
      %dma_wait3A_538 = tpu.memref_squeeze %dma_wait3A_537 : memref<1x1x1x4096xf32, #tpu.memory_space<hbm>> -> memref<4096xf32, #tpu.memory_space<hbm>>
      tpu.wait_dma2 semaphore(%arg12 : memref<!tpu.dma_semaphore, #tpu.memory_space<semaphore_mem>>) src(%arg8 : memref<4096xf32, #tpu.memory_space<vmem>>) dst(%dma_wait3A_538 : memref<4096xf32, #tpu.memory_space<hbm>>)
      %parallel_loop3A_539 = arith.constant 0 : i32
      %parallel_loop3A_540 = arith.constant 4096 : i32
      %parallel_loop3A_541 = arith.constant 16 : i32
      scf.for %parallel_loop3A_649 = %parallel_loop3A_539 to %parallel_loop3A_540 step %parallel_loop3A_541  : i32 {
        %parallel_loop3A_650 = arith.index_cast %parallel_loop3A_649 : i32 to index
        %parallel_loop3A_651 = tpu.vector_load %arg6[%parallel_loop3A_650] {strides = array<i32>} : memref<4096xi32, #tpu.memory_space<vmem>>, vector<16xi32>,
        %parallel_loop3A_652 = tpu.vector_load_idx %arg5[%parallel_loop3A_651] : memref<100000xf32, #tpu.memory_space<vmem>>[vector<16xi32>], vector<16xf32>,
        %parallel_loop3A_653 = arith.index_cast %parallel_loop3A_649 : i32 to index
        %parallel_loop3A_654 = tpu.vector_load %arg8[%parallel_loop3A_653] {strides = array<i32>} : memref<4096xf32, #tpu.memory_space<vmem>>, vector<16xf32>,
        tpu.vector_store %arg8[%parallel_loop3A_653], %parallel_loop3A_652 {strides = array<i32>} : memref<4096xf32, #tpu.memory_space<vmem>>, vector<16xf32>,
      } {sc.loop_unroll_factor = 8 : i64, sc.parallel_access}
      %dma_start3A_542 = arith.constant 16 : i32
      %dma_start3A_543 = arith.constant 0 : i32
      %dma_start3A_544 = tpu.memref_slice %arg4[%dma_start3A_542, %select_n3A, %select_n3A_45, %dma_start3A_543] : memref<20x26x32x4096xf32, #tpu.memory_space<hbm>> -> memref<1x1x1x4096xf32, #tpu.memory_space<hbm>>
      %dma_start3A_545 = tpu.memref_squeeze %dma_start3A_544 : memref<1x1x1x4096xf32, #tpu.memory_space<hbm>> -> memref<4096xf32, #tpu.memory_space<hbm>>
      %dma_start3A_546 = arith.constant 0 : i32
      %dma_start3A_547 = tpu.memref_slice %arg4[%dma_start3A_542, %select_n3A, %select_n3A_45, %dma_start3A_546] : memref<20x26x32x4096xf32, #tpu.memory_space<hbm>> -> memref<1x1x1x4096xf32, #tpu.memory_space<hbm>>
      %dma_start3A_548 = tpu.memref_squeeze %dma_start3A_547 : memref<1x1x1x4096xf32, #tpu.memory_space<hbm>> -> memref<4096xf32, #tpu.memory_space<hbm>>
      tpu.enqueue_dma source(%arg8 : memref<4096xf32, #tpu.memory_space<vmem>>) target(%dma_start3A_548 : memref<4096xf32, #tpu.memory_space<hbm>>) target_semaphore(%arg12 : memref<!tpu.dma_semaphore, #tpu.memory_space<semaphore_mem>>)
      %dma_start3A_549 = arith.constant 18 : i32
      %dma_start3A_550 = arith.constant 0 : i32
      %dma_start3A_551 = tpu.memref_slice %arg3[%select_n3A, %dma_start3A_549, %dma_start3A_550] : memref<26x20x4096xi32, #tpu.memory_space<hbm>> -> memref<1x1x4096xi32, #tpu.memory_space<hbm>>
      %dma_start3A_552 = tpu.memref_squeeze %dma_start3A_551 : memref<1x1x4096xi32, #tpu.memory_space<hbm>> -> memref<4096xi32, #tpu.memory_space<hbm>>
      %dma_start3A_553 = arith.constant 0 : i32
      %dma_start3A_554 = tpu.memref_slice %arg3[%select_n3A, %dma_start3A_549, %dma_start3A_553] : memref<26x20x4096xi32, #tpu.memory_space<hbm>> -> memref<1x1x4096xi32, #tpu.memory_space<hbm>>
      %dma_start3A_555 = tpu.memref_squeeze %dma_start3A_554 : memref<1x1x4096xi32, #tpu.memory_space<hbm>> -> memref<4096xi32, #tpu.memory_space<hbm>>
      tpu.enqueue_dma source(%dma_start3A_555 : memref<4096xi32, #tpu.memory_space<hbm>>) target(%arg6 : memref<4096xi32, #tpu.memory_space<vmem>>) target_semaphore(%arg10 : memref<!tpu.dma_semaphore, #tpu.memory_space<semaphore_mem>>)
      %dma_wait3A_556 = arith.constant 17 : i32
      %dma_wait3A_557 = arith.constant 0 : i32
      %dma_wait3A_558 = tpu.memref_slice %arg3[%select_n3A, %dma_wait3A_556, %dma_wait3A_557] : memref<26x20x4096xi32, #tpu.memory_space<hbm>> -> memref<1x1x4096xi32, #tpu.memory_space<hbm>>
      %dma_wait3A_559 = tpu.memref_squeeze %dma_wait3A_558 : memref<1x1x4096xi32, #tpu.memory_space<hbm>> -> memref<4096xi32, #tpu.memory_space<hbm>>
      %dma_wait3A_560 = arith.constant 0 : i32
      %dma_wait3A_561 = tpu.memref_slice %arg3[%select_n3A, %dma_wait3A_556, %dma_wait3A_560] : memref<26x20x4096xi32, #tpu.memory_space<hbm>> -> memref<1x1x4096xi32, #tpu.memory_space<hbm>>
      %dma_wait3A_562 = tpu.memref_squeeze %dma_wait3A_561 : memref<1x1x4096xi32, #tpu.memory_space<hbm>> -> memref<4096xi32, #tpu.memory_space<hbm>>
      tpu.wait_dma2 semaphore(%arg11 : memref<!tpu.dma_semaphore, #tpu.memory_space<semaphore_mem>>) src(%dma_wait3A_562 : memref<4096xi32, #tpu.memory_space<hbm>>) dst(%arg7 : memref<4096xi32, #tpu.memory_space<vmem>>)
      %dma_wait3A_563 = arith.constant 17 : i32
      %dma_wait3A_564 = arith.constant 0 : i32
      %dma_wait3A_565 = tpu.memref_slice %arg4[%dma_wait3A_563, %select_n3A, %select_n3A_45, %dma_wait3A_564] : memref<20x26x32x4096xf32, #tpu.memory_space<hbm>> -> memref<1x1x1x4096xf32, #tpu.memory_space<hbm>>
      %dma_wait3A_566 = tpu.memref_squeeze %dma_wait3A_565 : memref<1x1x1x4096xf32, #tpu.memory_space<hbm>> -> memref<4096xf32, #tpu.memory_space<hbm>>
      %dma_wait3A_567 = arith.constant 0 : i32
      %dma_wait3A_568 = tpu.memref_slice %arg4[%dma_wait3A_563, %select_n3A, %select_n3A_45, %dma_wait3A_567] : memref<20x26x32x4096xf32, #tpu.memory_space<hbm>> -> memref<1x1x1x4096xf32, #tpu.memory_space<hbm>>
      %dma_wait3A_569 = tpu.memref_squeeze %dma_wait3A_568 : memref<1x1x1x4096xf32, #tpu.memory_space<hbm>> -> memref<4096xf32, #tpu.memory_space<hbm>>
      tpu.wait_dma2 semaphore(%arg13 : memref<!tpu.dma_semaphore, #tpu.memory_space<semaphore_mem>>) src(%arg9 : memref<4096xf32, #tpu.memory_space<vmem>>) dst(%dma_wait3A_569 : memref<4096xf32, #tpu.memory_space<hbm>>)
      %parallel_loop3A_570 = arith.constant 0 : i32
      %parallel_loop3A_571 = arith.constant 4096 : i32
      %parallel_loop3A_572 = arith.constant 16 : i32
      scf.for %parallel_loop3A_649 = %parallel_loop3A_570 to %parallel_loop3A_571 step %parallel_loop3A_572  : i32 {
        %parallel_loop3A_650 = arith.index_cast %parallel_loop3A_649 : i32 to index
        %parallel_loop3A_651 = tpu.vector_load %arg7[%parallel_loop3A_650] {strides = array<i32>} : memref<4096xi32, #tpu.memory_space<vmem>>, vector<16xi32>,
        %parallel_loop3A_652 = tpu.vector_load_idx %arg5[%parallel_loop3A_651] : memref<100000xf32, #tpu.memory_space<vmem>>[vector<16xi32>], vector<16xf32>,
        %parallel_loop3A_653 = arith.index_cast %parallel_loop3A_649 : i32 to index
        %parallel_loop3A_654 = tpu.vector_load %arg9[%parallel_loop3A_653] {strides = array<i32>} : memref<4096xf32, #tpu.memory_space<vmem>>, vector<16xf32>,
        tpu.vector_store %arg9[%parallel_loop3A_653], %parallel_loop3A_652 {strides = array<i32>} : memref<4096xf32, #tpu.memory_space<vmem>>, vector<16xf32>,
      } {sc.loop_unroll_factor = 8 : i64, sc.parallel_access}
      %dma_start3A_573 = arith.constant 17 : i32
      %dma_start3A_574 = arith.constant 0 : i32
      %dma_start3A_575 = tpu.memref_slice %arg4[%dma_start3A_573, %select_n3A, %select_n3A_45, %dma_start3A_574] : memref<20x26x32x4096xf32, #tpu.memory_space<hbm>> -> memref<1x1x1x4096xf32, #tpu.memory_space<hbm>>
      %dma_start3A_576 = tpu.memref_squeeze %dma_start3A_575 : memref<1x1x1x4096xf32, #tpu.memory_space<hbm>> -> memref<4096xf32, #tpu.memory_space<hbm>>
      %dma_start3A_577 = arith.constant 0 : i32
      %dma_start3A_578 = tpu.memref_slice %arg4[%dma_start3A_573, %select_n3A, %select_n3A_45, %dma_start3A_577] : memref<20x26x32x4096xf32, #tpu.memory_space<hbm>> -> memref<1x1x1x4096xf32, #tpu.memory_space<hbm>>
      %dma_start3A_579 = tpu.memref_squeeze %dma_start3A_578 : memref<1x1x1x4096xf32, #tpu.memory_space<hbm>> -> memref<4096xf32, #tpu.memory_space<hbm>>
      tpu.enqueue_dma source(%arg9 : memref<4096xf32, #tpu.memory_space<vmem>>) target(%dma_start3A_579 : memref<4096xf32, #tpu.memory_space<hbm>>) target_semaphore(%arg13 : memref<!tpu.dma_semaphore, #tpu.memory_space<semaphore_mem>>)
      %dma_start3A_580 = arith.constant 19 : i32
      %dma_start3A_581 = arith.constant 0 : i32
      %dma_start3A_582 = tpu.memref_slice %arg3[%select_n3A, %dma_start3A_580, %dma_start3A_581] : memref<26x20x4096xi32, #tpu.memory_space<hbm>> -> memref<1x1x4096xi32, #tpu.memory_space<hbm>>
      %dma_start3A_583 = tpu.memref_squeeze %dma_start3A_582 : memref<1x1x4096xi32, #tpu.memory_space<hbm>> -> memref<4096xi32, #tpu.memory_space<hbm>>
      %dma_start3A_584 = arith.constant 0 : i32
      %dma_start3A_585 = tpu.memref_slice %arg3[%select_n3A, %dma_start3A_580, %dma_start3A_584] : memref<26x20x4096xi32, #tpu.memory_space<hbm>> -> memref<1x1x4096xi32, #tpu.memory_space<hbm>>
      %dma_start3A_586 = tpu.memref_squeeze %dma_start3A_585 : memref<1x1x4096xi32, #tpu.memory_space<hbm>> -> memref<4096xi32, #tpu.memory_space<hbm>>
      tpu.enqueue_dma source(%dma_start3A_586 : memref<4096xi32, #tpu.memory_space<hbm>>) target(%arg7 : memref<4096xi32, #tpu.memory_space<vmem>>) target_semaphore(%arg11 : memref<!tpu.dma_semaphore, #tpu.memory_space<semaphore_mem>>)
      %dma_wait3A_587 = arith.constant 18 : i32
      %dma_wait3A_588 = arith.constant 0 : i32
      %dma_wait3A_589 = tpu.memref_slice %arg3[%select_n3A, %dma_wait3A_587, %dma_wait3A_588] : memref<26x20x4096xi32, #tpu.memory_space<hbm>> -> memref<1x1x4096xi32, #tpu.memory_space<hbm>>
      %dma_wait3A_590 = tpu.memref_squeeze %dma_wait3A_589 : memref<1x1x4096xi32, #tpu.memory_space<hbm>> -> memref<4096xi32, #tpu.memory_space<hbm>>
      %dma_wait3A_591 = arith.constant 0 : i32
      %dma_wait3A_592 = tpu.memref_slice %arg3[%select_n3A, %dma_wait3A_587, %dma_wait3A_591] : memref<26x20x4096xi32, #tpu.memory_space<hbm>> -> memref<1x1x4096xi32, #tpu.memory_space<hbm>>
      %dma_wait3A_593 = tpu.memref_squeeze %dma_wait3A_592 : memref<1x1x4096xi32, #tpu.memory_space<hbm>> -> memref<4096xi32, #tpu.memory_space<hbm>>
      tpu.wait_dma2 semaphore(%arg10 : memref<!tpu.dma_semaphore, #tpu.memory_space<semaphore_mem>>) src(%dma_wait3A_593 : memref<4096xi32, #tpu.memory_space<hbm>>) dst(%arg6 : memref<4096xi32, #tpu.memory_space<vmem>>)
      %dma_wait3A_594 = arith.constant 18 : i32
      %dma_wait3A_595 = arith.constant 0 : i32
      %dma_wait3A_596 = tpu.memref_slice %arg4[%dma_wait3A_594, %select_n3A, %select_n3A_45, %dma_wait3A_595] : memref<20x26x32x4096xf32, #tpu.memory_space<hbm>> -> memref<1x1x1x4096xf32, #tpu.memory_space<hbm>>
      %dma_wait3A_597 = tpu.memref_squeeze %dma_wait3A_596 : memref<1x1x1x4096xf32, #tpu.memory_space<hbm>> -> memref<4096xf32, #tpu.memory_space<hbm>>
      %dma_wait3A_598 = arith.constant 0 : i32
      %dma_wait3A_599 = tpu.memref_slice %arg4[%dma_wait3A_594, %select_n3A, %select_n3A_45, %dma_wait3A_598] : memref<20x26x32x4096xf32, #tpu.memory_space<hbm>> -> memref<1x1x1x4096xf32, #tpu.memory_space<hbm>>
      %dma_wait3A_600 = tpu.memref_squeeze %dma_wait3A_599 : memref<1x1x1x4096xf32, #tpu.memory_space<hbm>> -> memref<4096xf32, #tpu.memory_space<hbm>>
      tpu.wait_dma2 semaphore(%arg12 : memref<!tpu.dma_semaphore, #tpu.memory_space<semaphore_mem>>) src(%arg8 : memref<4096xf32, #tpu.memory_space<vmem>>) dst(%dma_wait3A_600 : memref<4096xf32, #tpu.memory_space<hbm>>)
      %parallel_loop3A_601 = arith.constant 0 : i32
      %parallel_loop3A_602 = arith.constant 4096 : i32
      %parallel_loop3A_603 = arith.constant 16 : i32
      scf.for %parallel_loop3A_649 = %parallel_loop3A_601 to %parallel_loop3A_602 step %parallel_loop3A_603  : i32 {
        %parallel_loop3A_650 = arith.index_cast %parallel_loop3A_649 : i32 to index
        %parallel_loop3A_651 = tpu.vector_load %arg6[%parallel_loop3A_650] {strides = array<i32>} : memref<4096xi32, #tpu.memory_space<vmem>>, vector<16xi32>,
        %parallel_loop3A_652 = tpu.vector_load_idx %arg5[%parallel_loop3A_651] : memref<100000xf32, #tpu.memory_space<vmem>>[vector<16xi32>], vector<16xf32>,
        %parallel_loop3A_653 = arith.index_cast %parallel_loop3A_649 : i32 to index
        %parallel_loop3A_654 = tpu.vector_load %arg8[%parallel_loop3A_653] {strides = array<i32>} : memref<4096xf32, #tpu.memory_space<vmem>>, vector<16xf32>,
        tpu.vector_store %arg8[%parallel_loop3A_653], %parallel_loop3A_652 {strides = array<i32>} : memref<4096xf32, #tpu.memory_space<vmem>>, vector<16xf32>,
      } {sc.loop_unroll_factor = 8 : i64, sc.parallel_access}
      %dma_start3A_604 = arith.constant 18 : i32
      %dma_start3A_605 = arith.constant 0 : i32
      %dma_start3A_606 = tpu.memref_slice %arg4[%dma_start3A_604, %select_n3A, %select_n3A_45, %dma_start3A_605] : memref<20x26x32x4096xf32, #tpu.memory_space<hbm>> -> memref<1x1x1x4096xf32, #tpu.memory_space<hbm>>
      %dma_start3A_607 = tpu.memref_squeeze %dma_start3A_606 : memref<1x1x1x4096xf32, #tpu.memory_space<hbm>> -> memref<4096xf32, #tpu.memory_space<hbm>>
      %dma_start3A_608 = arith.constant 0 : i32
      %dma_start3A_609 = tpu.memref_slice %arg4[%dma_start3A_604, %select_n3A, %select_n3A_45, %dma_start3A_608] : memref<20x26x32x4096xf32, #tpu.memory_space<hbm>> -> memref<1x1x1x4096xf32, #tpu.memory_space<hbm>>
      %dma_start3A_610 = tpu.memref_squeeze %dma_start3A_609 : memref<1x1x1x4096xf32, #tpu.memory_space<hbm>> -> memref<4096xf32, #tpu.memory_space<hbm>>
      tpu.enqueue_dma source(%arg8 : memref<4096xf32, #tpu.memory_space<vmem>>) target(%dma_start3A_610 : memref<4096xf32, #tpu.memory_space<hbm>>) target_semaphore(%arg12 : memref<!tpu.dma_semaphore, #tpu.memory_space<semaphore_mem>>)
      %dma_wait3A_611 = arith.constant 19 : i32
      %dma_wait3A_612 = arith.constant 0 : i32
      %dma_wait3A_613 = tpu.memref_slice %arg3[%select_n3A, %dma_wait3A_611, %dma_wait3A_612] : memref<26x20x4096xi32, #tpu.memory_space<hbm>> -> memref<1x1x4096xi32, #tpu.memory_space<hbm>>
      %dma_wait3A_614 = tpu.memref_squeeze %dma_wait3A_613 : memref<1x1x4096xi32, #tpu.memory_space<hbm>> -> memref<4096xi32, #tpu.memory_space<hbm>>
      %dma_wait3A_615 = arith.constant 0 : i32
      %dma_wait3A_616 = tpu.memref_slice %arg3[%select_n3A, %dma_wait3A_611, %dma_wait3A_615] : memref<26x20x4096xi32, #tpu.memory_space<hbm>> -> memref<1x1x4096xi32, #tpu.memory_space<hbm>>
      %dma_wait3A_617 = tpu.memref_squeeze %dma_wait3A_616 : memref<1x1x4096xi32, #tpu.memory_space<hbm>> -> memref<4096xi32, #tpu.memory_space<hbm>>
      tpu.wait_dma2 semaphore(%arg11 : memref<!tpu.dma_semaphore, #tpu.memory_space<semaphore_mem>>) src(%dma_wait3A_617 : memref<4096xi32, #tpu.memory_space<hbm>>) dst(%arg7 : memref<4096xi32, #tpu.memory_space<vmem>>)
      %dma_wait3A_618 = arith.constant 19 : i32
      %dma_wait3A_619 = arith.constant 0 : i32
      %dma_wait3A_620 = tpu.memref_slice %arg4[%dma_wait3A_618, %select_n3A, %select_n3A_45, %dma_wait3A_619] : memref<20x26x32x4096xf32, #tpu.memory_space<hbm>> -> memref<1x1x1x4096xf32, #tpu.memory_space<hbm>>
      %dma_wait3A_621 = tpu.memref_squeeze %dma_wait3A_620 : memref<1x1x1x4096xf32, #tpu.memory_space<hbm>> -> memref<4096xf32, #tpu.memory_space<hbm>>
      %dma_wait3A_622 = arith.constant 0 : i32
      %dma_wait3A_623 = tpu.memref_slice %arg4[%dma_wait3A_618, %select_n3A, %select_n3A_45, %dma_wait3A_622] : memref<20x26x32x4096xf32, #tpu.memory_space<hbm>> -> memref<1x1x1x4096xf32, #tpu.memory_space<hbm>>
      %dma_wait3A_624 = tpu.memref_squeeze %dma_wait3A_623 : memref<1x1x1x4096xf32, #tpu.memory_space<hbm>> -> memref<4096xf32, #tpu.memory_space<hbm>>
      tpu.wait_dma2 semaphore(%arg13 : memref<!tpu.dma_semaphore, #tpu.memory_space<semaphore_mem>>) src(%arg9 : memref<4096xf32, #tpu.memory_space<vmem>>) dst(%dma_wait3A_624 : memref<4096xf32, #tpu.memory_space<hbm>>)
      %parallel_loop3A_625 = arith.constant 0 : i32
      %parallel_loop3A_626 = arith.constant 4096 : i32
      %parallel_loop3A_627 = arith.constant 16 : i32
      scf.for %parallel_loop3A_649 = %parallel_loop3A_625 to %parallel_loop3A_626 step %parallel_loop3A_627  : i32 {
        %parallel_loop3A_650 = arith.index_cast %parallel_loop3A_649 : i32 to index
        %parallel_loop3A_651 = tpu.vector_load %arg7[%parallel_loop3A_650] {strides = array<i32>} : memref<4096xi32, #tpu.memory_space<vmem>>, vector<16xi32>,
        %parallel_loop3A_652 = tpu.vector_load_idx %arg5[%parallel_loop3A_651] : memref<100000xf32, #tpu.memory_space<vmem>>[vector<16xi32>], vector<16xf32>,
        %parallel_loop3A_653 = arith.index_cast %parallel_loop3A_649 : i32 to index
        %parallel_loop3A_654 = tpu.vector_load %arg9[%parallel_loop3A_653] {strides = array<i32>} : memref<4096xf32, #tpu.memory_space<vmem>>, vector<16xf32>,
        tpu.vector_store %arg9[%parallel_loop3A_653], %parallel_loop3A_652 {strides = array<i32>} : memref<4096xf32, #tpu.memory_space<vmem>>, vector<16xf32>,
      } {sc.loop_unroll_factor = 8 : i64, sc.parallel_access}
      %dma_start3A_628 = arith.constant 19 : i32
      %dma_start3A_629 = arith.constant 0 : i32
      %dma_start3A_630 = tpu.memref_slice %arg4[%dma_start3A_628, %select_n3A, %select_n3A_45, %dma_start3A_629] : memref<20x26x32x4096xf32, #tpu.memory_space<hbm>> -> memref<1x1x1x4096xf32, #tpu.memory_space<hbm>>
      %dma_start3A_631 = tpu.memref_squeeze %dma_start3A_630 : memref<1x1x1x4096xf32, #tpu.memory_space<hbm>> -> memref<4096xf32, #tpu.memory_space<hbm>>
      %dma_start3A_632 = arith.constant 0 : i32
      %dma_start3A_633 = tpu.memref_slice %arg4[%dma_start3A_628, %select_n3A, %select_n3A_45, %dma_start3A_632] : memref<20x26x32x4096xf32, #tpu.memory_space<hbm>> -> memref<1x1x1x4096xf32, #tpu.memory_space<hbm>>
      %dma_start3A_634 = tpu.memref_squeeze %dma_start3A_633 : memref<1x1x1x4096xf32, #tpu.memory_space<hbm>> -> memref<4096xf32, #tpu.memory_space<hbm>>
      tpu.enqueue_dma source(%arg9 : memref<4096xf32, #tpu.memory_space<vmem>>) target(%dma_start3A_634 : memref<4096xf32, #tpu.memory_space<hbm>>) target_semaphore(%arg13 : memref<!tpu.dma_semaphore, #tpu.memory_space<semaphore_mem>>)
      %dma_wait3A_635 = arith.constant 18 : i32
      %dma_wait3A_636 = arith.constant 0 : i32
      %dma_wait3A_637 = tpu.memref_slice %arg4[%dma_wait3A_635, %select_n3A, %select_n3A_45, %dma_wait3A_636] : memref<20x26x32x4096xf32, #tpu.memory_space<hbm>> -> memref<1x1x1x4096xf32, #tpu.memory_space<hbm>>
      %dma_wait3A_638 = tpu.memref_squeeze %dma_wait3A_637 : memref<1x1x1x4096xf32, #tpu.memory_space<hbm>> -> memref<4096xf32, #tpu.memory_space<hbm>>
      %dma_wait3A_639 = arith.constant 0 : i32
      %dma_wait3A_640 = tpu.memref_slice %arg4[%dma_wait3A_635, %select_n3A, %select_n3A_45, %dma_wait3A_639] : memref<20x26x32x4096xf32, #tpu.memory_space<hbm>> -> memref<1x1x1x4096xf32, #tpu.memory_space<hbm>>
      %dma_wait3A_641 = tpu.memref_squeeze %dma_wait3A_640 : memref<1x1x1x4096xf32, #tpu.memory_space<hbm>> -> memref<4096xf32, #tpu.memory_space<hbm>>
      tpu.wait_dma2 semaphore(%arg12 : memref<!tpu.dma_semaphore, #tpu.memory_space<semaphore_mem>>) src(%arg8 : memref<4096xf32, #tpu.memory_space<vmem>>) dst(%dma_wait3A_641 : memref<4096xf32, #tpu.memory_space<hbm>>)
      %dma_wait3A_642 = arith.constant 19 : i32
      %dma_wait3A_643 = arith.constant 0 : i32
      %dma_wait3A_644 = tpu.memref_slice %arg4[%dma_wait3A_642, %select_n3A, %select_n3A_45, %dma_wait3A_643] : memref<20x26x32x4096xf32, #tpu.memory_space<hbm>> -> memref<1x1x1x4096xf32, #tpu.memory_space<hbm>>
      %dma_wait3A_645 = tpu.memref_squeeze %dma_wait3A_644 : memref<1x1x1x4096xf32, #tpu.memory_space<hbm>> -> memref<4096xf32, #tpu.memory_space<hbm>>
      %dma_wait3A_646 = arith.constant 0 : i32
      %dma_wait3A_647 = tpu.memref_slice %arg4[%dma_wait3A_642, %select_n3A, %select_n3A_45, %dma_wait3A_646] : memref<20x26x32x4096xf32, #tpu.memory_space<hbm>> -> memref<1x1x1x4096xf32, #tpu.memory_space<hbm>>
      %dma_wait3A_648 = tpu.memref_squeeze %dma_wait3A_647 : memref<1x1x1x4096xf32, #tpu.memory_space<hbm>> -> memref<4096xf32, #tpu.memory_space<hbm>>
      tpu.wait_dma2 semaphore(%arg13 : memref<!tpu.dma_semaphore, #tpu.memory_space<semaphore_mem>>) src(%arg9 : memref<4096xf32, #tpu.memory_space<vmem>>) dst(%dma_wait3A_648 : memref<4096xf32, #tpu.memory_space<hbm>>)
    }
    return
  }
}

</mosaic_0001>

<sc_bundles>
// kernel: kernel.3.cloned.1.call-start
scs
__scs_entry_jumppad:
0x0: {  	(pc) =	sbr.rel $0x88, $3  }
0x1: {  	(tag) =	ssettag $0x0;
	lr =	simm.s32 $0x1  }
0x2: {  	[smem:$0x3F9F] =	sst lr;
	_ =	strace $0xD0000000  }
0x3: {  	_ = 	snop  }
0x4: {  	_ = 	snop  }
0x5: {  	_ = 	snop  }
0x6: {  	_ = 	snop  }
0x7: {  	_ = 	snop  }
__scs_overlays_trampoline_lowered:
0x8: {  	[smem:$0x3FAE] =	sst s0  }
0x9: {  	[smem:$0x3FAF] =	sst s1  }
0xa: {  	[smem:$0x3FB0] =	sst s2  }
0xb: {  	[smem:$0x3FB1] =	sst s3  }
0xc: {  	[smem:$0x3FB2] =	sst s4  }
0xd: {  	[smem:$0x3FB3] =	sst s5  }
0xe: {  	[smem:$0x3FB4] =	sst s6  }
0xf: {  	[smem:$0x3FB5] =	sst s7  }
0x10: {  	[smem:$0x3FB6] =	sst s8  }
0x11: {  	[smem:$0x3FB7] =	sst s9;
	s0 =	simm.s32 @!p0 $0x0  }
0x12: {  	s1 =	sld [smem:$0x3F9D];
	s0 =	simm.s32 @p0 $0x1  }
0x13: {  	[smem:$0x3FB8] =	sst s0;
	s0 =	simm.s32 @!p1 $0x0  }
0x14: {  	s2 =	sld [smem:$0x3F9C];
	s0 =	simm.s32 @p1 $0x1  }
0x15: {  	[smem:$0x3FB9] =	sst s0;
	s0 =	simm.s32 @!p2 $0x0  }
0x16: {  	s3 =	sld [smem:$0x3FDB];
	s0 =	simm.s32 @p2 $0x1  }
0x17: {  	s4 =	simm.s32 $0x1BF5;
	[smem:$0x3FBB] =	sst s0  }
0x18: {  	s0 =	sld [smem:$0x3F9E];
	_ =	swait.ge [sflag:s4], $0x0  }
0x19: {  	s7 =	sld [smem:$0x3F9F]  }
0x1a: {  	s8 =	sadd.s32 $0xFFFFE003, lr  }
0x1b: {  	s9 =	sadd.s32 $0xFFFFFEF7, lr;
	s5 =	simm.s32 $0xFFFFFFFF;
	p2 =	slt.u32 s8, $0xFFFFF086  }
0x1c: {  	p1 =	slt.u32 s9, $0xF7A;
	s5 =	simm.s32 @!p2 $0x0  }
0x1d: {  	s5 =	simm.s32 @p1 $0x1;
	p0 =	seq.s32 s7, s2  }
0x1e: {  	s7 =	smul.u32 @!p0 $0xF7A, s2;
	p2 =	seq.s32 @!p0 s5, $0x0  }
0x1f: {  	s9 =	smul.u32 $0xF7A, s1;
	s8 =	simm.s32 @!p0 $0x1BF5;
	p2 =	por !p2, p0  }
0x20: {  	[sflag:s8] =	ssyncset.s32 @!p0 $0xFFFFF086;
	s6 =	sadd.s32 @!p0 s3, s7;
	s7 =	simm.s32 @!p0 $0x108  }
0x21: {  	s3 =	sadd.s32 s3, s9;
	s6 =	sadd.s32 @!p0 $0x88, s6;
	s7 =	simm.s32 @p2 $0x1082  }
0x22: {  	[simem:s7], [sflag:s8] =	dma.local @!p0 [hbm:s6], $0xF7A  }
0x23: {  	s9 =	sor.u32 $0xD0000000, s2;
	s6 =	simm.s32 $0x108;
	_ =	swait.ge @!p0 [sflag:s8], $0x0  }
0x24: {  	s3 =	sadd.s32 $0x88, s3;
	s6 =	simm.s32 @!p1 $0x1082;
	[sflag:s4] =	ssyncset.s32 $0xFFFFF086  }
0x25: {  	[simem:s6], [sflag:s4] =	dma.local [hbm:s3], $0xF7A  }
0x26: {  	[smem:$0x3F9F] =	sst s1;
	(tag) =	ssettag s2;
	_ =	strace s9  }
0x27: {  	s1 =	sld [smem:$0x3FAF]  }
0x28: {  	s2 =	sld [smem:$0x3FB0]  }
0x29: {  	s4 =	sld [smem:$0x3FB2]  }
0x2a: {  	p0 =	seq.s32 s5, $0x0;
	s5 =	sld [smem:$0x3FB3]  }
0x2b: {  	s6 =	sld [smem:$0x3FB4]  }
0x2c: {  	s7 =	sld [smem:$0x3FB5]  }
0x2d: {  	s3 =	simm.s32 $0x108;
	s8 =	sld [smem:$0x3FB6]  }
0x2e: {  	s3 =	simm.s32 @!p0 $0x1082;
	s9 =	sld [smem:$0x3FB7]  }
0x2f: {  	lr =	sadd.s32 s0, s3;
	s0 =	sld [smem:$0x3FAE]  }
0x30: {  	s3 =	sld [smem:$0x3FB1]  }
0x31: {  	[smem:$0x3FBA] =	sst s10  }
0x32: {  	s10 =	sld [smem:$0x3FB8];
	_ =	sdelay $0x3  }
0x33: {  	p0 =	seq.s32 s10, $0x1;
	s10 =	sld [smem:$0x3FBA];
	_ =	sdelay $0x3  }
0x34: {  	[smem:$0x3FBA] =	sst s10  }
0x35: {  	s10 =	sld [smem:$0x3FB9];
	_ =	sdelay $0x3  }
0x36: {  	p1 =	seq.s32 s10, $0x1;
	s10 =	sld [smem:$0x3FBA];
	_ =	sdelay $0x3  }
0x37: {  	[smem:$0x3FBA] =	sst s10  }
0x38: {  	s10 =	sld [smem:$0x3FBB]  }
0x39: {  	_ = 	snop;
	(pc) =	sbr.ind lr, $3  }
0x3a: {  	_ = 	snop  }
0x3b: {  	_ = 	snop  }
0x3c: {  	p2 =	seq.s32 s10, $0x1;
	s10 =	sld [smem:$0x3FBA]  }
0x3d: {  	_ =	shalt  }
0x3e: {  	_ =	shalt  }
0x3f: {  	_ =	shalt  }
0x40: {  	_ =	shalt  }
0x41: {  	_ =	shalt  }
0x42: {  	_ =	shalt  }
0x43: {  	_ =	shalt  }
0x44: {  	_ =	shalt  }
0x45: {  	_ =	shalt  }
0x46: {  	_ =	shalt  }
0x47: {  	_ =	shalt  }
0x48: {  	_ =	shalt  }
0x49: {  	_ =	shalt  }
0x4a: {  	_ =	shalt  }
0x4b: {  	_ =	shalt  }
0x4c: {  	_ =	shalt  }
0x4d: {  	_ =	shalt  }
0x4e: {  	_ =	shalt  }
0x4f: {  	_ =	shalt  }
0x50: {  	_ =	shalt  }
0x51: {  	_ =	shalt  }
0x52: {  	_ =	shalt  }
0x53: {  	_ =	shalt  }
0x54: {  	_ =	shalt  }
0x55: {  	_ =	shalt  }
0x56: {  	_ =	shalt  }
0x57: {  	_ =	shalt  }
0x58: {  	_ =	shalt  }
0x59: {  	_ =	shalt  }
0x5a: {  	_ =	shalt  }
0x5b: {  	_ =	shalt  }
0x5c: {  	_ =	shalt  }
0x5d: {  	_ =	shalt  }
0x5e: {  	_ =	shalt  }
0x5f: {  	_ =	shalt  }
0x60: {  	_ =	shalt  }
0x61: {  	_ =	shalt  }
0x62: {  	_ =	shalt  }
0x63: {  	_ =	shalt  }
0x64: {  	_ =	shalt  }
0x65: {  	_ =	shalt  }
0x66: {  	_ =	shalt  }
0x67: {  	_ =	shalt  }
0x68: {  	_ =	shalt  }
0x69: {  	_ =	shalt  }
0x6a: {  	_ =	shalt  }
0x6b: {  	_ =	shalt  }
0x6c: {  	_ =	shalt  }
0x6d: {  	_ =	shalt  }
0x6e: {  	_ =	shalt  }
0x6f: {  	_ =	shalt  }
0x70: {  	_ =	shalt  }
0x71: {  	_ =	shalt  }
0x72: {  	_ =	shalt  }
0x73: {  	_ =	shalt  }
0x74: {  	_ =	shalt  }
0x75: {  	_ =	shalt  }
0x76: {  	_ =	shalt  }
0x77: {  	_ =	shalt  }
0x78: {  	_ =	shalt  }
0x79: {  	_ =	shalt  }
0x7a: {  	_ =	shalt  }
0x7b: {  	_ =	shalt  }
0x7c: {  	_ =	shalt  }
0x7d: {  	_ =	shalt  }
0x7e: {  	_ =	shalt  }
0x7f: {  	_ =	shalt  }
0x80: {  	_ =	shalt  }
0x81: {  	_ =	shalt  }
0x82: {  	_ =	shalt  }
0x83: {  	_ =	shalt  }
0x84: {  	_ =	shalt  }
0x85: {  	_ =	shalt  }
0x86: {  	_ =	shalt  }
0x87: {  	_ =	shalt  }
.Lfunc_end0:
.L_simem_size_0:
called_computation_lowered:
.L_overlay_start_0:
0x88: {  	s2 =	sld [smem:$0x3FD9]  }
0x89: {  	s3 =	sld [smem:$0x3FFE];
	_ =	sdelay $0x1  }
0x8a: {  	s1 =	srdreg.scid  }
0x8b: {  	s0 =	sand.u32 $0x1, s1  }
0x8c: {  	s18 =	sshll.u32 s0, $0xA;
	s2 =	sadd.s32 s3, s2  }
0x8d: {  	s2 =	sadd.s32 s2, s18  }
0x8e: {  	[smem:$0x3FC6] =	sst s2  }
0x8f: {  	_ = 	snop  }
0x90: {  	s2 =	sld [smem:$0x3FC9]  }
0x91: {  	s19 =	sld [smem:$0x3FC8]  }
0x92: {  	s4 =	sld [smem:$0x3FD0];
	(tm) =	ssettm $0x1  }
0x93: {  	s5 =	sld [smem:$0x3FFB];
	_ =	sdelay $0x3  }
0x94: {  	_ =	strace s5  }
0x95: {  	s5 =	sld [smem:$0x3FFC];
	_ =	sdelay $0x3  }
0x96: {  	_ =	strace s5  }
0x97: {  	s5 =	sld [smem:$0x3FFD];
	_ =	sdelay $0x3  }
0x98: {  	_ =	strace s5  }
0x99: {  	_ =	strace $0x8FFFFFFF  }
0x9a: {  	s20 =	sld [smem:$0x3FDB];
	_ =	sdelay $0x1  }
0x9b: {  	s6 =	simm.s32 $_scs_section_size  }
0x9c: {  	s7 =	simm.s32 $_size__tile_overlayer_lowered;
	s8 =	simm.s32 $_tile_overlayer_lowered  }
0x9d: {  	s23 =	simm.s32 $0x1BFF;
	s22 =	sshll.u32 s8, $0x1;
	s5 =	sadd.s32 s6, s20  }
0x9e: {  	s9 =	simm.s32 $0x0;
	s21 =	sshll.u32 s7, $0x1;
	s7 =	sadd.s32 s22, s5  }
0x9f: {  	[timem:s9], [sflag:s23] =	dma.local [hbm:s7], s21  }
0xa0: {  	_ =	swait.ge [sflag:s23], s21  }
0xa1: {  	s6 =	ssub.s32 $0x0, s21;
	[sflag:s23] =	ssyncset.done $0x0  }
0xa2: {  	[sflag:s23] =	ssyncadd.s32 s6;
	_ =	sdelay $0x1  }
0xa3: {  	s24 =	simm.s32 $0x1B8B  }
0xa4: {  	_ =	swait.ge [sflag:s24], $0x1  }
0xa5: {  	[sflag:s24] =	ssyncset.done $0x0  }
0xa6: {  	s25 =	simm.s32 $0x1B8E;
	[sflag:s24] =	ssyncadd.s32 $0xFFFFFFFF  }
0xa7: {  	s26 =	simm.s32 $execute0_lowered;
	[smem:$0x3FD2] =	sst s25  }
0xa8: {  	s6 =	sshll.u32 s26, $0x1;
	_ =	strace $0x80000046;
	[dreg:$0x1] =	wrdreg $0xFFFFFFFF  }
0xa9: {  	s28 =	simm.s32 $_size_execute0_lowered;
	s5 =	sadd.s32 s5, s6;
	[dreg:$0x0] =	wrdreg $0x0  }
0xaa: {  	s6 =	sshll.u32 s28, $0x1;
	[dreg:$0x2] =	wrdreg s5  }
0xab: {  	[dreg:$0x3] =	wrdreg s6  }
0xac: {  	[dreg:$0x4] =	wrdreg $0xC0  }
0xad: {  	_ =	task [dreg:s9], $0x5FFFF  }
0xae: {  	[dreg:$0x1] =	wrdreg $0xFFFFFFFF  }
0xaf: {  	[dreg:$0x0] =	wrdreg $0x60  }
0xb0: {  	[dreg:$0x2] =	wrdreg s19  }
0xb1: {  	[dreg:$0x3] =	wrdreg s2  }
0xb2: {  	[dreg:$0x4] =	wrdreg s4  }
0xb3: {  	[dreg:$0x5] =	wrdreg $0x9  }
0xb4: {  	_ =	task.clear_ibuf [dreg:s9], $0x6FFFF;
	_ =	strace $0x90000046  }
0xb5: {  	s29 =	simm.s32 $0x9;
	_ =	strace $0x80000048  }
0xb6: {  	_ =	swait.ge [sflag:s29], $0x1  }
0xb7: {  	[sflag:s29] =	ssyncadd.s32 $0xFFFFFFFF  }
0xb8: {  	_ =	strace $0x90000048  }
0xb9: {  	_ =	sfence  }
0xba: {  	s30 =	sld [smem:$0x0];
	_ =	sdelay $0x2  }
0xbb: {  	s31 =	sshll.u32 s1, $0xD;
	s1 =	sshrl.u32 s1, $0x2  }
0xbc: {  	s3 =	sand.u32 $0x4000, s31;
	s1 =	sadd.s32 s1, s30  }
0xbd: {  	s0 =	sor.u32 s3, s0;
	s1 =	sshll.u32 s1, $0x11  }
0xbe: {  	s0 =	sor.u32 s1, s0  }
0xbf: {  	s0 =	sadd.s32 $0x8F2B, s0  }
0xc0: {  	[sflag:s0] =	ssyncadd.remote.s32 $0x1  }
0xc1: {  	_ =	sfence.sel $0xFFFF  }
0xc2: {  	[dreg:$0x0] =	wrdreg $0xFFFFFFFF;
	(pc) =	sbr.abs _section_cstart, $3  }
0xc3: {  	[dreg:$0x1] =	wrdreg $0xFFFFFFFF  }
0xc4: {  	_ =	task.clear_ibuf [dreg:s9], $0x2FFFF;
	_ =	strace $0x9FFFFFFF  }
0xc5: {  	(tm) =	ssettm $0x7FFFFFFF  }
tec
execute0_lowered:
.L_overlay_start_1:
0x0: {  	(tag) =	ssettag $0x1  }
0x1: {  	s3 =	rddreg [dreg:$0x1]  }
0x2: {  	s4 =	rddreg [dreg:$0x2]  }
0x3: {  	s0 =	srdreg.scid;
	s1 =	stileid.u32  }
0x4: {  	s5 =	simm.s32 $0x0;
	s16 =	simm.s32 $0x80;
	s17 =	simm.s32 $0x400  }
0x5: {  	s18 =	simm.s32 $0x5;
	s19 =	simm.s32 $0x18700;
	s20 =	simm.s32 $0x19700  }
0x6: {  	s21 =	simm.s32 $0x1A700;
	s22 =	simm.s32 $0x2;
	s23 =	simm.s32 $0x1B700  }
0x7: {  	s24 =	simm.s32 $0x1;
	s25 =	simm.s32 $0x3;
	s26 =	simm.s32 $0x4  }
0x8: {  	s0 =	sand.u32 $0x1, s0;
	s1 =	sshll.u32 s1, $0x1;
	[smem:$0x7FF] =	sst s5  }
0x9: {  	s8 =	sadd.s32 $0x10, s3;
	s9 =	sadd.s32 $0x20, s3;
	s10 =	sadd.s32 $0x30, s3  }
0xa: {  	s11 =	sadd.s32 $0x40, s3;
	s2 =	ssub.s32 $0x2, s0;
	s0 =	sor.u32 s0, s1  }
0xb: {  	s12 =	sadd.s32 $0x50, s3;
	s30 =	sshrl.u32 s2, $0x1;
	s6 =	smul.u32 $0x1A, s0  }
0xc: {  	s13 =	sadd.s32 $0x60, s3;
	s14 =	sadd.s32 $0x70, s3;
	s31 =	ssub.s32 s2, s30  }
0xd: {  	_ =	strace $0x80000047;
	[dreg:$0x4] =	wrdreg s6;
	s0 =	smax.u32 s31, $0x1  }
0xe: {  	s1 =	simm.s32 $0x0;
	s7 =	sadd.s32 $0x1A, s6;
	[dreg:$0x5] =	wrdreg s0  }
.LBB2_1:
0xf: {  	[dreg:$0x6] =	wrdreg s1  }
0x10: {  	s29 =	rddreg [dreg:$0x4]  }
.LBB2_2:
0x11: {  	s1 =	sshrl.u32 s29, $0x5;
	s0 =	sshrl.u32 s29, $0x3  }
0x12: {  	s15 =	sand.u32 $0x3, s0;
	s0 =	smul.u32 $0x30E000, s1  }
0x13: {  	s2 =	smul.u32 $0xC3800, s15  }
0x14: {  	s6 =	sshll.u32 s29, $0x7  }
0x15: {  	s31 =	sand.u32 $0x380, s6;
	s0 =	sadd.s32 s0, s2  }
0x16: {  	s0 =	sor.u32 s31, s0  }
0x17: {  	s6 =	rddreg [dreg:$0x0];
	s0 =	sshrl.u32 s0, $0x3  }
0x18: {  	s30 =	smul.u32 $0x18000, s1;
	s0 =	sadd.s32 s6, s0  }
0x19: {  	[tilespmem:s5], [sflag:$0x5] =	stream.strided.gather [hbm4b:s0+s16], $0x18700, s17, s16, $0x38;
	[tilespmem:$0x1C700] =	vst v63  }
0x1a: {  	_ =	swait.ge [sflag:s18], $0x18700  }
0x1b: {  	s0 =	sshrl.u32 s30, $0x3;
	[sflag:s18] =	ssyncset.done $0x0  }
0x1c: {  	s6 =	sadd.s32 s3, s0;
	[sflag:s18] =	ssyncadd.s32 $0xFFFE7900  }
0x1d: {  	[tilespmem:s19], [sflag:$0x5] =	stream.strided.gather [hbm4b:s6+s16], $0x1000, s17, s16, $0x38;
	[tilespmem:$0x1C700] =	vst v63  }
0x1e: {  	_ =	swait.ge [sflag:s18], $0x1000  }
0x1f: {  	[sflag:s18] =	ssyncset.done $0x0  }
0x20: {  	s6 =	sadd.s32 s0, s8;
	[sflag:s18] =	ssyncadd.s32 $0xFFFFF000  }
0x21: {  	[tilespmem:s20], [sflag:$0x2] =	stream.strided.gather [hbm4b:s6+s16], $0x1000, s17, s16, $0x38;
	[tilespmem:$0x1C700] =	vst v63  }
0x22: {  	s6 =	simm.s32 $0x18740  }
0x23: {  	v0 =	vld [tilespmem:s6+$0x30]  }
0x24: {  	v1 =	vld [tilespmem:s6+$0xFFFFFFD0]  }
0x25: {  	v2 =	vld [tilespmem:s6+$0xFFFFFFE0]  }
0x26: {  	v3 =	vld [tilespmem:s6+$0xFFFFFFF0]  }
0x27: {  	v6 =	vld [tilespmem:s6+$0x0]  }
0x28: {  	v7 =	vld [tilespmem:s6+$0x10]  }
0x29: {  	v8 =	vld [tilespmem:s6+$0x20]  }
0x2a: {  	v9 =	vld [tilespmem:s6+$0xFFFFFFC0]  }
0x2b: {  	v10 =	vld.idx.msk [tilespmem:v0+s5+$0x0], $0xffff  }
0x2c: {  	v11 =	vld.idx.msk [tilespmem:v1+s5+$0x0], $0xffff  }
0x2d: {  	v5 =	vld.idx.msk [tilespmem:v2+s5+$0x0], $0xffff  }
0x2e: {  	v4 =	vld.idx.msk [tilespmem:v3+s5+$0x0], $0xffff  }
0x2f: {  	v3 =	vld.idx.msk [tilespmem:v6+s5+$0x0], $0xffff  }
0x30: {  	s6 =	simm.s32 $0x1A740;
	v1 =	vld.idx.msk [tilespmem:v7+s5+$0x0], $0xffff  }
0x31: {  	v0 =	vld.idx.msk [tilespmem:v8+s5+$0x0], $0xffff;
	[tilespmem:s6+$0x30] =	vst v10  }
0x32: {  	s28 =	simm.s32 $0x0;
	s2 =	simm.s32 $0x187C0;
	v2 =	vld.idx.msk [tilespmem:v9+s5+$0x0], $0xffff;
	[tilespmem:s6+$0xFFFFFFD0] =	vst v11  }
.LBB2_3:
0x33: {  	v6 =	vld [tilespmem:s2+$0x30];
	s28 =	sadd.s32 $0x80, s28;
	[tilespmem:s6+$0xFFFFFFE0] =	vst v5  }
0x34: {  	v5 =	vld [tilespmem:s2+$0xFFFFFFD0];
	p0 =	slt.u32 s28, $0xF80;
	[tilespmem:s6+$0xFFFFFFF0] =	vst v4  }
0x35: {  	v4 =	vld [tilespmem:s2+$0xFFFFFFE0];
	[tilespmem:s6+$0x0] =	vst v3  }
0x36: {  	v3 =	vld [tilespmem:s2+$0xFFFFFFF0];
	[tilespmem:s6+$0x10] =	vst v1  }
0x37: {  	v1 =	vld [tilespmem:s2+$0x0];
	[tilespmem:s6+$0x20] =	vst v0  }
0x38: {  	v0 =	vld [tilespmem:s2+$0x10];
	[tilespmem:s6+$0xFFFFFFC0] =	vst v2  }
0x39: {  	v2 =	vld [tilespmem:s2+$0x20]  }
0x3a: {  	v7 =	vld [tilespmem:s2+$0xFFFFFFC0]  }
0x3b: {  	v6 =	vld.idx.msk [tilespmem:v6+s5+$0x0], $0xffff  }
0x3c: {  	v8 =	vld.idx.msk [tilespmem:v5+s5+$0x0], $0xffff  }
0x3d: {  	v5 =	vld.idx.msk [tilespmem:v4+s5+$0x0], $0xffff  }
.Ltmp0:
0x3e: {  	v4 =	vld.idx.msk [tilespmem:v3+s5+$0x0], $0xffff;
	(pc) =	sbr.rel @p0 .LBB2_3-.Ltmp0, $4  }
0x3f: {  	v3 =	vld.idx.msk [tilespmem:v1+s5+$0x0], $0xffff  }
0x40: {  	s6 =	sadd.s32 $0x80, s6;
	v1 =	vld.idx.msk [tilespmem:v0+s5+$0x0], $0xffff  }
0x41: {  	v0 =	vld.idx.msk [tilespmem:v2+s5+$0x0], $0xffff;
	[tilespmem:s6+$0x30] =	vst v6  }
0x42: {  	s2 =	sadd.s32 $0x80, s2;
	v2 =	vld.idx.msk [tilespmem:v7+s5+$0x0], $0xffff;
	[tilespmem:s6+$0xFFFFFFD0] =	vst v8  }
0x43: {  	[tilespmem:s6+$0xFFFFFFE0] =	vst v5  }
0x44: {  	[tilespmem:s6+$0xFFFFFFF0] =	vst v4;
	s1 =	sshll.u32 s1, $0x11  }
0x45: {  	s15 =	sshll.u32 s15, $0xF;
	[tilespmem:s6+$0x0] =	vst v3;
	s2 =	sor.u32 s1, s31  }
0x46: {  	[tilespmem:s6+$0x10] =	vst v1;
	s2 =	sor.u32 s15, s2  }
0x47: {  	[tilespmem:s6+$0x20] =	vst v0;
	s2 =	sshrl.u32 s2, $0x3  }
0x48: {  	[tilespmem:s6+$0xFFFFFFC0] =	vst v2;
	s2 =	sadd.s32 s4, s2  }
0x49: {  	[hbm4b:s2+s16] =	stream.strided.scatter [tilespmem:s21], [sflag:$0x3], $0x1000, s17, s16, $0x38;
	[tilespmem:$0x1C700] =	vst v63  }
0x4a: {  	s6 =	sadd.s32 s0, s9  }
0x4b: {  	[tilespmem:s19], [sflag:$0x1] =	stream.strided.gather [hbm4b:s6+s16], $0x1000, s17, s16, $0x38;
	[tilespmem:$0x1C700] =	vst v63  }
0x4c: {  	_ =	swait.ge [sflag:s22], $0x1000  }
0x4d: {  	[sflag:s22] =	ssyncset.done $0x0  }
0x4e: {  	s6 =	simm.s32 $0x19740;
	[sflag:s22] =	ssyncadd.s32 $0xFFFFF000  }
0x4f: {  	v0 =	vld [tilespmem:s6+$0x30]  }
0x50: {  	v1 =	vld [tilespmem:s6+$0xFFFFFFD0]  }
0x51: {  	v2 =	vld [tilespmem:s6+$0xFFFFFFE0]  }
0x52: {  	v3 =	vld [tilespmem:s6+$0xFFFFFFF0]  }
0x53: {  	v6 =	vld [tilespmem:s6+$0x0]  }
0x54: {  	v7 =	vld [tilespmem:s6+$0x10]  }
0x55: {  	v8 =	vld [tilespmem:s6+$0x20]  }
0x56: {  	v9 =	vld [tilespmem:s6+$0xFFFFFFC0]  }
0x57: {  	v10 =	vld.idx.msk [tilespmem:v0+s5+$0x0], $0xffff  }
0x58: {  	v11 =	vld.idx.msk [tilespmem:v1+s5+$0x0], $0xffff  }
0x59: {  	v5 =	vld.idx.msk [tilespmem:v2+s5+$0x0], $0xffff  }
0x5a: {  	v4 =	vld.idx.msk [tilespmem:v3+s5+$0x0], $0xffff  }
0x5b: {  	v3 =	vld.idx.msk [tilespmem:v6+s5+$0x0], $0xffff  }
0x5c: {  	s6 =	simm.s32 $0x1B740;
	v1 =	vld.idx.msk [tilespmem:v7+s5+$0x0], $0xffff  }
0x5d: {  	v0 =	vld.idx.msk [tilespmem:v8+s5+$0x0], $0xffff;
	[tilespmem:s6+$0x30] =	vst v10  }
0x5e: {  	s28 =	simm.s32 $0x0;
	s2 =	simm.s32 $0x197C0;
	v2 =	vld.idx.msk [tilespmem:v9+s5+$0x0], $0xffff;
	[tilespmem:s6+$0xFFFFFFD0] =	vst v11  }
.LBB2_5:
0x5f: {  	v6 =	vld [tilespmem:s2+$0x30];
	s28 =	sadd.s32 $0x80, s28;
	[tilespmem:s6+$0xFFFFFFE0] =	vst v5  }
0x60: {  	v5 =	vld [tilespmem:s2+$0xFFFFFFD0];
	p0 =	slt.u32 s28, $0xF80;
	[tilespmem:s6+$0xFFFFFFF0] =	vst v4  }
0x61: {  	v4 =	vld [tilespmem:s2+$0xFFFFFFE0];
	[tilespmem:s6+$0x0] =	vst v3  }
0x62: {  	v3 =	vld [tilespmem:s2+$0xFFFFFFF0];
	[tilespmem:s6+$0x10] =	vst v1  }
0x63: {  	v1 =	vld [tilespmem:s2+$0x0];
	[tilespmem:s6+$0x20] =	vst v0  }
0x64: {  	v0 =	vld [tilespmem:s2+$0x10];
	[tilespmem:s6+$0xFFFFFFC0] =	vst v2  }
0x65: {  	v2 =	vld [tilespmem:s2+$0x20]  }
0x66: {  	v7 =	vld [tilespmem:s2+$0xFFFFFFC0]  }
0x67: {  	v6 =	vld.idx.msk [tilespmem:v6+s5+$0x0], $0xffff  }
0x68: {  	v8 =	vld.idx.msk [tilespmem:v5+s5+$0x0], $0xffff  }
0x69: {  	v5 =	vld.idx.msk [tilespmem:v4+s5+$0x0], $0xffff  }
.Ltmp1:
0x6a: {  	v4 =	vld.idx.msk [tilespmem:v3+s5+$0x0], $0xffff;
	(pc) =	sbr.rel @p0 .LBB2_5-.Ltmp1, $4  }
0x6b: {  	v3 =	vld.idx.msk [tilespmem:v1+s5+$0x0], $0xffff  }
0x6c: {  	s6 =	sadd.s32 $0x80, s6;
	v1 =	vld.idx.msk [tilespmem:v0+s5+$0x0], $0xffff  }
0x6d: {  	v0 =	vld.idx.msk [tilespmem:v2+s5+$0x0], $0xffff;
	[tilespmem:s6+$0x30] =	vst v6  }
0x6e: {  	s2 =	sadd.s32 $0x80, s2;
	v2 =	vld.idx.msk [tilespmem:v7+s5+$0x0], $0xffff;
	[tilespmem:s6+$0xFFFFFFD0] =	vst v8  }
0x6f: {  	[tilespmem:s6+$0xFFFFFFE0] =	vst v5  }
0x70: {  	[tilespmem:s6+$0xFFFFFFF0] =	vst v4;
	s1 =	sadd.s32 s15, s1  }
0x71: {  	[tilespmem:s6+$0x0] =	vst v3;
	s31 =	sadd.s32 s31, s1  }
0x72: {  	[tilespmem:s6+$0x10] =	vst v1;
	s1 =	sadd.s32 $0x340000, s31  }
0x73: {  	[tilespmem:s6+$0x20] =	vst v0;
	s1 =	sshrl.u32 s1, $0x3  }
0x74: {  	[tilespmem:s6+$0xFFFFFFC0] =	vst v2;
	s1 =	sadd.s32 s4, s1  }
0x75: {  	[hbm4b:s1+s16] =	stream.strided.scatter [tilespmem:s23], [sflag:$0x4], $0x1000, s17, s16, $0x38;
	[tilespmem:$0x1C700] =	vst v63  }
0x76: {  	s15 =	sadd.s32 s0, s10  }
0x77: {  	[tilespmem:s20], [sflag:$0x2] =	stream.strided.gather [hbm4b:s15+s16], $0x1000, s17, s16, $0x38;
	[tilespmem:$0x1C700] =	vst v63  }
0x78: {  	_ =	swait.ge [sflag:s24], $0x1000  }
0x79: {  	[sflag:s24] =	ssyncset.done $0x0  }
0x7a: {  	[sflag:s24] =	ssyncadd.s32 $0xFFFFF000  }
0x7b: {  	_ =	swait.ge [sflag:s25], $0x1000  }
0x7c: {  	[sflag:s25] =	ssyncset.done $0x0  }
0x7d: {  	s28 =	simm.s32 $0x18740;
	[sflag:s25] =	ssyncadd.s32 $0xFFFFF000  }
0x7e: {  	v0 =	vld [tilespmem:s28+$0x30]  }
0x7f: {  	v1 =	vld [tilespmem:s28+$0xFFFFFFD0]  }
0x80: {  	v2 =	vld [tilespmem:s28+$0xFFFFFFE0]  }
0x81: {  	v3 =	vld [tilespmem:s28+$0xFFFFFFF0]  }
0x82: {  	v5 =	vld [tilespmem:s28+$0x0]  }
0x83: {  	v6 =	vld [tilespmem:s28+$0x10]  }
0x84: {  	v7 =	vld [tilespmem:s28+$0x20]  }
0x85: {  	v8 =	vld [tilespmem:s28+$0xFFFFFFC0]  }
0x86: {  	v9 =	vld.idx.msk [tilespmem:v0+s5+$0x0], $0xffff  }
0x87: {  	v10 =	vld.idx.msk [tilespmem:v1+s5+$0x0], $0xffff  }
0x88: {  	v4 =	vld.idx.msk [tilespmem:v2+s5+$0x0], $0xffff  }
0x89: {  	v1 =	vld.idx.msk [tilespmem:v3+s5+$0x0], $0xffff  }
0x8a: {  	v0 =	vld.idx.msk [tilespmem:v5+s5+$0x0], $0xffff  }
0x8b: {  	s2 =	sadd.s32 $0x680000, s31;
	s1 =	simm.s32 $0x1A740;
	v2 =	vld.idx.msk [tilespmem:v6+s5+$0x0], $0xffff  }
0x8c: {  	s2 =	sshrl.u32 s2, $0x3;
	v3 =	vld.idx.msk [tilespmem:v7+s5+$0x0], $0xffff;
	[tilespmem:s1+$0x30] =	vst v9  }
0x8d: {  	s6 =	sadd.s32 s4, s2;
	s2 =	simm.s32 $0x187C0;
	s15 =	simm.s32 $0x0;
	v5 =	vld.idx.msk [tilespmem:v8+s5+$0x0], $0xffff;
	[tilespmem:s1+$0xFFFFFFD0] =	vst v10  }
.LBB2_7:
0x8e: {  	v6 =	vld [tilespmem:s2+$0x30];
	s15 =	sadd.s32 $0x80, s15;
	[tilespmem:s1+$0xFFFFFFE0] =	vst v4  }
0x8f: {  	v4 =	vld [tilespmem:s2+$0xFFFFFFD0];
	p0 =	slt.u32 s15, $0xF80;
	[tilespmem:s1+$0xFFFFFFF0] =	vst v1  }
0x90: {  	v1 =	vld [tilespmem:s2+$0xFFFFFFE0];
	[tilespmem:s1+$0x0] =	vst v0  }
0x91: {  	v0 =	vld [tilespmem:s2+$0xFFFFFFF0];
	[tilespmem:s1+$0x10] =	vst v2  }
0x92: {  	v2 =	vld [tilespmem:s2+$0x0];
	[tilespmem:s1+$0x20] =	vst v3  }
0x93: {  	v3 =	vld [tilespmem:s2+$0x10];
	[tilespmem:s1+$0xFFFFFFC0] =	vst v5  }
0x94: {  	v5 =	vld [tilespmem:s2+$0x20]  }
0x95: {  	v7 =	vld [tilespmem:s2+$0xFFFFFFC0]  }
0x96: {  	v6 =	vld.idx.msk [tilespmem:v6+s5+$0x0], $0xffff  }
0x97: {  	v8 =	vld.idx.msk [tilespmem:v4+s5+$0x0], $0xffff  }
0x98: {  	v4 =	vld.idx.msk [tilespmem:v1+s5+$0x0], $0xffff  }
.Ltmp2:
0x99: {  	v1 =	vld.idx.msk [tilespmem:v0+s5+$0x0], $0xffff;
	(pc) =	sbr.rel @p0 .LBB2_7-.Ltmp2, $4  }
0x9a: {  	v0 =	vld.idx.msk [tilespmem:v2+s5+$0x0], $0xffff  }
0x9b: {  	s1 =	sadd.s32 $0x80, s1;
	v2 =	vld.idx.msk [tilespmem:v3+s5+$0x0], $0xffff  }
0x9c: {  	v3 =	vld.idx.msk [tilespmem:v5+s5+$0x0], $0xffff;
	[tilespmem:s1+$0x30] =	vst v6  }
0x9d: {  	s2 =	sadd.s32 $0x80, s2;
	v5 =	vld.idx.msk [tilespmem:v7+s5+$0x0], $0xffff;
	[tilespmem:s1+$0xFFFFFFD0] =	vst v8  }
0x9e: {  	[tilespmem:s1+$0xFFFFFFE0] =	vst v4  }
0x9f: {  	[tilespmem:s1+$0xFFFFFFF0] =	vst v1  }
0xa0: {  	[tilespmem:s1+$0x0] =	vst v0  }
0xa1: {  	[tilespmem:s1+$0x10] =	vst v2  }
0xa2: {  	[tilespmem:s1+$0x20] =	vst v3  }
0xa3: {  	[tilespmem:s1+$0xFFFFFFC0] =	vst v5  }
0xa4: {  	[hbm4b:s6+s16] =	stream.strided.scatter [tilespmem:s21], [sflag:$0x3], $0x1000, s17, s16, $0x38;
	[tilespmem:$0x1C700] =	vst v63  }
0xa5: {  	s15 =	sadd.s32 s0, s11  }
0xa6: {  	[tilespmem:s19], [sflag:$0x1] =	stream.strided.gather [hbm4b:s15+s16], $0x1000, s17, s16, $0x38;
	[tilespmem:$0x1C700] =	vst v63  }
0xa7: {  	_ =	swait.ge [sflag:s22], $0x1000  }
0xa8: {  	[sflag:s22] =	ssyncset.done $0x0  }
0xa9: {  	[sflag:s22] =	ssyncadd.s32 $0xFFFFF000  }
0xaa: {  	_ =	swait.ge [sflag:s26], $0x1000  }
0xab: {  	[sflag:s26] =	ssyncset.done $0x0  }
0xac: {  	s28 =	simm.s32 $0x19740;
	[sflag:s26] =	ssyncadd.s32 $0xFFFFF000  }
0xad: {  	v0 =	vld [tilespmem:s28+$0x30]  }
0xae: {  	v1 =	vld [tilespmem:s28+$0xFFFFFFD0]  }
0xaf: {  	v2 =	vld [tilespmem:s28+$0xFFFFFFE0]  }
0xb0: {  	v3 =	vld [tilespmem:s28+$0xFFFFFFF0]  }
0xb1: {  	v5 =	vld [tilespmem:s28+$0x0]  }
0xb2: {  	v6 =	vld [tilespmem:s28+$0x10]  }
0xb3: {  	v7 =	vld [tilespmem:s28+$0x20]  }
0xb4: {  	v8 =	vld [tilespmem:s28+$0xFFFFFFC0]  }
0xb5: {  	v9 =	vld.idx.msk [tilespmem:v0+s5+$0x0], $0xffff  }
0xb6: {  	v10 =	vld.idx.msk [tilespmem:v1+s5+$0x0], $0xffff  }
0xb7: {  	v4 =	vld.idx.msk [tilespmem:v2+s5+$0x0], $0xffff  }
0xb8: {  	v1 =	vld.idx.msk [tilespmem:v3+s5+$0x0], $0xffff  }
0xb9: {  	v0 =	vld.idx.msk [tilespmem:v5+s5+$0x0], $0xffff  }
0xba: {  	s2 =	sadd.s32 $0x9C0000, s31;
	s1 =	simm.s32 $0x1B740;
	v2 =	vld.idx.msk [tilespmem:v6+s5+$0x0], $0xffff  }
0xbb: {  	s2 =	sshrl.u32 s2, $0x3;
	v3 =	vld.idx.msk [tilespmem:v7+s5+$0x0], $0xffff;
	[tilespmem:s1+$0x30] =	vst v9  }
0xbc: {  	s6 =	sadd.s32 s4, s2;
	s2 =	simm.s32 $0x197C0;
	s15 =	simm.s32 $0x0;
	v5 =	vld.idx.msk [tilespmem:v8+s5+$0x0], $0xffff;
	[tilespmem:s1+$0xFFFFFFD0] =	vst v10  }
.LBB2_9:
0xbd: {  	v6 =	vld [tilespmem:s2+$0x30];
	s15 =	sadd.s32 $0x80, s15;
	[tilespmem:s1+$0xFFFFFFE0] =	vst v4  }
0xbe: {  	v4 =	vld [tilespmem:s2+$0xFFFFFFD0];
	p0 =	slt.u32 s15, $0xF80;
	[tilespmem:s1+$0xFFFFFFF0] =	vst v1  }
0xbf: {  	v1 =	vld [tilespmem:s2+$0xFFFFFFE0];
	[tilespmem:s1+$0x0] =	vst v0  }
0xc0: {  	v0 =	vld [tilespmem:s2+$0xFFFFFFF0];
	[tilespmem:s1+$0x10] =	vst v2  }
0xc1: {  	v2 =	vld [tilespmem:s2+$0x0];
	[tilespmem:s1+$0x20] =	vst v3  }
0xc2: {  	v3 =	vld [tilespmem:s2+$0x10];
	[tilespmem:s1+$0xFFFFFFC0] =	vst v5  }
0xc3: {  	v5 =	vld [tilespmem:s2+$0x20]  }
0xc4: {  	v7 =	vld [tilespmem:s2+$0xFFFFFFC0]  }
0xc5: {  	v6 =	vld.idx.msk [tilespmem:v6+s5+$0x0], $0xffff  }
0xc6: {  	v8 =	vld.idx.msk [tilespmem:v4+s5+$0x0], $0xffff  }
0xc7: {  	v4 =	vld.idx.msk [tilespmem:v1+s5+$0x0], $0xffff  }
.Ltmp3:
0xc8: {  	v1 =	vld.idx.msk [tilespmem:v0+s5+$0x0], $0xffff;
	(pc) =	sbr.rel @p0 .LBB2_9-.Ltmp3, $4  }
0xc9: {  	v0 =	vld.idx.msk [tilespmem:v2+s5+$0x0], $0xffff  }
0xca: {  	s1 =	sadd.s32 $0x80, s1;
	v2 =	vld.idx.msk [tilespmem:v3+s5+$0x0], $0xffff  }
0xcb: {  	v3 =	vld.idx.msk [tilespmem:v5+s5+$0x0], $0xffff;
	[tilespmem:s1+$0x30] =	vst v6  }
0xcc: {  	s2 =	sadd.s32 $0x80, s2;
	v5 =	vld.idx.msk [tilespmem:v7+s5+$0x0], $0xffff;
	[tilespmem:s1+$0xFFFFFFD0] =	vst v8  }
0xcd: {  	[tilespmem:s1+$0xFFFFFFE0] =	vst v4  }
0xce: {  	[tilespmem:s1+$0xFFFFFFF0] =	vst v1  }
0xcf: {  	[tilespmem:s1+$0x0] =	vst v0  }
0xd0: {  	[tilespmem:s1+$0x10] =	vst v2  }
0xd1: {  	[tilespmem:s1+$0x20] =	vst v3  }
0xd2: {  	[tilespmem:s1+$0xFFFFFFC0] =	vst v5  }
0xd3: {  	[hbm4b:s6+s16] =	stream.strided.scatter [tilespmem:s23], [sflag:$0x4], $0x1000, s17, s16, $0x38;
	[tilespmem:$0x1C700] =	vst v63  }
0xd4: {  	s15 =	sadd.s32 s0, s12  }
0xd5: {  	[tilespmem:s20], [sflag:$0x2] =	stream.strided.gather [hbm4b:s15+s16], $0x1000, s17, s16, $0x38;
	[tilespmem:$0x1C700] =	vst v63  }
0xd6: {  	_ =	swait.ge [sflag:s24], $0x1000  }
0xd7: {  	[sflag:s24] =	ssyncset.done $0x0  }
0xd8: {  	[sflag:s24] =	ssyncadd.s32 $0xFFFFF000  }
0xd9: {  	_ =	swait.ge [sflag:s25], $0x1000  }
0xda: {  	[sflag:s25] =	ssyncset.done $0x0  }
0xdb: {  	s28 =	simm.s32 $0x18740;
	[sflag:s25] =	ssyncadd.s32 $0xFFFFF000  }
0xdc: {  	v0 =	vld [tilespmem:s28+$0x30]  }
0xdd: {  	v1 =	vld [tilespmem:s28+$0xFFFFFFD0]  }
0xde: {  	v2 =	vld [tilespmem:s28+$0xFFFFFFE0]  }
0xdf: {  	v3 =	vld [tilespmem:s28+$0xFFFFFFF0]  }
0xe0: {  	v5 =	vld [tilespmem:s28+$0x0]  }
0xe1: {  	v6 =	vld [tilespmem:s28+$0x10]  }
0xe2: {  	v7 =	vld [tilespmem:s28+$0x20]  }
0xe3: {  	v8 =	vld [tilespmem:s28+$0xFFFFFFC0]  }
0xe4: {  	v9 =	vld.idx.msk [tilespmem:v0+s5+$0x0], $0xffff  }
0xe5: {  	v10 =	vld.idx.msk [tilespmem:v1+s5+$0x0], $0xffff  }
0xe6: {  	v4 =	vld.idx.msk [tilespmem:v2+s5+$0x0], $0xffff  }
0xe7: {  	v1 =	vld.idx.msk [tilespmem:v3+s5+$0x0], $0xffff  }
0xe8: {  	v0 =	vld.idx.msk [tilespmem:v5+s5+$0x0], $0xffff  }
0xe9: {  	s2 =	sadd.s32 $0xD00000, s31;
	s1 =	simm.s32 $0x1A740;
	v2 =	vld.idx.msk [tilespmem:v6+s5+$0x0], $0xffff  }
0xea: {  	s2 =	sshrl.u32 s2, $0x3;
	v3 =	vld.idx.msk [tilespmem:v7+s5+$0x0], $0xffff;
	[tilespmem:s1+$0x30] =	vst v9  }
0xeb: {  	s6 =	sadd.s32 s4, s2;
	s2 =	simm.s32 $0x187C0;
	s15 =	simm.s32 $0x0;
	v5 =	vld.idx.msk [tilespmem:v8+s5+$0x0], $0xffff;
	[tilespmem:s1+$0xFFFFFFD0] =	vst v10  }
.LBB2_11:
0xec: {  	v6 =	vld [tilespmem:s2+$0x30];
	s15 =	sadd.s32 $0x80, s15;
	[tilespmem:s1+$0xFFFFFFE0] =	vst v4  }
0xed: {  	v4 =	vld [tilespmem:s2+$0xFFFFFFD0];
	p0 =	slt.u32 s15, $0xF80;
	[tilespmem:s1+$0xFFFFFFF0] =	vst v1  }
0xee: {  	v1 =	vld [tilespmem:s2+$0xFFFFFFE0];
	[tilespmem:s1+$0x0] =	vst v0  }
0xef: {  	v0 =	vld [tilespmem:s2+$0xFFFFFFF0];
	[tilespmem:s1+$0x10] =	vst v2  }
0xf0: {  	v2 =	vld [tilespmem:s2+$0x0];
	[tilespmem:s1+$0x20] =	vst v3  }
0xf1: {  	v3 =	vld [tilespmem:s2+$0x10];
	[tilespmem:s1+$0xFFFFFFC0] =	vst v5  }
0xf2: {  	v5 =	vld [tilespmem:s2+$0x20]  }
0xf3: {  	v7 =	vld [tilespmem:s2+$0xFFFFFFC0]  }
0xf4: {  	v6 =	vld.idx.msk [tilespmem:v6+s5+$0x0], $0xffff  }
0xf5: {  	v8 =	vld.idx.msk [tilespmem:v4+s5+$0x0], $0xffff  }
0xf6: {  	v4 =	vld.idx.msk [tilespmem:v1+s5+$0x0], $0xffff  }
.Ltmp4:
0xf7: {  	v1 =	vld.idx.msk [tilespmem:v0+s5+$0x0], $0xffff;
	(pc) =	sbr.rel @p0 .LBB2_11-.Ltmp4, $4  }
0xf8: {  	v0 =	vld.idx.msk [tilespmem:v2+s5+$0x0], $0xffff  }
0xf9: {  	s1 =	sadd.s32 $0x80, s1;
	v2 =	vld.idx.msk [tilespmem:v3+s5+$0x0], $0xffff  }
0xfa: {  	v3 =	vld.idx.msk [tilespmem:v5+s5+$0x0], $0xffff;
	[tilespmem:s1+$0x30] =	vst v6  }
0xfb: {  	s2 =	sadd.s32 $0x80, s2;
	v5 =	vld.idx.msk [tilespmem:v7+s5+$0x0], $0xffff;
	[tilespmem:s1+$0xFFFFFFD0] =	vst v8  }
0xfc: {  	[tilespmem:s1+$0xFFFFFFE0] =	vst v4  }
0xfd: {  	[tilespmem:s1+$0xFFFFFFF0] =	vst v1  }
0xfe: {  	[tilespmem:s1+$0x0] =	vst v0  }
0xff: {  	[tilespmem:s1+$0x10] =	vst v2  }
0x100: {  	[tilespmem:s1+$0x20] =	vst v3  }
0x101: {  	[tilespmem:s1+$0xFFFFFFC0] =	vst v5  }
0x102: {  	[hbm4b:s6+s16] =	stream.strided.scatter [tilespmem:s21], [sflag:$0x3], $0x1000, s17, s16, $0x38;
	[tilespmem:$0x1C700] =	vst v63  }
0x103: {  	s15 =	sadd.s32 s0, s13  }
0x104: {  	[tilespmem:s19], [sflag:$0x1] =	stream.strided.gather [hbm4b:s15+s16], $0x1000, s17, s16, $0x38;
	[tilespmem:$0x1C700] =	vst v63  }
0x105: {  	_ =	swait.ge [sflag:s22], $0x1000  }
0x106: {  	[sflag:s22] =	ssyncset.done $0x0  }
0x107: {  	[sflag:s22] =	ssyncadd.s32 $0xFFFFF000  }
0x108: {  	_ =	swait.ge [sflag:s26], $0x1000  }
0x109: {  	[sflag:s26] =	ssyncset.done $0x0  }
0x10a: {  	s28 =	simm.s32 $0x19740;
	[sflag:s26] =	ssyncadd.s32 $0xFFFFF000  }
0x10b: {  	v0 =	vld [tilespmem:s28+$0x30]  }
0x10c: {  	v1 =	vld [tilespmem:s28+$0xFFFFFFD0]  }
0x10d: {  	v2 =	vld [tilespmem:s28+$0xFFFFFFE0]  }
0x10e: {  	v3 =	vld [tilespmem:s28+$0xFFFFFFF0]  }
0x10f: {  	v5 =	vld [tilespmem:s28+$0x0]  }
0x110: {  	v6 =	vld [tilespmem:s28+$0x10]  }
0x111: {  	v7 =	vld [tilespmem:s28+$0x20]  }
0x112: {  	v8 =	vld [tilespmem:s28+$0xFFFFFFC0]  }
0x113: {  	v9 =	vld.idx.msk [tilespmem:v0+s5+$0x0], $0xffff  }
0x114: {  	v10 =	vld.idx.msk [tilespmem:v1+s5+$0x0], $0xffff  }
0x115: {  	v4 =	vld.idx.msk [tilespmem:v2+s5+$0x0], $0xffff  }
0x116: {  	v1 =	vld.idx.msk [tilespmem:v3+s5+$0x0], $0xffff  }
0x117: {  	v0 =	vld.idx.msk [tilespmem:v5+s5+$0x0], $0xffff  }
0x118: {  	s2 =	sadd.s32 $0x1040000, s31;
	s1 =	simm.s32 $0x1B740;
	v2 =	vld.idx.msk [tilespmem:v6+s5+$0x0], $0xffff  }
0x119: {  	s2 =	sshrl.u32 s2, $0x3;
	v3 =	vld.idx.msk [tilespmem:v7+s5+$0x0], $0xffff;
	[tilespmem:s1+$0x30] =	vst v9  }
0x11a: {  	s6 =	sadd.s32 s4, s2;
	s2 =	simm.s32 $0x197C0;
	s15 =	simm.s32 $0x0;
	v5 =	vld.idx.msk [tilespmem:v8+s5+$0x0], $0xffff;
	[tilespmem:s1+$0xFFFFFFD0] =	vst v10  }
.LBB2_13:
0x11b: {  	v6 =	vld [tilespmem:s2+$0x30];
	s15 =	sadd.s32 $0x80, s15;
	[tilespmem:s1+$0xFFFFFFE0] =	vst v4  }
0x11c: {  	v4 =	vld [tilespmem:s2+$0xFFFFFFD0];
	p0 =	slt.u32 s15, $0xF80;
	[tilespmem:s1+$0xFFFFFFF0] =	vst v1  }
0x11d: {  	v1 =	vld [tilespmem:s2+$0xFFFFFFE0];
	[tilespmem:s1+$0x0] =	vst v0  }
0x11e: {  	v0 =	vld [tilespmem:s2+$0xFFFFFFF0];
	[tilespmem:s1+$0x10] =	vst v2  }
0x11f: {  	v2 =	vld [tilespmem:s2+$0x0];
	[tilespmem:s1+$0x20] =	vst v3  }
0x120: {  	v3 =	vld [tilespmem:s2+$0x10];
	[tilespmem:s1+$0xFFFFFFC0] =	vst v5  }
0x121: {  	v5 =	vld [tilespmem:s2+$0x20]  }
0x122: {  	v7 =	vld [tilespmem:s2+$0xFFFFFFC0]  }
0x123: {  	v6 =	vld.idx.msk [tilespmem:v6+s5+$0x0], $0xffff  }
0x124: {  	v8 =	vld.idx.msk [tilespmem:v4+s5+$0x0], $0xffff  }
0x125: {  	v4 =	vld.idx.msk [tilespmem:v1+s5+$0x0], $0xffff  }
.Ltmp5:
0x126: {  	v1 =	vld.idx.msk [tilespmem:v0+s5+$0x0], $0xffff;
	(pc) =	sbr.rel @p0 .LBB2_13-.Ltmp5, $4  }
0x127: {  	v0 =	vld.idx.msk [tilespmem:v2+s5+$0x0], $0xffff  }
0x128: {  	s1 =	sadd.s32 $0x80, s1;
	v2 =	vld.idx.msk [tilespmem:v3+s5+$0x0], $0xffff  }
0x129: {  	v3 =	vld.idx.msk [tilespmem:v5+s5+$0x0], $0xffff;
	[tilespmem:s1+$0x30] =	vst v6  }
0x12a: {  	s2 =	sadd.s32 $0x80, s2;
	v5 =	vld.idx.msk [tilespmem:v7+s5+$0x0], $0xffff;
	[tilespmem:s1+$0xFFFFFFD0] =	vst v8  }
0x12b: {  	[tilespmem:s1+$0xFFFFFFE0] =	vst v4  }
0x12c: {  	[tilespmem:s1+$0xFFFFFFF0] =	vst v1  }
0x12d: {  	[tilespmem:s1+$0x0] =	vst v0  }
0x12e: {  	[tilespmem:s1+$0x10] =	vst v2  }
0x12f: {  	[tilespmem:s1+$0x20] =	vst v3  }
0x130: {  	[tilespmem:s1+$0xFFFFFFC0] =	vst v5  }
0x131: {  	[hbm4b:s6+s16] =	stream.strided.scatter [tilespmem:s23], [sflag:$0x4], $0x1000, s17, s16, $0x38;
	[tilespmem:$0x1C700] =	vst v63  }
0x132: {  	s0 =	sadd.s32 s0, s14  }
0x133: {  	[tilespmem:s20], [sflag:$0x2] =	stream.strided.gather [hbm4b:s0+s16], $0x1000, s17, s16, $0x38;
	[tilespmem:$0x1C700] =	vst v63  }
0x134: {  	_ =	swait.ge [sflag:s24], $0x1000  }
0x135: {  	[sflag:s24] =	ssyncset.done $0x0  }
0x136: {  	[sflag:s24] =	ssyncadd.s32 $0xFFFFF000  }
0x137: {  	_ =	swait.ge [sflag:s25], $0x1000  }
0x138: {  	[sflag:s25] =	ssyncset.done $0x0  }
0x139: {  	s15 =	simm.s32 $0x18740;
	[sflag:s25] =	ssyncadd.s32 $0xFFFFF000  }
0x13a: {  	v0 =	vld [tilespmem:s15+$0x30]  }
0x13b: {  	v1 =	vld [tilespmem:s15+$0xFFFFFFD0]  }
0x13c: {  	v2 =	vld [tilespmem:s15+$0xFFFFFFE0]  }
0x13d: {  	v3 =	vld [tilespmem:s15+$0xFFFFFFF0]  }
0x13e: {  	v5 =	vld [tilespmem:s15+$0x0]  }
0x13f: {  	v6 =	vld [tilespmem:s15+$0x10]  }
0x140: {  	v7 =	vld [tilespmem:s15+$0x20]  }
0x141: {  	v8 =	vld [tilespmem:s15+$0xFFFFFFC0]  }
0x142: {  	v9 =	vld.idx.msk [tilespmem:v0+s5+$0x0], $0xffff  }
0x143: {  	v10 =	vld.idx.msk [tilespmem:v1+s5+$0x0], $0xffff  }
0x144: {  	v4 =	vld.idx.msk [tilespmem:v2+s5+$0x0], $0xffff  }
0x145: {  	v1 =	vld.idx.msk [tilespmem:v3+s5+$0x0], $0xffff  }
0x146: {  	v0 =	vld.idx.msk [tilespmem:v5+s5+$0x0], $0xffff  }
0x147: {  	s28 =	sadd.s32 $0x1380000, s31;
	s0 =	simm.s32 $0x1A740;
	v2 =	vld.idx.msk [tilespmem:v6+s5+$0x0], $0xffff  }
0x148: {  	s1 =	sshrl.u32 s28, $0x3;
	v3 =	vld.idx.msk [tilespmem:v7+s5+$0x0], $0xffff;
	[tilespmem:s0+$0x30] =	vst v9  }
0x149: {  	s2 =	simm.s32 $0x187C0;
	s1 =	sadd.s32 s4, s1;
	s6 =	simm.s32 $0x0;
	v5 =	vld.idx.msk [tilespmem:v8+s5+$0x0], $0xffff;
	[tilespmem:s0+$0xFFFFFFD0] =	vst v10  }
.LBB2_15:
0x14a: {  	v6 =	vld [tilespmem:s2+$0x30];
	s6 =	sadd.s32 $0x80, s6;
	[tilespmem:s0+$0xFFFFFFE0] =	vst v4  }
0x14b: {  	v4 =	vld [tilespmem:s2+$0xFFFFFFD0];
	p0 =	slt.u32 s6, $0xF80;
	[tilespmem:s0+$0xFFFFFFF0] =	vst v1  }
0x14c: {  	v1 =	vld [tilespmem:s2+$0xFFFFFFE0];
	[tilespmem:s0+$0x0] =	vst v0  }
0x14d: {  	v0 =	vld [tilespmem:s2+$0xFFFFFFF0];
	[tilespmem:s0+$0x10] =	vst v2  }
0x14e: {  	v2 =	vld [tilespmem:s2+$0x0];
	[tilespmem:s0+$0x20] =	vst v3  }
0x14f: {  	v3 =	vld [tilespmem:s2+$0x10];
	[tilespmem:s0+$0xFFFFFFC0] =	vst v5  }
0x150: {  	v5 =	vld [tilespmem:s2+$0x20]  }
0x151: {  	v7 =	vld [tilespmem:s2+$0xFFFFFFC0]  }
0x152: {  	v6 =	vld.idx.msk [tilespmem:v6+s5+$0x0], $0xffff  }
0x153: {  	v8 =	vld.idx.msk [tilespmem:v4+s5+$0x0], $0xffff  }
0x154: {  	v4 =	vld.idx.msk [tilespmem:v1+s5+$0x0], $0xffff  }
.Ltmp6:
0x155: {  	v1 =	vld.idx.msk [tilespmem:v0+s5+$0x0], $0xffff;
	(pc) =	sbr.rel @p0 .LBB2_15-.Ltmp6, $4  }
0x156: {  	v0 =	vld.idx.msk [tilespmem:v2+s5+$0x0], $0xffff  }
0x157: {  	s0 =	sadd.s32 $0x80, s0;
	v2 =	vld.idx.msk [tilespmem:v3+s5+$0x0], $0xffff  }
0x158: {  	v3 =	vld.idx.msk [tilespmem:v5+s5+$0x0], $0xffff;
	[tilespmem:s0+$0x30] =	vst v6  }
0x159: {  	s2 =	sadd.s32 $0x80, s2;
	v5 =	vld.idx.msk [tilespmem:v7+s5+$0x0], $0xffff;
	[tilespmem:s0+$0xFFFFFFD0] =	vst v8  }
0x15a: {  	[tilespmem:s0+$0xFFFFFFE0] =	vst v4  }
0x15b: {  	[tilespmem:s0+$0xFFFFFFF0] =	vst v1  }
0x15c: {  	[tilespmem:s0+$0x0] =	vst v0  }
0x15d: {  	[tilespmem:s0+$0x10] =	vst v2  }
0x15e: {  	s6 =	sadd.s32 $0x8000, s30;
	[tilespmem:s0+$0x20] =	vst v3  }
0x15f: {  	[tilespmem:s0+$0xFFFFFFC0] =	vst v5;
	s0 =	sshrl.u32 s6, $0x3  }
0x160: {  	[hbm4b:s1+s16] =	stream.strided.scatter [tilespmem:s21], [sflag:$0x3], $0x1000, s17, s16, $0x38;
	[tilespmem:$0x1C700] =	vst v63  }
0x161: {  	s0 =	sadd.s32 s3, s0  }
0x162: {  	[tilespmem:s19], [sflag:$0x1] =	stream.strided.gather [hbm4b:s0+s16], $0x1000, s17, s16, $0x38;
	[tilespmem:$0x1C700] =	vst v63  }
0x163: {  	_ =	swait.ge [sflag:s22], $0x1000  }
0x164: {  	[sflag:s22] =	ssyncset.done $0x0  }
0x165: {  	[sflag:s22] =	ssyncadd.s32 $0xFFFFF000  }
0x166: {  	_ =	swait.ge [sflag:s26], $0x1000  }
0x167: {  	[sflag:s26] =	ssyncset.done $0x0  }
0x168: {  	s15 =	simm.s32 $0x19740;
	[sflag:s26] =	ssyncadd.s32 $0xFFFFF000  }
0x169: {  	v0 =	vld [tilespmem:s15+$0x30]  }
0x16a: {  	v1 =	vld [tilespmem:s15+$0xFFFFFFD0]  }
0x16b: {  	v2 =	vld [tilespmem:s15+$0xFFFFFFE0]  }
0x16c: {  	v3 =	vld [tilespmem:s15+$0xFFFFFFF0]  }
0x16d: {  	v5 =	vld [tilespmem:s15+$0x0]  }
0x16e: {  	v6 =	vld [tilespmem:s15+$0x10]  }
0x16f: {  	v7 =	vld [tilespmem:s15+$0x20]  }
0x170: {  	v8 =	vld [tilespmem:s15+$0xFFFFFFC0]  }
0x171: {  	v9 =	vld.idx.msk [tilespmem:v0+s5+$0x0], $0xffff  }
0x172: {  	v10 =	vld.idx.msk [tilespmem:v1+s5+$0x0], $0xffff  }
0x173: {  	v4 =	vld.idx.msk [tilespmem:v2+s5+$0x0], $0xffff  }
0x174: {  	v1 =	vld.idx.msk [tilespmem:v3+s5+$0x0], $0xffff  }
0x175: {  	v0 =	vld.idx.msk [tilespmem:v5+s5+$0x0], $0xffff  }
0x176: {  	s28 =	sadd.s32 $0x16C0000, s31;
	s0 =	simm.s32 $0x1B740;
	v2 =	vld.idx.msk [tilespmem:v6+s5+$0x0], $0xffff  }
0x177: {  	s1 =	sshrl.u32 s28, $0x3;
	v3 =	vld.idx.msk [tilespmem:v7+s5+$0x0], $0xffff;
	[tilespmem:s0+$0x30] =	vst v9  }
0x178: {  	s2 =	simm.s32 $0x197C0;
	s6 =	simm.s32 $0x0;
	s1 =	sadd.s32 s4, s1;
	v5 =	vld.idx.msk [tilespmem:v8+s5+$0x0], $0xffff;
	[tilespmem:s0+$0xFFFFFFD0] =	vst v10  }
.LBB2_17:
0x179: {  	v6 =	vld [tilespmem:s2+$0x30];
	s6 =	sadd.s32 $0x80, s6;
	[tilespmem:s0+$0xFFFFFFE0] =	vst v4  }
0x17a: {  	v4 =	vld [tilespmem:s2+$0xFFFFFFD0];
	p0 =	slt.u32 s6, $0xF80;
	[tilespmem:s0+$0xFFFFFFF0] =	vst v1  }
0x17b: {  	v1 =	vld [tilespmem:s2+$0xFFFFFFE0];
	[tilespmem:s0+$0x0] =	vst v0  }
0x17c: {  	v0 =	vld [tilespmem:s2+$0xFFFFFFF0];
	[tilespmem:s0+$0x10] =	vst v2  }
0x17d: {  	v2 =	vld [tilespmem:s2+$0x0];
	[tilespmem:s0+$0x20] =	vst v3  }
0x17e: {  	v3 =	vld [tilespmem:s2+$0x10];
	[tilespmem:s0+$0xFFFFFFC0] =	vst v5  }
0x17f: {  	v5 =	vld [tilespmem:s2+$0x20]  }
0x180: {  	v7 =	vld [tilespmem:s2+$0xFFFFFFC0]  }
0x181: {  	v6 =	vld.idx.msk [tilespmem:v6+s5+$0x0], $0xffff  }
0x182: {  	v8 =	vld.idx.msk [tilespmem:v4+s5+$0x0], $0xffff  }
0x183: {  	v4 =	vld.idx.msk [tilespmem:v1+s5+$0x0], $0xffff  }
.Ltmp7:
0x184: {  	v1 =	vld.idx.msk [tilespmem:v0+s5+$0x0], $0xffff;
	(pc) =	sbr.rel @p0 .LBB2_17-.Ltmp7, $4  }
0x185: {  	v0 =	vld.idx.msk [tilespmem:v2+s5+$0x0], $0xffff  }
0x186: {  	s0 =	sadd.s32 $0x80, s0;
	v2 =	vld.idx.msk [tilespmem:v3+s5+$0x0], $0xffff  }
0x187: {  	v3 =	vld.idx.msk [tilespmem:v5+s5+$0x0], $0xffff;
	[tilespmem:s0+$0x30] =	vst v6  }
0x188: {  	s2 =	sadd.s32 $0x80, s2;
	v5 =	vld.idx.msk [tilespmem:v7+s5+$0x0], $0xffff;
	[tilespmem:s0+$0xFFFFFFD0] =	vst v8  }
0x189: {  	[tilespmem:s0+$0xFFFFFFE0] =	vst v4  }
0x18a: {  	[tilespmem:s0+$0xFFFFFFF0] =	vst v1  }
0x18b: {  	[tilespmem:s0+$0x0] =	vst v0  }
0x18c: {  	[tilespmem:s0+$0x10] =	vst v2  }
0x18d: {  	s6 =	sadd.s32 $0x8080, s30;
	[tilespmem:s0+$0x20] =	vst v3  }
0x18e: {  	[tilespmem:s0+$0xFFFFFFC0] =	vst v5;
	s0 =	sshrl.u32 s6, $0x3  }
0x18f: {  	[hbm4b:s1+s16] =	stream.strided.scatter [tilespmem:s23], [sflag:$0x4], $0x1000, s17, s16, $0x38;
	[tilespmem:$0x1C700] =	vst v63  }
0x190: {  	s0 =	sadd.s32 s3, s0  }
0x191: {  	[tilespmem:s20], [sflag:$0x2] =	stream.strided.gather [hbm4b:s0+s16], $0x1000, s17, s16, $0x38;
	[tilespmem:$0x1C700] =	vst v63  }
0x192: {  	_ =	swait.ge [sflag:s24], $0x1000  }
0x193: {  	[sflag:s24] =	ssyncset.done $0x0  }
0x194: {  	[sflag:s24] =	ssyncadd.s32 $0xFFFFF000  }
0x195: {  	_ =	swait.ge [sflag:s25], $0x1000  }
0x196: {  	[sflag:s25] =	ssyncset.done $0x0  }
0x197: {  	s15 =	simm.s32 $0x18740;
	[sflag:s25] =	ssyncadd.s32 $0xFFFFF000  }
0x198: {  	v0 =	vld [tilespmem:s15+$0x30]  }
0x199: {  	v1 =	vld [tilespmem:s15+$0xFFFFFFD0]  }
0x19a: {  	v2 =	vld [tilespmem:s15+$0xFFFFFFE0]  }
0x19b: {  	v3 =	vld [tilespmem:s15+$0xFFFFFFF0]  }
0x19c: {  	v5 =	vld [tilespmem:s15+$0x0]  }
0x19d: {  	v6 =	vld [tilespmem:s15+$0x10]  }
0x19e: {  	v7 =	vld [tilespmem:s15+$0x20]  }
0x19f: {  	v8 =	vld [tilespmem:s15+$0xFFFFFFC0]  }
0x1a0: {  	v9 =	vld.idx.msk [tilespmem:v0+s5+$0x0], $0xffff  }
0x1a1: {  	v10 =	vld.idx.msk [tilespmem:v1+s5+$0x0], $0xffff  }
0x1a2: {  	v4 =	vld.idx.msk [tilespmem:v2+s5+$0x0], $0xffff  }
0x1a3: {  	v1 =	vld.idx.msk [tilespmem:v3+s5+$0x0], $0xffff  }
0x1a4: {  	v0 =	vld.idx.msk [tilespmem:v5+s5+$0x0], $0xffff  }
0x1a5: {  	s28 =	sadd.s32 $0x1A00000, s31;
	s0 =	simm.s32 $0x1A740;
	v2 =	vld.idx.msk [tilespmem:v6+s5+$0x0], $0xffff  }
0x1a6: {  	s1 =	sshrl.u32 s28, $0x3;
	v3 =	vld.idx.msk [tilespmem:v7+s5+$0x0], $0xffff;
	[tilespmem:s0+$0x30] =	vst v9  }
0x1a7: {  	s2 =	simm.s32 $0x187C0;
	s6 =	simm.s32 $0x0;
	s1 =	sadd.s32 s4, s1;
	v5 =	vld.idx.msk [tilespmem:v8+s5+$0x0], $0xffff;
	[tilespmem:s0+$0xFFFFFFD0] =	vst v10  }
.LBB2_19:
0x1a8: {  	v6 =	vld [tilespmem:s2+$0x30];
	s6 =	sadd.s32 $0x80, s6;
	[tilespmem:s0+$0xFFFFFFE0] =	vst v4  }
0x1a9: {  	v4 =	vld [tilespmem:s2+$0xFFFFFFD0];
	p0 =	slt.u32 s6, $0xF80;
	[tilespmem:s0+$0xFFFFFFF0] =	vst v1  }
0x1aa: {  	v1 =	vld [tilespmem:s2+$0xFFFFFFE0];
	[tilespmem:s0+$0x0] =	vst v0  }
0x1ab: {  	v0 =	vld [tilespmem:s2+$0xFFFFFFF0];
	[tilespmem:s0+$0x10] =	vst v2  }
0x1ac: {  	v2 =	vld [tilespmem:s2+$0x0];
	[tilespmem:s0+$0x20] =	vst v3  }
0x1ad: {  	v3 =	vld [tilespmem:s2+$0x10];
	[tilespmem:s0+$0xFFFFFFC0] =	vst v5  }
0x1ae: {  	v5 =	vld [tilespmem:s2+$0x20]  }
0x1af: {  	v7 =	vld [tilespmem:s2+$0xFFFFFFC0]  }
0x1b0: {  	v6 =	vld.idx.msk [tilespmem:v6+s5+$0x0], $0xffff  }
0x1b1: {  	v8 =	vld.idx.msk [tilespmem:v4+s5+$0x0], $0xffff  }
0x1b2: {  	v4 =	vld.idx.msk [tilespmem:v1+s5+$0x0], $0xffff  }
.Ltmp8:
0x1b3: {  	v1 =	vld.idx.msk [tilespmem:v0+s5+$0x0], $0xffff;
	(pc) =	sbr.rel @p0 .LBB2_19-.Ltmp8, $4  }
0x1b4: {  	v0 =	vld.idx.msk [tilespmem:v2+s5+$0x0], $0xffff  }
0x1b5: {  	s0 =	sadd.s32 $0x80, s0;
	v2 =	vld.idx.msk [tilespmem:v3+s5+$0x0], $0xffff  }
0x1b6: {  	v3 =	vld.idx.msk [tilespmem:v5+s5+$0x0], $0xffff;
	[tilespmem:s0+$0x30] =	vst v6  }
0x1b7: {  	s2 =	sadd.s32 $0x80, s2;
	v5 =	vld.idx.msk [tilespmem:v7+s5+$0x0], $0xffff;
	[tilespmem:s0+$0xFFFFFFD0] =	vst v8  }
0x1b8: {  	[tilespmem:s0+$0xFFFFFFE0] =	vst v4  }
0x1b9: {  	[tilespmem:s0+$0xFFFFFFF0] =	vst v1  }
0x1ba: {  	[tilespmem:s0+$0x0] =	vst v0  }
0x1bb: {  	[tilespmem:s0+$0x10] =	vst v2  }
0x1bc: {  	s6 =	sadd.s32 $0x8100, s30;
	[tilespmem:s0+$0x20] =	vst v3  }
0x1bd: {  	[tilespmem:s0+$0xFFFFFFC0] =	vst v5;
	s0 =	sshrl.u32 s6, $0x3  }
0x1be: {  	[hbm4b:s1+s16] =	stream.strided.scatter [tilespmem:s21], [sflag:$0x3], $0x1000, s17, s16, $0x38;
	[tilespmem:$0x1C700] =	vst v63  }
0x1bf: {  	s0 =	sadd.s32 s3, s0  }
0x1c0: {  	[tilespmem:s19], [sflag:$0x1] =	stream.strided.gather [hbm4b:s0+s16], $0x1000, s17, s16, $0x38;
	[tilespmem:$0x1C700] =	vst v63  }
0x1c1: {  	_ =	swait.ge [sflag:s22], $0x1000  }
0x1c2: {  	[sflag:s22] =	ssyncset.done $0x0  }
0x1c3: {  	[sflag:s22] =	ssyncadd.s32 $0xFFFFF000  }
0x1c4: {  	_ =	swait.ge [sflag:s26], $0x1000  }
0x1c5: {  	[sflag:s26] =	ssyncset.done $0x0  }
0x1c6: {  	s15 =	simm.s32 $0x19740;
	[sflag:s26] =	ssyncadd.s32 $0xFFFFF000  }
0x1c7: {  	v0 =	vld [tilespmem:s15+$0x30]  }
0x1c8: {  	v1 =	vld [tilespmem:s15+$0xFFFFFFD0]  }
0x1c9: {  	v2 =	vld [tilespmem:s15+$0xFFFFFFE0]  }
0x1ca: {  	v3 =	vld [tilespmem:s15+$0xFFFFFFF0]  }
0x1cb: {  	v5 =	vld [tilespmem:s15+$0x0]  }
0x1cc: {  	v6 =	vld [tilespmem:s15+$0x10]  }
0x1cd: {  	v7 =	vld [tilespmem:s15+$0x20]  }
0x1ce: {  	v8 =	vld [tilespmem:s15+$0xFFFFFFC0]  }
0x1cf: {  	v9 =	vld.idx.msk [tilespmem:v0+s5+$0x0], $0xffff  }
0x1d0: {  	v10 =	vld.idx.msk [tilespmem:v1+s5+$0x0], $0xffff  }
0x1d1: {  	v4 =	vld.idx.msk [tilespmem:v2+s5+$0x0], $0xffff  }
0x1d2: {  	v1 =	vld.idx.msk [tilespmem:v3+s5+$0x0], $0xffff  }
0x1d3: {  	v0 =	vld.idx.msk [tilespmem:v5+s5+$0x0], $0xffff  }
0x1d4: {  	s28 =	sadd.s32 $0x1D40000, s31;
	s0 =	simm.s32 $0x1B740;
	v2 =	vld.idx.msk [tilespmem:v6+s5+$0x0], $0xffff  }
0x1d5: {  	s1 =	sshrl.u32 s28, $0x3;
	v3 =	vld.idx.msk [tilespmem:v7+s5+$0x0], $0xffff;
	[tilespmem:s0+$0x30] =	vst v9  }
0x1d6: {  	s2 =	simm.s32 $0x197C0;
	s6 =	simm.s32 $0x0;
	s1 =	sadd.s32 s4, s1;
	v5 =	vld.idx.msk [tilespmem:v8+s5+$0x0], $0xffff;
	[tilespmem:s0+$0xFFFFFFD0] =	vst v10  }
.LBB2_21:
0x1d7: {  	v6 =	vld [tilespmem:s2+$0x30];
	s6 =	sadd.s32 $0x80, s6;
	[tilespmem:s0+$0xFFFFFFE0] =	vst v4  }
0x1d8: {  	v4 =	vld [tilespmem:s2+$0xFFFFFFD0];
	p0 =	slt.u32 s6, $0xF80;
	[tilespmem:s0+$0xFFFFFFF0] =	vst v1  }
0x1d9: {  	v1 =	vld [tilespmem:s2+$0xFFFFFFE0];
	[tilespmem:s0+$0x0] =	vst v0  }
0x1da: {  	v0 =	vld [tilespmem:s2+$0xFFFFFFF0];
	[tilespmem:s0+$0x10] =	vst v2  }
0x1db: {  	v2 =	vld [tilespmem:s2+$0x0];
	[tilespmem:s0+$0x20] =	vst v3  }
0x1dc: {  	v3 =	vld [tilespmem:s2+$0x10];
	[tilespmem:s0+$0xFFFFFFC0] =	vst v5  }
0x1dd: {  	v5 =	vld [tilespmem:s2+$0x20]  }
0x1de: {  	v7 =	vld [tilespmem:s2+$0xFFFFFFC0]  }
0x1df: {  	v6 =	vld.idx.msk [tilespmem:v6+s5+$0x0], $0xffff  }
0x1e0: {  	v8 =	vld.idx.msk [tilespmem:v4+s5+$0x0], $0xffff  }
0x1e1: {  	v4 =	vld.idx.msk [tilespmem:v1+s5+$0x0], $0xffff  }
.Ltmp9:
0x1e2: {  	v1 =	vld.idx.msk [tilespmem:v0+s5+$0x0], $0xffff;
	(pc) =	sbr.rel @p0 .LBB2_21-.Ltmp9, $4  }
0x1e3: {  	v0 =	vld.idx.msk [tilespmem:v2+s5+$0x0], $0xffff  }
0x1e4: {  	s0 =	sadd.s32 $0x80, s0;
	v2 =	vld.idx.msk [tilespmem:v3+s5+$0x0], $0xffff  }
0x1e5: {  	v3 =	vld.idx.msk [tilespmem:v5+s5+$0x0], $0xffff;
	[tilespmem:s0+$0x30] =	vst v6  }
0x1e6: {  	s2 =	sadd.s32 $0x80, s2;
	v5 =	vld.idx.msk [tilespmem:v7+s5+$0x0], $0xffff;
	[tilespmem:s0+$0xFFFFFFD0] =	vst v8  }
0x1e7: {  	[tilespmem:s0+$0xFFFFFFE0] =	vst v4  }
0x1e8: {  	[tilespmem:s0+$0xFFFFFFF0] =	vst v1  }
0x1e9: {  	[tilespmem:s0+$0x0] =	vst v0  }
0x1ea: {  	[tilespmem:s0+$0x10] =	vst v2  }
0x1eb: {  	s6 =	sadd.s32 $0x8180, s30;
	[tilespmem:s0+$0x20] =	vst v3  }
0x1ec: {  	[tilespmem:s0+$0xFFFFFFC0] =	vst v5;
	s0 =	sshrl.u32 s6, $0x3  }
0x1ed: {  	[hbm4b:s1+s16] =	stream.strided.scatter [tilespmem:s23], [sflag:$0x4], $0x1000, s17, s16, $0x38;
	[tilespmem:$0x1C700] =	vst v63  }
0x1ee: {  	s0 =	sadd.s32 s3, s0  }
0x1ef: {  	[tilespmem:s20], [sflag:$0x2] =	stream.strided.gather [hbm4b:s0+s16], $0x1000, s17, s16, $0x38;
	[tilespmem:$0x1C700] =	vst v63  }
0x1f0: {  	_ =	swait.ge [sflag:s24], $0x1000  }
0x1f1: {  	[sflag:s24] =	ssyncset.done $0x0  }
0x1f2: {  	[sflag:s24] =	ssyncadd.s32 $0xFFFFF000  }
0x1f3: {  	_ =	swait.ge [sflag:s25], $0x1000  }
0x1f4: {  	[sflag:s25] =	ssyncset.done $0x0  }
0x1f5: {  	s15 =	simm.s32 $0x18740;
	[sflag:s25] =	ssyncadd.s32 $0xFFFFF000  }
0x1f6: {  	v0 =	vld [tilespmem:s15+$0x30]  }
0x1f7: {  	v1 =	vld [tilespmem:s15+$0xFFFFFFD0]  }
0x1f8: {  	v2 =	vld [tilespmem:s15+$0xFFFFFFE0]  }
0x1f9: {  	v3 =	vld [tilespmem:s15+$0xFFFFFFF0]  }
0x1fa: {  	v5 =	vld [tilespmem:s15+$0x0]  }
0x1fb: {  	v6 =	vld [tilespmem:s15+$0x10]  }
0x1fc: {  	v7 =	vld [tilespmem:s15+$0x20]  }
0x1fd: {  	v8 =	vld [tilespmem:s15+$0xFFFFFFC0]  }
0x1fe: {  	v9 =	vld.idx.msk [tilespmem:v0+s5+$0x0], $0xffff  }
0x1ff: {  	v10 =	vld.idx.msk [tilespmem:v1+s5+$0x0], $0xffff  }
0x200: {  	v4 =	vld.idx.msk [tilespmem:v2+s5+$0x0], $0xffff  }
0x201: {  	v1 =	vld.idx.msk [tilespmem:v3+s5+$0x0], $0xffff  }
0x202: {  	v0 =	vld.idx.msk [tilespmem:v5+s5+$0x0], $0xffff  }
0x203: {  	s28 =	sadd.s32 $0x2080000, s31;
	s0 =	simm.s32 $0x1A740;
	v2 =	vld.idx.msk [tilespmem:v6+s5+$0x0], $0xffff  }
0x204: {  	s1 =	sshrl.u32 s28, $0x3;
	v3 =	vld.idx.msk [tilespmem:v7+s5+$0x0], $0xffff;
	[tilespmem:s0+$0x30] =	vst v9  }
0x205: {  	s2 =	simm.s32 $0x187C0;
	s6 =	simm.s32 $0x0;
	s1 =	sadd.s32 s4, s1;
	v5 =	vld.idx.msk [tilespmem:v8+s5+$0x0], $0xffff;
	[tilespmem:s0+$0xFFFFFFD0] =	vst v10  }
.LBB2_23:
0x206: {  	v6 =	vld [tilespmem:s2+$0x30];
	s6 =	sadd.s32 $0x80, s6;
	[tilespmem:s0+$0xFFFFFFE0] =	vst v4  }
0x207: {  	v4 =	vld [tilespmem:s2+$0xFFFFFFD0];
	p0 =	slt.u32 s6, $0xF80;
	[tilespmem:s0+$0xFFFFFFF0] =	vst v1  }
0x208: {  	v1 =	vld [tilespmem:s2+$0xFFFFFFE0];
	[tilespmem:s0+$0x0] =	vst v0  }
0x209: {  	v0 =	vld [tilespmem:s2+$0xFFFFFFF0];
	[tilespmem:s0+$0x10] =	vst v2  }
0x20a: {  	v2 =	vld [tilespmem:s2+$0x0];
	[tilespmem:s0+$0x20] =	vst v3  }
0x20b: {  	v3 =	vld [tilespmem:s2+$0x10];
	[tilespmem:s0+$0xFFFFFFC0] =	vst v5  }
0x20c: {  	v5 =	vld [tilespmem:s2+$0x20]  }
0x20d: {  	v7 =	vld [tilespmem:s2+$0xFFFFFFC0]  }
0x20e: {  	v6 =	vld.idx.msk [tilespmem:v6+s5+$0x0], $0xffff  }
0x20f: {  	v8 =	vld.idx.msk [tilespmem:v4+s5+$0x0], $0xffff  }
0x210: {  	v4 =	vld.idx.msk [tilespmem:v1+s5+$0x0], $0xffff  }
.Ltmp10:
0x211: {  	v1 =	vld.idx.msk [tilespmem:v0+s5+$0x0], $0xffff;
	(pc) =	sbr.rel @p0 .LBB2_23-.Ltmp10, $4  }
0x212: {  	v0 =	vld.idx.msk [tilespmem:v2+s5+$0x0], $0xffff  }
0x213: {  	s0 =	sadd.s32 $0x80, s0;
	v2 =	vld.idx.msk [tilespmem:v3+s5+$0x0], $0xffff  }
0x214: {  	v3 =	vld.idx.msk [tilespmem:v5+s5+$0x0], $0xffff;
	[tilespmem:s0+$0x30] =	vst v6  }
0x215: {  	s2 =	sadd.s32 $0x80, s2;
	v5 =	vld.idx.msk [tilespmem:v7+s5+$0x0], $0xffff;
	[tilespmem:s0+$0xFFFFFFD0] =	vst v8  }
0x216: {  	[tilespmem:s0+$0xFFFFFFE0] =	vst v4  }
0x217: {  	[tilespmem:s0+$0xFFFFFFF0] =	vst v1  }
0x218: {  	[tilespmem:s0+$0x0] =	vst v0  }
0x219: {  	[tilespmem:s0+$0x10] =	vst v2  }
0x21a: {  	s6 =	sadd.s32 $0x8200, s30;
	[tilespmem:s0+$0x20] =	vst v3  }
0x21b: {  	[tilespmem:s0+$0xFFFFFFC0] =	vst v5;
	s0 =	sshrl.u32 s6, $0x3  }
0x21c: {  	[hbm4b:s1+s16] =	stream.strided.scatter [tilespmem:s21], [sflag:$0x3], $0x1000, s17, s16, $0x38;
	[tilespmem:$0x1C700] =	vst v63  }
0x21d: {  	s0 =	sadd.s32 s3, s0  }
0x21e: {  	[tilespmem:s19], [sflag:$0x1] =	stream.strided.gather [hbm4b:s0+s16], $0x1000, s17, s16, $0x38;
	[tilespmem:$0x1C700] =	vst v63  }
0x21f: {  	_ =	swait.ge [sflag:s22], $0x1000  }
0x220: {  	[sflag:s22] =	ssyncset.done $0x0  }
0x221: {  	[sflag:s22] =	ssyncadd.s32 $0xFFFFF000  }
0x222: {  	_ =	swait.ge [sflag:s26], $0x1000  }
0x223: {  	[sflag:s26] =	ssyncset.done $0x0  }
0x224: {  	s15 =	simm.s32 $0x19740;
	[sflag:s26] =	ssyncadd.s32 $0xFFFFF000  }
0x225: {  	v0 =	vld [tilespmem:s15+$0x30]  }
0x226: {  	v1 =	vld [tilespmem:s15+$0xFFFFFFD0]  }
0x227: {  	v2 =	vld [tilespmem:s15+$0xFFFFFFE0]  }
0x228: {  	v3 =	vld [tilespmem:s15+$0xFFFFFFF0]  }
0x229: {  	v5 =	vld [tilespmem:s15+$0x0]  }
0x22a: {  	v6 =	vld [tilespmem:s15+$0x10]  }
0x22b: {  	v7 =	vld [tilespmem:s15+$0x20]  }
0x22c: {  	v8 =	vld [tilespmem:s15+$0xFFFFFFC0]  }
0x22d: {  	v9 =	vld.idx.msk [tilespmem:v0+s5+$0x0], $0xffff  }
0x22e: {  	v10 =	vld.idx.msk [tilespmem:v1+s5+$0x0], $0xffff  }
0x22f: {  	v4 =	vld.idx.msk [tilespmem:v2+s5+$0x0], $0xffff  }
0x230: {  	v1 =	vld.idx.msk [tilespmem:v3+s5+$0x0], $0xffff  }
0x231: {  	v0 =	vld.idx.msk [tilespmem:v5+s5+$0x0], $0xffff  }
0x232: {  	s28 =	sadd.s32 $0x23C0000, s31;
	s0 =	simm.s32 $0x1B740;
	v2 =	vld.idx.msk [tilespmem:v6+s5+$0x0], $0xffff  }
0x233: {  	s1 =	sshrl.u32 s28, $0x3;
	v3 =	vld.idx.msk [tilespmem:v7+s5+$0x0], $0xffff;
	[tilespmem:s0+$0x30] =	vst v9  }
0x234: {  	s2 =	simm.s32 $0x197C0;
	s6 =	simm.s32 $0x0;
	s1 =	sadd.s32 s4, s1;
	v5 =	vld.idx.msk [tilespmem:v8+s5+$0x0], $0xffff;
	[tilespmem:s0+$0xFFFFFFD0] =	vst v10  }
.LBB2_25:
0x235: {  	v6 =	vld [tilespmem:s2+$0x30];
	s6 =	sadd.s32 $0x80, s6;
	[tilespmem:s0+$0xFFFFFFE0] =	vst v4  }
0x236: {  	v4 =	vld [tilespmem:s2+$0xFFFFFFD0];
	p0 =	slt.u32 s6, $0xF80;
	[tilespmem:s0+$0xFFFFFFF0] =	vst v1  }
0x237: {  	v1 =	vld [tilespmem:s2+$0xFFFFFFE0];
	[tilespmem:s0+$0x0] =	vst v0  }
0x238: {  	v0 =	vld [tilespmem:s2+$0xFFFFFFF0];
	[tilespmem:s0+$0x10] =	vst v2  }
0x239: {  	v2 =	vld [tilespmem:s2+$0x0];
	[tilespmem:s0+$0x20] =	vst v3  }
0x23a: {  	v3 =	vld [tilespmem:s2+$0x10];
	[tilespmem:s0+$0xFFFFFFC0] =	vst v5  }
0x23b: {  	v5 =	vld [tilespmem:s2+$0x20]  }
0x23c: {  	v7 =	vld [tilespmem:s2+$0xFFFFFFC0]  }
0x23d: {  	v6 =	vld.idx.msk [tilespmem:v6+s5+$0x0], $0xffff  }
0x23e: {  	v8 =	vld.idx.msk [tilespmem:v4+s5+$0x0], $0xffff  }
0x23f: {  	v4 =	vld.idx.msk [tilespmem:v1+s5+$0x0], $0xffff  }
.Ltmp11:
0x240: {  	v1 =	vld.idx.msk [tilespmem:v0+s5+$0x0], $0xffff;
	(pc) =	sbr.rel @p0 .LBB2_25-.Ltmp11, $4  }
0x241: {  	v0 =	vld.idx.msk [tilespmem:v2+s5+$0x0], $0xffff  }
0x242: {  	s0 =	sadd.s32 $0x80, s0;
	v2 =	vld.idx.msk [tilespmem:v3+s5+$0x0], $0xffff  }
0x243: {  	v3 =	vld.idx.msk [tilespmem:v5+s5+$0x0], $0xffff;
	[tilespmem:s0+$0x30] =	vst v6  }
0x244: {  	s2 =	sadd.s32 $0x80, s2;
	v5 =	vld.idx.msk [tilespmem:v7+s5+$0x0], $0xffff;
	[tilespmem:s0+$0xFFFFFFD0] =	vst v8  }
0x245: {  	[tilespmem:s0+$0xFFFFFFE0] =	vst v4  }
0x246: {  	[tilespmem:s0+$0xFFFFFFF0] =	vst v1  }
0x247: {  	[tilespmem:s0+$0x0] =	vst v0  }
0x248: {  	[tilespmem:s0+$0x10] =	vst v2  }
0x249: {  	s6 =	sadd.s32 $0x8280, s30;
	[tilespmem:s0+$0x20] =	vst v3  }
0x24a: {  	[tilespmem:s0+$0xFFFFFFC0] =	vst v5;
	s0 =	sshrl.u32 s6, $0x3  }
0x24b: {  	[hbm4b:s1+s16] =	stream.strided.scatter [tilespmem:s23], [sflag:$0x4], $0x1000, s17, s16, $0x38;
	[tilespmem:$0x1C700] =	vst v63  }
0x24c: {  	s0 =	sadd.s32 s3, s0  }
0x24d: {  	[tilespmem:s20], [sflag:$0x2] =	stream.strided.gather [hbm4b:s0+s16], $0x1000, s17, s16, $0x38;
	[tilespmem:$0x1C700] =	vst v63  }
0x24e: {  	_ =	swait.ge [sflag:s24], $0x1000  }
0x24f: {  	[sflag:s24] =	ssyncset.done $0x0  }
0x250: {  	[sflag:s24] =	ssyncadd.s32 $0xFFFFF000  }
0x251: {  	_ =	swait.ge [sflag:s25], $0x1000  }
0x252: {  	[sflag:s25] =	ssyncset.done $0x0  }
0x253: {  	s15 =	simm.s32 $0x18740;
	[sflag:s25] =	ssyncadd.s32 $0xFFFFF000  }
0x254: {  	v0 =	vld [tilespmem:s15+$0x30]  }
0x255: {  	v1 =	vld [tilespmem:s15+$0xFFFFFFD0]  }
0x256: {  	v2 =	vld [tilespmem:s15+$0xFFFFFFE0]  }
0x257: {  	v3 =	vld [tilespmem:s15+$0xFFFFFFF0]  }
0x258: {  	v5 =	vld [tilespmem:s15+$0x0]  }
0x259: {  	v6 =	vld [tilespmem:s15+$0x10]  }
0x25a: {  	v7 =	vld [tilespmem:s15+$0x20]  }
0x25b: {  	v8 =	vld [tilespmem:s15+$0xFFFFFFC0]  }
0x25c: {  	v9 =	vld.idx.msk [tilespmem:v0+s5+$0x0], $0xffff  }
0x25d: {  	v10 =	vld.idx.msk [tilespmem:v1+s5+$0x0], $0xffff  }
0x25e: {  	v4 =	vld.idx.msk [tilespmem:v2+s5+$0x0], $0xffff  }
0x25f: {  	v1 =	vld.idx.msk [tilespmem:v3+s5+$0x0], $0xffff  }
0x260: {  	v0 =	vld.idx.msk [tilespmem:v5+s5+$0x0], $0xffff  }
0x261: {  	s28 =	sadd.s32 $0x2700000, s31;
	s0 =	simm.s32 $0x1A740;
	v2 =	vld.idx.msk [tilespmem:v6+s5+$0x0], $0xffff  }
0x262: {  	s1 =	sshrl.u32 s28, $0x3;
	v3 =	vld.idx.msk [tilespmem:v7+s5+$0x0], $0xffff;
	[tilespmem:s0+$0x30] =	vst v9  }
0x263: {  	s2 =	simm.s32 $0x187C0;
	s6 =	simm.s32 $0x0;
	s1 =	sadd.s32 s4, s1;
	v5 =	vld.idx.msk [tilespmem:v8+s5+$0x0], $0xffff;
	[tilespmem:s0+$0xFFFFFFD0] =	vst v10  }
.LBB2_27:
0x264: {  	v6 =	vld [tilespmem:s2+$0x30];
	s6 =	sadd.s32 $0x80, s6;
	[tilespmem:s0+$0xFFFFFFE0] =	vst v4  }
0x265: {  	v4 =	vld [tilespmem:s2+$0xFFFFFFD0];
	p0 =	slt.u32 s6, $0xF80;
	[tilespmem:s0+$0xFFFFFFF0] =	vst v1  }
0x266: {  	v1 =	vld [tilespmem:s2+$0xFFFFFFE0];
	[tilespmem:s0+$0x0] =	vst v0  }
0x267: {  	v0 =	vld [tilespmem:s2+$0xFFFFFFF0];
	[tilespmem:s0+$0x10] =	vst v2  }
0x268: {  	v2 =	vld [tilespmem:s2+$0x0];
	[tilespmem:s0+$0x20] =	vst v3  }
0x269: {  	v3 =	vld [tilespmem:s2+$0x10];
	[tilespmem:s0+$0xFFFFFFC0] =	vst v5  }
0x26a: {  	v5 =	vld [tilespmem:s2+$0x20]  }
0x26b: {  	v7 =	vld [tilespmem:s2+$0xFFFFFFC0]  }
0x26c: {  	v6 =	vld.idx.msk [tilespmem:v6+s5+$0x0], $0xffff  }
0x26d: {  	v8 =	vld.idx.msk [tilespmem:v4+s5+$0x0], $0xffff  }
0x26e: {  	v4 =	vld.idx.msk [tilespmem:v1+s5+$0x0], $0xffff  }
.Ltmp12:
0x26f: {  	v1 =	vld.idx.msk [tilespmem:v0+s5+$0x0], $0xffff;
	(pc) =	sbr.rel @p0 .LBB2_27-.Ltmp12, $4  }
0x270: {  	v0 =	vld.idx.msk [tilespmem:v2+s5+$0x0], $0xffff  }
0x271: {  	s0 =	sadd.s32 $0x80, s0;
	v2 =	vld.idx.msk [tilespmem:v3+s5+$0x0], $0xffff  }
0x272: {  	v3 =	vld.idx.msk [tilespmem:v5+s5+$0x0], $0xffff;
	[tilespmem:s0+$0x30] =	vst v6  }
0x273: {  	s2 =	sadd.s32 $0x80, s2;
	v5 =	vld.idx.msk [tilespmem:v7+s5+$0x0], $0xffff;
	[tilespmem:s0+$0xFFFFFFD0] =	vst v8  }
0x274: {  	[tilespmem:s0+$0xFFFFFFE0] =	vst v4  }
0x275: {  	[tilespmem:s0+$0xFFFFFFF0] =	vst v1  }
0x276: {  	[tilespmem:s0+$0x0] =	vst v0  }
0x277: {  	[tilespmem:s0+$0x10] =	vst v2  }
0x278: {  	s6 =	sadd.s32 $0x8300, s30;
	[tilespmem:s0+$0x20] =	vst v3  }
0x279: {  	[tilespmem:s0+$0xFFFFFFC0] =	vst v5;
	s0 =	sshrl.u32 s6, $0x3  }
0x27a: {  	[hbm4b:s1+s16] =	stream.strided.scatter [tilespmem:s21], [sflag:$0x3], $0x1000, s17, s16, $0x38;
	[tilespmem:$0x1C700] =	vst v63  }
0x27b: {  	s0 =	sadd.s32 s3, s0  }
0x27c: {  	[tilespmem:s19], [sflag:$0x1] =	stream.strided.gather [hbm4b:s0+s16], $0x1000, s17, s16, $0x38;
	[tilespmem:$0x1C700] =	vst v63  }
0x27d: {  	_ =	swait.ge [sflag:s22], $0x1000  }
0x27e: {  	[sflag:s22] =	ssyncset.done $0x0  }
0x27f: {  	[sflag:s22] =	ssyncadd.s32 $0xFFFFF000  }
0x280: {  	_ =	swait.ge [sflag:s26], $0x1000  }
0x281: {  	[sflag:s26] =	ssyncset.done $0x0  }
0x282: {  	s15 =	simm.s32 $0x19740;
	[sflag:s26] =	ssyncadd.s32 $0xFFFFF000  }
0x283: {  	v0 =	vld [tilespmem:s15+$0x30]  }
0x284: {  	v1 =	vld [tilespmem:s15+$0xFFFFFFD0]  }
0x285: {  	v2 =	vld [tilespmem:s15+$0xFFFFFFE0]  }
0x286: {  	v3 =	vld [tilespmem:s15+$0xFFFFFFF0]  }
0x287: {  	v5 =	vld [tilespmem:s15+$0x0]  }
0x288: {  	v6 =	vld [tilespmem:s15+$0x10]  }
0x289: {  	v7 =	vld [tilespmem:s15+$0x20]  }
0x28a: {  	v8 =	vld [tilespmem:s15+$0xFFFFFFC0]  }
0x28b: {  	v9 =	vld.idx.msk [tilespmem:v0+s5+$0x0], $0xffff  }
0x28c: {  	v10 =	vld.idx.msk [tilespmem:v1+s5+$0x0], $0xffff  }
0x28d: {  	v4 =	vld.idx.msk [tilespmem:v2+s5+$0x0], $0xffff  }
0x28e: {  	v1 =	vld.idx.msk [tilespmem:v3+s5+$0x0], $0xffff  }
0x28f: {  	v0 =	vld.idx.msk [tilespmem:v5+s5+$0x0], $0xffff  }
0x290: {  	s28 =	sadd.s32 $0x2A40000, s31;
	s0 =	simm.s32 $0x1B740;
	v2 =	vld.idx.msk [tilespmem:v6+s5+$0x0], $0xffff  }
0x291: {  	s1 =	sshrl.u32 s28, $0x3;
	v3 =	vld.idx.msk [tilespmem:v7+s5+$0x0], $0xffff;
	[tilespmem:s0+$0x30] =	vst v9  }
0x292: {  	s2 =	simm.s32 $0x197C0;
	s6 =	simm.s32 $0x0;
	s1 =	sadd.s32 s4, s1;
	v5 =	vld.idx.msk [tilespmem:v8+s5+$0x0], $0xffff;
	[tilespmem:s0+$0xFFFFFFD0] =	vst v10  }
.LBB2_29:
0x293: {  	v6 =	vld [tilespmem:s2+$0x30];
	s6 =	sadd.s32 $0x80, s6;
	[tilespmem:s0+$0xFFFFFFE0] =	vst v4  }
0x294: {  	v4 =	vld [tilespmem:s2+$0xFFFFFFD0];
	p0 =	slt.u32 s6, $0xF80;
	[tilespmem:s0+$0xFFFFFFF0] =	vst v1  }
0x295: {  	v1 =	vld [tilespmem:s2+$0xFFFFFFE0];
	[tilespmem:s0+$0x0] =	vst v0  }
0x296: {  	v0 =	vld [tilespmem:s2+$0xFFFFFFF0];
	[tilespmem:s0+$0x10] =	vst v2  }
0x297: {  	v2 =	vld [tilespmem:s2+$0x0];
	[tilespmem:s0+$0x20] =	vst v3  }
0x298: {  	v3 =	vld [tilespmem:s2+$0x10];
	[tilespmem:s0+$0xFFFFFFC0] =	vst v5  }
0x299: {  	v5 =	vld [tilespmem:s2+$0x20]  }
0x29a: {  	v7 =	vld [tilespmem:s2+$0xFFFFFFC0]  }
0x29b: {  	v6 =	vld.idx.msk [tilespmem:v6+s5+$0x0], $0xffff  }
0x29c: {  	v8 =	vld.idx.msk [tilespmem:v4+s5+$0x0], $0xffff  }
0x29d: {  	v4 =	vld.idx.msk [tilespmem:v1+s5+$0x0], $0xffff  }
.Ltmp13:
0x29e: {  	v1 =	vld.idx.msk [tilespmem:v0+s5+$0x0], $0xffff;
	(pc) =	sbr.rel @p0 .LBB2_29-.Ltmp13, $4  }
0x29f: {  	v0 =	vld.idx.msk [tilespmem:v2+s5+$0x0], $0xffff  }
0x2a0: {  	s0 =	sadd.s32 $0x80, s0;
	v2 =	vld.idx.msk [tilespmem:v3+s5+$0x0], $0xffff  }
0x2a1: {  	v3 =	vld.idx.msk [tilespmem:v5+s5+$0x0], $0xffff;
	[tilespmem:s0+$0x30] =	vst v6  }
0x2a2: {  	s2 =	sadd.s32 $0x80, s2;
	v5 =	vld.idx.msk [tilespmem:v7+s5+$0x0], $0xffff;
	[tilespmem:s0+$0xFFFFFFD0] =	vst v8  }
0x2a3: {  	[tilespmem:s0+$0xFFFFFFE0] =	vst v4  }
0x2a4: {  	[tilespmem:s0+$0xFFFFFFF0] =	vst v1  }
0x2a5: {  	[tilespmem:s0+$0x0] =	vst v0  }
0x2a6: {  	[tilespmem:s0+$0x10] =	vst v2  }
0x2a7: {  	s6 =	sadd.s32 $0x8380, s30;
	[tilespmem:s0+$0x20] =	vst v3  }
0x2a8: {  	[tilespmem:s0+$0xFFFFFFC0] =	vst v5;
	s0 =	sshrl.u32 s6, $0x3  }
0x2a9: {  	[hbm4b:s1+s16] =	stream.strided.scatter [tilespmem:s23], [sflag:$0x4], $0x1000, s17, s16, $0x38;
	[tilespmem:$0x1C700] =	vst v63  }
0x2aa: {  	s0 =	sadd.s32 s3, s0  }
0x2ab: {  	[tilespmem:s20], [sflag:$0x2] =	stream.strided.gather [hbm4b:s0+s16], $0x1000, s17, s16, $0x38;
	[tilespmem:$0x1C700] =	vst v63  }
0x2ac: {  	_ =	swait.ge [sflag:s24], $0x1000  }
0x2ad: {  	[sflag:s24] =	ssyncset.done $0x0  }
0x2ae: {  	[sflag:s24] =	ssyncadd.s32 $0xFFFFF000  }
0x2af: {  	_ =	swait.ge [sflag:s25], $0x1000  }
0x2b0: {  	[sflag:s25] =	ssyncset.done $0x0  }
0x2b1: {  	s15 =	simm.s32 $0x18740;
	[sflag:s25] =	ssyncadd.s32 $0xFFFFF000  }
0x2b2: {  	v0 =	vld [tilespmem:s15+$0x30]  }
0x2b3: {  	v1 =	vld [tilespmem:s15+$0xFFFFFFD0]  }
0x2b4: {  	v2 =	vld [tilespmem:s15+$0xFFFFFFE0]  }
0x2b5: {  	v3 =	vld [tilespmem:s15+$0xFFFFFFF0]  }
0x2b6: {  	v5 =	vld [tilespmem:s15+$0x0]  }
0x2b7: {  	v6 =	vld [tilespmem:s15+$0x10]  }
0x2b8: {  	v7 =	vld [tilespmem:s15+$0x20]  }
0x2b9: {  	v8 =	vld [tilespmem:s15+$0xFFFFFFC0]  }
0x2ba: {  	v9 =	vld.idx.msk [tilespmem:v0+s5+$0x0], $0xffff  }
0x2bb: {  	v10 =	vld.idx.msk [tilespmem:v1+s5+$0x0], $0xffff  }
0x2bc: {  	v4 =	vld.idx.msk [tilespmem:v2+s5+$0x0], $0xffff  }
0x2bd: {  	v1 =	vld.idx.msk [tilespmem:v3+s5+$0x0], $0xffff  }
0x2be: {  	v0 =	vld.idx.msk [tilespmem:v5+s5+$0x0], $0xffff  }
0x2bf: {  	s28 =	sadd.s32 $0x2D80000, s31;
	s0 =	simm.s32 $0x1A740;
	v2 =	vld.idx.msk [tilespmem:v6+s5+$0x0], $0xffff  }
0x2c0: {  	s1 =	sshrl.u32 s28, $0x3;
	v3 =	vld.idx.msk [tilespmem:v7+s5+$0x0], $0xffff;
	[tilespmem:s0+$0x30] =	vst v9  }
0x2c1: {  	s2 =	simm.s32 $0x187C0;
	s6 =	simm.s32 $0x0;
	s1 =	sadd.s32 s4, s1;
	v5 =	vld.idx.msk [tilespmem:v8+s5+$0x0], $0xffff;
	[tilespmem:s0+$0xFFFFFFD0] =	vst v10  }
.LBB2_31:
0x2c2: {  	v6 =	vld [tilespmem:s2+$0x30];
	s6 =	sadd.s32 $0x80, s6;
	[tilespmem:s0+$0xFFFFFFE0] =	vst v4  }
0x2c3: {  	v4 =	vld [tilespmem:s2+$0xFFFFFFD0];
	p0 =	slt.u32 s6, $0xF80;
	[tilespmem:s0+$0xFFFFFFF0] =	vst v1  }
0x2c4: {  	v1 =	vld [tilespmem:s2+$0xFFFFFFE0];
	[tilespmem:s0+$0x0] =	vst v0  }
0x2c5: {  	v0 =	vld [tilespmem:s2+$0xFFFFFFF0];
	[tilespmem:s0+$0x10] =	vst v2  }
0x2c6: {  	v2 =	vld [tilespmem:s2+$0x0];
	[tilespmem:s0+$0x20] =	vst v3  }
0x2c7: {  	v3 =	vld [tilespmem:s2+$0x10];
	[tilespmem:s0+$0xFFFFFFC0] =	vst v5  }
0x2c8: {  	v5 =	vld [tilespmem:s2+$0x20]  }
0x2c9: {  	v7 =	vld [tilespmem:s2+$0xFFFFFFC0]  }
0x2ca: {  	v6 =	vld.idx.msk [tilespmem:v6+s5+$0x0], $0xffff  }
0x2cb: {  	v8 =	vld.idx.msk [tilespmem:v4+s5+$0x0], $0xffff  }
0x2cc: {  	v4 =	vld.idx.msk [tilespmem:v1+s5+$0x0], $0xffff  }
.Ltmp14:
0x2cd: {  	v1 =	vld.idx.msk [tilespmem:v0+s5+$0x0], $0xffff;
	(pc) =	sbr.rel @p0 .LBB2_31-.Ltmp14, $4  }
0x2ce: {  	v0 =	vld.idx.msk [tilespmem:v2+s5+$0x0], $0xffff  }
0x2cf: {  	s0 =	sadd.s32 $0x80, s0;
	v2 =	vld.idx.msk [tilespmem:v3+s5+$0x0], $0xffff  }
0x2d0: {  	v3 =	vld.idx.msk [tilespmem:v5+s5+$0x0], $0xffff;
	[tilespmem:s0+$0x30] =	vst v6  }
0x2d1: {  	s2 =	sadd.s32 $0x80, s2;
	v5 =	vld.idx.msk [tilespmem:v7+s5+$0x0], $0xffff;
	[tilespmem:s0+$0xFFFFFFD0] =	vst v8  }
0x2d2: {  	[tilespmem:s0+$0xFFFFFFE0] =	vst v4  }
0x2d3: {  	[tilespmem:s0+$0xFFFFFFF0] =	vst v1  }
0x2d4: {  	[tilespmem:s0+$0x0] =	vst v0  }
0x2d5: {  	[tilespmem:s0+$0x10] =	vst v2  }
0x2d6: {  	s6 =	sadd.s32 $0x10000, s30;
	[tilespmem:s0+$0x20] =	vst v3  }
0x2d7: {  	[tilespmem:s0+$0xFFFFFFC0] =	vst v5;
	s0 =	sshrl.u32 s6, $0x3  }
0x2d8: {  	[hbm4b:s1+s16] =	stream.strided.scatter [tilespmem:s21], [sflag:$0x3], $0x1000, s17, s16, $0x38;
	[tilespmem:$0x1C700] =	vst v63  }
0x2d9: {  	s0 =	sadd.s32 s3, s0  }
0x2da: {  	[tilespmem:s19], [sflag:$0x1] =	stream.strided.gather [hbm4b:s0+s16], $0x1000, s17, s16, $0x38;
	[tilespmem:$0x1C700] =	vst v63  }
0x2db: {  	_ =	swait.ge [sflag:s22], $0x1000  }
0x2dc: {  	[sflag:s22] =	ssyncset.done $0x0  }
0x2dd: {  	[sflag:s22] =	ssyncadd.s32 $0xFFFFF000  }
0x2de: {  	_ =	swait.ge [sflag:s26], $0x1000  }
0x2df: {  	[sflag:s26] =	ssyncset.done $0x0  }
0x2e0: {  	s15 =	simm.s32 $0x19740;
	[sflag:s26] =	ssyncadd.s32 $0xFFFFF000  }
0x2e1: {  	v0 =	vld [tilespmem:s15+$0x30]  }
0x2e2: {  	v1 =	vld [tilespmem:s15+$0xFFFFFFD0]  }
0x2e3: {  	v2 =	vld [tilespmem:s15+$0xFFFFFFE0]  }
0x2e4: {  	v3 =	vld [tilespmem:s15+$0xFFFFFFF0]  }
0x2e5: {  	v5 =	vld [tilespmem:s15+$0x0]  }
0x2e6: {  	v6 =	vld [tilespmem:s15+$0x10]  }
0x2e7: {  	v7 =	vld [tilespmem:s15+$0x20]  }
0x2e8: {  	v8 =	vld [tilespmem:s15+$0xFFFFFFC0]  }
0x2e9: {  	v9 =	vld.idx.msk [tilespmem:v0+s5+$0x0], $0xffff  }
0x2ea: {  	v10 =	vld.idx.msk [tilespmem:v1+s5+$0x0], $0xffff  }
0x2eb: {  	v4 =	vld.idx.msk [tilespmem:v2+s5+$0x0], $0xffff  }
0x2ec: {  	v1 =	vld.idx.msk [tilespmem:v3+s5+$0x0], $0xffff  }
0x2ed: {  	v0 =	vld.idx.msk [tilespmem:v5+s5+$0x0], $0xffff  }
0x2ee: {  	s28 =	sadd.s32 $0x30C0000, s31;
	s0 =	simm.s32 $0x1B740;
	v2 =	vld.idx.msk [tilespmem:v6+s5+$0x0], $0xffff  }
0x2ef: {  	s1 =	sshrl.u32 s28, $0x3;
	v3 =	vld.idx.msk [tilespmem:v7+s5+$0x0], $0xffff;
	[tilespmem:s0+$0x30] =	vst v9  }
0x2f0: {  	s2 =	simm.s32 $0x197C0;
	s6 =	simm.s32 $0x0;
	s1 =	sadd.s32 s4, s1;
	v5 =	vld.idx.msk [tilespmem:v8+s5+$0x0], $0xffff;
	[tilespmem:s0+$0xFFFFFFD0] =	vst v10  }
.LBB2_33:
0x2f1: {  	v6 =	vld [tilespmem:s2+$0x30];
	s6 =	sadd.s32 $0x80, s6;
	[tilespmem:s0+$0xFFFFFFE0] =	vst v4  }
0x2f2: {  	v4 =	vld [tilespmem:s2+$0xFFFFFFD0];
	p0 =	slt.u32 s6, $0xF80;
	[tilespmem:s0+$0xFFFFFFF0] =	vst v1  }
0x2f3: {  	v1 =	vld [tilespmem:s2+$0xFFFFFFE0];
	[tilespmem:s0+$0x0] =	vst v0  }
0x2f4: {  	v0 =	vld [tilespmem:s2+$0xFFFFFFF0];
	[tilespmem:s0+$0x10] =	vst v2  }
0x2f5: {  	v2 =	vld [tilespmem:s2+$0x0];
	[tilespmem:s0+$0x20] =	vst v3  }
0x2f6: {  	v3 =	vld [tilespmem:s2+$0x10];
	[tilespmem:s0+$0xFFFFFFC0] =	vst v5  }
0x2f7: {  	v5 =	vld [tilespmem:s2+$0x20]  }
0x2f8: {  	v7 =	vld [tilespmem:s2+$0xFFFFFFC0]  }
0x2f9: {  	v6 =	vld.idx.msk [tilespmem:v6+s5+$0x0], $0xffff  }
0x2fa: {  	v8 =	vld.idx.msk [tilespmem:v4+s5+$0x0], $0xffff  }
0x2fb: {  	v4 =	vld.idx.msk [tilespmem:v1+s5+$0x0], $0xffff  }
.Ltmp15:
0x2fc: {  	v1 =	vld.idx.msk [tilespmem:v0+s5+$0x0], $0xffff;
	(pc) =	sbr.rel @p0 .LBB2_33-.Ltmp15, $4  }
0x2fd: {  	v0 =	vld.idx.msk [tilespmem:v2+s5+$0x0], $0xffff  }
0x2fe: {  	s0 =	sadd.s32 $0x80, s0;
	v2 =	vld.idx.msk [tilespmem:v3+s5+$0x0], $0xffff  }
0x2ff: {  	v3 =	vld.idx.msk [tilespmem:v5+s5+$0x0], $0xffff;
	[tilespmem:s0+$0x30] =	vst v6  }
0x300: {  	s2 =	sadd.s32 $0x80, s2;
	v5 =	vld.idx.msk [tilespmem:v7+s5+$0x0], $0xffff;
	[tilespmem:s0+$0xFFFFFFD0] =	vst v8  }
0x301: {  	[tilespmem:s0+$0xFFFFFFE0] =	vst v4  }
0x302: {  	[tilespmem:s0+$0xFFFFFFF0] =	vst v1  }
0x303: {  	[tilespmem:s0+$0x0] =	vst v0  }
0x304: {  	[tilespmem:s0+$0x10] =	vst v2  }
0x305: {  	s6 =	sadd.s32 $0x10080, s30;
	[tilespmem:s0+$0x20] =	vst v3  }
0x306: {  	[tilespmem:s0+$0xFFFFFFC0] =	vst v5;
	s0 =	sshrl.u32 s6, $0x3  }
0x307: {  	[hbm4b:s1+s16] =	stream.strided.scatter [tilespmem:s23], [sflag:$0x4], $0x1000, s17, s16, $0x38;
	[tilespmem:$0x1C700] =	vst v63  }
0x308: {  	s0 =	sadd.s32 s3, s0  }
0x309: {  	[tilespmem:s20], [sflag:$0x2] =	stream.strided.gather [hbm4b:s0+s16], $0x1000, s17, s16, $0x38;
	[tilespmem:$0x1C700] =	vst v63  }
0x30a: {  	_ =	swait.ge [sflag:s24], $0x1000  }
0x30b: {  	[sflag:s24] =	ssyncset.done $0x0  }
0x30c: {  	[sflag:s24] =	ssyncadd.s32 $0xFFFFF000  }
0x30d: {  	_ =	swait.ge [sflag:s25], $0x1000  }
0x30e: {  	[sflag:s25] =	ssyncset.done $0x0  }
0x30f: {  	s15 =	simm.s32 $0x18740;
	[sflag:s25] =	ssyncadd.s32 $0xFFFFF000  }
0x310: {  	v0 =	vld [tilespmem:s15+$0x30]  }
0x311: {  	v1 =	vld [tilespmem:s15+$0xFFFFFFD0]  }
0x312: {  	v2 =	vld [tilespmem:s15+$0xFFFFFFE0]  }
0x313: {  	v3 =	vld [tilespmem:s15+$0xFFFFFFF0]  }
0x314: {  	v5 =	vld [tilespmem:s15+$0x0]  }
0x315: {  	v6 =	vld [tilespmem:s15+$0x10]  }
0x316: {  	v7 =	vld [tilespmem:s15+$0x20]  }
0x317: {  	v8 =	vld [tilespmem:s15+$0xFFFFFFC0]  }
0x318: {  	v9 =	vld.idx.msk [tilespmem:v0+s5+$0x0], $0xffff  }
0x319: {  	v10 =	vld.idx.msk [tilespmem:v1+s5+$0x0], $0xffff  }
0x31a: {  	v4 =	vld.idx.msk [tilespmem:v2+s5+$0x0], $0xffff  }
0x31b: {  	v1 =	vld.idx.msk [tilespmem:v3+s5+$0x0], $0xffff  }
0x31c: {  	v0 =	vld.idx.msk [tilespmem:v5+s5+$0x0], $0xffff  }
0x31d: {  	s28 =	sadd.s32 $0x3400000, s31;
	s0 =	simm.s32 $0x1A740;
	v2 =	vld.idx.msk [tilespmem:v6+s5+$0x0], $0xffff  }
0x31e: {  	s1 =	sshrl.u32 s28, $0x3;
	v3 =	vld.idx.msk [tilespmem:v7+s5+$0x0], $0xffff;
	[tilespmem:s0+$0x30] =	vst v9  }
0x31f: {  	s2 =	simm.s32 $0x187C0;
	s6 =	simm.s32 $0x0;
	s1 =	sadd.s32 s4, s1;
	v5 =	vld.idx.msk [tilespmem:v8+s5+$0x0], $0xffff;
	[tilespmem:s0+$0xFFFFFFD0] =	vst v10  }
.LBB2_35:
0x320: {  	v6 =	vld [tilespmem:s2+$0x30];
	s6 =	sadd.s32 $0x80, s6;
	[tilespmem:s0+$0xFFFFFFE0] =	vst v4  }
0x321: {  	v4 =	vld [tilespmem:s2+$0xFFFFFFD0];
	p0 =	slt.u32 s6, $0xF80;
	[tilespmem:s0+$0xFFFFFFF0] =	vst v1  }
0x322: {  	v1 =	vld [tilespmem:s2+$0xFFFFFFE0];
	[tilespmem:s0+$0x0] =	vst v0  }
0x323: {  	v0 =	vld [tilespmem:s2+$0xFFFFFFF0];
	[tilespmem:s0+$0x10] =	vst v2  }
0x324: {  	v2 =	vld [tilespmem:s2+$0x0];
	[tilespmem:s0+$0x20] =	vst v3  }
0x325: {  	v3 =	vld [tilespmem:s2+$0x10];
	[tilespmem:s0+$0xFFFFFFC0] =	vst v5  }
0x326: {  	v5 =	vld [tilespmem:s2+$0x20]  }
0x327: {  	v7 =	vld [tilespmem:s2+$0xFFFFFFC0]  }
0x328: {  	v6 =	vld.idx.msk [tilespmem:v6+s5+$0x0], $0xffff  }
0x329: {  	v8 =	vld.idx.msk [tilespmem:v4+s5+$0x0], $0xffff  }
0x32a: {  	v4 =	vld.idx.msk [tilespmem:v1+s5+$0x0], $0xffff  }
.Ltmp16:
0x32b: {  	v1 =	vld.idx.msk [tilespmem:v0+s5+$0x0], $0xffff;
	(pc) =	sbr.rel @p0 .LBB2_35-.Ltmp16, $4  }
0x32c: {  	v0 =	vld.idx.msk [tilespmem:v2+s5+$0x0], $0xffff  }
0x32d: {  	s0 =	sadd.s32 $0x80, s0;
	v2 =	vld.idx.msk [tilespmem:v3+s5+$0x0], $0xffff  }
0x32e: {  	v3 =	vld.idx.msk [tilespmem:v5+s5+$0x0], $0xffff;
	[tilespmem:s0+$0x30] =	vst v6  }
0x32f: {  	s2 =	sadd.s32 $0x80, s2;
	v5 =	vld.idx.msk [tilespmem:v7+s5+$0x0], $0xffff;
	[tilespmem:s0+$0xFFFFFFD0] =	vst v8  }
0x330: {  	[tilespmem:s0+$0xFFFFFFE0] =	vst v4  }
0x331: {  	[tilespmem:s0+$0xFFFFFFF0] =	vst v1  }
0x332: {  	[tilespmem:s0+$0x0] =	vst v0  }
0x333: {  	[tilespmem:s0+$0x10] =	vst v2  }
0x334: {  	s6 =	sadd.s32 $0x10100, s30;
	[tilespmem:s0+$0x20] =	vst v3  }
0x335: {  	[tilespmem:s0+$0xFFFFFFC0] =	vst v5;
	s0 =	sshrl.u32 s6, $0x3  }
0x336: {  	[hbm4b:s1+s16] =	stream.strided.scatter [tilespmem:s21], [sflag:$0x3], $0x1000, s17, s16, $0x38;
	[tilespmem:$0x1C700] =	vst v63  }
0x337: {  	s0 =	sadd.s32 s3, s0  }
0x338: {  	[tilespmem:s19], [sflag:$0x1] =	stream.strided.gather [hbm4b:s0+s16], $0x1000, s17, s16, $0x38;
	[tilespmem:$0x1C700] =	vst v63  }
0x339: {  	_ =	swait.ge [sflag:s22], $0x1000  }
0x33a: {  	[sflag:s22] =	ssyncset.done $0x0  }
0x33b: {  	[sflag:s22] =	ssyncadd.s32 $0xFFFFF000  }
0x33c: {  	_ =	swait.ge [sflag:s26], $0x1000  }
0x33d: {  	[sflag:s26] =	ssyncset.done $0x0  }
0x33e: {  	s15 =	simm.s32 $0x19740;
	[sflag:s26] =	ssyncadd.s32 $0xFFFFF000  }
0x33f: {  	v0 =	vld [tilespmem:s15+$0x30]  }
0x340: {  	v1 =	vld [tilespmem:s15+$0xFFFFFFD0]  }
0x341: {  	v2 =	vld [tilespmem:s15+$0xFFFFFFE0]  }
0x342: {  	v3 =	vld [tilespmem:s15+$0xFFFFFFF0]  }
0x343: {  	v5 =	vld [tilespmem:s15+$0x0]  }
0x344: {  	v6 =	vld [tilespmem:s15+$0x10]  }
0x345: {  	v7 =	vld [tilespmem:s15+$0x20]  }
0x346: {  	v8 =	vld [tilespmem:s15+$0xFFFFFFC0]  }
0x347: {  	v9 =	vld.idx.msk [tilespmem:v0+s5+$0x0], $0xffff  }
0x348: {  	v10 =	vld.idx.msk [tilespmem:v1+s5+$0x0], $0xffff  }
0x349: {  	v4 =	vld.idx.msk [tilespmem:v2+s5+$0x0], $0xffff  }
0x34a: {  	v1 =	vld.idx.msk [tilespmem:v3+s5+$0x0], $0xffff  }
0x34b: {  	v0 =	vld.idx.msk [tilespmem:v5+s5+$0x0], $0xffff  }
0x34c: {  	s28 =	sadd.s32 $0x3740000, s31;
	s0 =	simm.s32 $0x1B740;
	v2 =	vld.idx.msk [tilespmem:v6+s5+$0x0], $0xffff  }
0x34d: {  	s1 =	sshrl.u32 s28, $0x3;
	v3 =	vld.idx.msk [tilespmem:v7+s5+$0x0], $0xffff;
	[tilespmem:s0+$0x30] =	vst v9  }
0x34e: {  	s2 =	simm.s32 $0x197C0;
	s6 =	simm.s32 $0x0;
	s1 =	sadd.s32 s4, s1;
	v5 =	vld.idx.msk [tilespmem:v8+s5+$0x0], $0xffff;
	[tilespmem:s0+$0xFFFFFFD0] =	vst v10  }
.LBB2_37:
0x34f: {  	v6 =	vld [tilespmem:s2+$0x30];
	s6 =	sadd.s32 $0x80, s6;
	[tilespmem:s0+$0xFFFFFFE0] =	vst v4  }
0x350: {  	v4 =	vld [tilespmem:s2+$0xFFFFFFD0];
	p0 =	slt.u32 s6, $0xF80;
	[tilespmem:s0+$0xFFFFFFF0] =	vst v1  }
0x351: {  	v1 =	vld [tilespmem:s2+$0xFFFFFFE0];
	[tilespmem:s0+$0x0] =	vst v0  }
0x352: {  	v0 =	vld [tilespmem:s2+$0xFFFFFFF0];
	[tilespmem:s0+$0x10] =	vst v2  }
0x353: {  	v2 =	vld [tilespmem:s2+$0x0];
	[tilespmem:s0+$0x20] =	vst v3  }
0x354: {  	v3 =	vld [tilespmem:s2+$0x10];
	[tilespmem:s0+$0xFFFFFFC0] =	vst v5  }
0x355: {  	v5 =	vld [tilespmem:s2+$0x20]  }
0x356: {  	v7 =	vld [tilespmem:s2+$0xFFFFFFC0]  }
0x357: {  	v6 =	vld.idx.msk [tilespmem:v6+s5+$0x0], $0xffff  }
0x358: {  	v8 =	vld.idx.msk [tilespmem:v4+s5+$0x0], $0xffff  }
0x359: {  	v4 =	vld.idx.msk [tilespmem:v1+s5+$0x0], $0xffff  }
.Ltmp17:
0x35a: {  	v1 =	vld.idx.msk [tilespmem:v0+s5+$0x0], $0xffff;
	(pc) =	sbr.rel @p0 .LBB2_37-.Ltmp17, $4  }
0x35b: {  	v0 =	vld.idx.msk [tilespmem:v2+s5+$0x0], $0xffff  }
0x35c: {  	s0 =	sadd.s32 $0x80, s0;
	v2 =	vld.idx.msk [tilespmem:v3+s5+$0x0], $0xffff  }
0x35d: {  	v3 =	vld.idx.msk [tilespmem:v5+s5+$0x0], $0xffff;
	[tilespmem:s0+$0x30] =	vst v6  }
0x35e: {  	s2 =	sadd.s32 $0x80, s2;
	v5 =	vld.idx.msk [tilespmem:v7+s5+$0x0], $0xffff;
	[tilespmem:s0+$0xFFFFFFD0] =	vst v8  }
0x35f: {  	[tilespmem:s0+$0xFFFFFFE0] =	vst v4  }
0x360: {  	[tilespmem:s0+$0xFFFFFFF0] =	vst v1  }
0x361: {  	[tilespmem:s0+$0x0] =	vst v0  }
0x362: {  	[tilespmem:s0+$0x10] =	vst v2  }
0x363: {  	s15 =	sadd.s32 $0x10180, s30;
	[tilespmem:s0+$0x20] =	vst v3  }
0x364: {  	[tilespmem:s0+$0xFFFFFFC0] =	vst v5;
	s0 =	sshrl.u32 s15, $0x3  }
0x365: {  	[hbm4b:s1+s16] =	stream.strided.scatter [tilespmem:s23], [sflag:$0x4], $0x1000, s17, s16, $0x38;
	[tilespmem:$0x1C700] =	vst v63  }
0x366: {  	s0 =	sadd.s32 s3, s0  }
0x367: {  	[tilespmem:s20], [sflag:$0x2] =	stream.strided.gather [hbm4b:s0+s16], $0x1000, s17, s16, $0x38;
	[tilespmem:$0x1C700] =	vst v63  }
0x368: {  	_ =	swait.ge [sflag:s24], $0x1000  }
0x369: {  	[sflag:s24] =	ssyncset.done $0x0  }
0x36a: {  	[sflag:s24] =	ssyncadd.s32 $0xFFFFF000  }
0x36b: {  	_ =	swait.ge [sflag:s25], $0x1000  }
0x36c: {  	[sflag:s25] =	ssyncset.done $0x0  }
0x36d: {  	s28 =	simm.s32 $0x18740;
	[sflag:s25] =	ssyncadd.s32 $0xFFFFF000  }
0x36e: {  	v0 =	vld [tilespmem:s28+$0x30]  }
0x36f: {  	v1 =	vld [tilespmem:s28+$0xFFFFFFD0]  }
0x370: {  	v2 =	vld [tilespmem:s28+$0xFFFFFFE0]  }
0x371: {  	v3 =	vld [tilespmem:s28+$0xFFFFFFF0]  }
0x372: {  	v5 =	vld [tilespmem:s28+$0x0]  }
0x373: {  	v6 =	vld [tilespmem:s28+$0x10]  }
0x374: {  	v7 =	vld [tilespmem:s28+$0x20]  }
0x375: {  	v8 =	vld [tilespmem:s28+$0xFFFFFFC0]  }
0x376: {  	v9 =	vld.idx.msk [tilespmem:v0+s5+$0x0], $0xffff  }
0x377: {  	v10 =	vld.idx.msk [tilespmem:v1+s5+$0x0], $0xffff  }
0x378: {  	v4 =	vld.idx.msk [tilespmem:v2+s5+$0x0], $0xffff  }
0x379: {  	v1 =	vld.idx.msk [tilespmem:v3+s5+$0x0], $0xffff  }
0x37a: {  	v0 =	vld.idx.msk [tilespmem:v5+s5+$0x0], $0xffff  }
0x37b: {  	s30 =	sadd.s32 $0x3A80000, s31;
	s0 =	simm.s32 $0x1A740;
	v2 =	vld.idx.msk [tilespmem:v6+s5+$0x0], $0xffff  }
0x37c: {  	s1 =	sshrl.u32 s30, $0x3;
	v3 =	vld.idx.msk [tilespmem:v7+s5+$0x0], $0xffff;
	[tilespmem:s0+$0x30] =	vst v9  }
0x37d: {  	s6 =	simm.s32 $0x0;
	s2 =	simm.s32 $0x187C0;
	s1 =	sadd.s32 s4, s1;
	v5 =	vld.idx.msk [tilespmem:v8+s5+$0x0], $0xffff;
	[tilespmem:s0+$0xFFFFFFD0] =	vst v10  }
.LBB2_39:
0x37e: {  	v6 =	vld [tilespmem:s2+$0x30];
	s6 =	sadd.s32 $0x80, s6;
	[tilespmem:s0+$0xFFFFFFE0] =	vst v4  }
0x37f: {  	v4 =	vld [tilespmem:s2+$0xFFFFFFD0];
	p0 =	slt.u32 s6, $0xF80;
	[tilespmem:s0+$0xFFFFFFF0] =	vst v1  }
0x380: {  	v1 =	vld [tilespmem:s2+$0xFFFFFFE0];
	[tilespmem:s0+$0x0] =	vst v0  }
0x381: {  	v0 =	vld [tilespmem:s2+$0xFFFFFFF0];
	[tilespmem:s0+$0x10] =	vst v2  }
0x382: {  	v2 =	vld [tilespmem:s2+$0x0];
	[tilespmem:s0+$0x20] =	vst v3  }
0x383: {  	v3 =	vld [tilespmem:s2+$0x10];
	[tilespmem:s0+$0xFFFFFFC0] =	vst v5  }
0x384: {  	v5 =	vld [tilespmem:s2+$0x20]  }
0x385: {  	v7 =	vld [tilespmem:s2+$0xFFFFFFC0]  }
0x386: {  	v6 =	vld.idx.msk [tilespmem:v6+s5+$0x0], $0xffff  }
0x387: {  	v8 =	vld.idx.msk [tilespmem:v4+s5+$0x0], $0xffff  }
0x388: {  	v4 =	vld.idx.msk [tilespmem:v1+s5+$0x0], $0xffff  }
.Ltmp18:
0x389: {  	v1 =	vld.idx.msk [tilespmem:v0+s5+$0x0], $0xffff;
	(pc) =	sbr.rel @p0 .LBB2_39-.Ltmp18, $4  }
0x38a: {  	v0 =	vld.idx.msk [tilespmem:v2+s5+$0x0], $0xffff  }
0x38b: {  	s0 =	sadd.s32 $0x80, s0;
	v2 =	vld.idx.msk [tilespmem:v3+s5+$0x0], $0xffff  }
0x38c: {  	v3 =	vld.idx.msk [tilespmem:v5+s5+$0x0], $0xffff;
	[tilespmem:s0+$0x30] =	vst v6  }
0x38d: {  	s2 =	sadd.s32 $0x80, s2;
	v5 =	vld.idx.msk [tilespmem:v7+s5+$0x0], $0xffff;
	[tilespmem:s0+$0xFFFFFFD0] =	vst v8  }
0x38e: {  	[tilespmem:s0+$0xFFFFFFE0] =	vst v4  }
0x38f: {  	[tilespmem:s0+$0xFFFFFFF0] =	vst v1  }
0x390: {  	[tilespmem:s0+$0x0] =	vst v0  }
0x391: {  	[tilespmem:s0+$0x10] =	vst v2  }
0x392: {  	[tilespmem:s0+$0x20] =	vst v3  }
0x393: {  	[tilespmem:s0+$0xFFFFFFC0] =	vst v5  }
0x394: {  	[hbm4b:s1+s16] =	stream.strided.scatter [tilespmem:s21], [sflag:$0x3], $0x1000, s17, s16, $0x38;
	[tilespmem:$0x1C700] =	vst v63  }
0x395: {  	_ =	swait.ge [sflag:s22], $0x1000  }
0x396: {  	[sflag:s22] =	ssyncset.done $0x0  }
0x397: {  	[sflag:s22] =	ssyncadd.s32 $0xFFFFF000  }
0x398: {  	_ =	swait.ge [sflag:s26], $0x1000  }
0x399: {  	[sflag:s26] =	ssyncset.done $0x0  }
0x39a: {  	s30 =	simm.s32 $0x19740;
	[sflag:s26] =	ssyncadd.s32 $0xFFFFF000  }
0x39b: {  	v0 =	vld [tilespmem:s30+$0x30]  }
0x39c: {  	v1 =	vld [tilespmem:s30+$0xFFFFFFD0]  }
0x39d: {  	v2 =	vld [tilespmem:s30+$0xFFFFFFE0]  }
0x39e: {  	v3 =	vld [tilespmem:s30+$0xFFFFFFF0]  }
0x39f: {  	v5 =	vld [tilespmem:s30+$0x0]  }
0x3a0: {  	v6 =	vld [tilespmem:s30+$0x10]  }
0x3a1: {  	v7 =	vld [tilespmem:s30+$0x20]  }
0x3a2: {  	v8 =	vld [tilespmem:s30+$0xFFFFFFC0]  }
0x3a3: {  	v9 =	vld.idx.msk [tilespmem:v0+s5+$0x0], $0xffff  }
0x3a4: {  	v10 =	vld.idx.msk [tilespmem:v1+s5+$0x0], $0xffff  }
0x3a5: {  	v4 =	vld.idx.msk [tilespmem:v2+s5+$0x0], $0xffff  }
0x3a6: {  	v1 =	vld.idx.msk [tilespmem:v3+s5+$0x0], $0xffff  }
0x3a7: {  	v0 =	vld.idx.msk [tilespmem:v5+s5+$0x0], $0xffff  }
0x3a8: {  	s31 =	sadd.s32 $0x3DC0000, s31;
	s0 =	simm.s32 $0x1B740;
	v2 =	vld.idx.msk [tilespmem:v6+s5+$0x0], $0xffff  }
0x3a9: {  	s1 =	sshrl.u32 s31, $0x3;
	v3 =	vld.idx.msk [tilespmem:v7+s5+$0x0], $0xffff;
	[tilespmem:s0+$0x30] =	vst v9  }
0x3aa: {  	s6 =	simm.s32 $0x0;
	s2 =	simm.s32 $0x197C0;
	s1 =	sadd.s32 s4, s1;
	v5 =	vld.idx.msk [tilespmem:v8+s5+$0x0], $0xffff;
	[tilespmem:s0+$0xFFFFFFD0] =	vst v10  }
.LBB2_41:
0x3ab: {  	v6 =	vld [tilespmem:s2+$0x30];
	s6 =	sadd.s32 $0x80, s6;
	[tilespmem:s0+$0xFFFFFFE0] =	vst v4  }
0x3ac: {  	v4 =	vld [tilespmem:s2+$0xFFFFFFD0];
	p0 =	slt.u32 s6, $0xF80;
	[tilespmem:s0+$0xFFFFFFF0] =	vst v1  }
0x3ad: {  	v1 =	vld [tilespmem:s2+$0xFFFFFFE0];
	[tilespmem:s0+$0x0] =	vst v0  }
0x3ae: {  	v0 =	vld [tilespmem:s2+$0xFFFFFFF0];
	[tilespmem:s0+$0x10] =	vst v2  }
0x3af: {  	v2 =	vld [tilespmem:s2+$0x0];
	[tilespmem:s0+$0x20] =	vst v3  }
0x3b0: {  	v3 =	vld [tilespmem:s2+$0x10];
	[tilespmem:s0+$0xFFFFFFC0] =	vst v5  }
0x3b1: {  	v5 =	vld [tilespmem:s2+$0x20]  }
0x3b2: {  	v7 =	vld [tilespmem:s2+$0xFFFFFFC0]  }
0x3b3: {  	v6 =	vld.idx.msk [tilespmem:v6+s5+$0x0], $0xffff  }
0x3b4: {  	v8 =	vld.idx.msk [tilespmem:v4+s5+$0x0], $0xffff  }
0x3b5: {  	v4 =	vld.idx.msk [tilespmem:v1+s5+$0x0], $0xffff  }
.Ltmp19:
0x3b6: {  	v1 =	vld.idx.msk [tilespmem:v0+s5+$0x0], $0xffff;
	(pc) =	sbr.rel @p0 .LBB2_41-.Ltmp19, $4  }
0x3b7: {  	v0 =	vld.idx.msk [tilespmem:v2+s5+$0x0], $0xffff  }
0x3b8: {  	s0 =	sadd.s32 $0x80, s0;
	v2 =	vld.idx.msk [tilespmem:v3+s5+$0x0], $0xffff  }
0x3b9: {  	v3 =	vld.idx.msk [tilespmem:v5+s5+$0x0], $0xffff;
	[tilespmem:s0+$0x30] =	vst v6  }
0x3ba: {  	s2 =	sadd.s32 $0x80, s2;
	v5 =	vld.idx.msk [tilespmem:v7+s5+$0x0], $0xffff;
	[tilespmem:s0+$0xFFFFFFD0] =	vst v8  }
0x3bb: {  	[tilespmem:s0+$0xFFFFFFE0] =	vst v4  }
0x3bc: {  	[tilespmem:s0+$0xFFFFFFF0] =	vst v1  }
0x3bd: {  	[tilespmem:s0+$0x0] =	vst v0  }
0x3be: {  	[tilespmem:s0+$0x10] =	vst v2  }
0x3bf: {  	[tilespmem:s0+$0x20] =	vst v3  }
0x3c0: {  	s29 =	sadd.s32 $0x1, s29;
	[tilespmem:s0+$0xFFFFFFC0] =	vst v5  }
0x3c1: {  	[hbm4b:s1+s16] =	stream.strided.scatter [tilespmem:s23], [sflag:$0x4], $0x1000, s17, s16, $0x38;
	[tilespmem:$0x1C700] =	vst v63  }
0x3c2: {  	p0 =	slt.u32 s29, s7;
	_ =	swait.ge [sflag:s25], $0x1000  }
.Ltmp20:
0x3c3: {  	[sflag:s25] =	ssyncset.done $0x0;
	(pc) =	sbr.rel @p0 .LBB2_2-.Ltmp20, $4  }
0x3c4: {  	[sflag:s25] =	ssyncadd.s32 $0xFFFFF000  }
0x3c5: {  	_ =	swait.ge [sflag:s26], $0x1000  }
0x3c6: {  	[sflag:s26] =	ssyncset.done $0x0  }
0x3c7: {  	[sflag:s26] =	ssyncadd.s32 $0xFFFFF000  }
0x3c8: {  	s1 =	rddreg [dreg:$0x6]  }
0x3c9: {  	s0 =	rddreg [dreg:$0x5];
	s1 =	sadd.s32 $0x1, s1  }
0x3ca: {  	p0 =	sne.s32 s1, s0  }
.Ltmp21:
0x3cb: {  	_ = 	snop;
	(pc) =	sbr.rel @p0 .LBB2_1-.Ltmp21, $1  }
0x3cc: {  	_ =	sdelay $0x3  }
0x3cd: {  	_ =	sfence.sel $0x180000  }
0x3ce: {  	[bflag:$0x0] =	sbarrier.arrive $0xFFFF  }
0x3cf: {  	_ =	strace $0x90000047  }
0x3d0: {  	s0 =	stileid.u32;
	[bflag:$0x2] =	sbarrier.arrive $0xFFFF  }
0x3d1: {  	p0 =	sne.s32 s0, $0x0;
	s0 =	rddreg [dreg:$0x3]  }
0x3d2: {  	s0 =	sadd.s32 @!p0 $0x100000, s0  }
0x3d3: {  	[sflag:s0] =	ssyncadd.tile.s32 @!p0 $0x1;
	_ =	shalt  }
.Lfunc_end2:
_tile_overlayer_lowered:
.L_overlay_start_2:
0x3d4: {  	(tag) =	ssettag $0x2  }
0x3d5: {  	s0 =	rddreg [dreg:$0x0];
	s2 =	stileid.u32  }
0x3d6: {  	s1 =	rddreg [dreg:$0x1];
	p0 =	sne.s32 s2, $0x0  }
0x3d7: {  	s3 =	rddreg [dreg:$0x2];
	[bflag:$0x3] =	sbarrier.arrive $0xFFFF;
	s2 =	simm.s32 @!p0 $0x1C05  }
0x3d8: {  	[timem:s3], [sflag:s2] =	dma.local @!p0 [hbm:s0], s1  }
0x3d9: {  	s0 =	simm.s32 @!p0 $0x5  }
0x3da: {  	_ =	swait.ge @!p0 [sflag:s0], s1  }
0x3db: {  	s1 =	ssub.s32 @!p0 $0x0, s1;
	[sflag:s0] =	ssyncset.done @!p0 $0x0  }
0x3dc: {  	[sflag:s0] =	ssyncadd.s32 @!p0 s1  }
0x3dd: {  	[bflag:$0x3] =	sbarrier.arrive $0xFFFF  }
0x3de: {  	_ =	shalt  }

</sc_bundles>
